<compile_context>
chip_gen: v7x
topology: tpu7x:2x2x1
jax: 0.10.2.dev20260603
libtpu: 0.0.44.dev20260713+nightly
codegen_flags: <defaults>
</compile_context>

<pallas_src>
import functools

import jax
import jax.numpy as jnp
from jax import lax
from jax.experimental import pallas as pl
from jax.experimental.pallas import tpu as pltpu
from jax.experimental.pallas import tpu_sc as plsc

_NC = 2
_NS = 16
_NW = _NC * _NS
_LANES = 16


@functools.cache
def _build_sc_gather(S, D0, D1, D2):
    b_per_w = S // _NW
    C = min(b_per_w, 4096)
    n_chunks = b_per_w // C

    mesh = plsc.VectorSubcoreMesh(core_axis_name="c", subcore_axis_name="s")

    @functools.partial(
        pl.kernel,
        mesh=mesh,
        compiler_params=pltpu.CompilerParams(needs_layout_passes=False),
        out_type=jax.ShapeDtypeStruct((S,), jnp.float32),
        scratch_types=[
            pltpu.VMEM((4 * C,), jnp.int32),
            pltpu.VMEM((4 * C,), jnp.int32),
            pltpu.VMEM((C,), jnp.int32),
            pltpu.VMEM((C,), jnp.int32),
            pltpu.VMEM((C,), jnp.float32),
            pltpu.VMEM((C,), jnp.float32),
            pltpu.SemaphoreType.DMA,
            pltpu.SemaphoreType.DMA,
            pltpu.SemaphoreType.DMA,
            pltpu.SemaphoreType.DMA,
            pltpu.SemaphoreType.DMA,
            pltpu.SemaphoreType.DMA,
        ],
    )
    def sc_gather(x_hbm, w_hbm, out_hbm,
                  xin_a, xin_b, idx_a, idx_b, out_a, out_b,
                  si_a, si_b, sg_a, sg_b, so_a, so_b):
        wid = lax.axis_index("s") * _NC + lax.axis_index("c")
        base = wid * b_per_w
        xinv = (xin_a, xin_b)
        idxv = (idx_a, idx_b)
        outv = (out_a, out_b)
        si = (si_a, si_b)
        sg = (sg_a, sg_b)
        so = (so_a, so_b)

        def start_in(i):
            off = 4 * (base + i * C)
            b = i & 1
            return pltpu.async_copy(x_hbm.at[pl.ds(off, 4 * C)], xinv[b], si[b])

        def compute(i):
            b = i & 1
            xin = xinv[b]

            def grp_body(g, c):
                for r in range(8):
                    off = g * 512 + r * _LANES
                    sl = pl.ds((g * 8 + r) * _LANES, _LANES)
                    x0 = xin[pl.ds(off, _LANES)]
                    x1 = xin[pl.ds(off + 128, _LANES)]
                    x2 = xin[pl.ds(off + 256, _LANES)]
                    idxv[b][sl] = (
                        x0 * (D1 * D2)
                        + (x1 >> 3) * (8 * D2)
                        + (x2 >> 7) * 1024
                        + (x1 & 7) * 128
                        + (x2 & 127)
                    )
                return c

            lax.fori_loop(0, C // 128, grp_body, 0)

        ins = [None] * n_chunks
        gats = [None] * n_chunks
        outs = [None] * n_chunks
        ins[0] = start_in(0)
        for i in range(n_chunks):
            b = i & 1
            if i + 1 < n_chunks:
                ins[i + 1] = start_in(i + 1)
            ins[i].wait()
            compute(i)
            if i >= 2:
                outs[i - 2].wait()
            gats[i] = pltpu.async_copy(w_hbm.at[idxv[b]], outv[b], sg[b])
            if i >= 1:
                gats[i - 1].wait()
                off_p = base + (i - 1) * C
                outs[i - 1] = pltpu.async_copy(
                    outv[b ^ 1], out_hbm.at[pl.ds(off_p, C)], so[b ^ 1])
        last = n_chunks - 1
        bl = last & 1
        gats[last].wait()
        outs[last] = pltpu.async_copy(
            outv[bl], out_hbm.at[pl.ds(base + last * C, C)], so[bl])
        if n_chunks >= 2:
            outs[last - 1].wait()
        outs[last].wait()

    return sc_gather


def kernel(x, weights):
    S = x.shape[0]
    D0, D1, D2 = weights.shape
    w_phys = (
        weights.reshape(D0, D1 // 8, 8, D2 // 128, 128)
        .transpose(0, 1, 3, 2, 4)
        .reshape(D0 * D1 * D2)
    )
    x_phys = (
        jnp.pad(x, ((0, 0), (0, 1)))
        .reshape(S // 128, 128, 4)
        .transpose(0, 2, 1)
        .reshape(4 * S)
    )
    return _build_sc_gather(S, D0, D1, D2)(x_phys, w_phys)

# --- scband reference (transcript-rebuilt; emitter-appended) ---
"""Pipeline reference for scband-discrete-factor-12429635354995 (READ-ONLY COPY).

The authoritative reference and input builder live on the scoring server;
editing this copy changes nothing except your own understanding.
"""

import jax, jax.numpy as jnp
import numpy as np

N_VARS = 3
DOMAINS = (256, 256, 256)
N_SAMPLES = 1048576


def setup_inputs(seed: int = 0) -> dict:
    key = jax.random.key(seed)
    kx, kw = jax.random.split(key)
    # samples: (N_SAMPLES, N_VARS) integer indices, each in [0, domain)
    x = jax.random.randint(kx, (N_SAMPLES, N_VARS), 0, 256, dtype=jnp.int32)
    # learned parameter: full joint-potential table of shape DOMAINS.
    # (original torch code initializes with fill_value=0.0; we use small random
    #  values so the forward output is non-trivial. float32 stands in for double.)
    weights = jax.random.normal(kw, DOMAINS, dtype=jnp.float32) * 0.01
    return {"x": x, "weights": weights}


def reference(x, weights):
    # torch: self.weights[x.chunk(len(self.random_variables), -1)].squeeze(-1)
    # chunk along last dim -> N_VARS tensors of shape (S, 1); advanced indexing
    # broadcasts them to a (S, 1) gather from the N-dim table; squeeze -> (S,)
    chunks = jnp.split(x, N_VARS, axis=-1)  # list of (S, 1)
    pot = weights[tuple(chunks)]            # (S, 1) via fancy-index gather
    return jnp.squeeze(pot, axis=-1)        # (S,)

if __name__ == "__main__":
    import jax
    _d = setup_inputs()
    print(jax.jit(kernel)(*tuple(_d.values())))

</pallas_src>

<mosaic_0001>
#map = affine_map<(d0, d1) -> (0)>
module attributes {stable_mosaic.version = 14 : i64} {
  func.func @sc_gather(%arg0: i32, %arg1: i32, %arg2: memref<4194304xi32, #tpu.memory_space<hbm>>, %arg3: memref<16777216xf32, #tpu.memory_space<hbm>>, %arg4: memref<1048576xf32, #tpu.memory_space<hbm>>, %arg5: memref<16384xi32, #tpu.memory_space<vmem>>, %arg6: memref<16384xi32, #tpu.memory_space<vmem>>, %arg7: memref<4096xi32, #tpu.memory_space<vmem>>, %arg8: memref<4096xi32, #tpu.memory_space<vmem>>, %arg9: memref<4096xf32, #tpu.memory_space<vmem>>, %arg10: memref<4096xf32, #tpu.memory_space<vmem>>, %arg11: memref<!tpu.dma_semaphore, #tpu.memory_space<semaphore_mem>>, %arg12: memref<!tpu.dma_semaphore, #tpu.memory_space<semaphore_mem>>, %arg13: memref<!tpu.dma_semaphore, #tpu.memory_space<semaphore_mem>>, %arg14: memref<!tpu.dma_semaphore, #tpu.memory_space<semaphore_mem>>, %arg15: memref<!tpu.dma_semaphore, #tpu.memory_space<semaphore_mem>>, %arg16: memref<!tpu.dma_semaphore, #tpu.memory_space<semaphore_mem>>) attributes {dimension_semantics = [#tpu.dimension_semantics<core_parallel>, #tpu.dimension_semantics<subcore_parallel>], iteration_bounds = array<i64: 2, 16>, scalar_prefetch = 0 : i64, scratch_operands = 12 : i64, tpu.core_type = #tpu.core_type<sc_vector_subcore>, window_params = [{transform_indices = #map}, {transform_indices = #map}, {transform_indices = #map}]} {
    %mul3A = arith.constant 2 : i32
    %mul3A_0 = arith.muli %arg1, %mul3A : i32
    %add3A = arith.addi %mul3A_0, %arg0 : i32
    %mul3A_1 = arith.constant 32768 : i32
    %mul3A_2 = arith.muli %add3A, %mul3A_1 : i32
    %add3A_3 = arith.constant 0 : i32
    %add3A_4 = arith.addi %mul3A_2, %add3A_3 : i32
    %mul3A_5 = arith.constant 4 : i32
    %mul3A_6 = arith.muli %mul3A_5, %add3A_4 : i32
    %dma_start3A = tpu.memref_slice %arg2[%mul3A_6] : memref<4194304xi32, #tpu.memory_space<hbm>> -> memref<16384xi32, #tpu.memory_space<hbm>>
    %dma_start3A_7 = tpu.memref_slice %arg2[%mul3A_6] : memref<4194304xi32, #tpu.memory_space<hbm>> -> memref<16384xi32, #tpu.memory_space<hbm>>
    tpu.enqueue_dma source(%dma_start3A_7 : memref<16384xi32, #tpu.memory_space<hbm>>) target(%arg5 : memref<16384xi32, #tpu.memory_space<vmem>>) target_semaphore(%arg11 : memref<!tpu.dma_semaphore, #tpu.memory_space<semaphore_mem>>)
    %add3A_8 = arith.constant 4096 : i32
    %add3A_9 = arith.addi %mul3A_2, %add3A_8 : i32
    %mul3A_10 = arith.constant 4 : i32
    %mul3A_11 = arith.muli %mul3A_10, %add3A_9 : i32
    %dma_start3A_12 = tpu.memref_slice %arg2[%mul3A_11] : memref<4194304xi32, #tpu.memory_space<hbm>> -> memref<16384xi32, #tpu.memory_space<hbm>>
    %dma_start3A_13 = tpu.memref_slice %arg2[%mul3A_11] : memref<4194304xi32, #tpu.memory_space<hbm>> -> memref<16384xi32, #tpu.memory_space<hbm>>
    tpu.enqueue_dma source(%dma_start3A_13 : memref<16384xi32, #tpu.memory_space<hbm>>) target(%arg6 : memref<16384xi32, #tpu.memory_space<vmem>>) target_semaphore(%arg12 : memref<!tpu.dma_semaphore, #tpu.memory_space<semaphore_mem>>)
    %dma_wait3A = tpu.memref_slice %arg2[%mul3A_6] : memref<4194304xi32, #tpu.memory_space<hbm>> -> memref<16384xi32, #tpu.memory_space<hbm>>
    %dma_wait3A_14 = tpu.memref_slice %arg2[%mul3A_6] : memref<4194304xi32, #tpu.memory_space<hbm>> -> memref<16384xi32, #tpu.memory_space<hbm>>
    tpu.wait_dma2 semaphore(%arg11 : memref<!tpu.dma_semaphore, #tpu.memory_space<semaphore_mem>>) src(%dma_wait3A_14 : memref<16384xi32, #tpu.memory_space<hbm>>) dst(%arg5 : memref<16384xi32, #tpu.memory_space<vmem>>)
    %scan3A = arith.constant 0 : i32
    %scan3A_15 = arith.constant 0 : i32
    %scan3A_16 = arith.constant 32 : i32
    %scan3A_17 = arith.addi %scan3A_15, %scan3A_16 : i32
    %scan3A_18 = arith.constant 1 : i32
    scf.for %scan3A_192 = %scan3A_15 to %scan3A_17 step %scan3A_18  : i32 {
      %mul3A_193 = arith.constant 512 : i32
      %mul3A_194 = arith.muli %scan3A_192, %mul3A_193 : i32
      %add3A_195 = arith.constant 0 : i32
      %add3A_196 = arith.addi %mul3A_194, %add3A_195 : i32
      %mul3A_197 = arith.constant 8 : i32
      %mul3A_198 = arith.muli %scan3A_192, %mul3A_197 : i32
      %add3A_199 = arith.constant 0 : i32
      %add3A_200 = arith.addi %mul3A_198, %add3A_199 : i32
      %mul3A_201 = arith.constant 16 : i32
      %mul3A_202 = arith.muli %add3A_200, %mul3A_201 : i32
      %get3A = arith.index_cast %add3A_196 : i32 to index
      %get3A_203 = tpu.vector_load %arg5[%get3A] {strides = array<i32>} : memref<16384xi32, #tpu.memory_space<vmem>>, vector<16xi32>,
      %add3A_204 = arith.constant 128 : i32
      %add3A_205 = arith.addi %add3A_196, %add3A_204 : i32
      %get3A_206 = arith.index_cast %add3A_205 : i32 to index
      %get3A_207 = tpu.vector_load %arg5[%get3A_206] {strides = array<i32>} : memref<16384xi32, #tpu.memory_space<vmem>>, vector<16xi32>,
      %add3A_208 = arith.constant 256 : i32
      %add3A_209 = arith.addi %add3A_196, %add3A_208 : i32
      %get3A_210 = arith.index_cast %add3A_209 : i32 to index
      %get3A_211 = tpu.vector_load %arg5[%get3A_210] {strides = array<i32>} : memref<16384xi32, #tpu.memory_space<vmem>>, vector<16xi32>,
      %mul3A_212 = arith.constant 65536 : i32
      %mul3A_213 = vector.broadcast %mul3A_212 : i32 to vector<16xi32>
      %mul3A_214 = arith.muli %get3A_203, %mul3A_213 : vector<16xi32>
      %shift_right_arithmetic3A = arith.constant 3 : i32
      %shift_right_arithmetic3A_215 = vector.broadcast %shift_right_arithmetic3A : i32 to vector<16xi32>
      %shift_right_arithmetic3A_216 = arith.shrsi %get3A_207, %shift_right_arithmetic3A_215 : vector<16xi32>
      %mul3A_217 = arith.constant 2048 : i32
      %mul3A_218 = vector.broadcast %mul3A_217 : i32 to vector<16xi32>
      %mul3A_219 = arith.muli %shift_right_arithmetic3A_216, %mul3A_218 : vector<16xi32>
      %add3A_220 = arith.addi %mul3A_214, %mul3A_219 : vector<16xi32>
      %shift_right_arithmetic3A_221 = arith.constant 7 : i32
      %shift_right_arithmetic3A_222 = vector.broadcast %shift_right_arithmetic3A_221 : i32 to vector<16xi32>
      %shift_right_arithmetic3A_223 = arith.shrsi %get3A_211, %shift_right_arithmetic3A_222 : vector<16xi32>
      %mul3A_224 = arith.constant 1024 : i32
      %mul3A_225 = vector.broadcast %mul3A_224 : i32 to vector<16xi32>
      %mul3A_226 = arith.muli %shift_right_arithmetic3A_223, %mul3A_225 : vector<16xi32>
      %add3A_227 = arith.addi %add3A_220, %mul3A_226 : vector<16xi32>
      %and3A = arith.constant 7 : i32
      %and3A_228 = vector.broadcast %and3A : i32 to vector<16xi32>
      %and3A_229 = arith.andi %get3A_207, %and3A_228 : vector<16xi32>
      %mul3A_230 = arith.constant 128 : i32
      %mul3A_231 = vector.broadcast %mul3A_230 : i32 to vector<16xi32>
      %mul3A_232 = arith.muli %and3A_229, %mul3A_231 : vector<16xi32>
      %add3A_233 = arith.addi %add3A_227, %mul3A_232 : vector<16xi32>
      %and3A_234 = arith.constant 127 : i32
      %and3A_235 = vector.broadcast %and3A_234 : i32 to vector<16xi32>
      %and3A_236 = arith.andi %get3A_211, %and3A_235 : vector<16xi32>
      %add3A_237 = arith.addi %add3A_233, %and3A_236 : vector<16xi32>
      %swap3A = arith.index_cast %mul3A_202 : i32 to index
      %swap3A_238 = tpu.vector_load %arg7[%swap3A] {strides = array<i32>} : memref<4096xi32, #tpu.memory_space<vmem>>, vector<16xi32>,
      tpu.vector_store %arg7[%swap3A], %add3A_237 {strides = array<i32>} : memref<4096xi32, #tpu.memory_space<vmem>>, vector<16xi32>,
      %mul3A_239 = arith.constant 512 : i32
      %mul3A_240 = arith.muli %scan3A_192, %mul3A_239 : i32
      %add3A_241 = arith.constant 16 : i32
      %add3A_242 = arith.addi %mul3A_240, %add3A_241 : i32
      %mul3A_243 = arith.constant 8 : i32
      %mul3A_244 = arith.muli %scan3A_192, %mul3A_243 : i32
      %add3A_245 = arith.constant 1 : i32
      %add3A_246 = arith.addi %mul3A_244, %add3A_245 : i32
      %mul3A_247 = arith.constant 16 : i32
      %mul3A_248 = arith.muli %add3A_246, %mul3A_247 : i32
      %get3A_249 = arith.index_cast %add3A_242 : i32 to index
      %get3A_250 = tpu.vector_load %arg5[%get3A_249] {strides = array<i32>} : memref<16384xi32, #tpu.memory_space<vmem>>, vector<16xi32>,
      %add3A_251 = arith.constant 128 : i32
      %add3A_252 = arith.addi %add3A_242, %add3A_251 : i32
      %get3A_253 = arith.index_cast %add3A_252 : i32 to index
      %get3A_254 = tpu.vector_load %arg5[%get3A_253] {strides = array<i32>} : memref<16384xi32, #tpu.memory_space<vmem>>, vector<16xi32>,
      %add3A_255 = arith.constant 256 : i32
      %add3A_256 = arith.addi %add3A_242, %add3A_255 : i32
      %get3A_257 = arith.index_cast %add3A_256 : i32 to index
      %get3A_258 = tpu.vector_load %arg5[%get3A_257] {strides = array<i32>} : memref<16384xi32, #tpu.memory_space<vmem>>, vector<16xi32>,
      %mul3A_259 = arith.constant 65536 : i32
      %mul3A_260 = vector.broadcast %mul3A_259 : i32 to vector<16xi32>
      %mul3A_261 = arith.muli %get3A_250, %mul3A_260 : vector<16xi32>
      %shift_right_arithmetic3A_262 = arith.constant 3 : i32
      %shift_right_arithmetic3A_263 = vector.broadcast %shift_right_arithmetic3A_262 : i32 to vector<16xi32>
      %shift_right_arithmetic3A_264 = arith.shrsi %get3A_254, %shift_right_arithmetic3A_263 : vector<16xi32>
      %mul3A_265 = arith.constant 2048 : i32
      %mul3A_266 = vector.broadcast %mul3A_265 : i32 to vector<16xi32>
      %mul3A_267 = arith.muli %shift_right_arithmetic3A_264, %mul3A_266 : vector<16xi32>
      %add3A_268 = arith.addi %mul3A_261, %mul3A_267 : vector<16xi32>
      %shift_right_arithmetic3A_269 = arith.constant 7 : i32
      %shift_right_arithmetic3A_270 = vector.broadcast %shift_right_arithmetic3A_269 : i32 to vector<16xi32>
      %shift_right_arithmetic3A_271 = arith.shrsi %get3A_258, %shift_right_arithmetic3A_270 : vector<16xi32>
      %mul3A_272 = arith.constant 1024 : i32
      %mul3A_273 = vector.broadcast %mul3A_272 : i32 to vector<16xi32>
      %mul3A_274 = arith.muli %shift_right_arithmetic3A_271, %mul3A_273 : vector<16xi32>
      %add3A_275 = arith.addi %add3A_268, %mul3A_274 : vector<16xi32>
      %and3A_276 = arith.constant 7 : i32
      %and3A_277 = vector.broadcast %and3A_276 : i32 to vector<16xi32>
      %and3A_278 = arith.andi %get3A_254, %and3A_277 : vector<16xi32>
      %mul3A_279 = arith.constant 128 : i32
      %mul3A_280 = vector.broadcast %mul3A_279 : i32 to vector<16xi32>
      %mul3A_281 = arith.muli %and3A_278, %mul3A_280 : vector<16xi32>
      %add3A_282 = arith.addi %add3A_275, %mul3A_281 : vector<16xi32>
      %and3A_283 = arith.constant 127 : i32
      %and3A_284 = vector.broadcast %and3A_283 : i32 to vector<16xi32>
      %and3A_285 = arith.andi %get3A_258, %and3A_284 : vector<16xi32>
      %add3A_286 = arith.addi %add3A_282, %and3A_285 : vector<16xi32>
      %swap3A_287 = arith.index_cast %mul3A_248 : i32 to index
      %swap3A_288 = tpu.vector_load %arg7[%swap3A_287] {strides = array<i32>} : memref<4096xi32, #tpu.memory_space<vmem>>, vector<16xi32>,
      tpu.vector_store %arg7[%swap3A_287], %add3A_286 {strides = array<i32>} : memref<4096xi32, #tpu.memory_space<vmem>>, vector<16xi32>,
      %mul3A_289 = arith.constant 512 : i32
      %mul3A_290 = arith.muli %scan3A_192, %mul3A_289 : i32
      %add3A_291 = arith.constant 32 : i32
      %add3A_292 = arith.addi %mul3A_290, %add3A_291 : i32
      %mul3A_293 = arith.constant 8 : i32
      %mul3A_294 = arith.muli %scan3A_192, %mul3A_293 : i32
      %add3A_295 = arith.constant 2 : i32
      %add3A_296 = arith.addi %mul3A_294, %add3A_295 : i32
      %mul3A_297 = arith.constant 16 : i32
      %mul3A_298 = arith.muli %add3A_296, %mul3A_297 : i32
      %get3A_299 = arith.index_cast %add3A_292 : i32 to index
      %get3A_300 = tpu.vector_load %arg5[%get3A_299] {strides = array<i32>} : memref<16384xi32, #tpu.memory_space<vmem>>, vector<16xi32>,
      %add3A_301 = arith.constant 128 : i32
      %add3A_302 = arith.addi %add3A_292, %add3A_301 : i32
      %get3A_303 = arith.index_cast %add3A_302 : i32 to index
      %get3A_304 = tpu.vector_load %arg5[%get3A_303] {strides = array<i32>} : memref<16384xi32, #tpu.memory_space<vmem>>, vector<16xi32>,
      %add3A_305 = arith.constant 256 : i32
      %add3A_306 = arith.addi %add3A_292, %add3A_305 : i32
      %get3A_307 = arith.index_cast %add3A_306 : i32 to index
      %get3A_308 = tpu.vector_load %arg5[%get3A_307] {strides = array<i32>} : memref<16384xi32, #tpu.memory_space<vmem>>, vector<16xi32>,
      %mul3A_309 = arith.constant 65536 : i32
      %mul3A_310 = vector.broadcast %mul3A_309 : i32 to vector<16xi32>
      %mul3A_311 = arith.muli %get3A_300, %mul3A_310 : vector<16xi32>
      %shift_right_arithmetic3A_312 = arith.constant 3 : i32
      %shift_right_arithmetic3A_313 = vector.broadcast %shift_right_arithmetic3A_312 : i32 to vector<16xi32>
      %shift_right_arithmetic3A_314 = arith.shrsi %get3A_304, %shift_right_arithmetic3A_313 : vector<16xi32>
      %mul3A_315 = arith.constant 2048 : i32
      %mul3A_316 = vector.broadcast %mul3A_315 : i32 to vector<16xi32>
      %mul3A_317 = arith.muli %shift_right_arithmetic3A_314, %mul3A_316 : vector<16xi32>
      %add3A_318 = arith.addi %mul3A_311, %mul3A_317 : vector<16xi32>
      %shift_right_arithmetic3A_319 = arith.constant 7 : i32
      %shift_right_arithmetic3A_320 = vector.broadcast %shift_right_arithmetic3A_319 : i32 to vector<16xi32>
      %shift_right_arithmetic3A_321 = arith.shrsi %get3A_308, %shift_right_arithmetic3A_320 : vector<16xi32>
      %mul3A_322 = arith.constant 1024 : i32
      %mul3A_323 = vector.broadcast %mul3A_322 : i32 to vector<16xi32>
      %mul3A_324 = arith.muli %shift_right_arithmetic3A_321, %mul3A_323 : vector<16xi32>
      %add3A_325 = arith.addi %add3A_318, %mul3A_324 : vector<16xi32>
      %and3A_326 = arith.constant 7 : i32
      %and3A_327 = vector.broadcast %and3A_326 : i32 to vector<16xi32>
      %and3A_328 = arith.andi %get3A_304, %and3A_327 : vector<16xi32>
      %mul3A_329 = arith.constant 128 : i32
      %mul3A_330 = vector.broadcast %mul3A_329 : i32 to vector<16xi32>
      %mul3A_331 = arith.muli %and3A_328, %mul3A_330 : vector<16xi32>
      %add3A_332 = arith.addi %add3A_325, %mul3A_331 : vector<16xi32>
      %and3A_333 = arith.constant 127 : i32
      %and3A_334 = vector.broadcast %and3A_333 : i32 to vector<16xi32>
      %and3A_335 = arith.andi %get3A_308, %and3A_334 : vector<16xi32>
      %add3A_336 = arith.addi %add3A_332, %and3A_335 : vector<16xi32>
      %swap3A_337 = arith.index_cast %mul3A_298 : i32 to index
      %swap3A_338 = tpu.vector_load %arg7[%swap3A_337] {strides = array<i32>} : memref<4096xi32, #tpu.memory_space<vmem>>, vector<16xi32>,
      tpu.vector_store %arg7[%swap3A_337], %add3A_336 {strides = array<i32>} : memref<4096xi32, #tpu.memory_space<vmem>>, vector<16xi32>,
      %mul3A_339 = arith.constant 512 : i32
      %mul3A_340 = arith.muli %scan3A_192, %mul3A_339 : i32
      %add3A_341 = arith.constant 48 : i32
      %add3A_342 = arith.addi %mul3A_340, %add3A_341 : i32
      %mul3A_343 = arith.constant 8 : i32
      %mul3A_344 = arith.muli %scan3A_192, %mul3A_343 : i32
      %add3A_345 = arith.constant 3 : i32
      %add3A_346 = arith.addi %mul3A_344, %add3A_345 : i32
      %mul3A_347 = arith.constant 16 : i32
      %mul3A_348 = arith.muli %add3A_346, %mul3A_347 : i32
      %get3A_349 = arith.index_cast %add3A_342 : i32 to index
      %get3A_350 = tpu.vector_load %arg5[%get3A_349] {strides = array<i32>} : memref<16384xi32, #tpu.memory_space<vmem>>, vector<16xi32>,
      %add3A_351 = arith.constant 128 : i32
      %add3A_352 = arith.addi %add3A_342, %add3A_351 : i32
      %get3A_353 = arith.index_cast %add3A_352 : i32 to index
      %get3A_354 = tpu.vector_load %arg5[%get3A_353] {strides = array<i32>} : memref<16384xi32, #tpu.memory_space<vmem>>, vector<16xi32>,
      %add3A_355 = arith.constant 256 : i32
      %add3A_356 = arith.addi %add3A_342, %add3A_355 : i32
      %get3A_357 = arith.index_cast %add3A_356 : i32 to index
      %get3A_358 = tpu.vector_load %arg5[%get3A_357] {strides = array<i32>} : memref<16384xi32, #tpu.memory_space<vmem>>, vector<16xi32>,
      %mul3A_359 = arith.constant 65536 : i32
      %mul3A_360 = vector.broadcast %mul3A_359 : i32 to vector<16xi32>
      %mul3A_361 = arith.muli %get3A_350, %mul3A_360 : vector<16xi32>
      %shift_right_arithmetic3A_362 = arith.constant 3 : i32
      %shift_right_arithmetic3A_363 = vector.broadcast %shift_right_arithmetic3A_362 : i32 to vector<16xi32>
      %shift_right_arithmetic3A_364 = arith.shrsi %get3A_354, %shift_right_arithmetic3A_363 : vector<16xi32>
      %mul3A_365 = arith.constant 2048 : i32
      %mul3A_366 = vector.broadcast %mul3A_365 : i32 to vector<16xi32>
      %mul3A_367 = arith.muli %shift_right_arithmetic3A_364, %mul3A_366 : vector<16xi32>
      %add3A_368 = arith.addi %mul3A_361, %mul3A_367 : vector<16xi32>
      %shift_right_arithmetic3A_369 = arith.constant 7 : i32
      %shift_right_arithmetic3A_370 = vector.broadcast %shift_right_arithmetic3A_369 : i32 to vector<16xi32>
      %shift_right_arithmetic3A_371 = arith.shrsi %get3A_358, %shift_right_arithmetic3A_370 : vector<16xi32>
      %mul3A_372 = arith.constant 1024 : i32
      %mul3A_373 = vector.broadcast %mul3A_372 : i32 to vector<16xi32>
      %mul3A_374 = arith.muli %shift_right_arithmetic3A_371, %mul3A_373 : vector<16xi32>
      %add3A_375 = arith.addi %add3A_368, %mul3A_374 : vector<16xi32>
      %and3A_376 = arith.constant 7 : i32
      %and3A_377 = vector.broadcast %and3A_376 : i32 to vector<16xi32>
      %and3A_378 = arith.andi %get3A_354, %and3A_377 : vector<16xi32>
      %mul3A_379 = arith.constant 128 : i32
      %mul3A_380 = vector.broadcast %mul3A_379 : i32 to vector<16xi32>
      %mul3A_381 = arith.muli %and3A_378, %mul3A_380 : vector<16xi32>
      %add3A_382 = arith.addi %add3A_375, %mul3A_381 : vector<16xi32>
      %and3A_383 = arith.constant 127 : i32
      %and3A_384 = vector.broadcast %and3A_383 : i32 to vector<16xi32>
      %and3A_385 = arith.andi %get3A_358, %and3A_384 : vector<16xi32>
      %add3A_386 = arith.addi %add3A_382, %and3A_385 : vector<16xi32>
      %swap3A_387 = arith.index_cast %mul3A_348 : i32 to index
      %swap3A_388 = tpu.vector_load %arg7[%swap3A_387] {strides = array<i32>} : memref<4096xi32, #tpu.memory_space<vmem>>, vector<16xi32>,
      tpu.vector_store %arg7[%swap3A_387], %add3A_386 {strides = array<i32>} : memref<4096xi32, #tpu.memory_space<vmem>>, vector<16xi32>,
      %mul3A_389 = arith.constant 512 : i32
      %mul3A_390 = arith.muli %scan3A_192, %mul3A_389 : i32
      %add3A_391 = arith.constant 64 : i32
      %add3A_392 = arith.addi %mul3A_390, %add3A_391 : i32
      %mul3A_393 = arith.constant 8 : i32
      %mul3A_394 = arith.muli %scan3A_192, %mul3A_393 : i32
      %add3A_395 = arith.constant 4 : i32
      %add3A_396 = arith.addi %mul3A_394, %add3A_395 : i32
      %mul3A_397 = arith.constant 16 : i32
      %mul3A_398 = arith.muli %add3A_396, %mul3A_397 : i32
      %get3A_399 = arith.index_cast %add3A_392 : i32 to index
      %get3A_400 = tpu.vector_load %arg5[%get3A_399] {strides = array<i32>} : memref<16384xi32, #tpu.memory_space<vmem>>, vector<16xi32>,
      %add3A_401 = arith.constant 128 : i32
      %add3A_402 = arith.addi %add3A_392, %add3A_401 : i32
      %get3A_403 = arith.index_cast %add3A_402 : i32 to index
      %get3A_404 = tpu.vector_load %arg5[%get3A_403] {strides = array<i32>} : memref<16384xi32, #tpu.memory_space<vmem>>, vector<16xi32>,
      %add3A_405 = arith.constant 256 : i32
      %add3A_406 = arith.addi %add3A_392, %add3A_405 : i32
      %get3A_407 = arith.index_cast %add3A_406 : i32 to index
      %get3A_408 = tpu.vector_load %arg5[%get3A_407] {strides = array<i32>} : memref<16384xi32, #tpu.memory_space<vmem>>, vector<16xi32>,
      %mul3A_409 = arith.constant 65536 : i32
      %mul3A_410 = vector.broadcast %mul3A_409 : i32 to vector<16xi32>
      %mul3A_411 = arith.muli %get3A_400, %mul3A_410 : vector<16xi32>
      %shift_right_arithmetic3A_412 = arith.constant 3 : i32
      %shift_right_arithmetic3A_413 = vector.broadcast %shift_right_arithmetic3A_412 : i32 to vector<16xi32>
      %shift_right_arithmetic3A_414 = arith.shrsi %get3A_404, %shift_right_arithmetic3A_413 : vector<16xi32>
      %mul3A_415 = arith.constant 2048 : i32
      %mul3A_416 = vector.broadcast %mul3A_415 : i32 to vector<16xi32>
      %mul3A_417 = arith.muli %shift_right_arithmetic3A_414, %mul3A_416 : vector<16xi32>
      %add3A_418 = arith.addi %mul3A_411, %mul3A_417 : vector<16xi32>
      %shift_right_arithmetic3A_419 = arith.constant 7 : i32
      %shift_right_arithmetic3A_420 = vector.broadcast %shift_right_arithmetic3A_419 : i32 to vector<16xi32>
      %shift_right_arithmetic3A_421 = arith.shrsi %get3A_408, %shift_right_arithmetic3A_420 : vector<16xi32>
      %mul3A_422 = arith.constant 1024 : i32
      %mul3A_423 = vector.broadcast %mul3A_422 : i32 to vector<16xi32>
      %mul3A_424 = arith.muli %shift_right_arithmetic3A_421, %mul3A_423 : vector<16xi32>
      %add3A_425 = arith.addi %add3A_418, %mul3A_424 : vector<16xi32>
      %and3A_426 = arith.constant 7 : i32
      %and3A_427 = vector.broadcast %and3A_426 : i32 to vector<16xi32>
      %and3A_428 = arith.andi %get3A_404, %and3A_427 : vector<16xi32>
      %mul3A_429 = arith.constant 128 : i32
      %mul3A_430 = vector.broadcast %mul3A_429 : i32 to vector<16xi32>
      %mul3A_431 = arith.muli %and3A_428, %mul3A_430 : vector<16xi32>
      %add3A_432 = arith.addi %add3A_425, %mul3A_431 : vector<16xi32>
      %and3A_433 = arith.constant 127 : i32
      %and3A_434 = vector.broadcast %and3A_433 : i32 to vector<16xi32>
      %and3A_435 = arith.andi %get3A_408, %and3A_434 : vector<16xi32>
      %add3A_436 = arith.addi %add3A_432, %and3A_435 : vector<16xi32>
      %swap3A_437 = arith.index_cast %mul3A_398 : i32 to index
      %swap3A_438 = tpu.vector_load %arg7[%swap3A_437] {strides = array<i32>} : memref<4096xi32, #tpu.memory_space<vmem>>, vector<16xi32>,
      tpu.vector_store %arg7[%swap3A_437], %add3A_436 {strides = array<i32>} : memref<4096xi32, #tpu.memory_space<vmem>>, vector<16xi32>,
      %mul3A_439 = arith.constant 512 : i32
      %mul3A_440 = arith.muli %scan3A_192, %mul3A_439 : i32
      %add3A_441 = arith.constant 80 : i32
      %add3A_442 = arith.addi %mul3A_440, %add3A_441 : i32
      %mul3A_443 = arith.constant 8 : i32
      %mul3A_444 = arith.muli %scan3A_192, %mul3A_443 : i32
      %add3A_445 = arith.constant 5 : i32
      %add3A_446 = arith.addi %mul3A_444, %add3A_445 : i32
      %mul3A_447 = arith.constant 16 : i32
      %mul3A_448 = arith.muli %add3A_446, %mul3A_447 : i32
      %get3A_449 = arith.index_cast %add3A_442 : i32 to index
      %get3A_450 = tpu.vector_load %arg5[%get3A_449] {strides = array<i32>} : memref<16384xi32, #tpu.memory_space<vmem>>, vector<16xi32>,
      %add3A_451 = arith.constant 128 : i32
      %add3A_452 = arith.addi %add3A_442, %add3A_451 : i32
      %get3A_453 = arith.index_cast %add3A_452 : i32 to index
      %get3A_454 = tpu.vector_load %arg5[%get3A_453] {strides = array<i32>} : memref<16384xi32, #tpu.memory_space<vmem>>, vector<16xi32>,
      %add3A_455 = arith.constant 256 : i32
      %add3A_456 = arith.addi %add3A_442, %add3A_455 : i32
      %get3A_457 = arith.index_cast %add3A_456 : i32 to index
      %get3A_458 = tpu.vector_load %arg5[%get3A_457] {strides = array<i32>} : memref<16384xi32, #tpu.memory_space<vmem>>, vector<16xi32>,
      %mul3A_459 = arith.constant 65536 : i32
      %mul3A_460 = vector.broadcast %mul3A_459 : i32 to vector<16xi32>
      %mul3A_461 = arith.muli %get3A_450, %mul3A_460 : vector<16xi32>
      %shift_right_arithmetic3A_462 = arith.constant 3 : i32
      %shift_right_arithmetic3A_463 = vector.broadcast %shift_right_arithmetic3A_462 : i32 to vector<16xi32>
      %shift_right_arithmetic3A_464 = arith.shrsi %get3A_454, %shift_right_arithmetic3A_463 : vector<16xi32>
      %mul3A_465 = arith.constant 2048 : i32
      %mul3A_466 = vector.broadcast %mul3A_465 : i32 to vector<16xi32>
      %mul3A_467 = arith.muli %shift_right_arithmetic3A_464, %mul3A_466 : vector<16xi32>
      %add3A_468 = arith.addi %mul3A_461, %mul3A_467 : vector<16xi32>
      %shift_right_arithmetic3A_469 = arith.constant 7 : i32
      %shift_right_arithmetic3A_470 = vector.broadcast %shift_right_arithmetic3A_469 : i32 to vector<16xi32>
      %shift_right_arithmetic3A_471 = arith.shrsi %get3A_458, %shift_right_arithmetic3A_470 : vector<16xi32>
      %mul3A_472 = arith.constant 1024 : i32
      %mul3A_473 = vector.broadcast %mul3A_472 : i32 to vector<16xi32>
      %mul3A_474 = arith.muli %shift_right_arithmetic3A_471, %mul3A_473 : vector<16xi32>
      %add3A_475 = arith.addi %add3A_468, %mul3A_474 : vector<16xi32>
      %and3A_476 = arith.constant 7 : i32
      %and3A_477 = vector.broadcast %and3A_476 : i32 to vector<16xi32>
      %and3A_478 = arith.andi %get3A_454, %and3A_477 : vector<16xi32>
      %mul3A_479 = arith.constant 128 : i32
      %mul3A_480 = vector.broadcast %mul3A_479 : i32 to vector<16xi32>
      %mul3A_481 = arith.muli %and3A_478, %mul3A_480 : vector<16xi32>
      %add3A_482 = arith.addi %add3A_475, %mul3A_481 : vector<16xi32>
      %and3A_483 = arith.constant 127 : i32
      %and3A_484 = vector.broadcast %and3A_483 : i32 to vector<16xi32>
      %and3A_485 = arith.andi %get3A_458, %and3A_484 : vector<16xi32>
      %add3A_486 = arith.addi %add3A_482, %and3A_485 : vector<16xi32>
      %swap3A_487 = arith.index_cast %mul3A_448 : i32 to index
      %swap3A_488 = tpu.vector_load %arg7[%swap3A_487] {strides = array<i32>} : memref<4096xi32, #tpu.memory_space<vmem>>, vector<16xi32>,
      tpu.vector_store %arg7[%swap3A_487], %add3A_486 {strides = array<i32>} : memref<4096xi32, #tpu.memory_space<vmem>>, vector<16xi32>,
      %mul3A_489 = arith.constant 512 : i32
      %mul3A_490 = arith.muli %scan3A_192, %mul3A_489 : i32
      %add3A_491 = arith.constant 96 : i32
      %add3A_492 = arith.addi %mul3A_490, %add3A_491 : i32
      %mul3A_493 = arith.constant 8 : i32
      %mul3A_494 = arith.muli %scan3A_192, %mul3A_493 : i32
      %add3A_495 = arith.constant 6 : i32
      %add3A_496 = arith.addi %mul3A_494, %add3A_495 : i32
      %mul3A_497 = arith.constant 16 : i32
      %mul3A_498 = arith.muli %add3A_496, %mul3A_497 : i32
      %get3A_499 = arith.index_cast %add3A_492 : i32 to index
      %get3A_500 = tpu.vector_load %arg5[%get3A_499] {strides = array<i32>} : memref<16384xi32, #tpu.memory_space<vmem>>, vector<16xi32>,
      %add3A_501 = arith.constant 128 : i32
      %add3A_502 = arith.addi %add3A_492, %add3A_501 : i32
      %get3A_503 = arith.index_cast %add3A_502 : i32 to index
      %get3A_504 = tpu.vector_load %arg5[%get3A_503] {strides = array<i32>} : memref<16384xi32, #tpu.memory_space<vmem>>, vector<16xi32>,
      %add3A_505 = arith.constant 256 : i32
      %add3A_506 = arith.addi %add3A_492, %add3A_505 : i32
      %get3A_507 = arith.index_cast %add3A_506 : i32 to index
      %get3A_508 = tpu.vector_load %arg5[%get3A_507] {strides = array<i32>} : memref<16384xi32, #tpu.memory_space<vmem>>, vector<16xi32>,
      %mul3A_509 = arith.constant 65536 : i32
      %mul3A_510 = vector.broadcast %mul3A_509 : i32 to vector<16xi32>
      %mul3A_511 = arith.muli %get3A_500, %mul3A_510 : vector<16xi32>
      %shift_right_arithmetic3A_512 = arith.constant 3 : i32
      %shift_right_arithmetic3A_513 = vector.broadcast %shift_right_arithmetic3A_512 : i32 to vector<16xi32>
      %shift_right_arithmetic3A_514 = arith.shrsi %get3A_504, %shift_right_arithmetic3A_513 : vector<16xi32>
      %mul3A_515 = arith.constant 2048 : i32
      %mul3A_516 = vector.broadcast %mul3A_515 : i32 to vector<16xi32>
      %mul3A_517 = arith.muli %shift_right_arithmetic3A_514, %mul3A_516 : vector<16xi32>
      %add3A_518 = arith.addi %mul3A_511, %mul3A_517 : vector<16xi32>
      %shift_right_arithmetic3A_519 = arith.constant 7 : i32
      %shift_right_arithmetic3A_520 = vector.broadcast %shift_right_arithmetic3A_519 : i32 to vector<16xi32>
      %shift_right_arithmetic3A_521 = arith.shrsi %get3A_508, %shift_right_arithmetic3A_520 : vector<16xi32>
      %mul3A_522 = arith.constant 1024 : i32
      %mul3A_523 = vector.broadcast %mul3A_522 : i32 to vector<16xi32>
      %mul3A_524 = arith.muli %shift_right_arithmetic3A_521, %mul3A_523 : vector<16xi32>
      %add3A_525 = arith.addi %add3A_518, %mul3A_524 : vector<16xi32>
      %and3A_526 = arith.constant 7 : i32
      %and3A_527 = vector.broadcast %and3A_526 : i32 to vector<16xi32>
      %and3A_528 = arith.andi %get3A_504, %and3A_527 : vector<16xi32>
      %mul3A_529 = arith.constant 128 : i32
      %mul3A_530 = vector.broadcast %mul3A_529 : i32 to vector<16xi32>
      %mul3A_531 = arith.muli %and3A_528, %mul3A_530 : vector<16xi32>
      %add3A_532 = arith.addi %add3A_525, %mul3A_531 : vector<16xi32>
      %and3A_533 = arith.constant 127 : i32
      %and3A_534 = vector.broadcast %and3A_533 : i32 to vector<16xi32>
      %and3A_535 = arith.andi %get3A_508, %and3A_534 : vector<16xi32>
      %add3A_536 = arith.addi %add3A_532, %and3A_535 : vector<16xi32>
      %swap3A_537 = arith.index_cast %mul3A_498 : i32 to index
      %swap3A_538 = tpu.vector_load %arg7[%swap3A_537] {strides = array<i32>} : memref<4096xi32, #tpu.memory_space<vmem>>, vector<16xi32>,
      tpu.vector_store %arg7[%swap3A_537], %add3A_536 {strides = array<i32>} : memref<4096xi32, #tpu.memory_space<vmem>>, vector<16xi32>,
      %mul3A_539 = arith.constant 512 : i32
      %mul3A_540 = arith.muli %scan3A_192, %mul3A_539 : i32
      %add3A_541 = arith.constant 112 : i32
      %add3A_542 = arith.addi %mul3A_540, %add3A_541 : i32
      %mul3A_543 = arith.constant 8 : i32
      %mul3A_544 = arith.muli %scan3A_192, %mul3A_543 : i32
      %add3A_545 = arith.constant 7 : i32
      %add3A_546 = arith.addi %mul3A_544, %add3A_545 : i32
      %mul3A_547 = arith.constant 16 : i32
      %mul3A_548 = arith.muli %add3A_546, %mul3A_547 : i32
      %get3A_549 = arith.index_cast %add3A_542 : i32 to index
      %get3A_550 = tpu.vector_load %arg5[%get3A_549] {strides = array<i32>} : memref<16384xi32, #tpu.memory_space<vmem>>, vector<16xi32>,
      %add3A_551 = arith.constant 128 : i32
      %add3A_552 = arith.addi %add3A_542, %add3A_551 : i32
      %get3A_553 = arith.index_cast %add3A_552 : i32 to index
      %get3A_554 = tpu.vector_load %arg5[%get3A_553] {strides = array<i32>} : memref<16384xi32, #tpu.memory_space<vmem>>, vector<16xi32>,
      %add3A_555 = arith.constant 256 : i32
      %add3A_556 = arith.addi %add3A_542, %add3A_555 : i32
      %get3A_557 = arith.index_cast %add3A_556 : i32 to index
      %get3A_558 = tpu.vector_load %arg5[%get3A_557] {strides = array<i32>} : memref<16384xi32, #tpu.memory_space<vmem>>, vector<16xi32>,
      %mul3A_559 = arith.constant 65536 : i32
      %mul3A_560 = vector.broadcast %mul3A_559 : i32 to vector<16xi32>
      %mul3A_561 = arith.muli %get3A_550, %mul3A_560 : vector<16xi32>
      %shift_right_arithmetic3A_562 = arith.constant 3 : i32
      %shift_right_arithmetic3A_563 = vector.broadcast %shift_right_arithmetic3A_562 : i32 to vector<16xi32>
      %shift_right_arithmetic3A_564 = arith.shrsi %get3A_554, %shift_right_arithmetic3A_563 : vector<16xi32>
      %mul3A_565 = arith.constant 2048 : i32
      %mul3A_566 = vector.broadcast %mul3A_565 : i32 to vector<16xi32>
      %mul3A_567 = arith.muli %shift_right_arithmetic3A_564, %mul3A_566 : vector<16xi32>
      %add3A_568 = arith.addi %mul3A_561, %mul3A_567 : vector<16xi32>
      %shift_right_arithmetic3A_569 = arith.constant 7 : i32
      %shift_right_arithmetic3A_570 = vector.broadcast %shift_right_arithmetic3A_569 : i32 to vector<16xi32>
      %shift_right_arithmetic3A_571 = arith.shrsi %get3A_558, %shift_right_arithmetic3A_570 : vector<16xi32>
      %mul3A_572 = arith.constant 1024 : i32
      %mul3A_573 = vector.broadcast %mul3A_572 : i32 to vector<16xi32>
      %mul3A_574 = arith.muli %shift_right_arithmetic3A_571, %mul3A_573 : vector<16xi32>
      %add3A_575 = arith.addi %add3A_568, %mul3A_574 : vector<16xi32>
      %and3A_576 = arith.constant 7 : i32
      %and3A_577 = vector.broadcast %and3A_576 : i32 to vector<16xi32>
      %and3A_578 = arith.andi %get3A_554, %and3A_577 : vector<16xi32>
      %mul3A_579 = arith.constant 128 : i32
      %mul3A_580 = vector.broadcast %mul3A_579 : i32 to vector<16xi32>
      %mul3A_581 = arith.muli %and3A_578, %mul3A_580 : vector<16xi32>
      %add3A_582 = arith.addi %add3A_575, %mul3A_581 : vector<16xi32>
      %and3A_583 = arith.constant 127 : i32
      %and3A_584 = vector.broadcast %and3A_583 : i32 to vector<16xi32>
      %and3A_585 = arith.andi %get3A_558, %and3A_584 : vector<16xi32>
      %add3A_586 = arith.addi %add3A_582, %and3A_585 : vector<16xi32>
      %swap3A_587 = arith.index_cast %mul3A_548 : i32 to index
      %swap3A_588 = tpu.vector_load %arg7[%swap3A_587] {strides = array<i32>} : memref<4096xi32, #tpu.memory_space<vmem>>, vector<16xi32>,
      tpu.vector_store %arg7[%swap3A_587], %add3A_586 {strides = array<i32>} : memref<4096xi32, #tpu.memory_space<vmem>>, vector<16xi32>,
    }
    %scan3A_19 = arith.constant 32 : i32
    %dma_start3A_20 = arith.constant 0 : i32
    %dma_start3A_21 = tpu.memref_slice %arg3[%dma_start3A_20] : memref<16777216xf32, #tpu.memory_space<hbm>> -> memref<16777216xf32, #tpu.memory_space<hbm>>
    tpu.enqueue_indirect_dma source(%dma_start3A_21 : memref<16777216xf32, #tpu.memory_space<hbm>>) target(%arg9 : memref<4096xf32, #tpu.memory_space<vmem>>) offsets(%arg7 : memref<4096xi32, #tpu.memory_space<vmem>>) semaphore(%arg13 : memref<!tpu.dma_semaphore, #tpu.memory_space<semaphore_mem>>)
    %add3A_22 = arith.constant 8192 : i32
    %add3A_23 = arith.addi %mul3A_2, %add3A_22 : i32
    %mul3A_24 = arith.constant 4 : i32
    %mul3A_25 = arith.muli %mul3A_24, %add3A_23 : i32
    %dma_start3A_26 = tpu.memref_slice %arg2[%mul3A_25] : memref<4194304xi32, #tpu.memory_space<hbm>> -> memref<16384xi32, #tpu.memory_space<hbm>>
    %dma_start3A_27 = tpu.memref_slice %arg2[%mul3A_25] : memref<4194304xi32, #tpu.memory_space<hbm>> -> memref<16384xi32, #tpu.memory_space<hbm>>
    tpu.enqueue_dma source(%dma_start3A_27 : memref<16384xi32, #tpu.memory_space<hbm>>) target(%arg5 : memref<16384xi32, #tpu.memory_space<vmem>>) target_semaphore(%arg11 : memref<!tpu.dma_semaphore, #tpu.memory_space<semaphore_mem>>)
    %dma_wait3A_28 = tpu.memref_slice %arg2[%mul3A_11] : memref<4194304xi32, #tpu.memory_space<hbm>> -> memref<16384xi32, #tpu.memory_space<hbm>>
    %dma_wait3A_29 = tpu.memref_slice %arg2[%mul3A_11] : memref<4194304xi32, #tpu.memory_space<hbm>> -> memref<16384xi32, #tpu.memory_space<hbm>>
    tpu.wait_dma2 semaphore(%arg12 : memref<!tpu.dma_semaphore, #tpu.memory_space<semaphore_mem>>) src(%dma_wait3A_29 : memref<16384xi32, #tpu.memory_space<hbm>>) dst(%arg6 : memref<16384xi32, #tpu.memory_space<vmem>>)
    %scan3A_30 = arith.constant 0 : i32
    %scan3A_31 = arith.constant 0 : i32
    %scan3A_32 = arith.constant 32 : i32
    %scan3A_33 = arith.addi %scan3A_31, %scan3A_32 : i32
    %scan3A_34 = arith.constant 1 : i32
    scf.for %scan3A_192 = %scan3A_31 to %scan3A_33 step %scan3A_34  : i32 {
      %mul3A_193 = arith.constant 512 : i32
      %mul3A_194 = arith.muli %scan3A_192, %mul3A_193 : i32
      %add3A_195 = arith.constant 0 : i32
      %add3A_196 = arith.addi %mul3A_194, %add3A_195 : i32
      %mul3A_197 = arith.constant 8 : i32
      %mul3A_198 = arith.muli %scan3A_192, %mul3A_197 : i32
      %add3A_199 = arith.constant 0 : i32
      %add3A_200 = arith.addi %mul3A_198, %add3A_199 : i32
      %mul3A_201 = arith.constant 16 : i32
      %mul3A_202 = arith.muli %add3A_200, %mul3A_201 : i32
      %get3A = arith.index_cast %add3A_196 : i32 to index
      %get3A_203 = tpu.vector_load %arg6[%get3A] {strides = array<i32>} : memref<16384xi32, #tpu.memory_space<vmem>>, vector<16xi32>,
      %add3A_204 = arith.constant 128 : i32
      %add3A_205 = arith.addi %add3A_196, %add3A_204 : i32
      %get3A_206 = arith.index_cast %add3A_205 : i32 to index
      %get3A_207 = tpu.vector_load %arg6[%get3A_206] {strides = array<i32>} : memref<16384xi32, #tpu.memory_space<vmem>>, vector<16xi32>,
      %add3A_208 = arith.constant 256 : i32
      %add3A_209 = arith.addi %add3A_196, %add3A_208 : i32
      %get3A_210 = arith.index_cast %add3A_209 : i32 to index
      %get3A_211 = tpu.vector_load %arg6[%get3A_210] {strides = array<i32>} : memref<16384xi32, #tpu.memory_space<vmem>>, vector<16xi32>,
      %mul3A_212 = arith.constant 65536 : i32
      %mul3A_213 = vector.broadcast %mul3A_212 : i32 to vector<16xi32>
      %mul3A_214 = arith.muli %get3A_203, %mul3A_213 : vector<16xi32>
      %shift_right_arithmetic3A = arith.constant 3 : i32
      %shift_right_arithmetic3A_215 = vector.broadcast %shift_right_arithmetic3A : i32 to vector<16xi32>
      %shift_right_arithmetic3A_216 = arith.shrsi %get3A_207, %shift_right_arithmetic3A_215 : vector<16xi32>
      %mul3A_217 = arith.constant 2048 : i32
      %mul3A_218 = vector.broadcast %mul3A_217 : i32 to vector<16xi32>
      %mul3A_219 = arith.muli %shift_right_arithmetic3A_216, %mul3A_218 : vector<16xi32>
      %add3A_220 = arith.addi %mul3A_214, %mul3A_219 : vector<16xi32>
      %shift_right_arithmetic3A_221 = arith.constant 7 : i32
      %shift_right_arithmetic3A_222 = vector.broadcast %shift_right_arithmetic3A_221 : i32 to vector<16xi32>
      %shift_right_arithmetic3A_223 = arith.shrsi %get3A_211, %shift_right_arithmetic3A_222 : vector<16xi32>
      %mul3A_224 = arith.constant 1024 : i32
      %mul3A_225 = vector.broadcast %mul3A_224 : i32 to vector<16xi32>
      %mul3A_226 = arith.muli %shift_right_arithmetic3A_223, %mul3A_225 : vector<16xi32>
      %add3A_227 = arith.addi %add3A_220, %mul3A_226 : vector<16xi32>
      %and3A = arith.constant 7 : i32
      %and3A_228 = vector.broadcast %and3A : i32 to vector<16xi32>
      %and3A_229 = arith.andi %get3A_207, %and3A_228 : vector<16xi32>
      %mul3A_230 = arith.constant 128 : i32
      %mul3A_231 = vector.broadcast %mul3A_230 : i32 to vector<16xi32>
      %mul3A_232 = arith.muli %and3A_229, %mul3A_231 : vector<16xi32>
      %add3A_233 = arith.addi %add3A_227, %mul3A_232 : vector<16xi32>
      %and3A_234 = arith.constant 127 : i32
      %and3A_235 = vector.broadcast %and3A_234 : i32 to vector<16xi32>
      %and3A_236 = arith.andi %get3A_211, %and3A_235 : vector<16xi32>
      %add3A_237 = arith.addi %add3A_233, %and3A_236 : vector<16xi32>
      %swap3A = arith.index_cast %mul3A_202 : i32 to index
      %swap3A_238 = tpu.vector_load %arg8[%swap3A] {strides = array<i32>} : memref<4096xi32, #tpu.memory_space<vmem>>, vector<16xi32>,
      tpu.vector_store %arg8[%swap3A], %add3A_237 {strides = array<i32>} : memref<4096xi32, #tpu.memory_space<vmem>>, vector<16xi32>,
      %mul3A_239 = arith.constant 512 : i32
      %mul3A_240 = arith.muli %scan3A_192, %mul3A_239 : i32
      %add3A_241 = arith.constant 16 : i32
      %add3A_242 = arith.addi %mul3A_240, %add3A_241 : i32
      %mul3A_243 = arith.constant 8 : i32
      %mul3A_244 = arith.muli %scan3A_192, %mul3A_243 : i32
      %add3A_245 = arith.constant 1 : i32
      %add3A_246 = arith.addi %mul3A_244, %add3A_245 : i32
      %mul3A_247 = arith.constant 16 : i32
      %mul3A_248 = arith.muli %add3A_246, %mul3A_247 : i32
      %get3A_249 = arith.index_cast %add3A_242 : i32 to index
      %get3A_250 = tpu.vector_load %arg6[%get3A_249] {strides = array<i32>} : memref<16384xi32, #tpu.memory_space<vmem>>, vector<16xi32>,
      %add3A_251 = arith.constant 128 : i32
      %add3A_252 = arith.addi %add3A_242, %add3A_251 : i32
      %get3A_253 = arith.index_cast %add3A_252 : i32 to index
      %get3A_254 = tpu.vector_load %arg6[%get3A_253] {strides = array<i32>} : memref<16384xi32, #tpu.memory_space<vmem>>, vector<16xi32>,
      %add3A_255 = arith.constant 256 : i32
      %add3A_256 = arith.addi %add3A_242, %add3A_255 : i32
      %get3A_257 = arith.index_cast %add3A_256 : i32 to index
      %get3A_258 = tpu.vector_load %arg6[%get3A_257] {strides = array<i32>} : memref<16384xi32, #tpu.memory_space<vmem>>, vector<16xi32>,
      %mul3A_259 = arith.constant 65536 : i32
      %mul3A_260 = vector.broadcast %mul3A_259 : i32 to vector<16xi32>
      %mul3A_261 = arith.muli %get3A_250, %mul3A_260 : vector<16xi32>
      %shift_right_arithmetic3A_262 = arith.constant 3 : i32
      %shift_right_arithmetic3A_263 = vector.broadcast %shift_right_arithmetic3A_262 : i32 to vector<16xi32>
      %shift_right_arithmetic3A_264 = arith.shrsi %get3A_254, %shift_right_arithmetic3A_263 : vector<16xi32>
      %mul3A_265 = arith.constant 2048 : i32
      %mul3A_266 = vector.broadcast %mul3A_265 : i32 to vector<16xi32>
      %mul3A_267 = arith.muli %shift_right_arithmetic3A_264, %mul3A_266 : vector<16xi32>
      %add3A_268 = arith.addi %mul3A_261, %mul3A_267 : vector<16xi32>
      %shift_right_arithmetic3A_269 = arith.constant 7 : i32
      %shift_right_arithmetic3A_270 = vector.broadcast %shift_right_arithmetic3A_269 : i32 to vector<16xi32>
      %shift_right_arithmetic3A_271 = arith.shrsi %get3A_258, %shift_right_arithmetic3A_270 : vector<16xi32>
      %mul3A_272 = arith.constant 1024 : i32
      %mul3A_273 = vector.broadcast %mul3A_272 : i32 to vector<16xi32>
      %mul3A_274 = arith.muli %shift_right_arithmetic3A_271, %mul3A_273 : vector<16xi32>
      %add3A_275 = arith.addi %add3A_268, %mul3A_274 : vector<16xi32>
      %and3A_276 = arith.constant 7 : i32
      %and3A_277 = vector.broadcast %and3A_276 : i32 to vector<16xi32>
      %and3A_278 = arith.andi %get3A_254, %and3A_277 : vector<16xi32>
      %mul3A_279 = arith.constant 128 : i32
      %mul3A_280 = vector.broadcast %mul3A_279 : i32 to vector<16xi32>
      %mul3A_281 = arith.muli %and3A_278, %mul3A_280 : vector<16xi32>
      %add3A_282 = arith.addi %add3A_275, %mul3A_281 : vector<16xi32>
      %and3A_283 = arith.constant 127 : i32
      %and3A_284 = vector.broadcast %and3A_283 : i32 to vector<16xi32>
      %and3A_285 = arith.andi %get3A_258, %and3A_284 : vector<16xi32>
      %add3A_286 = arith.addi %add3A_282, %and3A_285 : vector<16xi32>
      %swap3A_287 = arith.index_cast %mul3A_248 : i32 to index
      %swap3A_288 = tpu.vector_load %arg8[%swap3A_287] {strides = array<i32>} : memref<4096xi32, #tpu.memory_space<vmem>>, vector<16xi32>,
      tpu.vector_store %arg8[%swap3A_287], %add3A_286 {strides = array<i32>} : memref<4096xi32, #tpu.memory_space<vmem>>, vector<16xi32>,
      %mul3A_289 = arith.constant 512 : i32
      %mul3A_290 = arith.muli %scan3A_192, %mul3A_289 : i32
      %add3A_291 = arith.constant 32 : i32
      %add3A_292 = arith.addi %mul3A_290, %add3A_291 : i32
      %mul3A_293 = arith.constant 8 : i32
      %mul3A_294 = arith.muli %scan3A_192, %mul3A_293 : i32
      %add3A_295 = arith.constant 2 : i32
      %add3A_296 = arith.addi %mul3A_294, %add3A_295 : i32
      %mul3A_297 = arith.constant 16 : i32
      %mul3A_298 = arith.muli %add3A_296, %mul3A_297 : i32
      %get3A_299 = arith.index_cast %add3A_292 : i32 to index
      %get3A_300 = tpu.vector_load %arg6[%get3A_299] {strides = array<i32>} : memref<16384xi32, #tpu.memory_space<vmem>>, vector<16xi32>,
      %add3A_301 = arith.constant 128 : i32
      %add3A_302 = arith.addi %add3A_292, %add3A_301 : i32
      %get3A_303 = arith.index_cast %add3A_302 : i32 to index
      %get3A_304 = tpu.vector_load %arg6[%get3A_303] {strides = array<i32>} : memref<16384xi32, #tpu.memory_space<vmem>>, vector<16xi32>,
      %add3A_305 = arith.constant 256 : i32
      %add3A_306 = arith.addi %add3A_292, %add3A_305 : i32
      %get3A_307 = arith.index_cast %add3A_306 : i32 to index
      %get3A_308 = tpu.vector_load %arg6[%get3A_307] {strides = array<i32>} : memref<16384xi32, #tpu.memory_space<vmem>>, vector<16xi32>,
      %mul3A_309 = arith.constant 65536 : i32
      %mul3A_310 = vector.broadcast %mul3A_309 : i32 to vector<16xi32>
      %mul3A_311 = arith.muli %get3A_300, %mul3A_310 : vector<16xi32>
      %shift_right_arithmetic3A_312 = arith.constant 3 : i32
      %shift_right_arithmetic3A_313 = vector.broadcast %shift_right_arithmetic3A_312 : i32 to vector<16xi32>
      %shift_right_arithmetic3A_314 = arith.shrsi %get3A_304, %shift_right_arithmetic3A_313 : vector<16xi32>
      %mul3A_315 = arith.constant 2048 : i32
      %mul3A_316 = vector.broadcast %mul3A_315 : i32 to vector<16xi32>
      %mul3A_317 = arith.muli %shift_right_arithmetic3A_314, %mul3A_316 : vector<16xi32>
      %add3A_318 = arith.addi %mul3A_311, %mul3A_317 : vector<16xi32>
      %shift_right_arithmetic3A_319 = arith.constant 7 : i32
      %shift_right_arithmetic3A_320 = vector.broadcast %shift_right_arithmetic3A_319 : i32 to vector<16xi32>
      %shift_right_arithmetic3A_321 = arith.shrsi %get3A_308, %shift_right_arithmetic3A_320 : vector<16xi32>
      %mul3A_322 = arith.constant 1024 : i32
      %mul3A_323 = vector.broadcast %mul3A_322 : i32 to vector<16xi32>
      %mul3A_324 = arith.muli %shift_right_arithmetic3A_321, %mul3A_323 : vector<16xi32>
      %add3A_325 = arith.addi %add3A_318, %mul3A_324 : vector<16xi32>
      %and3A_326 = arith.constant 7 : i32
      %and3A_327 = vector.broadcast %and3A_326 : i32 to vector<16xi32>
      %and3A_328 = arith.andi %get3A_304, %and3A_327 : vector<16xi32>
      %mul3A_329 = arith.constant 128 : i32
      %mul3A_330 = vector.broadcast %mul3A_329 : i32 to vector<16xi32>
      %mul3A_331 = arith.muli %and3A_328, %mul3A_330 : vector<16xi32>
      %add3A_332 = arith.addi %add3A_325, %mul3A_331 : vector<16xi32>
      %and3A_333 = arith.constant 127 : i32
      %and3A_334 = vector.broadcast %and3A_333 : i32 to vector<16xi32>
      %and3A_335 = arith.andi %get3A_308, %and3A_334 : vector<16xi32>
      %add3A_336 = arith.addi %add3A_332, %and3A_335 : vector<16xi32>
      %swap3A_337 = arith.index_cast %mul3A_298 : i32 to index
      %swap3A_338 = tpu.vector_load %arg8[%swap3A_337] {strides = array<i32>} : memref<4096xi32, #tpu.memory_space<vmem>>, vector<16xi32>,
      tpu.vector_store %arg8[%swap3A_337], %add3A_336 {strides = array<i32>} : memref<4096xi32, #tpu.memory_space<vmem>>, vector<16xi32>,
      %mul3A_339 = arith.constant 512 : i32
      %mul3A_340 = arith.muli %scan3A_192, %mul3A_339 : i32
      %add3A_341 = arith.constant 48 : i32
      %add3A_342 = arith.addi %mul3A_340, %add3A_341 : i32
      %mul3A_343 = arith.constant 8 : i32
      %mul3A_344 = arith.muli %scan3A_192, %mul3A_343 : i32
      %add3A_345 = arith.constant 3 : i32
      %add3A_346 = arith.addi %mul3A_344, %add3A_345 : i32
      %mul3A_347 = arith.constant 16 : i32
      %mul3A_348 = arith.muli %add3A_346, %mul3A_347 : i32
      %get3A_349 = arith.index_cast %add3A_342 : i32 to index
      %get3A_350 = tpu.vector_load %arg6[%get3A_349] {strides = array<i32>} : memref<16384xi32, #tpu.memory_space<vmem>>, vector<16xi32>,
      %add3A_351 = arith.constant 128 : i32
      %add3A_352 = arith.addi %add3A_342, %add3A_351 : i32
      %get3A_353 = arith.index_cast %add3A_352 : i32 to index
      %get3A_354 = tpu.vector_load %arg6[%get3A_353] {strides = array<i32>} : memref<16384xi32, #tpu.memory_space<vmem>>, vector<16xi32>,
      %add3A_355 = arith.constant 256 : i32
      %add3A_356 = arith.addi %add3A_342, %add3A_355 : i32
      %get3A_357 = arith.index_cast %add3A_356 : i32 to index
      %get3A_358 = tpu.vector_load %arg6[%get3A_357] {strides = array<i32>} : memref<16384xi32, #tpu.memory_space<vmem>>, vector<16xi32>,
      %mul3A_359 = arith.constant 65536 : i32
      %mul3A_360 = vector.broadcast %mul3A_359 : i32 to vector<16xi32>
      %mul3A_361 = arith.muli %get3A_350, %mul3A_360 : vector<16xi32>
      %shift_right_arithmetic3A_362 = arith.constant 3 : i32
      %shift_right_arithmetic3A_363 = vector.broadcast %shift_right_arithmetic3A_362 : i32 to vector<16xi32>
      %shift_right_arithmetic3A_364 = arith.shrsi %get3A_354, %shift_right_arithmetic3A_363 : vector<16xi32>
      %mul3A_365 = arith.constant 2048 : i32
      %mul3A_366 = vector.broadcast %mul3A_365 : i32 to vector<16xi32>
      %mul3A_367 = arith.muli %shift_right_arithmetic3A_364, %mul3A_366 : vector<16xi32>
      %add3A_368 = arith.addi %mul3A_361, %mul3A_367 : vector<16xi32>
      %shift_right_arithmetic3A_369 = arith.constant 7 : i32
      %shift_right_arithmetic3A_370 = vector.broadcast %shift_right_arithmetic3A_369 : i32 to vector<16xi32>
      %shift_right_arithmetic3A_371 = arith.shrsi %get3A_358, %shift_right_arithmetic3A_370 : vector<16xi32>
      %mul3A_372 = arith.constant 1024 : i32
      %mul3A_373 = vector.broadcast %mul3A_372 : i32 to vector<16xi32>
      %mul3A_374 = arith.muli %shift_right_arithmetic3A_371, %mul3A_373 : vector<16xi32>
      %add3A_375 = arith.addi %add3A_368, %mul3A_374 : vector<16xi32>
      %and3A_376 = arith.constant 7 : i32
      %and3A_377 = vector.broadcast %and3A_376 : i32 to vector<16xi32>
      %and3A_378 = arith.andi %get3A_354, %and3A_377 : vector<16xi32>
      %mul3A_379 = arith.constant 128 : i32
      %mul3A_380 = vector.broadcast %mul3A_379 : i32 to vector<16xi32>
      %mul3A_381 = arith.muli %and3A_378, %mul3A_380 : vector<16xi32>
      %add3A_382 = arith.addi %add3A_375, %mul3A_381 : vector<16xi32>
      %and3A_383 = arith.constant 127 : i32
      %and3A_384 = vector.broadcast %and3A_383 : i32 to vector<16xi32>
      %and3A_385 = arith.andi %get3A_358, %and3A_384 : vector<16xi32>
      %add3A_386 = arith.addi %add3A_382, %and3A_385 : vector<16xi32>
      %swap3A_387 = arith.index_cast %mul3A_348 : i32 to index
      %swap3A_388 = tpu.vector_load %arg8[%swap3A_387] {strides = array<i32>} : memref<4096xi32, #tpu.memory_space<vmem>>, vector<16xi32>,
      tpu.vector_store %arg8[%swap3A_387], %add3A_386 {strides = array<i32>} : memref<4096xi32, #tpu.memory_space<vmem>>, vector<16xi32>,
      %mul3A_389 = arith.constant 512 : i32
      %mul3A_390 = arith.muli %scan3A_192, %mul3A_389 : i32
      %add3A_391 = arith.constant 64 : i32
      %add3A_392 = arith.addi %mul3A_390, %add3A_391 : i32
      %mul3A_393 = arith.constant 8 : i32
      %mul3A_394 = arith.muli %scan3A_192, %mul3A_393 : i32
      %add3A_395 = arith.constant 4 : i32
      %add3A_396 = arith.addi %mul3A_394, %add3A_395 : i32
      %mul3A_397 = arith.constant 16 : i32
      %mul3A_398 = arith.muli %add3A_396, %mul3A_397 : i32
      %get3A_399 = arith.index_cast %add3A_392 : i32 to index
      %get3A_400 = tpu.vector_load %arg6[%get3A_399] {strides = array<i32>} : memref<16384xi32, #tpu.memory_space<vmem>>, vector<16xi32>,
      %add3A_401 = arith.constant 128 : i32
      %add3A_402 = arith.addi %add3A_392, %add3A_401 : i32
      %get3A_403 = arith.index_cast %add3A_402 : i32 to index
      %get3A_404 = tpu.vector_load %arg6[%get3A_403] {strides = array<i32>} : memref<16384xi32, #tpu.memory_space<vmem>>, vector<16xi32>,
      %add3A_405 = arith.constant 256 : i32
      %add3A_406 = arith.addi %add3A_392, %add3A_405 : i32
      %get3A_407 = arith.index_cast %add3A_406 : i32 to index
      %get3A_408 = tpu.vector_load %arg6[%get3A_407] {strides = array<i32>} : memref<16384xi32, #tpu.memory_space<vmem>>, vector<16xi32>,
      %mul3A_409 = arith.constant 65536 : i32
      %mul3A_410 = vector.broadcast %mul3A_409 : i32 to vector<16xi32>
      %mul3A_411 = arith.muli %get3A_400, %mul3A_410 : vector<16xi32>
      %shift_right_arithmetic3A_412 = arith.constant 3 : i32
      %shift_right_arithmetic3A_413 = vector.broadcast %shift_right_arithmetic3A_412 : i32 to vector<16xi32>
      %shift_right_arithmetic3A_414 = arith.shrsi %get3A_404, %shift_right_arithmetic3A_413 : vector<16xi32>
      %mul3A_415 = arith.constant 2048 : i32
      %mul3A_416 = vector.broadcast %mul3A_415 : i32 to vector<16xi32>
      %mul3A_417 = arith.muli %shift_right_arithmetic3A_414, %mul3A_416 : vector<16xi32>
      %add3A_418 = arith.addi %mul3A_411, %mul3A_417 : vector<16xi32>
      %shift_right_arithmetic3A_419 = arith.constant 7 : i32
      %shift_right_arithmetic3A_420 = vector.broadcast %shift_right_arithmetic3A_419 : i32 to vector<16xi32>
      %shift_right_arithmetic3A_421 = arith.shrsi %get3A_408, %shift_right_arithmetic3A_420 : vector<16xi32>
      %mul3A_422 = arith.constant 1024 : i32
      %mul3A_423 = vector.broadcast %mul3A_422 : i32 to vector<16xi32>
      %mul3A_424 = arith.muli %shift_right_arithmetic3A_421, %mul3A_423 : vector<16xi32>
      %add3A_425 = arith.addi %add3A_418, %mul3A_424 : vector<16xi32>
      %and3A_426 = arith.constant 7 : i32
      %and3A_427 = vector.broadcast %and3A_426 : i32 to vector<16xi32>
      %and3A_428 = arith.andi %get3A_404, %and3A_427 : vector<16xi32>
      %mul3A_429 = arith.constant 128 : i32
      %mul3A_430 = vector.broadcast %mul3A_429 : i32 to vector<16xi32>
      %mul3A_431 = arith.muli %and3A_428, %mul3A_430 : vector<16xi32>
      %add3A_432 = arith.addi %add3A_425, %mul3A_431 : vector<16xi32>
      %and3A_433 = arith.constant 127 : i32
      %and3A_434 = vector.broadcast %and3A_433 : i32 to vector<16xi32>
      %and3A_435 = arith.andi %get3A_408, %and3A_434 : vector<16xi32>
      %add3A_436 = arith.addi %add3A_432, %and3A_435 : vector<16xi32>
      %swap3A_437 = arith.index_cast %mul3A_398 : i32 to index
      %swap3A_438 = tpu.vector_load %arg8[%swap3A_437] {strides = array<i32>} : memref<4096xi32, #tpu.memory_space<vmem>>, vector<16xi32>,
      tpu.vector_store %arg8[%swap3A_437], %add3A_436 {strides = array<i32>} : memref<4096xi32, #tpu.memory_space<vmem>>, vector<16xi32>,
      %mul3A_439 = arith.constant 512 : i32
      %mul3A_440 = arith.muli %scan3A_192, %mul3A_439 : i32
      %add3A_441 = arith.constant 80 : i32
      %add3A_442 = arith.addi %mul3A_440, %add3A_441 : i32
      %mul3A_443 = arith.constant 8 : i32
      %mul3A_444 = arith.muli %scan3A_192, %mul3A_443 : i32
      %add3A_445 = arith.constant 5 : i32
      %add3A_446 = arith.addi %mul3A_444, %add3A_445 : i32
      %mul3A_447 = arith.constant 16 : i32
      %mul3A_448 = arith.muli %add3A_446, %mul3A_447 : i32
      %get3A_449 = arith.index_cast %add3A_442 : i32 to index
      %get3A_450 = tpu.vector_load %arg6[%get3A_449] {strides = array<i32>} : memref<16384xi32, #tpu.memory_space<vmem>>, vector<16xi32>,
      %add3A_451 = arith.constant 128 : i32
      %add3A_452 = arith.addi %add3A_442, %add3A_451 : i32
      %get3A_453 = arith.index_cast %add3A_452 : i32 to index
      %get3A_454 = tpu.vector_load %arg6[%get3A_453] {strides = array<i32>} : memref<16384xi32, #tpu.memory_space<vmem>>, vector<16xi32>,
      %add3A_455 = arith.constant 256 : i32
      %add3A_456 = arith.addi %add3A_442, %add3A_455 : i32
      %get3A_457 = arith.index_cast %add3A_456 : i32 to index
      %get3A_458 = tpu.vector_load %arg6[%get3A_457] {strides = array<i32>} : memref<16384xi32, #tpu.memory_space<vmem>>, vector<16xi32>,
      %mul3A_459 = arith.constant 65536 : i32
      %mul3A_460 = vector.broadcast %mul3A_459 : i32 to vector<16xi32>
      %mul3A_461 = arith.muli %get3A_450, %mul3A_460 : vector<16xi32>
      %shift_right_arithmetic3A_462 = arith.constant 3 : i32
      %shift_right_arithmetic3A_463 = vector.broadcast %shift_right_arithmetic3A_462 : i32 to vector<16xi32>
      %shift_right_arithmetic3A_464 = arith.shrsi %get3A_454, %shift_right_arithmetic3A_463 : vector<16xi32>
      %mul3A_465 = arith.constant 2048 : i32
      %mul3A_466 = vector.broadcast %mul3A_465 : i32 to vector<16xi32>
      %mul3A_467 = arith.muli %shift_right_arithmetic3A_464, %mul3A_466 : vector<16xi32>
      %add3A_468 = arith.addi %mul3A_461, %mul3A_467 : vector<16xi32>
      %shift_right_arithmetic3A_469 = arith.constant 7 : i32
      %shift_right_arithmetic3A_470 = vector.broadcast %shift_right_arithmetic3A_469 : i32 to vector<16xi32>
      %shift_right_arithmetic3A_471 = arith.shrsi %get3A_458, %shift_right_arithmetic3A_470 : vector<16xi32>
      %mul3A_472 = arith.constant 1024 : i32
      %mul3A_473 = vector.broadcast %mul3A_472 : i32 to vector<16xi32>
      %mul3A_474 = arith.muli %shift_right_arithmetic3A_471, %mul3A_473 : vector<16xi32>
      %add3A_475 = arith.addi %add3A_468, %mul3A_474 : vector<16xi32>
      %and3A_476 = arith.constant 7 : i32
      %and3A_477 = vector.broadcast %and3A_476 : i32 to vector<16xi32>
      %and3A_478 = arith.andi %get3A_454, %and3A_477 : vector<16xi32>
      %mul3A_479 = arith.constant 128 : i32
      %mul3A_480 = vector.broadcast %mul3A_479 : i32 to vector<16xi32>
      %mul3A_481 = arith.muli %and3A_478, %mul3A_480 : vector<16xi32>
      %add3A_482 = arith.addi %add3A_475, %mul3A_481 : vector<16xi32>
      %and3A_483 = arith.constant 127 : i32
      %and3A_484 = vector.broadcast %and3A_483 : i32 to vector<16xi32>
      %and3A_485 = arith.andi %get3A_458, %and3A_484 : vector<16xi32>
      %add3A_486 = arith.addi %add3A_482, %and3A_485 : vector<16xi32>
      %swap3A_487 = arith.index_cast %mul3A_448 : i32 to index
      %swap3A_488 = tpu.vector_load %arg8[%swap3A_487] {strides = array<i32>} : memref<4096xi32, #tpu.memory_space<vmem>>, vector<16xi32>,
      tpu.vector_store %arg8[%swap3A_487], %add3A_486 {strides = array<i32>} : memref<4096xi32, #tpu.memory_space<vmem>>, vector<16xi32>,
      %mul3A_489 = arith.constant 512 : i32
      %mul3A_490 = arith.muli %scan3A_192, %mul3A_489 : i32
      %add3A_491 = arith.constant 96 : i32
      %add3A_492 = arith.addi %mul3A_490, %add3A_491 : i32
      %mul3A_493 = arith.constant 8 : i32
      %mul3A_494 = arith.muli %scan3A_192, %mul3A_493 : i32
      %add3A_495 = arith.constant 6 : i32
      %add3A_496 = arith.addi %mul3A_494, %add3A_495 : i32
      %mul3A_497 = arith.constant 16 : i32
      %mul3A_498 = arith.muli %add3A_496, %mul3A_497 : i32
      %get3A_499 = arith.index_cast %add3A_492 : i32 to index
      %get3A_500 = tpu.vector_load %arg6[%get3A_499] {strides = array<i32>} : memref<16384xi32, #tpu.memory_space<vmem>>, vector<16xi32>,
      %add3A_501 = arith.constant 128 : i32
      %add3A_502 = arith.addi %add3A_492, %add3A_501 : i32
      %get3A_503 = arith.index_cast %add3A_502 : i32 to index
      %get3A_504 = tpu.vector_load %arg6[%get3A_503] {strides = array<i32>} : memref<16384xi32, #tpu.memory_space<vmem>>, vector<16xi32>,
      %add3A_505 = arith.constant 256 : i32
      %add3A_506 = arith.addi %add3A_492, %add3A_505 : i32
      %get3A_507 = arith.index_cast %add3A_506 : i32 to index
      %get3A_508 = tpu.vector_load %arg6[%get3A_507] {strides = array<i32>} : memref<16384xi32, #tpu.memory_space<vmem>>, vector<16xi32>,
      %mul3A_509 = arith.constant 65536 : i32
      %mul3A_510 = vector.broadcast %mul3A_509 : i32 to vector<16xi32>
      %mul3A_511 = arith.muli %get3A_500, %mul3A_510 : vector<16xi32>
      %shift_right_arithmetic3A_512 = arith.constant 3 : i32
      %shift_right_arithmetic3A_513 = vector.broadcast %shift_right_arithmetic3A_512 : i32 to vector<16xi32>
      %shift_right_arithmetic3A_514 = arith.shrsi %get3A_504, %shift_right_arithmetic3A_513 : vector<16xi32>
      %mul3A_515 = arith.constant 2048 : i32
      %mul3A_516 = vector.broadcast %mul3A_515 : i32 to vector<16xi32>
      %mul3A_517 = arith.muli %shift_right_arithmetic3A_514, %mul3A_516 : vector<16xi32>
      %add3A_518 = arith.addi %mul3A_511, %mul3A_517 : vector<16xi32>
      %shift_right_arithmetic3A_519 = arith.constant 7 : i32
      %shift_right_arithmetic3A_520 = vector.broadcast %shift_right_arithmetic3A_519 : i32 to vector<16xi32>
      %shift_right_arithmetic3A_521 = arith.shrsi %get3A_508, %shift_right_arithmetic3A_520 : vector<16xi32>
      %mul3A_522 = arith.constant 1024 : i32
      %mul3A_523 = vector.broadcast %mul3A_522 : i32 to vector<16xi32>
      %mul3A_524 = arith.muli %shift_right_arithmetic3A_521, %mul3A_523 : vector<16xi32>
      %add3A_525 = arith.addi %add3A_518, %mul3A_524 : vector<16xi32>
      %and3A_526 = arith.constant 7 : i32
      %and3A_527 = vector.broadcast %and3A_526 : i32 to vector<16xi32>
      %and3A_528 = arith.andi %get3A_504, %and3A_527 : vector<16xi32>
      %mul3A_529 = arith.constant 128 : i32
      %mul3A_530 = vector.broadcast %mul3A_529 : i32 to vector<16xi32>
      %mul3A_531 = arith.muli %and3A_528, %mul3A_530 : vector<16xi32>
      %add3A_532 = arith.addi %add3A_525, %mul3A_531 : vector<16xi32>
      %and3A_533 = arith.constant 127 : i32
      %and3A_534 = vector.broadcast %and3A_533 : i32 to vector<16xi32>
      %and3A_535 = arith.andi %get3A_508, %and3A_534 : vector<16xi32>
      %add3A_536 = arith.addi %add3A_532, %and3A_535 : vector<16xi32>
      %swap3A_537 = arith.index_cast %mul3A_498 : i32 to index
      %swap3A_538 = tpu.vector_load %arg8[%swap3A_537] {strides = array<i32>} : memref<4096xi32, #tpu.memory_space<vmem>>, vector<16xi32>,
      tpu.vector_store %arg8[%swap3A_537], %add3A_536 {strides = array<i32>} : memref<4096xi32, #tpu.memory_space<vmem>>, vector<16xi32>,
      %mul3A_539 = arith.constant 512 : i32
      %mul3A_540 = arith.muli %scan3A_192, %mul3A_539 : i32
      %add3A_541 = arith.constant 112 : i32
      %add3A_542 = arith.addi %mul3A_540, %add3A_541 : i32
      %mul3A_543 = arith.constant 8 : i32
      %mul3A_544 = arith.muli %scan3A_192, %mul3A_543 : i32
      %add3A_545 = arith.constant 7 : i32
      %add3A_546 = arith.addi %mul3A_544, %add3A_545 : i32
      %mul3A_547 = arith.constant 16 : i32
      %mul3A_548 = arith.muli %add3A_546, %mul3A_547 : i32
      %get3A_549 = arith.index_cast %add3A_542 : i32 to index
      %get3A_550 = tpu.vector_load %arg6[%get3A_549] {strides = array<i32>} : memref<16384xi32, #tpu.memory_space<vmem>>, vector<16xi32>,
      %add3A_551 = arith.constant 128 : i32
      %add3A_552 = arith.addi %add3A_542, %add3A_551 : i32
      %get3A_553 = arith.index_cast %add3A_552 : i32 to index
      %get3A_554 = tpu.vector_load %arg6[%get3A_553] {strides = array<i32>} : memref<16384xi32, #tpu.memory_space<vmem>>, vector<16xi32>,
      %add3A_555 = arith.constant 256 : i32
      %add3A_556 = arith.addi %add3A_542, %add3A_555 : i32
      %get3A_557 = arith.index_cast %add3A_556 : i32 to index
      %get3A_558 = tpu.vector_load %arg6[%get3A_557] {strides = array<i32>} : memref<16384xi32, #tpu.memory_space<vmem>>, vector<16xi32>,
      %mul3A_559 = arith.constant 65536 : i32
      %mul3A_560 = vector.broadcast %mul3A_559 : i32 to vector<16xi32>
      %mul3A_561 = arith.muli %get3A_550, %mul3A_560 : vector<16xi32>
      %shift_right_arithmetic3A_562 = arith.constant 3 : i32
      %shift_right_arithmetic3A_563 = vector.broadcast %shift_right_arithmetic3A_562 : i32 to vector<16xi32>
      %shift_right_arithmetic3A_564 = arith.shrsi %get3A_554, %shift_right_arithmetic3A_563 : vector<16xi32>
      %mul3A_565 = arith.constant 2048 : i32
      %mul3A_566 = vector.broadcast %mul3A_565 : i32 to vector<16xi32>
      %mul3A_567 = arith.muli %shift_right_arithmetic3A_564, %mul3A_566 : vector<16xi32>
      %add3A_568 = arith.addi %mul3A_561, %mul3A_567 : vector<16xi32>
      %shift_right_arithmetic3A_569 = arith.constant 7 : i32
      %shift_right_arithmetic3A_570 = vector.broadcast %shift_right_arithmetic3A_569 : i32 to vector<16xi32>
      %shift_right_arithmetic3A_571 = arith.shrsi %get3A_558, %shift_right_arithmetic3A_570 : vector<16xi32>
      %mul3A_572 = arith.constant 1024 : i32
      %mul3A_573 = vector.broadcast %mul3A_572 : i32 to vector<16xi32>
      %mul3A_574 = arith.muli %shift_right_arithmetic3A_571, %mul3A_573 : vector<16xi32>
      %add3A_575 = arith.addi %add3A_568, %mul3A_574 : vector<16xi32>
      %and3A_576 = arith.constant 7 : i32
      %and3A_577 = vector.broadcast %and3A_576 : i32 to vector<16xi32>
      %and3A_578 = arith.andi %get3A_554, %and3A_577 : vector<16xi32>
      %mul3A_579 = arith.constant 128 : i32
      %mul3A_580 = vector.broadcast %mul3A_579 : i32 to vector<16xi32>
      %mul3A_581 = arith.muli %and3A_578, %mul3A_580 : vector<16xi32>
      %add3A_582 = arith.addi %add3A_575, %mul3A_581 : vector<16xi32>
      %and3A_583 = arith.constant 127 : i32
      %and3A_584 = vector.broadcast %and3A_583 : i32 to vector<16xi32>
      %and3A_585 = arith.andi %get3A_558, %and3A_584 : vector<16xi32>
      %add3A_586 = arith.addi %add3A_582, %and3A_585 : vector<16xi32>
      %swap3A_587 = arith.index_cast %mul3A_548 : i32 to index
      %swap3A_588 = tpu.vector_load %arg8[%swap3A_587] {strides = array<i32>} : memref<4096xi32, #tpu.memory_space<vmem>>, vector<16xi32>,
      tpu.vector_store %arg8[%swap3A_587], %add3A_586 {strides = array<i32>} : memref<4096xi32, #tpu.memory_space<vmem>>, vector<16xi32>,
    }
    %scan3A_35 = arith.constant 32 : i32
    %dma_start3A_36 = arith.constant 0 : i32
    %dma_start3A_37 = tpu.memref_slice %arg3[%dma_start3A_36] : memref<16777216xf32, #tpu.memory_space<hbm>> -> memref<16777216xf32, #tpu.memory_space<hbm>>
    tpu.enqueue_indirect_dma source(%dma_start3A_37 : memref<16777216xf32, #tpu.memory_space<hbm>>) target(%arg10 : memref<4096xf32, #tpu.memory_space<vmem>>) offsets(%arg8 : memref<4096xi32, #tpu.memory_space<vmem>>) semaphore(%arg14 : memref<!tpu.dma_semaphore, #tpu.memory_space<semaphore_mem>>)
    %dma_wait3A_38 = arith.constant 0 : i32
    %dma_wait3A_39 = tpu.memref_slice %arg3[%dma_wait3A_38] : memref<16777216xf32, #tpu.memory_space<hbm>> -> memref<16777216xf32, #tpu.memory_space<hbm>>
    tpu.wait_indirect_dma semaphore(%arg13 : memref<!tpu.dma_semaphore, #tpu.memory_space<semaphore_mem>>) src(%dma_wait3A_39 : memref<16777216xf32, #tpu.memory_space<hbm>>) dst(%arg9 : memref<4096xf32, #tpu.memory_space<vmem>>)
    %add3A_40 = arith.constant 0 : i32
    %add3A_41 = arith.addi %mul3A_2, %add3A_40 : i32
    %dma_start3A_42 = tpu.memref_slice %arg4[%add3A_41] : memref<1048576xf32, #tpu.memory_space<hbm>> -> memref<4096xf32, #tpu.memory_space<hbm>>
    %dma_start3A_43 = tpu.memref_slice %arg4[%add3A_41] : memref<1048576xf32, #tpu.memory_space<hbm>> -> memref<4096xf32, #tpu.memory_space<hbm>>
    tpu.enqueue_dma source(%arg9 : memref<4096xf32, #tpu.memory_space<vmem>>) target(%dma_start3A_43 : memref<4096xf32, #tpu.memory_space<hbm>>) target_semaphore(%arg15 : memref<!tpu.dma_semaphore, #tpu.memory_space<semaphore_mem>>)
    %add3A_44 = arith.constant 12288 : i32
    %add3A_45 = arith.addi %mul3A_2, %add3A_44 : i32
    %mul3A_46 = arith.constant 4 : i32
    %mul3A_47 = arith.muli %mul3A_46, %add3A_45 : i32
    %dma_start3A_48 = tpu.memref_slice %arg2[%mul3A_47] : memref<4194304xi32, #tpu.memory_space<hbm>> -> memref<16384xi32, #tpu.memory_space<hbm>>
    %dma_start3A_49 = tpu.memref_slice %arg2[%mul3A_47] : memref<4194304xi32, #tpu.memory_space<hbm>> -> memref<16384xi32, #tpu.memory_space<hbm>>
    tpu.enqueue_dma source(%dma_start3A_49 : memref<16384xi32, #tpu.memory_space<hbm>>) target(%arg6 : memref<16384xi32, #tpu.memory_space<vmem>>) target_semaphore(%arg12 : memref<!tpu.dma_semaphore, #tpu.memory_space<semaphore_mem>>)
    %dma_wait3A_50 = tpu.memref_slice %arg2[%mul3A_25] : memref<4194304xi32, #tpu.memory_space<hbm>> -> memref<16384xi32, #tpu.memory_space<hbm>>
    %dma_wait3A_51 = tpu.memref_slice %arg2[%mul3A_25] : memref<4194304xi32, #tpu.memory_space<hbm>> -> memref<16384xi32, #tpu.memory_space<hbm>>
    tpu.wait_dma2 semaphore(%arg11 : memref<!tpu.dma_semaphore, #tpu.memory_space<semaphore_mem>>) src(%dma_wait3A_51 : memref<16384xi32, #tpu.memory_space<hbm>>) dst(%arg5 : memref<16384xi32, #tpu.memory_space<vmem>>)
    %scan3A_52 = arith.constant 0 : i32
    %scan3A_53 = arith.constant 0 : i32
    %scan3A_54 = arith.constant 32 : i32
    %scan3A_55 = arith.addi %scan3A_53, %scan3A_54 : i32
    %scan3A_56 = arith.constant 1 : i32
    scf.for %scan3A_192 = %scan3A_53 to %scan3A_55 step %scan3A_56  : i32 {
      %mul3A_193 = arith.constant 512 : i32
      %mul3A_194 = arith.muli %scan3A_192, %mul3A_193 : i32
      %add3A_195 = arith.constant 0 : i32
      %add3A_196 = arith.addi %mul3A_194, %add3A_195 : i32
      %mul3A_197 = arith.constant 8 : i32
      %mul3A_198 = arith.muli %scan3A_192, %mul3A_197 : i32
      %add3A_199 = arith.constant 0 : i32
      %add3A_200 = arith.addi %mul3A_198, %add3A_199 : i32
      %mul3A_201 = arith.constant 16 : i32
      %mul3A_202 = arith.muli %add3A_200, %mul3A_201 : i32
      %get3A = arith.index_cast %add3A_196 : i32 to index
      %get3A_203 = tpu.vector_load %arg5[%get3A] {strides = array<i32>} : memref<16384xi32, #tpu.memory_space<vmem>>, vector<16xi32>,
      %add3A_204 = arith.constant 128 : i32
      %add3A_205 = arith.addi %add3A_196, %add3A_204 : i32
      %get3A_206 = arith.index_cast %add3A_205 : i32 to index
      %get3A_207 = tpu.vector_load %arg5[%get3A_206] {strides = array<i32>} : memref<16384xi32, #tpu.memory_space<vmem>>, vector<16xi32>,
      %add3A_208 = arith.constant 256 : i32
      %add3A_209 = arith.addi %add3A_196, %add3A_208 : i32
      %get3A_210 = arith.index_cast %add3A_209 : i32 to index
      %get3A_211 = tpu.vector_load %arg5[%get3A_210] {strides = array<i32>} : memref<16384xi32, #tpu.memory_space<vmem>>, vector<16xi32>,
      %mul3A_212 = arith.constant 65536 : i32
      %mul3A_213 = vector.broadcast %mul3A_212 : i32 to vector<16xi32>
      %mul3A_214 = arith.muli %get3A_203, %mul3A_213 : vector<16xi32>
      %shift_right_arithmetic3A = arith.constant 3 : i32
      %shift_right_arithmetic3A_215 = vector.broadcast %shift_right_arithmetic3A : i32 to vector<16xi32>
      %shift_right_arithmetic3A_216 = arith.shrsi %get3A_207, %shift_right_arithmetic3A_215 : vector<16xi32>
      %mul3A_217 = arith.constant 2048 : i32
      %mul3A_218 = vector.broadcast %mul3A_217 : i32 to vector<16xi32>
      %mul3A_219 = arith.muli %shift_right_arithmetic3A_216, %mul3A_218 : vector<16xi32>
      %add3A_220 = arith.addi %mul3A_214, %mul3A_219 : vector<16xi32>
      %shift_right_arithmetic3A_221 = arith.constant 7 : i32
      %shift_right_arithmetic3A_222 = vector.broadcast %shift_right_arithmetic3A_221 : i32 to vector<16xi32>
      %shift_right_arithmetic3A_223 = arith.shrsi %get3A_211, %shift_right_arithmetic3A_222 : vector<16xi32>
      %mul3A_224 = arith.constant 1024 : i32
      %mul3A_225 = vector.broadcast %mul3A_224 : i32 to vector<16xi32>
      %mul3A_226 = arith.muli %shift_right_arithmetic3A_223, %mul3A_225 : vector<16xi32>
      %add3A_227 = arith.addi %add3A_220, %mul3A_226 : vector<16xi32>
      %and3A = arith.constant 7 : i32
      %and3A_228 = vector.broadcast %and3A : i32 to vector<16xi32>
      %and3A_229 = arith.andi %get3A_207, %and3A_228 : vector<16xi32>
      %mul3A_230 = arith.constant 128 : i32
      %mul3A_231 = vector.broadcast %mul3A_230 : i32 to vector<16xi32>
      %mul3A_232 = arith.muli %and3A_229, %mul3A_231 : vector<16xi32>
      %add3A_233 = arith.addi %add3A_227, %mul3A_232 : vector<16xi32>
      %and3A_234 = arith.constant 127 : i32
      %and3A_235 = vector.broadcast %and3A_234 : i32 to vector<16xi32>
      %and3A_236 = arith.andi %get3A_211, %and3A_235 : vector<16xi32>
      %add3A_237 = arith.addi %add3A_233, %and3A_236 : vector<16xi32>
      %swap3A = arith.index_cast %mul3A_202 : i32 to index
      %swap3A_238 = tpu.vector_load %arg7[%swap3A] {strides = array<i32>} : memref<4096xi32, #tpu.memory_space<vmem>>, vector<16xi32>,
      tpu.vector_store %arg7[%swap3A], %add3A_237 {strides = array<i32>} : memref<4096xi32, #tpu.memory_space<vmem>>, vector<16xi32>,
      %mul3A_239 = arith.constant 512 : i32
      %mul3A_240 = arith.muli %scan3A_192, %mul3A_239 : i32
      %add3A_241 = arith.constant 16 : i32
      %add3A_242 = arith.addi %mul3A_240, %add3A_241 : i32
      %mul3A_243 = arith.constant 8 : i32
      %mul3A_244 = arith.muli %scan3A_192, %mul3A_243 : i32
      %add3A_245 = arith.constant 1 : i32
      %add3A_246 = arith.addi %mul3A_244, %add3A_245 : i32
      %mul3A_247 = arith.constant 16 : i32
      %mul3A_248 = arith.muli %add3A_246, %mul3A_247 : i32
      %get3A_249 = arith.index_cast %add3A_242 : i32 to index
      %get3A_250 = tpu.vector_load %arg5[%get3A_249] {strides = array<i32>} : memref<16384xi32, #tpu.memory_space<vmem>>, vector<16xi32>,
      %add3A_251 = arith.constant 128 : i32
      %add3A_252 = arith.addi %add3A_242, %add3A_251 : i32
      %get3A_253 = arith.index_cast %add3A_252 : i32 to index
      %get3A_254 = tpu.vector_load %arg5[%get3A_253] {strides = array<i32>} : memref<16384xi32, #tpu.memory_space<vmem>>, vector<16xi32>,
      %add3A_255 = arith.constant 256 : i32
      %add3A_256 = arith.addi %add3A_242, %add3A_255 : i32
      %get3A_257 = arith.index_cast %add3A_256 : i32 to index
      %get3A_258 = tpu.vector_load %arg5[%get3A_257] {strides = array<i32>} : memref<16384xi32, #tpu.memory_space<vmem>>, vector<16xi32>,
      %mul3A_259 = arith.constant 65536 : i32
      %mul3A_260 = vector.broadcast %mul3A_259 : i32 to vector<16xi32>
      %mul3A_261 = arith.muli %get3A_250, %mul3A_260 : vector<16xi32>
      %shift_right_arithmetic3A_262 = arith.constant 3 : i32
      %shift_right_arithmetic3A_263 = vector.broadcast %shift_right_arithmetic3A_262 : i32 to vector<16xi32>
      %shift_right_arithmetic3A_264 = arith.shrsi %get3A_254, %shift_right_arithmetic3A_263 : vector<16xi32>
      %mul3A_265 = arith.constant 2048 : i32
      %mul3A_266 = vector.broadcast %mul3A_265 : i32 to vector<16xi32>
      %mul3A_267 = arith.muli %shift_right_arithmetic3A_264, %mul3A_266 : vector<16xi32>
      %add3A_268 = arith.addi %mul3A_261, %mul3A_267 : vector<16xi32>
      %shift_right_arithmetic3A_269 = arith.constant 7 : i32
      %shift_right_arithmetic3A_270 = vector.broadcast %shift_right_arithmetic3A_269 : i32 to vector<16xi32>
      %shift_right_arithmetic3A_271 = arith.shrsi %get3A_258, %shift_right_arithmetic3A_270 : vector<16xi32>
      %mul3A_272 = arith.constant 1024 : i32
      %mul3A_273 = vector.broadcast %mul3A_272 : i32 to vector<16xi32>
      %mul3A_274 = arith.muli %shift_right_arithmetic3A_271, %mul3A_273 : vector<16xi32>
      %add3A_275 = arith.addi %add3A_268, %mul3A_274 : vector<16xi32>
      %and3A_276 = arith.constant 7 : i32
      %and3A_277 = vector.broadcast %and3A_276 : i32 to vector<16xi32>
      %and3A_278 = arith.andi %get3A_254, %and3A_277 : vector<16xi32>
      %mul3A_279 = arith.constant 128 : i32
      %mul3A_280 = vector.broadcast %mul3A_279 : i32 to vector<16xi32>
      %mul3A_281 = arith.muli %and3A_278, %mul3A_280 : vector<16xi32>
      %add3A_282 = arith.addi %add3A_275, %mul3A_281 : vector<16xi32>
      %and3A_283 = arith.constant 127 : i32
      %and3A_284 = vector.broadcast %and3A_283 : i32 to vector<16xi32>
      %and3A_285 = arith.andi %get3A_258, %and3A_284 : vector<16xi32>
      %add3A_286 = arith.addi %add3A_282, %and3A_285 : vector<16xi32>
      %swap3A_287 = arith.index_cast %mul3A_248 : i32 to index
      %swap3A_288 = tpu.vector_load %arg7[%swap3A_287] {strides = array<i32>} : memref<4096xi32, #tpu.memory_space<vmem>>, vector<16xi32>,
      tpu.vector_store %arg7[%swap3A_287], %add3A_286 {strides = array<i32>} : memref<4096xi32, #tpu.memory_space<vmem>>, vector<16xi32>,
      %mul3A_289 = arith.constant 512 : i32
      %mul3A_290 = arith.muli %scan3A_192, %mul3A_289 : i32
      %add3A_291 = arith.constant 32 : i32
      %add3A_292 = arith.addi %mul3A_290, %add3A_291 : i32
      %mul3A_293 = arith.constant 8 : i32
      %mul3A_294 = arith.muli %scan3A_192, %mul3A_293 : i32
      %add3A_295 = arith.constant 2 : i32
      %add3A_296 = arith.addi %mul3A_294, %add3A_295 : i32
      %mul3A_297 = arith.constant 16 : i32
      %mul3A_298 = arith.muli %add3A_296, %mul3A_297 : i32
      %get3A_299 = arith.index_cast %add3A_292 : i32 to index
      %get3A_300 = tpu.vector_load %arg5[%get3A_299] {strides = array<i32>} : memref<16384xi32, #tpu.memory_space<vmem>>, vector<16xi32>,
      %add3A_301 = arith.constant 128 : i32
      %add3A_302 = arith.addi %add3A_292, %add3A_301 : i32
      %get3A_303 = arith.index_cast %add3A_302 : i32 to index
      %get3A_304 = tpu.vector_load %arg5[%get3A_303] {strides = array<i32>} : memref<16384xi32, #tpu.memory_space<vmem>>, vector<16xi32>,
      %add3A_305 = arith.constant 256 : i32
      %add3A_306 = arith.addi %add3A_292, %add3A_305 : i32
      %get3A_307 = arith.index_cast %add3A_306 : i32 to index
      %get3A_308 = tpu.vector_load %arg5[%get3A_307] {strides = array<i32>} : memref<16384xi32, #tpu.memory_space<vmem>>, vector<16xi32>,
      %mul3A_309 = arith.constant 65536 : i32
      %mul3A_310 = vector.broadcast %mul3A_309 : i32 to vector<16xi32>
      %mul3A_311 = arith.muli %get3A_300, %mul3A_310 : vector<16xi32>
      %shift_right_arithmetic3A_312 = arith.constant 3 : i32
      %shift_right_arithmetic3A_313 = vector.broadcast %shift_right_arithmetic3A_312 : i32 to vector<16xi32>
      %shift_right_arithmetic3A_314 = arith.shrsi %get3A_304, %shift_right_arithmetic3A_313 : vector<16xi32>
      %mul3A_315 = arith.constant 2048 : i32
      %mul3A_316 = vector.broadcast %mul3A_315 : i32 to vector<16xi32>
      %mul3A_317 = arith.muli %shift_right_arithmetic3A_314, %mul3A_316 : vector<16xi32>
      %add3A_318 = arith.addi %mul3A_311, %mul3A_317 : vector<16xi32>
      %shift_right_arithmetic3A_319 = arith.constant 7 : i32
      %shift_right_arithmetic3A_320 = vector.broadcast %shift_right_arithmetic3A_319 : i32 to vector<16xi32>
      %shift_right_arithmetic3A_321 = arith.shrsi %get3A_308, %shift_right_arithmetic3A_320 : vector<16xi32>
      %mul3A_322 = arith.constant 1024 : i32
      %mul3A_323 = vector.broadcast %mul3A_322 : i32 to vector<16xi32>
      %mul3A_324 = arith.muli %shift_right_arithmetic3A_321, %mul3A_323 : vector<16xi32>
      %add3A_325 = arith.addi %add3A_318, %mul3A_324 : vector<16xi32>
      %and3A_326 = arith.constant 7 : i32
      %and3A_327 = vector.broadcast %and3A_326 : i32 to vector<16xi32>
      %and3A_328 = arith.andi %get3A_304, %and3A_327 : vector<16xi32>
      %mul3A_329 = arith.constant 128 : i32
      %mul3A_330 = vector.broadcast %mul3A_329 : i32 to vector<16xi32>
      %mul3A_331 = arith.muli %and3A_328, %mul3A_330 : vector<16xi32>
      %add3A_332 = arith.addi %add3A_325, %mul3A_331 : vector<16xi32>
      %and3A_333 = arith.constant 127 : i32
      %and3A_334 = vector.broadcast %and3A_333 : i32 to vector<16xi32>
      %and3A_335 = arith.andi %get3A_308, %and3A_334 : vector<16xi32>
      %add3A_336 = arith.addi %add3A_332, %and3A_335 : vector<16xi32>
      %swap3A_337 = arith.index_cast %mul3A_298 : i32 to index
      %swap3A_338 = tpu.vector_load %arg7[%swap3A_337] {strides = array<i32>} : memref<4096xi32, #tpu.memory_space<vmem>>, vector<16xi32>,
      tpu.vector_store %arg7[%swap3A_337], %add3A_336 {strides = array<i32>} : memref<4096xi32, #tpu.memory_space<vmem>>, vector<16xi32>,
      %mul3A_339 = arith.constant 512 : i32
      %mul3A_340 = arith.muli %scan3A_192, %mul3A_339 : i32
      %add3A_341 = arith.constant 48 : i32
      %add3A_342 = arith.addi %mul3A_340, %add3A_341 : i32
      %mul3A_343 = arith.constant 8 : i32
      %mul3A_344 = arith.muli %scan3A_192, %mul3A_343 : i32
      %add3A_345 = arith.constant 3 : i32
      %add3A_346 = arith.addi %mul3A_344, %add3A_345 : i32
      %mul3A_347 = arith.constant 16 : i32
      %mul3A_348 = arith.muli %add3A_346, %mul3A_347 : i32
      %get3A_349 = arith.index_cast %add3A_342 : i32 to index
      %get3A_350 = tpu.vector_load %arg5[%get3A_349] {strides = array<i32>} : memref<16384xi32, #tpu.memory_space<vmem>>, vector<16xi32>,
      %add3A_351 = arith.constant 128 : i32
      %add3A_352 = arith.addi %add3A_342, %add3A_351 : i32
      %get3A_353 = arith.index_cast %add3A_352 : i32 to index
      %get3A_354 = tpu.vector_load %arg5[%get3A_353] {strides = array<i32>} : memref<16384xi32, #tpu.memory_space<vmem>>, vector<16xi32>,
      %add3A_355 = arith.constant 256 : i32
      %add3A_356 = arith.addi %add3A_342, %add3A_355 : i32
      %get3A_357 = arith.index_cast %add3A_356 : i32 to index
      %get3A_358 = tpu.vector_load %arg5[%get3A_357] {strides = array<i32>} : memref<16384xi32, #tpu.memory_space<vmem>>, vector<16xi32>,
      %mul3A_359 = arith.constant 65536 : i32
      %mul3A_360 = vector.broadcast %mul3A_359 : i32 to vector<16xi32>
      %mul3A_361 = arith.muli %get3A_350, %mul3A_360 : vector<16xi32>
      %shift_right_arithmetic3A_362 = arith.constant 3 : i32
      %shift_right_arithmetic3A_363 = vector.broadcast %shift_right_arithmetic3A_362 : i32 to vector<16xi32>
      %shift_right_arithmetic3A_364 = arith.shrsi %get3A_354, %shift_right_arithmetic3A_363 : vector<16xi32>
      %mul3A_365 = arith.constant 2048 : i32
      %mul3A_366 = vector.broadcast %mul3A_365 : i32 to vector<16xi32>
      %mul3A_367 = arith.muli %shift_right_arithmetic3A_364, %mul3A_366 : vector<16xi32>
      %add3A_368 = arith.addi %mul3A_361, %mul3A_367 : vector<16xi32>
      %shift_right_arithmetic3A_369 = arith.constant 7 : i32
      %shift_right_arithmetic3A_370 = vector.broadcast %shift_right_arithmetic3A_369 : i32 to vector<16xi32>
      %shift_right_arithmetic3A_371 = arith.shrsi %get3A_358, %shift_right_arithmetic3A_370 : vector<16xi32>
      %mul3A_372 = arith.constant 1024 : i32
      %mul3A_373 = vector.broadcast %mul3A_372 : i32 to vector<16xi32>
      %mul3A_374 = arith.muli %shift_right_arithmetic3A_371, %mul3A_373 : vector<16xi32>
      %add3A_375 = arith.addi %add3A_368, %mul3A_374 : vector<16xi32>
      %and3A_376 = arith.constant 7 : i32
      %and3A_377 = vector.broadcast %and3A_376 : i32 to vector<16xi32>
      %and3A_378 = arith.andi %get3A_354, %and3A_377 : vector<16xi32>
      %mul3A_379 = arith.constant 128 : i32
      %mul3A_380 = vector.broadcast %mul3A_379 : i32 to vector<16xi32>
      %mul3A_381 = arith.muli %and3A_378, %mul3A_380 : vector<16xi32>
      %add3A_382 = arith.addi %add3A_375, %mul3A_381 : vector<16xi32>
      %and3A_383 = arith.constant 127 : i32
      %and3A_384 = vector.broadcast %and3A_383 : i32 to vector<16xi32>
      %and3A_385 = arith.andi %get3A_358, %and3A_384 : vector<16xi32>
      %add3A_386 = arith.addi %add3A_382, %and3A_385 : vector<16xi32>
      %swap3A_387 = arith.index_cast %mul3A_348 : i32 to index
      %swap3A_388 = tpu.vector_load %arg7[%swap3A_387] {strides = array<i32>} : memref<4096xi32, #tpu.memory_space<vmem>>, vector<16xi32>,
      tpu.vector_store %arg7[%swap3A_387], %add3A_386 {strides = array<i32>} : memref<4096xi32, #tpu.memory_space<vmem>>, vector<16xi32>,
      %mul3A_389 = arith.constant 512 : i32
      %mul3A_390 = arith.muli %scan3A_192, %mul3A_389 : i32
      %add3A_391 = arith.constant 64 : i32
      %add3A_392 = arith.addi %mul3A_390, %add3A_391 : i32
      %mul3A_393 = arith.constant 8 : i32
      %mul3A_394 = arith.muli %scan3A_192, %mul3A_393 : i32
      %add3A_395 = arith.constant 4 : i32
      %add3A_396 = arith.addi %mul3A_394, %add3A_395 : i32
      %mul3A_397 = arith.constant 16 : i32
      %mul3A_398 = arith.muli %add3A_396, %mul3A_397 : i32
      %get3A_399 = arith.index_cast %add3A_392 : i32 to index
      %get3A_400 = tpu.vector_load %arg5[%get3A_399] {strides = array<i32>} : memref<16384xi32, #tpu.memory_space<vmem>>, vector<16xi32>,
      %add3A_401 = arith.constant 128 : i32
      %add3A_402 = arith.addi %add3A_392, %add3A_401 : i32
      %get3A_403 = arith.index_cast %add3A_402 : i32 to index
      %get3A_404 = tpu.vector_load %arg5[%get3A_403] {strides = array<i32>} : memref<16384xi32, #tpu.memory_space<vmem>>, vector<16xi32>,
      %add3A_405 = arith.constant 256 : i32
      %add3A_406 = arith.addi %add3A_392, %add3A_405 : i32
      %get3A_407 = arith.index_cast %add3A_406 : i32 to index
      %get3A_408 = tpu.vector_load %arg5[%get3A_407] {strides = array<i32>} : memref<16384xi32, #tpu.memory_space<vmem>>, vector<16xi32>,
      %mul3A_409 = arith.constant 65536 : i32
      %mul3A_410 = vector.broadcast %mul3A_409 : i32 to vector<16xi32>
      %mul3A_411 = arith.muli %get3A_400, %mul3A_410 : vector<16xi32>
      %shift_right_arithmetic3A_412 = arith.constant 3 : i32
      %shift_right_arithmetic3A_413 = vector.broadcast %shift_right_arithmetic3A_412 : i32 to vector<16xi32>
      %shift_right_arithmetic3A_414 = arith.shrsi %get3A_404, %shift_right_arithmetic3A_413 : vector<16xi32>
      %mul3A_415 = arith.constant 2048 : i32
      %mul3A_416 = vector.broadcast %mul3A_415 : i32 to vector<16xi32>
      %mul3A_417 = arith.muli %shift_right_arithmetic3A_414, %mul3A_416 : vector<16xi32>
      %add3A_418 = arith.addi %mul3A_411, %mul3A_417 : vector<16xi32>
      %shift_right_arithmetic3A_419 = arith.constant 7 : i32
      %shift_right_arithmetic3A_420 = vector.broadcast %shift_right_arithmetic3A_419 : i32 to vector<16xi32>
      %shift_right_arithmetic3A_421 = arith.shrsi %get3A_408, %shift_right_arithmetic3A_420 : vector<16xi32>
      %mul3A_422 = arith.constant 1024 : i32
      %mul3A_423 = vector.broadcast %mul3A_422 : i32 to vector<16xi32>
      %mul3A_424 = arith.muli %shift_right_arithmetic3A_421, %mul3A_423 : vector<16xi32>
      %add3A_425 = arith.addi %add3A_418, %mul3A_424 : vector<16xi32>
      %and3A_426 = arith.constant 7 : i32
      %and3A_427 = vector.broadcast %and3A_426 : i32 to vector<16xi32>
      %and3A_428 = arith.andi %get3A_404, %and3A_427 : vector<16xi32>
      %mul3A_429 = arith.constant 128 : i32
      %mul3A_430 = vector.broadcast %mul3A_429 : i32 to vector<16xi32>
      %mul3A_431 = arith.muli %and3A_428, %mul3A_430 : vector<16xi32>
      %add3A_432 = arith.addi %add3A_425, %mul3A_431 : vector<16xi32>
      %and3A_433 = arith.constant 127 : i32
      %and3A_434 = vector.broadcast %and3A_433 : i32 to vector<16xi32>
      %and3A_435 = arith.andi %get3A_408, %and3A_434 : vector<16xi32>
      %add3A_436 = arith.addi %add3A_432, %and3A_435 : vector<16xi32>
      %swap3A_437 = arith.index_cast %mul3A_398 : i32 to index
      %swap3A_438 = tpu.vector_load %arg7[%swap3A_437] {strides = array<i32>} : memref<4096xi32, #tpu.memory_space<vmem>>, vector<16xi32>,
      tpu.vector_store %arg7[%swap3A_437], %add3A_436 {strides = array<i32>} : memref<4096xi32, #tpu.memory_space<vmem>>, vector<16xi32>,
      %mul3A_439 = arith.constant 512 : i32
      %mul3A_440 = arith.muli %scan3A_192, %mul3A_439 : i32
      %add3A_441 = arith.constant 80 : i32
      %add3A_442 = arith.addi %mul3A_440, %add3A_441 : i32
      %mul3A_443 = arith.constant 8 : i32
      %mul3A_444 = arith.muli %scan3A_192, %mul3A_443 : i32
      %add3A_445 = arith.constant 5 : i32
      %add3A_446 = arith.addi %mul3A_444, %add3A_445 : i32
      %mul3A_447 = arith.constant 16 : i32
      %mul3A_448 = arith.muli %add3A_446, %mul3A_447 : i32
      %get3A_449 = arith.index_cast %add3A_442 : i32 to index
      %get3A_450 = tpu.vector_load %arg5[%get3A_449] {strides = array<i32>} : memref<16384xi32, #tpu.memory_space<vmem>>, vector<16xi32>,
      %add3A_451 = arith.constant 128 : i32
      %add3A_452 = arith.addi %add3A_442, %add3A_451 : i32
      %get3A_453 = arith.index_cast %add3A_452 : i32 to index
      %get3A_454 = tpu.vector_load %arg5[%get3A_453] {strides = array<i32>} : memref<16384xi32, #tpu.memory_space<vmem>>, vector<16xi32>,
      %add3A_455 = arith.constant 256 : i32
      %add3A_456 = arith.addi %add3A_442, %add3A_455 : i32
      %get3A_457 = arith.index_cast %add3A_456 : i32 to index
      %get3A_458 = tpu.vector_load %arg5[%get3A_457] {strides = array<i32>} : memref<16384xi32, #tpu.memory_space<vmem>>, vector<16xi32>,
      %mul3A_459 = arith.constant 65536 : i32
      %mul3A_460 = vector.broadcast %mul3A_459 : i32 to vector<16xi32>
      %mul3A_461 = arith.muli %get3A_450, %mul3A_460 : vector<16xi32>
      %shift_right_arithmetic3A_462 = arith.constant 3 : i32
      %shift_right_arithmetic3A_463 = vector.broadcast %shift_right_arithmetic3A_462 : i32 to vector<16xi32>
      %shift_right_arithmetic3A_464 = arith.shrsi %get3A_454, %shift_right_arithmetic3A_463 : vector<16xi32>
      %mul3A_465 = arith.constant 2048 : i32
      %mul3A_466 = vector.broadcast %mul3A_465 : i32 to vector<16xi32>
      %mul3A_467 = arith.muli %shift_right_arithmetic3A_464, %mul3A_466 : vector<16xi32>
      %add3A_468 = arith.addi %mul3A_461, %mul3A_467 : vector<16xi32>
      %shift_right_arithmetic3A_469 = arith.constant 7 : i32
      %shift_right_arithmetic3A_470 = vector.broadcast %shift_right_arithmetic3A_469 : i32 to vector<16xi32>
      %shift_right_arithmetic3A_471 = arith.shrsi %get3A_458, %shift_right_arithmetic3A_470 : vector<16xi32>
      %mul3A_472 = arith.constant 1024 : i32
      %mul3A_473 = vector.broadcast %mul3A_472 : i32 to vector<16xi32>
      %mul3A_474 = arith.muli %shift_right_arithmetic3A_471, %mul3A_473 : vector<16xi32>
      %add3A_475 = arith.addi %add3A_468, %mul3A_474 : vector<16xi32>
      %and3A_476 = arith.constant 7 : i32
      %and3A_477 = vector.broadcast %and3A_476 : i32 to vector<16xi32>
      %and3A_478 = arith.andi %get3A_454, %and3A_477 : vector<16xi32>
      %mul3A_479 = arith.constant 128 : i32
      %mul3A_480 = vector.broadcast %mul3A_479 : i32 to vector<16xi32>
      %mul3A_481 = arith.muli %and3A_478, %mul3A_480 : vector<16xi32>
      %add3A_482 = arith.addi %add3A_475, %mul3A_481 : vector<16xi32>
      %and3A_483 = arith.constant 127 : i32
      %and3A_484 = vector.broadcast %and3A_483 : i32 to vector<16xi32>
      %and3A_485 = arith.andi %get3A_458, %and3A_484 : vector<16xi32>
      %add3A_486 = arith.addi %add3A_482, %and3A_485 : vector<16xi32>
      %swap3A_487 = arith.index_cast %mul3A_448 : i32 to index
      %swap3A_488 = tpu.vector_load %arg7[%swap3A_487] {strides = array<i32>} : memref<4096xi32, #tpu.memory_space<vmem>>, vector<16xi32>,
      tpu.vector_store %arg7[%swap3A_487], %add3A_486 {strides = array<i32>} : memref<4096xi32, #tpu.memory_space<vmem>>, vector<16xi32>,
      %mul3A_489 = arith.constant 512 : i32
      %mul3A_490 = arith.muli %scan3A_192, %mul3A_489 : i32
      %add3A_491 = arith.constant 96 : i32
      %add3A_492 = arith.addi %mul3A_490, %add3A_491 : i32
      %mul3A_493 = arith.constant 8 : i32
      %mul3A_494 = arith.muli %scan3A_192, %mul3A_493 : i32
      %add3A_495 = arith.constant 6 : i32
      %add3A_496 = arith.addi %mul3A_494, %add3A_495 : i32
      %mul3A_497 = arith.constant 16 : i32
      %mul3A_498 = arith.muli %add3A_496, %mul3A_497 : i32
      %get3A_499 = arith.index_cast %add3A_492 : i32 to index
      %get3A_500 = tpu.vector_load %arg5[%get3A_499] {strides = array<i32>} : memref<16384xi32, #tpu.memory_space<vmem>>, vector<16xi32>,
      %add3A_501 = arith.constant 128 : i32
      %add3A_502 = arith.addi %add3A_492, %add3A_501 : i32
      %get3A_503 = arith.index_cast %add3A_502 : i32 to index
      %get3A_504 = tpu.vector_load %arg5[%get3A_503] {strides = array<i32>} : memref<16384xi32, #tpu.memory_space<vmem>>, vector<16xi32>,
      %add3A_505 = arith.constant 256 : i32
      %add3A_506 = arith.addi %add3A_492, %add3A_505 : i32
      %get3A_507 = arith.index_cast %add3A_506 : i32 to index
      %get3A_508 = tpu.vector_load %arg5[%get3A_507] {strides = array<i32>} : memref<16384xi32, #tpu.memory_space<vmem>>, vector<16xi32>,
      %mul3A_509 = arith.constant 65536 : i32
      %mul3A_510 = vector.broadcast %mul3A_509 : i32 to vector<16xi32>
      %mul3A_511 = arith.muli %get3A_500, %mul3A_510 : vector<16xi32>
      %shift_right_arithmetic3A_512 = arith.constant 3 : i32
      %shift_right_arithmetic3A_513 = vector.broadcast %shift_right_arithmetic3A_512 : i32 to vector<16xi32>
      %shift_right_arithmetic3A_514 = arith.shrsi %get3A_504, %shift_right_arithmetic3A_513 : vector<16xi32>
      %mul3A_515 = arith.constant 2048 : i32
      %mul3A_516 = vector.broadcast %mul3A_515 : i32 to vector<16xi32>
      %mul3A_517 = arith.muli %shift_right_arithmetic3A_514, %mul3A_516 : vector<16xi32>
      %add3A_518 = arith.addi %mul3A_511, %mul3A_517 : vector<16xi32>
      %shift_right_arithmetic3A_519 = arith.constant 7 : i32
      %shift_right_arithmetic3A_520 = vector.broadcast %shift_right_arithmetic3A_519 : i32 to vector<16xi32>
      %shift_right_arithmetic3A_521 = arith.shrsi %get3A_508, %shift_right_arithmetic3A_520 : vector<16xi32>
      %mul3A_522 = arith.constant 1024 : i32
      %mul3A_523 = vector.broadcast %mul3A_522 : i32 to vector<16xi32>
      %mul3A_524 = arith.muli %shift_right_arithmetic3A_521, %mul3A_523 : vector<16xi32>
      %add3A_525 = arith.addi %add3A_518, %mul3A_524 : vector<16xi32>
      %and3A_526 = arith.constant 7 : i32
      %and3A_527 = vector.broadcast %and3A_526 : i32 to vector<16xi32>
      %and3A_528 = arith.andi %get3A_504, %and3A_527 : vector<16xi32>
      %mul3A_529 = arith.constant 128 : i32
      %mul3A_530 = vector.broadcast %mul3A_529 : i32 to vector<16xi32>
      %mul3A_531 = arith.muli %and3A_528, %mul3A_530 : vector<16xi32>
      %add3A_532 = arith.addi %add3A_525, %mul3A_531 : vector<16xi32>
      %and3A_533 = arith.constant 127 : i32
      %and3A_534 = vector.broadcast %and3A_533 : i32 to vector<16xi32>
      %and3A_535 = arith.andi %get3A_508, %and3A_534 : vector<16xi32>
      %add3A_536 = arith.addi %add3A_532, %and3A_535 : vector<16xi32>
      %swap3A_537 = arith.index_cast %mul3A_498 : i32 to index
      %swap3A_538 = tpu.vector_load %arg7[%swap3A_537] {strides = array<i32>} : memref<4096xi32, #tpu.memory_space<vmem>>, vector<16xi32>,
      tpu.vector_store %arg7[%swap3A_537], %add3A_536 {strides = array<i32>} : memref<4096xi32, #tpu.memory_space<vmem>>, vector<16xi32>,
      %mul3A_539 = arith.constant 512 : i32
      %mul3A_540 = arith.muli %scan3A_192, %mul3A_539 : i32
      %add3A_541 = arith.constant 112 : i32
      %add3A_542 = arith.addi %mul3A_540, %add3A_541 : i32
      %mul3A_543 = arith.constant 8 : i32
      %mul3A_544 = arith.muli %scan3A_192, %mul3A_543 : i32
      %add3A_545 = arith.constant 7 : i32
      %add3A_546 = arith.addi %mul3A_544, %add3A_545 : i32
      %mul3A_547 = arith.constant 16 : i32
      %mul3A_548 = arith.muli %add3A_546, %mul3A_547 : i32
      %get3A_549 = arith.index_cast %add3A_542 : i32 to index
      %get3A_550 = tpu.vector_load %arg5[%get3A_549] {strides = array<i32>} : memref<16384xi32, #tpu.memory_space<vmem>>, vector<16xi32>,
      %add3A_551 = arith.constant 128 : i32
      %add3A_552 = arith.addi %add3A_542, %add3A_551 : i32
      %get3A_553 = arith.index_cast %add3A_552 : i32 to index
      %get3A_554 = tpu.vector_load %arg5[%get3A_553] {strides = array<i32>} : memref<16384xi32, #tpu.memory_space<vmem>>, vector<16xi32>,
      %add3A_555 = arith.constant 256 : i32
      %add3A_556 = arith.addi %add3A_542, %add3A_555 : i32
      %get3A_557 = arith.index_cast %add3A_556 : i32 to index
      %get3A_558 = tpu.vector_load %arg5[%get3A_557] {strides = array<i32>} : memref<16384xi32, #tpu.memory_space<vmem>>, vector<16xi32>,
      %mul3A_559 = arith.constant 65536 : i32
      %mul3A_560 = vector.broadcast %mul3A_559 : i32 to vector<16xi32>
      %mul3A_561 = arith.muli %get3A_550, %mul3A_560 : vector<16xi32>
      %shift_right_arithmetic3A_562 = arith.constant 3 : i32
      %shift_right_arithmetic3A_563 = vector.broadcast %shift_right_arithmetic3A_562 : i32 to vector<16xi32>
      %shift_right_arithmetic3A_564 = arith.shrsi %get3A_554, %shift_right_arithmetic3A_563 : vector<16xi32>
      %mul3A_565 = arith.constant 2048 : i32
      %mul3A_566 = vector.broadcast %mul3A_565 : i32 to vector<16xi32>
      %mul3A_567 = arith.muli %shift_right_arithmetic3A_564, %mul3A_566 : vector<16xi32>
      %add3A_568 = arith.addi %mul3A_561, %mul3A_567 : vector<16xi32>
      %shift_right_arithmetic3A_569 = arith.constant 7 : i32
      %shift_right_arithmetic3A_570 = vector.broadcast %shift_right_arithmetic3A_569 : i32 to vector<16xi32>
      %shift_right_arithmetic3A_571 = arith.shrsi %get3A_558, %shift_right_arithmetic3A_570 : vector<16xi32>
      %mul3A_572 = arith.constant 1024 : i32
      %mul3A_573 = vector.broadcast %mul3A_572 : i32 to vector<16xi32>
      %mul3A_574 = arith.muli %shift_right_arithmetic3A_571, %mul3A_573 : vector<16xi32>
      %add3A_575 = arith.addi %add3A_568, %mul3A_574 : vector<16xi32>
      %and3A_576 = arith.constant 7 : i32
      %and3A_577 = vector.broadcast %and3A_576 : i32 to vector<16xi32>
      %and3A_578 = arith.andi %get3A_554, %and3A_577 : vector<16xi32>
      %mul3A_579 = arith.constant 128 : i32
      %mul3A_580 = vector.broadcast %mul3A_579 : i32 to vector<16xi32>
      %mul3A_581 = arith.muli %and3A_578, %mul3A_580 : vector<16xi32>
      %add3A_582 = arith.addi %add3A_575, %mul3A_581 : vector<16xi32>
      %and3A_583 = arith.constant 127 : i32
      %and3A_584 = vector.broadcast %and3A_583 : i32 to vector<16xi32>
      %and3A_585 = arith.andi %get3A_558, %and3A_584 : vector<16xi32>
      %add3A_586 = arith.addi %add3A_582, %and3A_585 : vector<16xi32>
      %swap3A_587 = arith.index_cast %mul3A_548 : i32 to index
      %swap3A_588 = tpu.vector_load %arg7[%swap3A_587] {strides = array<i32>} : memref<4096xi32, #tpu.memory_space<vmem>>, vector<16xi32>,
      tpu.vector_store %arg7[%swap3A_587], %add3A_586 {strides = array<i32>} : memref<4096xi32, #tpu.memory_space<vmem>>, vector<16xi32>,
    }
    %scan3A_57 = arith.constant 32 : i32
    %dma_wait3A_58 = tpu.memref_slice %arg4[%add3A_41] : memref<1048576xf32, #tpu.memory_space<hbm>> -> memref<4096xf32, #tpu.memory_space<hbm>>
    %dma_wait3A_59 = tpu.memref_slice %arg4[%add3A_41] : memref<1048576xf32, #tpu.memory_space<hbm>> -> memref<4096xf32, #tpu.memory_space<hbm>>
    tpu.wait_dma2 semaphore(%arg15 : memref<!tpu.dma_semaphore, #tpu.memory_space<semaphore_mem>>) src(%arg9 : memref<4096xf32, #tpu.memory_space<vmem>>) dst(%dma_wait3A_59 : memref<4096xf32, #tpu.memory_space<hbm>>)
    %dma_start3A_60 = arith.constant 0 : i32
    %dma_start3A_61 = tpu.memref_slice %arg3[%dma_start3A_60] : memref<16777216xf32, #tpu.memory_space<hbm>> -> memref<16777216xf32, #tpu.memory_space<hbm>>
    tpu.enqueue_indirect_dma source(%dma_start3A_61 : memref<16777216xf32, #tpu.memory_space<hbm>>) target(%arg9 : memref<4096xf32, #tpu.memory_space<vmem>>) offsets(%arg7 : memref<4096xi32, #tpu.memory_space<vmem>>) semaphore(%arg13 : memref<!tpu.dma_semaphore, #tpu.memory_space<semaphore_mem>>)
    %dma_wait3A_62 = arith.constant 0 : i32
    %dma_wait3A_63 = tpu.memref_slice %arg3[%dma_wait3A_62] : memref<16777216xf32, #tpu.memory_space<hbm>> -> memref<16777216xf32, #tpu.memory_space<hbm>>
    tpu.wait_indirect_dma semaphore(%arg14 : memref<!tpu.dma_semaphore, #tpu.memory_space<semaphore_mem>>) src(%dma_wait3A_63 : memref<16777216xf32, #tpu.memory_space<hbm>>) dst(%arg10 : memref<4096xf32, #tpu.memory_space<vmem>>)
    %add3A_64 = arith.constant 4096 : i32
    %add3A_65 = arith.addi %mul3A_2, %add3A_64 : i32
    %dma_start3A_66 = tpu.memref_slice %arg4[%add3A_65] : memref<1048576xf32, #tpu.memory_space<hbm>> -> memref<4096xf32, #tpu.memory_space<hbm>>
    %dma_start3A_67 = tpu.memref_slice %arg4[%add3A_65] : memref<1048576xf32, #tpu.memory_space<hbm>> -> memref<4096xf32, #tpu.memory_space<hbm>>
    tpu.enqueue_dma source(%arg10 : memref<4096xf32, #tpu.memory_space<vmem>>) target(%dma_start3A_67 : memref<4096xf32, #tpu.memory_space<hbm>>) target_semaphore(%arg16 : memref<!tpu.dma_semaphore, #tpu.memory_space<semaphore_mem>>)
    %add3A_68 = arith.constant 16384 : i32
    %add3A_69 = arith.addi %mul3A_2, %add3A_68 : i32
    %mul3A_70 = arith.constant 4 : i32
    %mul3A_71 = arith.muli %mul3A_70, %add3A_69 : i32
    %dma_start3A_72 = tpu.memref_slice %arg2[%mul3A_71] : memref<4194304xi32, #tpu.memory_space<hbm>> -> memref<16384xi32, #tpu.memory_space<hbm>>
    %dma_start3A_73 = tpu.memref_slice %arg2[%mul3A_71] : memref<4194304xi32, #tpu.memory_space<hbm>> -> memref<16384xi32, #tpu.memory_space<hbm>>
    tpu.enqueue_dma source(%dma_start3A_73 : memref<16384xi32, #tpu.memory_space<hbm>>) target(%arg5 : memref<16384xi32, #tpu.memory_space<vmem>>) target_semaphore(%arg11 : memref<!tpu.dma_semaphore, #tpu.memory_space<semaphore_mem>>)
    %dma_wait3A_74 = tpu.memref_slice %arg2[%mul3A_47] : memref<4194304xi32, #tpu.memory_space<hbm>> -> memref<16384xi32, #tpu.memory_space<hbm>>
    %dma_wait3A_75 = tpu.memref_slice %arg2[%mul3A_47] : memref<4194304xi32, #tpu.memory_space<hbm>> -> memref<16384xi32, #tpu.memory_space<hbm>>
    tpu.wait_dma2 semaphore(%arg12 : memref<!tpu.dma_semaphore, #tpu.memory_space<semaphore_mem>>) src(%dma_wait3A_75 : memref<16384xi32, #tpu.memory_space<hbm>>) dst(%arg6 : memref<16384xi32, #tpu.memory_space<vmem>>)
    %scan3A_76 = arith.constant 0 : i32
    %scan3A_77 = arith.constant 0 : i32
    %scan3A_78 = arith.constant 32 : i32
    %scan3A_79 = arith.addi %scan3A_77, %scan3A_78 : i32
    %scan3A_80 = arith.constant 1 : i32
    scf.for %scan3A_192 = %scan3A_77 to %scan3A_79 step %scan3A_80  : i32 {
      %mul3A_193 = arith.constant 512 : i32
      %mul3A_194 = arith.muli %scan3A_192, %mul3A_193 : i32
      %add3A_195 = arith.constant 0 : i32
      %add3A_196 = arith.addi %mul3A_194, %add3A_195 : i32
      %mul3A_197 = arith.constant 8 : i32
      %mul3A_198 = arith.muli %scan3A_192, %mul3A_197 : i32
      %add3A_199 = arith.constant 0 : i32
      %add3A_200 = arith.addi %mul3A_198, %add3A_199 : i32
      %mul3A_201 = arith.constant 16 : i32
      %mul3A_202 = arith.muli %add3A_200, %mul3A_201 : i32
      %get3A = arith.index_cast %add3A_196 : i32 to index
      %get3A_203 = tpu.vector_load %arg6[%get3A] {strides = array<i32>} : memref<16384xi32, #tpu.memory_space<vmem>>, vector<16xi32>,
      %add3A_204 = arith.constant 128 : i32
      %add3A_205 = arith.addi %add3A_196, %add3A_204 : i32
      %get3A_206 = arith.index_cast %add3A_205 : i32 to index
      %get3A_207 = tpu.vector_load %arg6[%get3A_206] {strides = array<i32>} : memref<16384xi32, #tpu.memory_space<vmem>>, vector<16xi32>,
      %add3A_208 = arith.constant 256 : i32
      %add3A_209 = arith.addi %add3A_196, %add3A_208 : i32
      %get3A_210 = arith.index_cast %add3A_209 : i32 to index
      %get3A_211 = tpu.vector_load %arg6[%get3A_210] {strides = array<i32>} : memref<16384xi32, #tpu.memory_space<vmem>>, vector<16xi32>,
      %mul3A_212 = arith.constant 65536 : i32
      %mul3A_213 = vector.broadcast %mul3A_212 : i32 to vector<16xi32>
      %mul3A_214 = arith.muli %get3A_203, %mul3A_213 : vector<16xi32>
      %shift_right_arithmetic3A = arith.constant 3 : i32
      %shift_right_arithmetic3A_215 = vector.broadcast %shift_right_arithmetic3A : i32 to vector<16xi32>
      %shift_right_arithmetic3A_216 = arith.shrsi %get3A_207, %shift_right_arithmetic3A_215 : vector<16xi32>
      %mul3A_217 = arith.constant 2048 : i32
      %mul3A_218 = vector.broadcast %mul3A_217 : i32 to vector<16xi32>
      %mul3A_219 = arith.muli %shift_right_arithmetic3A_216, %mul3A_218 : vector<16xi32>
      %add3A_220 = arith.addi %mul3A_214, %mul3A_219 : vector<16xi32>
      %shift_right_arithmetic3A_221 = arith.constant 7 : i32
      %shift_right_arithmetic3A_222 = vector.broadcast %shift_right_arithmetic3A_221 : i32 to vector<16xi32>
      %shift_right_arithmetic3A_223 = arith.shrsi %get3A_211, %shift_right_arithmetic3A_222 : vector<16xi32>
      %mul3A_224 = arith.constant 1024 : i32
      %mul3A_225 = vector.broadcast %mul3A_224 : i32 to vector<16xi32>
      %mul3A_226 = arith.muli %shift_right_arithmetic3A_223, %mul3A_225 : vector<16xi32>
      %add3A_227 = arith.addi %add3A_220, %mul3A_226 : vector<16xi32>
      %and3A = arith.constant 7 : i32
      %and3A_228 = vector.broadcast %and3A : i32 to vector<16xi32>
      %and3A_229 = arith.andi %get3A_207, %and3A_228 : vector<16xi32>
      %mul3A_230 = arith.constant 128 : i32
      %mul3A_231 = vector.broadcast %mul3A_230 : i32 to vector<16xi32>
      %mul3A_232 = arith.muli %and3A_229, %mul3A_231 : vector<16xi32>
      %add3A_233 = arith.addi %add3A_227, %mul3A_232 : vector<16xi32>
      %and3A_234 = arith.constant 127 : i32
      %and3A_235 = vector.broadcast %and3A_234 : i32 to vector<16xi32>
      %and3A_236 = arith.andi %get3A_211, %and3A_235 : vector<16xi32>
      %add3A_237 = arith.addi %add3A_233, %and3A_236 : vector<16xi32>
      %swap3A = arith.index_cast %mul3A_202 : i32 to index
      %swap3A_238 = tpu.vector_load %arg8[%swap3A] {strides = array<i32>} : memref<4096xi32, #tpu.memory_space<vmem>>, vector<16xi32>,
      tpu.vector_store %arg8[%swap3A], %add3A_237 {strides = array<i32>} : memref<4096xi32, #tpu.memory_space<vmem>>, vector<16xi32>,
      %mul3A_239 = arith.constant 512 : i32
      %mul3A_240 = arith.muli %scan3A_192, %mul3A_239 : i32
      %add3A_241 = arith.constant 16 : i32
      %add3A_242 = arith.addi %mul3A_240, %add3A_241 : i32
      %mul3A_243 = arith.constant 8 : i32
      %mul3A_244 = arith.muli %scan3A_192, %mul3A_243 : i32
      %add3A_245 = arith.constant 1 : i32
      %add3A_246 = arith.addi %mul3A_244, %add3A_245 : i32
      %mul3A_247 = arith.constant 16 : i32
      %mul3A_248 = arith.muli %add3A_246, %mul3A_247 : i32
      %get3A_249 = arith.index_cast %add3A_242 : i32 to index
      %get3A_250 = tpu.vector_load %arg6[%get3A_249] {strides = array<i32>} : memref<16384xi32, #tpu.memory_space<vmem>>, vector<16xi32>,
      %add3A_251 = arith.constant 128 : i32
      %add3A_252 = arith.addi %add3A_242, %add3A_251 : i32
      %get3A_253 = arith.index_cast %add3A_252 : i32 to index
      %get3A_254 = tpu.vector_load %arg6[%get3A_253] {strides = array<i32>} : memref<16384xi32, #tpu.memory_space<vmem>>, vector<16xi32>,
      %add3A_255 = arith.constant 256 : i32
      %add3A_256 = arith.addi %add3A_242, %add3A_255 : i32
      %get3A_257 = arith.index_cast %add3A_256 : i32 to index
      %get3A_258 = tpu.vector_load %arg6[%get3A_257] {strides = array<i32>} : memref<16384xi32, #tpu.memory_space<vmem>>, vector<16xi32>,
      %mul3A_259 = arith.constant 65536 : i32
      %mul3A_260 = vector.broadcast %mul3A_259 : i32 to vector<16xi32>
      %mul3A_261 = arith.muli %get3A_250, %mul3A_260 : vector<16xi32>
      %shift_right_arithmetic3A_262 = arith.constant 3 : i32
      %shift_right_arithmetic3A_263 = vector.broadcast %shift_right_arithmetic3A_262 : i32 to vector<16xi32>
      %shift_right_arithmetic3A_264 = arith.shrsi %get3A_254, %shift_right_arithmetic3A_263 : vector<16xi32>
      %mul3A_265 = arith.constant 2048 : i32
      %mul3A_266 = vector.broadcast %mul3A_265 : i32 to vector<16xi32>
      %mul3A_267 = arith.muli %shift_right_arithmetic3A_264, %mul3A_266 : vector<16xi32>
      %add3A_268 = arith.addi %mul3A_261, %mul3A_267 : vector<16xi32>
      %shift_right_arithmetic3A_269 = arith.constant 7 : i32
      %shift_right_arithmetic3A_270 = vector.broadcast %shift_right_arithmetic3A_269 : i32 to vector<16xi32>
      %shift_right_arithmetic3A_271 = arith.shrsi %get3A_258, %shift_right_arithmetic3A_270 : vector<16xi32>
      %mul3A_272 = arith.constant 1024 : i32
      %mul3A_273 = vector.broadcast %mul3A_272 : i32 to vector<16xi32>
      %mul3A_274 = arith.muli %shift_right_arithmetic3A_271, %mul3A_273 : vector<16xi32>
      %add3A_275 = arith.addi %add3A_268, %mul3A_274 : vector<16xi32>
      %and3A_276 = arith.constant 7 : i32
      %and3A_277 = vector.broadcast %and3A_276 : i32 to vector<16xi32>
      %and3A_278 = arith.andi %get3A_254, %and3A_277 : vector<16xi32>
      %mul3A_279 = arith.constant 128 : i32
      %mul3A_280 = vector.broadcast %mul3A_279 : i32 to vector<16xi32>
      %mul3A_281 = arith.muli %and3A_278, %mul3A_280 : vector<16xi32>
      %add3A_282 = arith.addi %add3A_275, %mul3A_281 : vector<16xi32>
      %and3A_283 = arith.constant 127 : i32
      %and3A_284 = vector.broadcast %and3A_283 : i32 to vector<16xi32>
      %and3A_285 = arith.andi %get3A_258, %and3A_284 : vector<16xi32>
      %add3A_286 = arith.addi %add3A_282, %and3A_285 : vector<16xi32>
      %swap3A_287 = arith.index_cast %mul3A_248 : i32 to index
      %swap3A_288 = tpu.vector_load %arg8[%swap3A_287] {strides = array<i32>} : memref<4096xi32, #tpu.memory_space<vmem>>, vector<16xi32>,
      tpu.vector_store %arg8[%swap3A_287], %add3A_286 {strides = array<i32>} : memref<4096xi32, #tpu.memory_space<vmem>>, vector<16xi32>,
      %mul3A_289 = arith.constant 512 : i32
      %mul3A_290 = arith.muli %scan3A_192, %mul3A_289 : i32
      %add3A_291 = arith.constant 32 : i32
      %add3A_292 = arith.addi %mul3A_290, %add3A_291 : i32
      %mul3A_293 = arith.constant 8 : i32
      %mul3A_294 = arith.muli %scan3A_192, %mul3A_293 : i32
      %add3A_295 = arith.constant 2 : i32
      %add3A_296 = arith.addi %mul3A_294, %add3A_295 : i32
      %mul3A_297 = arith.constant 16 : i32
      %mul3A_298 = arith.muli %add3A_296, %mul3A_297 : i32
      %get3A_299 = arith.index_cast %add3A_292 : i32 to index
      %get3A_300 = tpu.vector_load %arg6[%get3A_299] {strides = array<i32>} : memref<16384xi32, #tpu.memory_space<vmem>>, vector<16xi32>,
      %add3A_301 = arith.constant 128 : i32
      %add3A_302 = arith.addi %add3A_292, %add3A_301 : i32
      %get3A_303 = arith.index_cast %add3A_302 : i32 to index
      %get3A_304 = tpu.vector_load %arg6[%get3A_303] {strides = array<i32>} : memref<16384xi32, #tpu.memory_space<vmem>>, vector<16xi32>,
      %add3A_305 = arith.constant 256 : i32
      %add3A_306 = arith.addi %add3A_292, %add3A_305 : i32
      %get3A_307 = arith.index_cast %add3A_306 : i32 to index
      %get3A_308 = tpu.vector_load %arg6[%get3A_307] {strides = array<i32>} : memref<16384xi32, #tpu.memory_space<vmem>>, vector<16xi32>,
      %mul3A_309 = arith.constant 65536 : i32
      %mul3A_310 = vector.broadcast %mul3A_309 : i32 to vector<16xi32>
      %mul3A_311 = arith.muli %get3A_300, %mul3A_310 : vector<16xi32>
      %shift_right_arithmetic3A_312 = arith.constant 3 : i32
      %shift_right_arithmetic3A_313 = vector.broadcast %shift_right_arithmetic3A_312 : i32 to vector<16xi32>
      %shift_right_arithmetic3A_314 = arith.shrsi %get3A_304, %shift_right_arithmetic3A_313 : vector<16xi32>
      %mul3A_315 = arith.constant 2048 : i32
      %mul3A_316 = vector.broadcast %mul3A_315 : i32 to vector<16xi32>
      %mul3A_317 = arith.muli %shift_right_arithmetic3A_314, %mul3A_316 : vector<16xi32>
      %add3A_318 = arith.addi %mul3A_311, %mul3A_317 : vector<16xi32>
      %shift_right_arithmetic3A_319 = arith.constant 7 : i32
      %shift_right_arithmetic3A_320 = vector.broadcast %shift_right_arithmetic3A_319 : i32 to vector<16xi32>
      %shift_right_arithmetic3A_321 = arith.shrsi %get3A_308, %shift_right_arithmetic3A_320 : vector<16xi32>
      %mul3A_322 = arith.constant 1024 : i32
      %mul3A_323 = vector.broadcast %mul3A_322 : i32 to vector<16xi32>
      %mul3A_324 = arith.muli %shift_right_arithmetic3A_321, %mul3A_323 : vector<16xi32>
      %add3A_325 = arith.addi %add3A_318, %mul3A_324 : vector<16xi32>
      %and3A_326 = arith.constant 7 : i32
      %and3A_327 = vector.broadcast %and3A_326 : i32 to vector<16xi32>
      %and3A_328 = arith.andi %get3A_304, %and3A_327 : vector<16xi32>
      %mul3A_329 = arith.constant 128 : i32
      %mul3A_330 = vector.broadcast %mul3A_329 : i32 to vector<16xi32>
      %mul3A_331 = arith.muli %and3A_328, %mul3A_330 : vector<16xi32>
      %add3A_332 = arith.addi %add3A_325, %mul3A_331 : vector<16xi32>
      %and3A_333 = arith.constant 127 : i32
      %and3A_334 = vector.broadcast %and3A_333 : i32 to vector<16xi32>
      %and3A_335 = arith.andi %get3A_308, %and3A_334 : vector<16xi32>
      %add3A_336 = arith.addi %add3A_332, %and3A_335 : vector<16xi32>
      %swap3A_337 = arith.index_cast %mul3A_298 : i32 to index
      %swap3A_338 = tpu.vector_load %arg8[%swap3A_337] {strides = array<i32>} : memref<4096xi32, #tpu.memory_space<vmem>>, vector<16xi32>,
      tpu.vector_store %arg8[%swap3A_337], %add3A_336 {strides = array<i32>} : memref<4096xi32, #tpu.memory_space<vmem>>, vector<16xi32>,
      %mul3A_339 = arith.constant 512 : i32
      %mul3A_340 = arith.muli %scan3A_192, %mul3A_339 : i32
      %add3A_341 = arith.constant 48 : i32
      %add3A_342 = arith.addi %mul3A_340, %add3A_341 : i32
      %mul3A_343 = arith.constant 8 : i32
      %mul3A_344 = arith.muli %scan3A_192, %mul3A_343 : i32
      %add3A_345 = arith.constant 3 : i32
      %add3A_346 = arith.addi %mul3A_344, %add3A_345 : i32
      %mul3A_347 = arith.constant 16 : i32
      %mul3A_348 = arith.muli %add3A_346, %mul3A_347 : i32
      %get3A_349 = arith.index_cast %add3A_342 : i32 to index
      %get3A_350 = tpu.vector_load %arg6[%get3A_349] {strides = array<i32>} : memref<16384xi32, #tpu.memory_space<vmem>>, vector<16xi32>,
      %add3A_351 = arith.constant 128 : i32
      %add3A_352 = arith.addi %add3A_342, %add3A_351 : i32
      %get3A_353 = arith.index_cast %add3A_352 : i32 to index
      %get3A_354 = tpu.vector_load %arg6[%get3A_353] {strides = array<i32>} : memref<16384xi32, #tpu.memory_space<vmem>>, vector<16xi32>,
      %add3A_355 = arith.constant 256 : i32
      %add3A_356 = arith.addi %add3A_342, %add3A_355 : i32
      %get3A_357 = arith.index_cast %add3A_356 : i32 to index
      %get3A_358 = tpu.vector_load %arg6[%get3A_357] {strides = array<i32>} : memref<16384xi32, #tpu.memory_space<vmem>>, vector<16xi32>,
      %mul3A_359 = arith.constant 65536 : i32
      %mul3A_360 = vector.broadcast %mul3A_359 : i32 to vector<16xi32>
      %mul3A_361 = arith.muli %get3A_350, %mul3A_360 : vector<16xi32>
      %shift_right_arithmetic3A_362 = arith.constant 3 : i32
      %shift_right_arithmetic3A_363 = vector.broadcast %shift_right_arithmetic3A_362 : i32 to vector<16xi32>
      %shift_right_arithmetic3A_364 = arith.shrsi %get3A_354, %shift_right_arithmetic3A_363 : vector<16xi32>
      %mul3A_365 = arith.constant 2048 : i32
      %mul3A_366 = vector.broadcast %mul3A_365 : i32 to vector<16xi32>
      %mul3A_367 = arith.muli %shift_right_arithmetic3A_364, %mul3A_366 : vector<16xi32>
      %add3A_368 = arith.addi %mul3A_361, %mul3A_367 : vector<16xi32>
      %shift_right_arithmetic3A_369 = arith.constant 7 : i32
      %shift_right_arithmetic3A_370 = vector.broadcast %shift_right_arithmetic3A_369 : i32 to vector<16xi32>
      %shift_right_arithmetic3A_371 = arith.shrsi %get3A_358, %shift_right_arithmetic3A_370 : vector<16xi32>
      %mul3A_372 = arith.constant 1024 : i32
      %mul3A_373 = vector.broadcast %mul3A_372 : i32 to vector<16xi32>
      %mul3A_374 = arith.muli %shift_right_arithmetic3A_371, %mul3A_373 : vector<16xi32>
      %add3A_375 = arith.addi %add3A_368, %mul3A_374 : vector<16xi32>
      %and3A_376 = arith.constant 7 : i32
      %and3A_377 = vector.broadcast %and3A_376 : i32 to vector<16xi32>
      %and3A_378 = arith.andi %get3A_354, %and3A_377 : vector<16xi32>
      %mul3A_379 = arith.constant 128 : i32
      %mul3A_380 = vector.broadcast %mul3A_379 : i32 to vector<16xi32>
      %mul3A_381 = arith.muli %and3A_378, %mul3A_380 : vector<16xi32>
      %add3A_382 = arith.addi %add3A_375, %mul3A_381 : vector<16xi32>
      %and3A_383 = arith.constant 127 : i32
      %and3A_384 = vector.broadcast %and3A_383 : i32 to vector<16xi32>
      %and3A_385 = arith.andi %get3A_358, %and3A_384 : vector<16xi32>
      %add3A_386 = arith.addi %add3A_382, %and3A_385 : vector<16xi32>
      %swap3A_387 = arith.index_cast %mul3A_348 : i32 to index
      %swap3A_388 = tpu.vector_load %arg8[%swap3A_387] {strides = array<i32>} : memref<4096xi32, #tpu.memory_space<vmem>>, vector<16xi32>,
      tpu.vector_store %arg8[%swap3A_387], %add3A_386 {strides = array<i32>} : memref<4096xi32, #tpu.memory_space<vmem>>, vector<16xi32>,
      %mul3A_389 = arith.constant 512 : i32
      %mul3A_390 = arith.muli %scan3A_192, %mul3A_389 : i32
      %add3A_391 = arith.constant 64 : i32
      %add3A_392 = arith.addi %mul3A_390, %add3A_391 : i32
      %mul3A_393 = arith.constant 8 : i32
      %mul3A_394 = arith.muli %scan3A_192, %mul3A_393 : i32
      %add3A_395 = arith.constant 4 : i32
      %add3A_396 = arith.addi %mul3A_394, %add3A_395 : i32
      %mul3A_397 = arith.constant 16 : i32
      %mul3A_398 = arith.muli %add3A_396, %mul3A_397 : i32
      %get3A_399 = arith.index_cast %add3A_392 : i32 to index
      %get3A_400 = tpu.vector_load %arg6[%get3A_399] {strides = array<i32>} : memref<16384xi32, #tpu.memory_space<vmem>>, vector<16xi32>,
      %add3A_401 = arith.constant 128 : i32
      %add3A_402 = arith.addi %add3A_392, %add3A_401 : i32
      %get3A_403 = arith.index_cast %add3A_402 : i32 to index
      %get3A_404 = tpu.vector_load %arg6[%get3A_403] {strides = array<i32>} : memref<16384xi32, #tpu.memory_space<vmem>>, vector<16xi32>,
      %add3A_405 = arith.constant 256 : i32
      %add3A_406 = arith.addi %add3A_392, %add3A_405 : i32
      %get3A_407 = arith.index_cast %add3A_406 : i32 to index
      %get3A_408 = tpu.vector_load %arg6[%get3A_407] {strides = array<i32>} : memref<16384xi32, #tpu.memory_space<vmem>>, vector<16xi32>,
      %mul3A_409 = arith.constant 65536 : i32
      %mul3A_410 = vector.broadcast %mul3A_409 : i32 to vector<16xi32>
      %mul3A_411 = arith.muli %get3A_400, %mul3A_410 : vector<16xi32>
      %shift_right_arithmetic3A_412 = arith.constant 3 : i32
      %shift_right_arithmetic3A_413 = vector.broadcast %shift_right_arithmetic3A_412 : i32 to vector<16xi32>
      %shift_right_arithmetic3A_414 = arith.shrsi %get3A_404, %shift_right_arithmetic3A_413 : vector<16xi32>
      %mul3A_415 = arith.constant 2048 : i32
      %mul3A_416 = vector.broadcast %mul3A_415 : i32 to vector<16xi32>
      %mul3A_417 = arith.muli %shift_right_arithmetic3A_414, %mul3A_416 : vector<16xi32>
      %add3A_418 = arith.addi %mul3A_411, %mul3A_417 : vector<16xi32>
      %shift_right_arithmetic3A_419 = arith.constant 7 : i32
      %shift_right_arithmetic3A_420 = vector.broadcast %shift_right_arithmetic3A_419 : i32 to vector<16xi32>
      %shift_right_arithmetic3A_421 = arith.shrsi %get3A_408, %shift_right_arithmetic3A_420 : vector<16xi32>
      %mul3A_422 = arith.constant 1024 : i32
      %mul3A_423 = vector.broadcast %mul3A_422 : i32 to vector<16xi32>
      %mul3A_424 = arith.muli %shift_right_arithmetic3A_421, %mul3A_423 : vector<16xi32>
      %add3A_425 = arith.addi %add3A_418, %mul3A_424 : vector<16xi32>
      %and3A_426 = arith.constant 7 : i32
      %and3A_427 = vector.broadcast %and3A_426 : i32 to vector<16xi32>
      %and3A_428 = arith.andi %get3A_404, %and3A_427 : vector<16xi32>
      %mul3A_429 = arith.constant 128 : i32
      %mul3A_430 = vector.broadcast %mul3A_429 : i32 to vector<16xi32>
      %mul3A_431 = arith.muli %and3A_428, %mul3A_430 : vector<16xi32>
      %add3A_432 = arith.addi %add3A_425, %mul3A_431 : vector<16xi32>
      %and3A_433 = arith.constant 127 : i32
      %and3A_434 = vector.broadcast %and3A_433 : i32 to vector<16xi32>
      %and3A_435 = arith.andi %get3A_408, %and3A_434 : vector<16xi32>
      %add3A_436 = arith.addi %add3A_432, %and3A_435 : vector<16xi32>
      %swap3A_437 = arith.index_cast %mul3A_398 : i32 to index
      %swap3A_438 = tpu.vector_load %arg8[%swap3A_437] {strides = array<i32>} : memref<4096xi32, #tpu.memory_space<vmem>>, vector<16xi32>,
      tpu.vector_store %arg8[%swap3A_437], %add3A_436 {strides = array<i32>} : memref<4096xi32, #tpu.memory_space<vmem>>, vector<16xi32>,
      %mul3A_439 = arith.constant 512 : i32
      %mul3A_440 = arith.muli %scan3A_192, %mul3A_439 : i32
      %add3A_441 = arith.constant 80 : i32
      %add3A_442 = arith.addi %mul3A_440, %add3A_441 : i32
      %mul3A_443 = arith.constant 8 : i32
      %mul3A_444 = arith.muli %scan3A_192, %mul3A_443 : i32
      %add3A_445 = arith.constant 5 : i32
      %add3A_446 = arith.addi %mul3A_444, %add3A_445 : i32
      %mul3A_447 = arith.constant 16 : i32
      %mul3A_448 = arith.muli %add3A_446, %mul3A_447 : i32
      %get3A_449 = arith.index_cast %add3A_442 : i32 to index
      %get3A_450 = tpu.vector_load %arg6[%get3A_449] {strides = array<i32>} : memref<16384xi32, #tpu.memory_space<vmem>>, vector<16xi32>,
      %add3A_451 = arith.constant 128 : i32
      %add3A_452 = arith.addi %add3A_442, %add3A_451 : i32
      %get3A_453 = arith.index_cast %add3A_452 : i32 to index
      %get3A_454 = tpu.vector_load %arg6[%get3A_453] {strides = array<i32>} : memref<16384xi32, #tpu.memory_space<vmem>>, vector<16xi32>,
      %add3A_455 = arith.constant 256 : i32
      %add3A_456 = arith.addi %add3A_442, %add3A_455 : i32
      %get3A_457 = arith.index_cast %add3A_456 : i32 to index
      %get3A_458 = tpu.vector_load %arg6[%get3A_457] {strides = array<i32>} : memref<16384xi32, #tpu.memory_space<vmem>>, vector<16xi32>,
      %mul3A_459 = arith.constant 65536 : i32
      %mul3A_460 = vector.broadcast %mul3A_459 : i32 to vector<16xi32>
      %mul3A_461 = arith.muli %get3A_450, %mul3A_460 : vector<16xi32>
      %shift_right_arithmetic3A_462 = arith.constant 3 : i32
      %shift_right_arithmetic3A_463 = vector.broadcast %shift_right_arithmetic3A_462 : i32 to vector<16xi32>
      %shift_right_arithmetic3A_464 = arith.shrsi %get3A_454, %shift_right_arithmetic3A_463 : vector<16xi32>
      %mul3A_465 = arith.constant 2048 : i32
      %mul3A_466 = vector.broadcast %mul3A_465 : i32 to vector<16xi32>
      %mul3A_467 = arith.muli %shift_right_arithmetic3A_464, %mul3A_466 : vector<16xi32>
      %add3A_468 = arith.addi %mul3A_461, %mul3A_467 : vector<16xi32>
      %shift_right_arithmetic3A_469 = arith.constant 7 : i32
      %shift_right_arithmetic3A_470 = vector.broadcast %shift_right_arithmetic3A_469 : i32 to vector<16xi32>
      %shift_right_arithmetic3A_471 = arith.shrsi %get3A_458, %shift_right_arithmetic3A_470 : vector<16xi32>
      %mul3A_472 = arith.constant 1024 : i32
      %mul3A_473 = vector.broadcast %mul3A_472 : i32 to vector<16xi32>
      %mul3A_474 = arith.muli %shift_right_arithmetic3A_471, %mul3A_473 : vector<16xi32>
      %add3A_475 = arith.addi %add3A_468, %mul3A_474 : vector<16xi32>
      %and3A_476 = arith.constant 7 : i32
      %and3A_477 = vector.broadcast %and3A_476 : i32 to vector<16xi32>
      %and3A_478 = arith.andi %get3A_454, %and3A_477 : vector<16xi32>
      %mul3A_479 = arith.constant 128 : i32
      %mul3A_480 = vector.broadcast %mul3A_479 : i32 to vector<16xi32>
      %mul3A_481 = arith.muli %and3A_478, %mul3A_480 : vector<16xi32>
      %add3A_482 = arith.addi %add3A_475, %mul3A_481 : vector<16xi32>
      %and3A_483 = arith.constant 127 : i32
      %and3A_484 = vector.broadcast %and3A_483 : i32 to vector<16xi32>
      %and3A_485 = arith.andi %get3A_458, %and3A_484 : vector<16xi32>
      %add3A_486 = arith.addi %add3A_482, %and3A_485 : vector<16xi32>
      %swap3A_487 = arith.index_cast %mul3A_448 : i32 to index
      %swap3A_488 = tpu.vector_load %arg8[%swap3A_487] {strides = array<i32>} : memref<4096xi32, #tpu.memory_space<vmem>>, vector<16xi32>,
      tpu.vector_store %arg8[%swap3A_487], %add3A_486 {strides = array<i32>} : memref<4096xi32, #tpu.memory_space<vmem>>, vector<16xi32>,
      %mul3A_489 = arith.constant 512 : i32
      %mul3A_490 = arith.muli %scan3A_192, %mul3A_489 : i32
      %add3A_491 = arith.constant 96 : i32
      %add3A_492 = arith.addi %mul3A_490, %add3A_491 : i32
      %mul3A_493 = arith.constant 8 : i32
      %mul3A_494 = arith.muli %scan3A_192, %mul3A_493 : i32
      %add3A_495 = arith.constant 6 : i32
      %add3A_496 = arith.addi %mul3A_494, %add3A_495 : i32
      %mul3A_497 = arith.constant 16 : i32
      %mul3A_498 = arith.muli %add3A_496, %mul3A_497 : i32
      %get3A_499 = arith.index_cast %add3A_492 : i32 to index
      %get3A_500 = tpu.vector_load %arg6[%get3A_499] {strides = array<i32>} : memref<16384xi32, #tpu.memory_space<vmem>>, vector<16xi32>,
      %add3A_501 = arith.constant 128 : i32
      %add3A_502 = arith.addi %add3A_492, %add3A_501 : i32
      %get3A_503 = arith.index_cast %add3A_502 : i32 to index
      %get3A_504 = tpu.vector_load %arg6[%get3A_503] {strides = array<i32>} : memref<16384xi32, #tpu.memory_space<vmem>>, vector<16xi32>,
      %add3A_505 = arith.constant 256 : i32
      %add3A_506 = arith.addi %add3A_492, %add3A_505 : i32
      %get3A_507 = arith.index_cast %add3A_506 : i32 to index
      %get3A_508 = tpu.vector_load %arg6[%get3A_507] {strides = array<i32>} : memref<16384xi32, #tpu.memory_space<vmem>>, vector<16xi32>,
      %mul3A_509 = arith.constant 65536 : i32
      %mul3A_510 = vector.broadcast %mul3A_509 : i32 to vector<16xi32>
      %mul3A_511 = arith.muli %get3A_500, %mul3A_510 : vector<16xi32>
      %shift_right_arithmetic3A_512 = arith.constant 3 : i32
      %shift_right_arithmetic3A_513 = vector.broadcast %shift_right_arithmetic3A_512 : i32 to vector<16xi32>
      %shift_right_arithmetic3A_514 = arith.shrsi %get3A_504, %shift_right_arithmetic3A_513 : vector<16xi32>
      %mul3A_515 = arith.constant 2048 : i32
      %mul3A_516 = vector.broadcast %mul3A_515 : i32 to vector<16xi32>
      %mul3A_517 = arith.muli %shift_right_arithmetic3A_514, %mul3A_516 : vector<16xi32>
      %add3A_518 = arith.addi %mul3A_511, %mul3A_517 : vector<16xi32>
      %shift_right_arithmetic3A_519 = arith.constant 7 : i32
      %shift_right_arithmetic3A_520 = vector.broadcast %shift_right_arithmetic3A_519 : i32 to vector<16xi32>
      %shift_right_arithmetic3A_521 = arith.shrsi %get3A_508, %shift_right_arithmetic3A_520 : vector<16xi32>
      %mul3A_522 = arith.constant 1024 : i32
      %mul3A_523 = vector.broadcast %mul3A_522 : i32 to vector<16xi32>
      %mul3A_524 = arith.muli %shift_right_arithmetic3A_521, %mul3A_523 : vector<16xi32>
      %add3A_525 = arith.addi %add3A_518, %mul3A_524 : vector<16xi32>
      %and3A_526 = arith.constant 7 : i32
      %and3A_527 = vector.broadcast %and3A_526 : i32 to vector<16xi32>
      %and3A_528 = arith.andi %get3A_504, %and3A_527 : vector<16xi32>
      %mul3A_529 = arith.constant 128 : i32
      %mul3A_530 = vector.broadcast %mul3A_529 : i32 to vector<16xi32>
      %mul3A_531 = arith.muli %and3A_528, %mul3A_530 : vector<16xi32>
      %add3A_532 = arith.addi %add3A_525, %mul3A_531 : vector<16xi32>
      %and3A_533 = arith.constant 127 : i32
      %and3A_534 = vector.broadcast %and3A_533 : i32 to vector<16xi32>
      %and3A_535 = arith.andi %get3A_508, %and3A_534 : vector<16xi32>
      %add3A_536 = arith.addi %add3A_532, %and3A_535 : vector<16xi32>
      %swap3A_537 = arith.index_cast %mul3A_498 : i32 to index
      %swap3A_538 = tpu.vector_load %arg8[%swap3A_537] {strides = array<i32>} : memref<4096xi32, #tpu.memory_space<vmem>>, vector<16xi32>,
      tpu.vector_store %arg8[%swap3A_537], %add3A_536 {strides = array<i32>} : memref<4096xi32, #tpu.memory_space<vmem>>, vector<16xi32>,
      %mul3A_539 = arith.constant 512 : i32
      %mul3A_540 = arith.muli %scan3A_192, %mul3A_539 : i32
      %add3A_541 = arith.constant 112 : i32
      %add3A_542 = arith.addi %mul3A_540, %add3A_541 : i32
      %mul3A_543 = arith.constant 8 : i32
      %mul3A_544 = arith.muli %scan3A_192, %mul3A_543 : i32
      %add3A_545 = arith.constant 7 : i32
      %add3A_546 = arith.addi %mul3A_544, %add3A_545 : i32
      %mul3A_547 = arith.constant 16 : i32
      %mul3A_548 = arith.muli %add3A_546, %mul3A_547 : i32
      %get3A_549 = arith.index_cast %add3A_542 : i32 to index
      %get3A_550 = tpu.vector_load %arg6[%get3A_549] {strides = array<i32>} : memref<16384xi32, #tpu.memory_space<vmem>>, vector<16xi32>,
      %add3A_551 = arith.constant 128 : i32
      %add3A_552 = arith.addi %add3A_542, %add3A_551 : i32
      %get3A_553 = arith.index_cast %add3A_552 : i32 to index
      %get3A_554 = tpu.vector_load %arg6[%get3A_553] {strides = array<i32>} : memref<16384xi32, #tpu.memory_space<vmem>>, vector<16xi32>,
      %add3A_555 = arith.constant 256 : i32
      %add3A_556 = arith.addi %add3A_542, %add3A_555 : i32
      %get3A_557 = arith.index_cast %add3A_556 : i32 to index
      %get3A_558 = tpu.vector_load %arg6[%get3A_557] {strides = array<i32>} : memref<16384xi32, #tpu.memory_space<vmem>>, vector<16xi32>,
      %mul3A_559 = arith.constant 65536 : i32
      %mul3A_560 = vector.broadcast %mul3A_559 : i32 to vector<16xi32>
      %mul3A_561 = arith.muli %get3A_550, %mul3A_560 : vector<16xi32>
      %shift_right_arithmetic3A_562 = arith.constant 3 : i32
      %shift_right_arithmetic3A_563 = vector.broadcast %shift_right_arithmetic3A_562 : i32 to vector<16xi32>
      %shift_right_arithmetic3A_564 = arith.shrsi %get3A_554, %shift_right_arithmetic3A_563 : vector<16xi32>
      %mul3A_565 = arith.constant 2048 : i32
      %mul3A_566 = vector.broadcast %mul3A_565 : i32 to vector<16xi32>
      %mul3A_567 = arith.muli %shift_right_arithmetic3A_564, %mul3A_566 : vector<16xi32>
      %add3A_568 = arith.addi %mul3A_561, %mul3A_567 : vector<16xi32>
      %shift_right_arithmetic3A_569 = arith.constant 7 : i32
      %shift_right_arithmetic3A_570 = vector.broadcast %shift_right_arithmetic3A_569 : i32 to vector<16xi32>
      %shift_right_arithmetic3A_571 = arith.shrsi %get3A_558, %shift_right_arithmetic3A_570 : vector<16xi32>
      %mul3A_572 = arith.constant 1024 : i32
      %mul3A_573 = vector.broadcast %mul3A_572 : i32 to vector<16xi32>
      %mul3A_574 = arith.muli %shift_right_arithmetic3A_571, %mul3A_573 : vector<16xi32>
      %add3A_575 = arith.addi %add3A_568, %mul3A_574 : vector<16xi32>
      %and3A_576 = arith.constant 7 : i32
      %and3A_577 = vector.broadcast %and3A_576 : i32 to vector<16xi32>
      %and3A_578 = arith.andi %get3A_554, %and3A_577 : vector<16xi32>
      %mul3A_579 = arith.constant 128 : i32
      %mul3A_580 = vector.broadcast %mul3A_579 : i32 to vector<16xi32>
      %mul3A_581 = arith.muli %and3A_578, %mul3A_580 : vector<16xi32>
      %add3A_582 = arith.addi %add3A_575, %mul3A_581 : vector<16xi32>
      %and3A_583 = arith.constant 127 : i32
      %and3A_584 = vector.broadcast %and3A_583 : i32 to vector<16xi32>
      %and3A_585 = arith.andi %get3A_558, %and3A_584 : vector<16xi32>
      %add3A_586 = arith.addi %add3A_582, %and3A_585 : vector<16xi32>
      %swap3A_587 = arith.index_cast %mul3A_548 : i32 to index
      %swap3A_588 = tpu.vector_load %arg8[%swap3A_587] {strides = array<i32>} : memref<4096xi32, #tpu.memory_space<vmem>>, vector<16xi32>,
      tpu.vector_store %arg8[%swap3A_587], %add3A_586 {strides = array<i32>} : memref<4096xi32, #tpu.memory_space<vmem>>, vector<16xi32>,
    }
    %scan3A_81 = arith.constant 32 : i32
    %dma_wait3A_82 = tpu.memref_slice %arg4[%add3A_65] : memref<1048576xf32, #tpu.memory_space<hbm>> -> memref<4096xf32, #tpu.memory_space<hbm>>
    %dma_wait3A_83 = tpu.memref_slice %arg4[%add3A_65] : memref<1048576xf32, #tpu.memory_space<hbm>> -> memref<4096xf32, #tpu.memory_space<hbm>>
    tpu.wait_dma2 semaphore(%arg16 : memref<!tpu.dma_semaphore, #tpu.memory_space<semaphore_mem>>) src(%arg10 : memref<4096xf32, #tpu.memory_space<vmem>>) dst(%dma_wait3A_83 : memref<4096xf32, #tpu.memory_space<hbm>>)
    %dma_start3A_84 = arith.constant 0 : i32
    %dma_start3A_85 = tpu.memref_slice %arg3[%dma_start3A_84] : memref<16777216xf32, #tpu.memory_space<hbm>> -> memref<16777216xf32, #tpu.memory_space<hbm>>
    tpu.enqueue_indirect_dma source(%dma_start3A_85 : memref<16777216xf32, #tpu.memory_space<hbm>>) target(%arg10 : memref<4096xf32, #tpu.memory_space<vmem>>) offsets(%arg8 : memref<4096xi32, #tpu.memory_space<vmem>>) semaphore(%arg14 : memref<!tpu.dma_semaphore, #tpu.memory_space<semaphore_mem>>)
    %dma_wait3A_86 = arith.constant 0 : i32
    %dma_wait3A_87 = tpu.memref_slice %arg3[%dma_wait3A_86] : memref<16777216xf32, #tpu.memory_space<hbm>> -> memref<16777216xf32, #tpu.memory_space<hbm>>
    tpu.wait_indirect_dma semaphore(%arg13 : memref<!tpu.dma_semaphore, #tpu.memory_space<semaphore_mem>>) src(%dma_wait3A_87 : memref<16777216xf32, #tpu.memory_space<hbm>>) dst(%arg9 : memref<4096xf32, #tpu.memory_space<vmem>>)
    %add3A_88 = arith.constant 8192 : i32
    %add3A_89 = arith.addi %mul3A_2, %add3A_88 : i32
    %dma_start3A_90 = tpu.memref_slice %arg4[%add3A_89] : memref<1048576xf32, #tpu.memory_space<hbm>> -> memref<4096xf32, #tpu.memory_space<hbm>>
    %dma_start3A_91 = tpu.memref_slice %arg4[%add3A_89] : memref<1048576xf32, #tpu.memory_space<hbm>> -> memref<4096xf32, #tpu.memory_space<hbm>>
    tpu.enqueue_dma source(%arg9 : memref<4096xf32, #tpu.memory_space<vmem>>) target(%dma_start3A_91 : memref<4096xf32, #tpu.memory_space<hbm>>) target_semaphore(%arg15 : memref<!tpu.dma_semaphore, #tpu.memory_space<semaphore_mem>>)
    %add3A_92 = arith.constant 20480 : i32
    %add3A_93 = arith.addi %mul3A_2, %add3A_92 : i32
    %mul3A_94 = arith.constant 4 : i32
    %mul3A_95 = arith.muli %mul3A_94, %add3A_93 : i32
    %dma_start3A_96 = tpu.memref_slice %arg2[%mul3A_95] : memref<4194304xi32, #tpu.memory_space<hbm>> -> memref<16384xi32, #tpu.memory_space<hbm>>
    %dma_start3A_97 = tpu.memref_slice %arg2[%mul3A_95] : memref<4194304xi32, #tpu.memory_space<hbm>> -> memref<16384xi32, #tpu.memory_space<hbm>>
    tpu.enqueue_dma source(%dma_start3A_97 : memref<16384xi32, #tpu.memory_space<hbm>>) target(%arg6 : memref<16384xi32, #tpu.memory_space<vmem>>) target_semaphore(%arg12 : memref<!tpu.dma_semaphore, #tpu.memory_space<semaphore_mem>>)
    %dma_wait3A_98 = tpu.memref_slice %arg2[%mul3A_71] : memref<4194304xi32, #tpu.memory_space<hbm>> -> memref<16384xi32, #tpu.memory_space<hbm>>
    %dma_wait3A_99 = tpu.memref_slice %arg2[%mul3A_71] : memref<4194304xi32, #tpu.memory_space<hbm>> -> memref<16384xi32, #tpu.memory_space<hbm>>
    tpu.wait_dma2 semaphore(%arg11 : memref<!tpu.dma_semaphore, #tpu.memory_space<semaphore_mem>>) src(%dma_wait3A_99 : memref<16384xi32, #tpu.memory_space<hbm>>) dst(%arg5 : memref<16384xi32, #tpu.memory_space<vmem>>)
    %scan3A_100 = arith.constant 0 : i32
    %scan3A_101 = arith.constant 0 : i32
    %scan3A_102 = arith.constant 32 : i32
    %scan3A_103 = arith.addi %scan3A_101, %scan3A_102 : i32
    %scan3A_104 = arith.constant 1 : i32
    scf.for %scan3A_192 = %scan3A_101 to %scan3A_103 step %scan3A_104  : i32 {
      %mul3A_193 = arith.constant 512 : i32
      %mul3A_194 = arith.muli %scan3A_192, %mul3A_193 : i32
      %add3A_195 = arith.constant 0 : i32
      %add3A_196 = arith.addi %mul3A_194, %add3A_195 : i32
      %mul3A_197 = arith.constant 8 : i32
      %mul3A_198 = arith.muli %scan3A_192, %mul3A_197 : i32
      %add3A_199 = arith.constant 0 : i32
      %add3A_200 = arith.addi %mul3A_198, %add3A_199 : i32
      %mul3A_201 = arith.constant 16 : i32
      %mul3A_202 = arith.muli %add3A_200, %mul3A_201 : i32
      %get3A = arith.index_cast %add3A_196 : i32 to index
      %get3A_203 = tpu.vector_load %arg5[%get3A] {strides = array<i32>} : memref<16384xi32, #tpu.memory_space<vmem>>, vector<16xi32>,
      %add3A_204 = arith.constant 128 : i32
      %add3A_205 = arith.addi %add3A_196, %add3A_204 : i32
      %get3A_206 = arith.index_cast %add3A_205 : i32 to index
      %get3A_207 = tpu.vector_load %arg5[%get3A_206] {strides = array<i32>} : memref<16384xi32, #tpu.memory_space<vmem>>, vector<16xi32>,
      %add3A_208 = arith.constant 256 : i32
      %add3A_209 = arith.addi %add3A_196, %add3A_208 : i32
      %get3A_210 = arith.index_cast %add3A_209 : i32 to index
      %get3A_211 = tpu.vector_load %arg5[%get3A_210] {strides = array<i32>} : memref<16384xi32, #tpu.memory_space<vmem>>, vector<16xi32>,
      %mul3A_212 = arith.constant 65536 : i32
      %mul3A_213 = vector.broadcast %mul3A_212 : i32 to vector<16xi32>
      %mul3A_214 = arith.muli %get3A_203, %mul3A_213 : vector<16xi32>
      %shift_right_arithmetic3A = arith.constant 3 : i32
      %shift_right_arithmetic3A_215 = vector.broadcast %shift_right_arithmetic3A : i32 to vector<16xi32>
      %shift_right_arithmetic3A_216 = arith.shrsi %get3A_207, %shift_right_arithmetic3A_215 : vector<16xi32>
      %mul3A_217 = arith.constant 2048 : i32
      %mul3A_218 = vector.broadcast %mul3A_217 : i32 to vector<16xi32>
      %mul3A_219 = arith.muli %shift_right_arithmetic3A_216, %mul3A_218 : vector<16xi32>
      %add3A_220 = arith.addi %mul3A_214, %mul3A_219 : vector<16xi32>
      %shift_right_arithmetic3A_221 = arith.constant 7 : i32
      %shift_right_arithmetic3A_222 = vector.broadcast %shift_right_arithmetic3A_221 : i32 to vector<16xi32>
      %shift_right_arithmetic3A_223 = arith.shrsi %get3A_211, %shift_right_arithmetic3A_222 : vector<16xi32>
      %mul3A_224 = arith.constant 1024 : i32
      %mul3A_225 = vector.broadcast %mul3A_224 : i32 to vector<16xi32>
      %mul3A_226 = arith.muli %shift_right_arithmetic3A_223, %mul3A_225 : vector<16xi32>
      %add3A_227 = arith.addi %add3A_220, %mul3A_226 : vector<16xi32>
      %and3A = arith.constant 7 : i32
      %and3A_228 = vector.broadcast %and3A : i32 to vector<16xi32>
      %and3A_229 = arith.andi %get3A_207, %and3A_228 : vector<16xi32>
      %mul3A_230 = arith.constant 128 : i32
      %mul3A_231 = vector.broadcast %mul3A_230 : i32 to vector<16xi32>
      %mul3A_232 = arith.muli %and3A_229, %mul3A_231 : vector<16xi32>
      %add3A_233 = arith.addi %add3A_227, %mul3A_232 : vector<16xi32>
      %and3A_234 = arith.constant 127 : i32
      %and3A_235 = vector.broadcast %and3A_234 : i32 to vector<16xi32>
      %and3A_236 = arith.andi %get3A_211, %and3A_235 : vector<16xi32>
      %add3A_237 = arith.addi %add3A_233, %and3A_236 : vector<16xi32>
      %swap3A = arith.index_cast %mul3A_202 : i32 to index
      %swap3A_238 = tpu.vector_load %arg7[%swap3A] {strides = array<i32>} : memref<4096xi32, #tpu.memory_space<vmem>>, vector<16xi32>,
      tpu.vector_store %arg7[%swap3A], %add3A_237 {strides = array<i32>} : memref<4096xi32, #tpu.memory_space<vmem>>, vector<16xi32>,
      %mul3A_239 = arith.constant 512 : i32
      %mul3A_240 = arith.muli %scan3A_192, %mul3A_239 : i32
      %add3A_241 = arith.constant 16 : i32
      %add3A_242 = arith.addi %mul3A_240, %add3A_241 : i32
      %mul3A_243 = arith.constant 8 : i32
      %mul3A_244 = arith.muli %scan3A_192, %mul3A_243 : i32
      %add3A_245 = arith.constant 1 : i32
      %add3A_246 = arith.addi %mul3A_244, %add3A_245 : i32
      %mul3A_247 = arith.constant 16 : i32
      %mul3A_248 = arith.muli %add3A_246, %mul3A_247 : i32
      %get3A_249 = arith.index_cast %add3A_242 : i32 to index
      %get3A_250 = tpu.vector_load %arg5[%get3A_249] {strides = array<i32>} : memref<16384xi32, #tpu.memory_space<vmem>>, vector<16xi32>,
      %add3A_251 = arith.constant 128 : i32
      %add3A_252 = arith.addi %add3A_242, %add3A_251 : i32
      %get3A_253 = arith.index_cast %add3A_252 : i32 to index
      %get3A_254 = tpu.vector_load %arg5[%get3A_253] {strides = array<i32>} : memref<16384xi32, #tpu.memory_space<vmem>>, vector<16xi32>,
      %add3A_255 = arith.constant 256 : i32
      %add3A_256 = arith.addi %add3A_242, %add3A_255 : i32
      %get3A_257 = arith.index_cast %add3A_256 : i32 to index
      %get3A_258 = tpu.vector_load %arg5[%get3A_257] {strides = array<i32>} : memref<16384xi32, #tpu.memory_space<vmem>>, vector<16xi32>,
      %mul3A_259 = arith.constant 65536 : i32
      %mul3A_260 = vector.broadcast %mul3A_259 : i32 to vector<16xi32>
      %mul3A_261 = arith.muli %get3A_250, %mul3A_260 : vector<16xi32>
      %shift_right_arithmetic3A_262 = arith.constant 3 : i32
      %shift_right_arithmetic3A_263 = vector.broadcast %shift_right_arithmetic3A_262 : i32 to vector<16xi32>
      %shift_right_arithmetic3A_264 = arith.shrsi %get3A_254, %shift_right_arithmetic3A_263 : vector<16xi32>
      %mul3A_265 = arith.constant 2048 : i32
      %mul3A_266 = vector.broadcast %mul3A_265 : i32 to vector<16xi32>
      %mul3A_267 = arith.muli %shift_right_arithmetic3A_264, %mul3A_266 : vector<16xi32>
      %add3A_268 = arith.addi %mul3A_261, %mul3A_267 : vector<16xi32>
      %shift_right_arithmetic3A_269 = arith.constant 7 : i32
      %shift_right_arithmetic3A_270 = vector.broadcast %shift_right_arithmetic3A_269 : i32 to vector<16xi32>
      %shift_right_arithmetic3A_271 = arith.shrsi %get3A_258, %shift_right_arithmetic3A_270 : vector<16xi32>
      %mul3A_272 = arith.constant 1024 : i32
      %mul3A_273 = vector.broadcast %mul3A_272 : i32 to vector<16xi32>
      %mul3A_274 = arith.muli %shift_right_arithmetic3A_271, %mul3A_273 : vector<16xi32>
      %add3A_275 = arith.addi %add3A_268, %mul3A_274 : vector<16xi32>
      %and3A_276 = arith.constant 7 : i32
      %and3A_277 = vector.broadcast %and3A_276 : i32 to vector<16xi32>
      %and3A_278 = arith.andi %get3A_254, %and3A_277 : vector<16xi32>
      %mul3A_279 = arith.constant 128 : i32
      %mul3A_280 = vector.broadcast %mul3A_279 : i32 to vector<16xi32>
      %mul3A_281 = arith.muli %and3A_278, %mul3A_280 : vector<16xi32>
      %add3A_282 = arith.addi %add3A_275, %mul3A_281 : vector<16xi32>
      %and3A_283 = arith.constant 127 : i32
      %and3A_284 = vector.broadcast %and3A_283 : i32 to vector<16xi32>
      %and3A_285 = arith.andi %get3A_258, %and3A_284 : vector<16xi32>
      %add3A_286 = arith.addi %add3A_282, %and3A_285 : vector<16xi32>
      %swap3A_287 = arith.index_cast %mul3A_248 : i32 to index
      %swap3A_288 = tpu.vector_load %arg7[%swap3A_287] {strides = array<i32>} : memref<4096xi32, #tpu.memory_space<vmem>>, vector<16xi32>,
      tpu.vector_store %arg7[%swap3A_287], %add3A_286 {strides = array<i32>} : memref<4096xi32, #tpu.memory_space<vmem>>, vector<16xi32>,
      %mul3A_289 = arith.constant 512 : i32
      %mul3A_290 = arith.muli %scan3A_192, %mul3A_289 : i32
      %add3A_291 = arith.constant 32 : i32
      %add3A_292 = arith.addi %mul3A_290, %add3A_291 : i32
      %mul3A_293 = arith.constant 8 : i32
      %mul3A_294 = arith.muli %scan3A_192, %mul3A_293 : i32
      %add3A_295 = arith.constant 2 : i32
      %add3A_296 = arith.addi %mul3A_294, %add3A_295 : i32
      %mul3A_297 = arith.constant 16 : i32
      %mul3A_298 = arith.muli %add3A_296, %mul3A_297 : i32
      %get3A_299 = arith.index_cast %add3A_292 : i32 to index
      %get3A_300 = tpu.vector_load %arg5[%get3A_299] {strides = array<i32>} : memref<16384xi32, #tpu.memory_space<vmem>>, vector<16xi32>,
      %add3A_301 = arith.constant 128 : i32
      %add3A_302 = arith.addi %add3A_292, %add3A_301 : i32
      %get3A_303 = arith.index_cast %add3A_302 : i32 to index
      %get3A_304 = tpu.vector_load %arg5[%get3A_303] {strides = array<i32>} : memref<16384xi32, #tpu.memory_space<vmem>>, vector<16xi32>,
      %add3A_305 = arith.constant 256 : i32
      %add3A_306 = arith.addi %add3A_292, %add3A_305 : i32
      %get3A_307 = arith.index_cast %add3A_306 : i32 to index
      %get3A_308 = tpu.vector_load %arg5[%get3A_307] {strides = array<i32>} : memref<16384xi32, #tpu.memory_space<vmem>>, vector<16xi32>,
      %mul3A_309 = arith.constant 65536 : i32
      %mul3A_310 = vector.broadcast %mul3A_309 : i32 to vector<16xi32>
      %mul3A_311 = arith.muli %get3A_300, %mul3A_310 : vector<16xi32>
      %shift_right_arithmetic3A_312 = arith.constant 3 : i32
      %shift_right_arithmetic3A_313 = vector.broadcast %shift_right_arithmetic3A_312 : i32 to vector<16xi32>
      %shift_right_arithmetic3A_314 = arith.shrsi %get3A_304, %shift_right_arithmetic3A_313 : vector<16xi32>
      %mul3A_315 = arith.constant 2048 : i32
      %mul3A_316 = vector.broadcast %mul3A_315 : i32 to vector<16xi32>
      %mul3A_317 = arith.muli %shift_right_arithmetic3A_314, %mul3A_316 : vector<16xi32>
      %add3A_318 = arith.addi %mul3A_311, %mul3A_317 : vector<16xi32>
      %shift_right_arithmetic3A_319 = arith.constant 7 : i32
      %shift_right_arithmetic3A_320 = vector.broadcast %shift_right_arithmetic3A_319 : i32 to vector<16xi32>
      %shift_right_arithmetic3A_321 = arith.shrsi %get3A_308, %shift_right_arithmetic3A_320 : vector<16xi32>
      %mul3A_322 = arith.constant 1024 : i32
      %mul3A_323 = vector.broadcast %mul3A_322 : i32 to vector<16xi32>
      %mul3A_324 = arith.muli %shift_right_arithmetic3A_321, %mul3A_323 : vector<16xi32>
      %add3A_325 = arith.addi %add3A_318, %mul3A_324 : vector<16xi32>
      %and3A_326 = arith.constant 7 : i32
      %and3A_327 = vector.broadcast %and3A_326 : i32 to vector<16xi32>
      %and3A_328 = arith.andi %get3A_304, %and3A_327 : vector<16xi32>
      %mul3A_329 = arith.constant 128 : i32
      %mul3A_330 = vector.broadcast %mul3A_329 : i32 to vector<16xi32>
      %mul3A_331 = arith.muli %and3A_328, %mul3A_330 : vector<16xi32>
      %add3A_332 = arith.addi %add3A_325, %mul3A_331 : vector<16xi32>
      %and3A_333 = arith.constant 127 : i32
      %and3A_334 = vector.broadcast %and3A_333 : i32 to vector<16xi32>
      %and3A_335 = arith.andi %get3A_308, %and3A_334 : vector<16xi32>
      %add3A_336 = arith.addi %add3A_332, %and3A_335 : vector<16xi32>
      %swap3A_337 = arith.index_cast %mul3A_298 : i32 to index
      %swap3A_338 = tpu.vector_load %arg7[%swap3A_337] {strides = array<i32>} : memref<4096xi32, #tpu.memory_space<vmem>>, vector<16xi32>,
      tpu.vector_store %arg7[%swap3A_337], %add3A_336 {strides = array<i32>} : memref<4096xi32, #tpu.memory_space<vmem>>, vector<16xi32>,
      %mul3A_339 = arith.constant 512 : i32
      %mul3A_340 = arith.muli %scan3A_192, %mul3A_339 : i32
      %add3A_341 = arith.constant 48 : i32
      %add3A_342 = arith.addi %mul3A_340, %add3A_341 : i32
      %mul3A_343 = arith.constant 8 : i32
      %mul3A_344 = arith.muli %scan3A_192, %mul3A_343 : i32
      %add3A_345 = arith.constant 3 : i32
      %add3A_346 = arith.addi %mul3A_344, %add3A_345 : i32
      %mul3A_347 = arith.constant 16 : i32
      %mul3A_348 = arith.muli %add3A_346, %mul3A_347 : i32
      %get3A_349 = arith.index_cast %add3A_342 : i32 to index
      %get3A_350 = tpu.vector_load %arg5[%get3A_349] {strides = array<i32>} : memref<16384xi32, #tpu.memory_space<vmem>>, vector<16xi32>,
      %add3A_351 = arith.constant 128 : i32
      %add3A_352 = arith.addi %add3A_342, %add3A_351 : i32
      %get3A_353 = arith.index_cast %add3A_352 : i32 to index
      %get3A_354 = tpu.vector_load %arg5[%get3A_353] {strides = array<i32>} : memref<16384xi32, #tpu.memory_space<vmem>>, vector<16xi32>,
      %add3A_355 = arith.constant 256 : i32
      %add3A_356 = arith.addi %add3A_342, %add3A_355 : i32
      %get3A_357 = arith.index_cast %add3A_356 : i32 to index
      %get3A_358 = tpu.vector_load %arg5[%get3A_357] {strides = array<i32>} : memref<16384xi32, #tpu.memory_space<vmem>>, vector<16xi32>,
      %mul3A_359 = arith.constant 65536 : i32
      %mul3A_360 = vector.broadcast %mul3A_359 : i32 to vector<16xi32>
      %mul3A_361 = arith.muli %get3A_350, %mul3A_360 : vector<16xi32>
      %shift_right_arithmetic3A_362 = arith.constant 3 : i32
      %shift_right_arithmetic3A_363 = vector.broadcast %shift_right_arithmetic3A_362 : i32 to vector<16xi32>
      %shift_right_arithmetic3A_364 = arith.shrsi %get3A_354, %shift_right_arithmetic3A_363 : vector<16xi32>
      %mul3A_365 = arith.constant 2048 : i32
      %mul3A_366 = vector.broadcast %mul3A_365 : i32 to vector<16xi32>
      %mul3A_367 = arith.muli %shift_right_arithmetic3A_364, %mul3A_366 : vector<16xi32>
      %add3A_368 = arith.addi %mul3A_361, %mul3A_367 : vector<16xi32>
      %shift_right_arithmetic3A_369 = arith.constant 7 : i32
      %shift_right_arithmetic3A_370 = vector.broadcast %shift_right_arithmetic3A_369 : i32 to vector<16xi32>
      %shift_right_arithmetic3A_371 = arith.shrsi %get3A_358, %shift_right_arithmetic3A_370 : vector<16xi32>
      %mul3A_372 = arith.constant 1024 : i32
      %mul3A_373 = vector.broadcast %mul3A_372 : i32 to vector<16xi32>
      %mul3A_374 = arith.muli %shift_right_arithmetic3A_371, %mul3A_373 : vector<16xi32>
      %add3A_375 = arith.addi %add3A_368, %mul3A_374 : vector<16xi32>
      %and3A_376 = arith.constant 7 : i32
      %and3A_377 = vector.broadcast %and3A_376 : i32 to vector<16xi32>
      %and3A_378 = arith.andi %get3A_354, %and3A_377 : vector<16xi32>
      %mul3A_379 = arith.constant 128 : i32
      %mul3A_380 = vector.broadcast %mul3A_379 : i32 to vector<16xi32>
      %mul3A_381 = arith.muli %and3A_378, %mul3A_380 : vector<16xi32>
      %add3A_382 = arith.addi %add3A_375, %mul3A_381 : vector<16xi32>
      %and3A_383 = arith.constant 127 : i32
      %and3A_384 = vector.broadcast %and3A_383 : i32 to vector<16xi32>
      %and3A_385 = arith.andi %get3A_358, %and3A_384 : vector<16xi32>
      %add3A_386 = arith.addi %add3A_382, %and3A_385 : vector<16xi32>
      %swap3A_387 = arith.index_cast %mul3A_348 : i32 to index
      %swap3A_388 = tpu.vector_load %arg7[%swap3A_387] {strides = array<i32>} : memref<4096xi32, #tpu.memory_space<vmem>>, vector<16xi32>,
      tpu.vector_store %arg7[%swap3A_387], %add3A_386 {strides = array<i32>} : memref<4096xi32, #tpu.memory_space<vmem>>, vector<16xi32>,
      %mul3A_389 = arith.constant 512 : i32
      %mul3A_390 = arith.muli %scan3A_192, %mul3A_389 : i32
      %add3A_391 = arith.constant 64 : i32
      %add3A_392 = arith.addi %mul3A_390, %add3A_391 : i32
      %mul3A_393 = arith.constant 8 : i32
      %mul3A_394 = arith.muli %scan3A_192, %mul3A_393 : i32
      %add3A_395 = arith.constant 4 : i32
      %add3A_396 = arith.addi %mul3A_394, %add3A_395 : i32
      %mul3A_397 = arith.constant 16 : i32
      %mul3A_398 = arith.muli %add3A_396, %mul3A_397 : i32
      %get3A_399 = arith.index_cast %add3A_392 : i32 to index
      %get3A_400 = tpu.vector_load %arg5[%get3A_399] {strides = array<i32>} : memref<16384xi32, #tpu.memory_space<vmem>>, vector<16xi32>,
      %add3A_401 = arith.constant 128 : i32
      %add3A_402 = arith.addi %add3A_392, %add3A_401 : i32
      %get3A_403 = arith.index_cast %add3A_402 : i32 to index
      %get3A_404 = tpu.vector_load %arg5[%get3A_403] {strides = array<i32>} : memref<16384xi32, #tpu.memory_space<vmem>>, vector<16xi32>,
      %add3A_405 = arith.constant 256 : i32
      %add3A_406 = arith.addi %add3A_392, %add3A_405 : i32
      %get3A_407 = arith.index_cast %add3A_406 : i32 to index
      %get3A_408 = tpu.vector_load %arg5[%get3A_407] {strides = array<i32>} : memref<16384xi32, #tpu.memory_space<vmem>>, vector<16xi32>,
      %mul3A_409 = arith.constant 65536 : i32
      %mul3A_410 = vector.broadcast %mul3A_409 : i32 to vector<16xi32>
      %mul3A_411 = arith.muli %get3A_400, %mul3A_410 : vector<16xi32>
      %shift_right_arithmetic3A_412 = arith.constant 3 : i32
      %shift_right_arithmetic3A_413 = vector.broadcast %shift_right_arithmetic3A_412 : i32 to vector<16xi32>
      %shift_right_arithmetic3A_414 = arith.shrsi %get3A_404, %shift_right_arithmetic3A_413 : vector<16xi32>
      %mul3A_415 = arith.constant 2048 : i32
      %mul3A_416 = vector.broadcast %mul3A_415 : i32 to vector<16xi32>
      %mul3A_417 = arith.muli %shift_right_arithmetic3A_414, %mul3A_416 : vector<16xi32>
      %add3A_418 = arith.addi %mul3A_411, %mul3A_417 : vector<16xi32>
      %shift_right_arithmetic3A_419 = arith.constant 7 : i32
      %shift_right_arithmetic3A_420 = vector.broadcast %shift_right_arithmetic3A_419 : i32 to vector<16xi32>
      %shift_right_arithmetic3A_421 = arith.shrsi %get3A_408, %shift_right_arithmetic3A_420 : vector<16xi32>
      %mul3A_422 = arith.constant 1024 : i32
      %mul3A_423 = vector.broadcast %mul3A_422 : i32 to vector<16xi32>
      %mul3A_424 = arith.muli %shift_right_arithmetic3A_421, %mul3A_423 : vector<16xi32>
      %add3A_425 = arith.addi %add3A_418, %mul3A_424 : vector<16xi32>
      %and3A_426 = arith.constant 7 : i32
      %and3A_427 = vector.broadcast %and3A_426 : i32 to vector<16xi32>
      %and3A_428 = arith.andi %get3A_404, %and3A_427 : vector<16xi32>
      %mul3A_429 = arith.constant 128 : i32
      %mul3A_430 = vector.broadcast %mul3A_429 : i32 to vector<16xi32>
      %mul3A_431 = arith.muli %and3A_428, %mul3A_430 : vector<16xi32>
      %add3A_432 = arith.addi %add3A_425, %mul3A_431 : vector<16xi32>
      %and3A_433 = arith.constant 127 : i32
      %and3A_434 = vector.broadcast %and3A_433 : i32 to vector<16xi32>
      %and3A_435 = arith.andi %get3A_408, %and3A_434 : vector<16xi32>
      %add3A_436 = arith.addi %add3A_432, %and3A_435 : vector<16xi32>
      %swap3A_437 = arith.index_cast %mul3A_398 : i32 to index
      %swap3A_438 = tpu.vector_load %arg7[%swap3A_437] {strides = array<i32>} : memref<4096xi32, #tpu.memory_space<vmem>>, vector<16xi32>,
      tpu.vector_store %arg7[%swap3A_437], %add3A_436 {strides = array<i32>} : memref<4096xi32, #tpu.memory_space<vmem>>, vector<16xi32>,
      %mul3A_439 = arith.constant 512 : i32
      %mul3A_440 = arith.muli %scan3A_192, %mul3A_439 : i32
      %add3A_441 = arith.constant 80 : i32
      %add3A_442 = arith.addi %mul3A_440, %add3A_441 : i32
      %mul3A_443 = arith.constant 8 : i32
      %mul3A_444 = arith.muli %scan3A_192, %mul3A_443 : i32
      %add3A_445 = arith.constant 5 : i32
      %add3A_446 = arith.addi %mul3A_444, %add3A_445 : i32
      %mul3A_447 = arith.constant 16 : i32
      %mul3A_448 = arith.muli %add3A_446, %mul3A_447 : i32
      %get3A_449 = arith.index_cast %add3A_442 : i32 to index
      %get3A_450 = tpu.vector_load %arg5[%get3A_449] {strides = array<i32>} : memref<16384xi32, #tpu.memory_space<vmem>>, vector<16xi32>,
      %add3A_451 = arith.constant 128 : i32
      %add3A_452 = arith.addi %add3A_442, %add3A_451 : i32
      %get3A_453 = arith.index_cast %add3A_452 : i32 to index
      %get3A_454 = tpu.vector_load %arg5[%get3A_453] {strides = array<i32>} : memref<16384xi32, #tpu.memory_space<vmem>>, vector<16xi32>,
      %add3A_455 = arith.constant 256 : i32
      %add3A_456 = arith.addi %add3A_442, %add3A_455 : i32
      %get3A_457 = arith.index_cast %add3A_456 : i32 to index
      %get3A_458 = tpu.vector_load %arg5[%get3A_457] {strides = array<i32>} : memref<16384xi32, #tpu.memory_space<vmem>>, vector<16xi32>,
      %mul3A_459 = arith.constant 65536 : i32
      %mul3A_460 = vector.broadcast %mul3A_459 : i32 to vector<16xi32>
      %mul3A_461 = arith.muli %get3A_450, %mul3A_460 : vector<16xi32>
      %shift_right_arithmetic3A_462 = arith.constant 3 : i32
      %shift_right_arithmetic3A_463 = vector.broadcast %shift_right_arithmetic3A_462 : i32 to vector<16xi32>
      %shift_right_arithmetic3A_464 = arith.shrsi %get3A_454, %shift_right_arithmetic3A_463 : vector<16xi32>
      %mul3A_465 = arith.constant 2048 : i32
      %mul3A_466 = vector.broadcast %mul3A_465 : i32 to vector<16xi32>
      %mul3A_467 = arith.muli %shift_right_arithmetic3A_464, %mul3A_466 : vector<16xi32>
      %add3A_468 = arith.addi %mul3A_461, %mul3A_467 : vector<16xi32>
      %shift_right_arithmetic3A_469 = arith.constant 7 : i32
      %shift_right_arithmetic3A_470 = vector.broadcast %shift_right_arithmetic3A_469 : i32 to vector<16xi32>
      %shift_right_arithmetic3A_471 = arith.shrsi %get3A_458, %shift_right_arithmetic3A_470 : vector<16xi32>
      %mul3A_472 = arith.constant 1024 : i32
      %mul3A_473 = vector.broadcast %mul3A_472 : i32 to vector<16xi32>
      %mul3A_474 = arith.muli %shift_right_arithmetic3A_471, %mul3A_473 : vector<16xi32>
      %add3A_475 = arith.addi %add3A_468, %mul3A_474 : vector<16xi32>
      %and3A_476 = arith.constant 7 : i32
      %and3A_477 = vector.broadcast %and3A_476 : i32 to vector<16xi32>
      %and3A_478 = arith.andi %get3A_454, %and3A_477 : vector<16xi32>
      %mul3A_479 = arith.constant 128 : i32
      %mul3A_480 = vector.broadcast %mul3A_479 : i32 to vector<16xi32>
      %mul3A_481 = arith.muli %and3A_478, %mul3A_480 : vector<16xi32>
      %add3A_482 = arith.addi %add3A_475, %mul3A_481 : vector<16xi32>
      %and3A_483 = arith.constant 127 : i32
      %and3A_484 = vector.broadcast %and3A_483 : i32 to vector<16xi32>
      %and3A_485 = arith.andi %get3A_458, %and3A_484 : vector<16xi32>
      %add3A_486 = arith.addi %add3A_482, %and3A_485 : vector<16xi32>
      %swap3A_487 = arith.index_cast %mul3A_448 : i32 to index
      %swap3A_488 = tpu.vector_load %arg7[%swap3A_487] {strides = array<i32>} : memref<4096xi32, #tpu.memory_space<vmem>>, vector<16xi32>,
      tpu.vector_store %arg7[%swap3A_487], %add3A_486 {strides = array<i32>} : memref<4096xi32, #tpu.memory_space<vmem>>, vector<16xi32>,
      %mul3A_489 = arith.constant 512 : i32
      %mul3A_490 = arith.muli %scan3A_192, %mul3A_489 : i32
      %add3A_491 = arith.constant 96 : i32
      %add3A_492 = arith.addi %mul3A_490, %add3A_491 : i32
      %mul3A_493 = arith.constant 8 : i32
      %mul3A_494 = arith.muli %scan3A_192, %mul3A_493 : i32
      %add3A_495 = arith.constant 6 : i32
      %add3A_496 = arith.addi %mul3A_494, %add3A_495 : i32
      %mul3A_497 = arith.constant 16 : i32
      %mul3A_498 = arith.muli %add3A_496, %mul3A_497 : i32
      %get3A_499 = arith.index_cast %add3A_492 : i32 to index
      %get3A_500 = tpu.vector_load %arg5[%get3A_499] {strides = array<i32>} : memref<16384xi32, #tpu.memory_space<vmem>>, vector<16xi32>,
      %add3A_501 = arith.constant 128 : i32
      %add3A_502 = arith.addi %add3A_492, %add3A_501 : i32
      %get3A_503 = arith.index_cast %add3A_502 : i32 to index
      %get3A_504 = tpu.vector_load %arg5[%get3A_503] {strides = array<i32>} : memref<16384xi32, #tpu.memory_space<vmem>>, vector<16xi32>,
      %add3A_505 = arith.constant 256 : i32
      %add3A_506 = arith.addi %add3A_492, %add3A_505 : i32
      %get3A_507 = arith.index_cast %add3A_506 : i32 to index
      %get3A_508 = tpu.vector_load %arg5[%get3A_507] {strides = array<i32>} : memref<16384xi32, #tpu.memory_space<vmem>>, vector<16xi32>,
      %mul3A_509 = arith.constant 65536 : i32
      %mul3A_510 = vector.broadcast %mul3A_509 : i32 to vector<16xi32>
      %mul3A_511 = arith.muli %get3A_500, %mul3A_510 : vector<16xi32>
      %shift_right_arithmetic3A_512 = arith.constant 3 : i32
      %shift_right_arithmetic3A_513 = vector.broadcast %shift_right_arithmetic3A_512 : i32 to vector<16xi32>
      %shift_right_arithmetic3A_514 = arith.shrsi %get3A_504, %shift_right_arithmetic3A_513 : vector<16xi32>
      %mul3A_515 = arith.constant 2048 : i32
      %mul3A_516 = vector.broadcast %mul3A_515 : i32 to vector<16xi32>
      %mul3A_517 = arith.muli %shift_right_arithmetic3A_514, %mul3A_516 : vector<16xi32>
      %add3A_518 = arith.addi %mul3A_511, %mul3A_517 : vector<16xi32>
      %shift_right_arithmetic3A_519 = arith.constant 7 : i32
      %shift_right_arithmetic3A_520 = vector.broadcast %shift_right_arithmetic3A_519 : i32 to vector<16xi32>
      %shift_right_arithmetic3A_521 = arith.shrsi %get3A_508, %shift_right_arithmetic3A_520 : vector<16xi32>
      %mul3A_522 = arith.constant 1024 : i32
      %mul3A_523 = vector.broadcast %mul3A_522 : i32 to vector<16xi32>
      %mul3A_524 = arith.muli %shift_right_arithmetic3A_521, %mul3A_523 : vector<16xi32>
      %add3A_525 = arith.addi %add3A_518, %mul3A_524 : vector<16xi32>
      %and3A_526 = arith.constant 7 : i32
      %and3A_527 = vector.broadcast %and3A_526 : i32 to vector<16xi32>
      %and3A_528 = arith.andi %get3A_504, %and3A_527 : vector<16xi32>
      %mul3A_529 = arith.constant 128 : i32
      %mul3A_530 = vector.broadcast %mul3A_529 : i32 to vector<16xi32>
      %mul3A_531 = arith.muli %and3A_528, %mul3A_530 : vector<16xi32>
      %add3A_532 = arith.addi %add3A_525, %mul3A_531 : vector<16xi32>
      %and3A_533 = arith.constant 127 : i32
      %and3A_534 = vector.broadcast %and3A_533 : i32 to vector<16xi32>
      %and3A_535 = arith.andi %get3A_508, %and3A_534 : vector<16xi32>
      %add3A_536 = arith.addi %add3A_532, %and3A_535 : vector<16xi32>
      %swap3A_537 = arith.index_cast %mul3A_498 : i32 to index
      %swap3A_538 = tpu.vector_load %arg7[%swap3A_537] {strides = array<i32>} : memref<4096xi32, #tpu.memory_space<vmem>>, vector<16xi32>,
      tpu.vector_store %arg7[%swap3A_537], %add3A_536 {strides = array<i32>} : memref<4096xi32, #tpu.memory_space<vmem>>, vector<16xi32>,
      %mul3A_539 = arith.constant 512 : i32
      %mul3A_540 = arith.muli %scan3A_192, %mul3A_539 : i32
      %add3A_541 = arith.constant 112 : i32
      %add3A_542 = arith.addi %mul3A_540, %add3A_541 : i32
      %mul3A_543 = arith.constant 8 : i32
      %mul3A_544 = arith.muli %scan3A_192, %mul3A_543 : i32
      %add3A_545 = arith.constant 7 : i32
      %add3A_546 = arith.addi %mul3A_544, %add3A_545 : i32
      %mul3A_547 = arith.constant 16 : i32
      %mul3A_548 = arith.muli %add3A_546, %mul3A_547 : i32
      %get3A_549 = arith.index_cast %add3A_542 : i32 to index
      %get3A_550 = tpu.vector_load %arg5[%get3A_549] {strides = array<i32>} : memref<16384xi32, #tpu.memory_space<vmem>>, vector<16xi32>,
      %add3A_551 = arith.constant 128 : i32
      %add3A_552 = arith.addi %add3A_542, %add3A_551 : i32
      %get3A_553 = arith.index_cast %add3A_552 : i32 to index
      %get3A_554 = tpu.vector_load %arg5[%get3A_553] {strides = array<i32>} : memref<16384xi32, #tpu.memory_space<vmem>>, vector<16xi32>,
      %add3A_555 = arith.constant 256 : i32
      %add3A_556 = arith.addi %add3A_542, %add3A_555 : i32
      %get3A_557 = arith.index_cast %add3A_556 : i32 to index
      %get3A_558 = tpu.vector_load %arg5[%get3A_557] {strides = array<i32>} : memref<16384xi32, #tpu.memory_space<vmem>>, vector<16xi32>,
      %mul3A_559 = arith.constant 65536 : i32
      %mul3A_560 = vector.broadcast %mul3A_559 : i32 to vector<16xi32>
      %mul3A_561 = arith.muli %get3A_550, %mul3A_560 : vector<16xi32>
      %shift_right_arithmetic3A_562 = arith.constant 3 : i32
      %shift_right_arithmetic3A_563 = vector.broadcast %shift_right_arithmetic3A_562 : i32 to vector<16xi32>
      %shift_right_arithmetic3A_564 = arith.shrsi %get3A_554, %shift_right_arithmetic3A_563 : vector<16xi32>
      %mul3A_565 = arith.constant 2048 : i32
      %mul3A_566 = vector.broadcast %mul3A_565 : i32 to vector<16xi32>
      %mul3A_567 = arith.muli %shift_right_arithmetic3A_564, %mul3A_566 : vector<16xi32>
      %add3A_568 = arith.addi %mul3A_561, %mul3A_567 : vector<16xi32>
      %shift_right_arithmetic3A_569 = arith.constant 7 : i32
      %shift_right_arithmetic3A_570 = vector.broadcast %shift_right_arithmetic3A_569 : i32 to vector<16xi32>
      %shift_right_arithmetic3A_571 = arith.shrsi %get3A_558, %shift_right_arithmetic3A_570 : vector<16xi32>
      %mul3A_572 = arith.constant 1024 : i32
      %mul3A_573 = vector.broadcast %mul3A_572 : i32 to vector<16xi32>
      %mul3A_574 = arith.muli %shift_right_arithmetic3A_571, %mul3A_573 : vector<16xi32>
      %add3A_575 = arith.addi %add3A_568, %mul3A_574 : vector<16xi32>
      %and3A_576 = arith.constant 7 : i32
      %and3A_577 = vector.broadcast %and3A_576 : i32 to vector<16xi32>
      %and3A_578 = arith.andi %get3A_554, %and3A_577 : vector<16xi32>
      %mul3A_579 = arith.constant 128 : i32
      %mul3A_580 = vector.broadcast %mul3A_579 : i32 to vector<16xi32>
      %mul3A_581 = arith.muli %and3A_578, %mul3A_580 : vector<16xi32>
      %add3A_582 = arith.addi %add3A_575, %mul3A_581 : vector<16xi32>
      %and3A_583 = arith.constant 127 : i32
      %and3A_584 = vector.broadcast %and3A_583 : i32 to vector<16xi32>
      %and3A_585 = arith.andi %get3A_558, %and3A_584 : vector<16xi32>
      %add3A_586 = arith.addi %add3A_582, %and3A_585 : vector<16xi32>
      %swap3A_587 = arith.index_cast %mul3A_548 : i32 to index
      %swap3A_588 = tpu.vector_load %arg7[%swap3A_587] {strides = array<i32>} : memref<4096xi32, #tpu.memory_space<vmem>>, vector<16xi32>,
      tpu.vector_store %arg7[%swap3A_587], %add3A_586 {strides = array<i32>} : memref<4096xi32, #tpu.memory_space<vmem>>, vector<16xi32>,
    }
    %scan3A_105 = arith.constant 32 : i32
    %dma_wait3A_106 = tpu.memref_slice %arg4[%add3A_89] : memref<1048576xf32, #tpu.memory_space<hbm>> -> memref<4096xf32, #tpu.memory_space<hbm>>
    %dma_wait3A_107 = tpu.memref_slice %arg4[%add3A_89] : memref<1048576xf32, #tpu.memory_space<hbm>> -> memref<4096xf32, #tpu.memory_space<hbm>>
    tpu.wait_dma2 semaphore(%arg15 : memref<!tpu.dma_semaphore, #tpu.memory_space<semaphore_mem>>) src(%arg9 : memref<4096xf32, #tpu.memory_space<vmem>>) dst(%dma_wait3A_107 : memref<4096xf32, #tpu.memory_space<hbm>>)
    %dma_start3A_108 = arith.constant 0 : i32
    %dma_start3A_109 = tpu.memref_slice %arg3[%dma_start3A_108] : memref<16777216xf32, #tpu.memory_space<hbm>> -> memref<16777216xf32, #tpu.memory_space<hbm>>
    tpu.enqueue_indirect_dma source(%dma_start3A_109 : memref<16777216xf32, #tpu.memory_space<hbm>>) target(%arg9 : memref<4096xf32, #tpu.memory_space<vmem>>) offsets(%arg7 : memref<4096xi32, #tpu.memory_space<vmem>>) semaphore(%arg13 : memref<!tpu.dma_semaphore, #tpu.memory_space<semaphore_mem>>)
    %dma_wait3A_110 = arith.constant 0 : i32
    %dma_wait3A_111 = tpu.memref_slice %arg3[%dma_wait3A_110] : memref<16777216xf32, #tpu.memory_space<hbm>> -> memref<16777216xf32, #tpu.memory_space<hbm>>
    tpu.wait_indirect_dma semaphore(%arg14 : memref<!tpu.dma_semaphore, #tpu.memory_space<semaphore_mem>>) src(%dma_wait3A_111 : memref<16777216xf32, #tpu.memory_space<hbm>>) dst(%arg10 : memref<4096xf32, #tpu.memory_space<vmem>>)
    %add3A_112 = arith.constant 12288 : i32
    %add3A_113 = arith.addi %mul3A_2, %add3A_112 : i32
    %dma_start3A_114 = tpu.memref_slice %arg4[%add3A_113] : memref<1048576xf32, #tpu.memory_space<hbm>> -> memref<4096xf32, #tpu.memory_space<hbm>>
    %dma_start3A_115 = tpu.memref_slice %arg4[%add3A_113] : memref<1048576xf32, #tpu.memory_space<hbm>> -> memref<4096xf32, #tpu.memory_space<hbm>>
    tpu.enqueue_dma source(%arg10 : memref<4096xf32, #tpu.memory_space<vmem>>) target(%dma_start3A_115 : memref<4096xf32, #tpu.memory_space<hbm>>) target_semaphore(%arg16 : memref<!tpu.dma_semaphore, #tpu.memory_space<semaphore_mem>>)
    %add3A_116 = arith.constant 24576 : i32
    %add3A_117 = arith.addi %mul3A_2, %add3A_116 : i32
    %mul3A_118 = arith.constant 4 : i32
    %mul3A_119 = arith.muli %mul3A_118, %add3A_117 : i32
    %dma_start3A_120 = tpu.memref_slice %arg2[%mul3A_119] : memref<4194304xi32, #tpu.memory_space<hbm>> -> memref<16384xi32, #tpu.memory_space<hbm>>
    %dma_start3A_121 = tpu.memref_slice %arg2[%mul3A_119] : memref<4194304xi32, #tpu.memory_space<hbm>> -> memref<16384xi32, #tpu.memory_space<hbm>>
    tpu.enqueue_dma source(%dma_start3A_121 : memref<16384xi32, #tpu.memory_space<hbm>>) target(%arg5 : memref<16384xi32, #tpu.memory_space<vmem>>) target_semaphore(%arg11 : memref<!tpu.dma_semaphore, #tpu.memory_space<semaphore_mem>>)
    %dma_wait3A_122 = tpu.memref_slice %arg2[%mul3A_95] : memref<4194304xi32, #tpu.memory_space<hbm>> -> memref<16384xi32, #tpu.memory_space<hbm>>
    %dma_wait3A_123 = tpu.memref_slice %arg2[%mul3A_95] : memref<4194304xi32, #tpu.memory_space<hbm>> -> memref<16384xi32, #tpu.memory_space<hbm>>
    tpu.wait_dma2 semaphore(%arg12 : memref<!tpu.dma_semaphore, #tpu.memory_space<semaphore_mem>>) src(%dma_wait3A_123 : memref<16384xi32, #tpu.memory_space<hbm>>) dst(%arg6 : memref<16384xi32, #tpu.memory_space<vmem>>)
    %scan3A_124 = arith.constant 0 : i32
    %scan3A_125 = arith.constant 0 : i32
    %scan3A_126 = arith.constant 32 : i32
    %scan3A_127 = arith.addi %scan3A_125, %scan3A_126 : i32
    %scan3A_128 = arith.constant 1 : i32
    scf.for %scan3A_192 = %scan3A_125 to %scan3A_127 step %scan3A_128  : i32 {
      %mul3A_193 = arith.constant 512 : i32
      %mul3A_194 = arith.muli %scan3A_192, %mul3A_193 : i32
      %add3A_195 = arith.constant 0 : i32
      %add3A_196 = arith.addi %mul3A_194, %add3A_195 : i32
      %mul3A_197 = arith.constant 8 : i32
      %mul3A_198 = arith.muli %scan3A_192, %mul3A_197 : i32
      %add3A_199 = arith.constant 0 : i32
      %add3A_200 = arith.addi %mul3A_198, %add3A_199 : i32
      %mul3A_201 = arith.constant 16 : i32
      %mul3A_202 = arith.muli %add3A_200, %mul3A_201 : i32
      %get3A = arith.index_cast %add3A_196 : i32 to index
      %get3A_203 = tpu.vector_load %arg6[%get3A] {strides = array<i32>} : memref<16384xi32, #tpu.memory_space<vmem>>, vector<16xi32>,
      %add3A_204 = arith.constant 128 : i32
      %add3A_205 = arith.addi %add3A_196, %add3A_204 : i32
      %get3A_206 = arith.index_cast %add3A_205 : i32 to index
      %get3A_207 = tpu.vector_load %arg6[%get3A_206] {strides = array<i32>} : memref<16384xi32, #tpu.memory_space<vmem>>, vector<16xi32>,
      %add3A_208 = arith.constant 256 : i32
      %add3A_209 = arith.addi %add3A_196, %add3A_208 : i32
      %get3A_210 = arith.index_cast %add3A_209 : i32 to index
      %get3A_211 = tpu.vector_load %arg6[%get3A_210] {strides = array<i32>} : memref<16384xi32, #tpu.memory_space<vmem>>, vector<16xi32>,
      %mul3A_212 = arith.constant 65536 : i32
      %mul3A_213 = vector.broadcast %mul3A_212 : i32 to vector<16xi32>
      %mul3A_214 = arith.muli %get3A_203, %mul3A_213 : vector<16xi32>
      %shift_right_arithmetic3A = arith.constant 3 : i32
      %shift_right_arithmetic3A_215 = vector.broadcast %shift_right_arithmetic3A : i32 to vector<16xi32>
      %shift_right_arithmetic3A_216 = arith.shrsi %get3A_207, %shift_right_arithmetic3A_215 : vector<16xi32>
      %mul3A_217 = arith.constant 2048 : i32
      %mul3A_218 = vector.broadcast %mul3A_217 : i32 to vector<16xi32>
      %mul3A_219 = arith.muli %shift_right_arithmetic3A_216, %mul3A_218 : vector<16xi32>
      %add3A_220 = arith.addi %mul3A_214, %mul3A_219 : vector<16xi32>
      %shift_right_arithmetic3A_221 = arith.constant 7 : i32
      %shift_right_arithmetic3A_222 = vector.broadcast %shift_right_arithmetic3A_221 : i32 to vector<16xi32>
      %shift_right_arithmetic3A_223 = arith.shrsi %get3A_211, %shift_right_arithmetic3A_222 : vector<16xi32>
      %mul3A_224 = arith.constant 1024 : i32
      %mul3A_225 = vector.broadcast %mul3A_224 : i32 to vector<16xi32>
      %mul3A_226 = arith.muli %shift_right_arithmetic3A_223, %mul3A_225 : vector<16xi32>
      %add3A_227 = arith.addi %add3A_220, %mul3A_226 : vector<16xi32>
      %and3A = arith.constant 7 : i32
      %and3A_228 = vector.broadcast %and3A : i32 to vector<16xi32>
      %and3A_229 = arith.andi %get3A_207, %and3A_228 : vector<16xi32>
      %mul3A_230 = arith.constant 128 : i32
      %mul3A_231 = vector.broadcast %mul3A_230 : i32 to vector<16xi32>
      %mul3A_232 = arith.muli %and3A_229, %mul3A_231 : vector<16xi32>
      %add3A_233 = arith.addi %add3A_227, %mul3A_232 : vector<16xi32>
      %and3A_234 = arith.constant 127 : i32
      %and3A_235 = vector.broadcast %and3A_234 : i32 to vector<16xi32>
      %and3A_236 = arith.andi %get3A_211, %and3A_235 : vector<16xi32>
      %add3A_237 = arith.addi %add3A_233, %and3A_236 : vector<16xi32>
      %swap3A = arith.index_cast %mul3A_202 : i32 to index
      %swap3A_238 = tpu.vector_load %arg8[%swap3A] {strides = array<i32>} : memref<4096xi32, #tpu.memory_space<vmem>>, vector<16xi32>,
      tpu.vector_store %arg8[%swap3A], %add3A_237 {strides = array<i32>} : memref<4096xi32, #tpu.memory_space<vmem>>, vector<16xi32>,
      %mul3A_239 = arith.constant 512 : i32
      %mul3A_240 = arith.muli %scan3A_192, %mul3A_239 : i32
      %add3A_241 = arith.constant 16 : i32
      %add3A_242 = arith.addi %mul3A_240, %add3A_241 : i32
      %mul3A_243 = arith.constant 8 : i32
      %mul3A_244 = arith.muli %scan3A_192, %mul3A_243 : i32
      %add3A_245 = arith.constant 1 : i32
      %add3A_246 = arith.addi %mul3A_244, %add3A_245 : i32
      %mul3A_247 = arith.constant 16 : i32
      %mul3A_248 = arith.muli %add3A_246, %mul3A_247 : i32
      %get3A_249 = arith.index_cast %add3A_242 : i32 to index
      %get3A_250 = tpu.vector_load %arg6[%get3A_249] {strides = array<i32>} : memref<16384xi32, #tpu.memory_space<vmem>>, vector<16xi32>,
      %add3A_251 = arith.constant 128 : i32
      %add3A_252 = arith.addi %add3A_242, %add3A_251 : i32
      %get3A_253 = arith.index_cast %add3A_252 : i32 to index
      %get3A_254 = tpu.vector_load %arg6[%get3A_253] {strides = array<i32>} : memref<16384xi32, #tpu.memory_space<vmem>>, vector<16xi32>,
      %add3A_255 = arith.constant 256 : i32
      %add3A_256 = arith.addi %add3A_242, %add3A_255 : i32
      %get3A_257 = arith.index_cast %add3A_256 : i32 to index
      %get3A_258 = tpu.vector_load %arg6[%get3A_257] {strides = array<i32>} : memref<16384xi32, #tpu.memory_space<vmem>>, vector<16xi32>,
      %mul3A_259 = arith.constant 65536 : i32
      %mul3A_260 = vector.broadcast %mul3A_259 : i32 to vector<16xi32>
      %mul3A_261 = arith.muli %get3A_250, %mul3A_260 : vector<16xi32>
      %shift_right_arithmetic3A_262 = arith.constant 3 : i32
      %shift_right_arithmetic3A_263 = vector.broadcast %shift_right_arithmetic3A_262 : i32 to vector<16xi32>
      %shift_right_arithmetic3A_264 = arith.shrsi %get3A_254, %shift_right_arithmetic3A_263 : vector<16xi32>
      %mul3A_265 = arith.constant 2048 : i32
      %mul3A_266 = vector.broadcast %mul3A_265 : i32 to vector<16xi32>
      %mul3A_267 = arith.muli %shift_right_arithmetic3A_264, %mul3A_266 : vector<16xi32>
      %add3A_268 = arith.addi %mul3A_261, %mul3A_267 : vector<16xi32>
      %shift_right_arithmetic3A_269 = arith.constant 7 : i32
      %shift_right_arithmetic3A_270 = vector.broadcast %shift_right_arithmetic3A_269 : i32 to vector<16xi32>
      %shift_right_arithmetic3A_271 = arith.shrsi %get3A_258, %shift_right_arithmetic3A_270 : vector<16xi32>
      %mul3A_272 = arith.constant 1024 : i32
      %mul3A_273 = vector.broadcast %mul3A_272 : i32 to vector<16xi32>
      %mul3A_274 = arith.muli %shift_right_arithmetic3A_271, %mul3A_273 : vector<16xi32>
      %add3A_275 = arith.addi %add3A_268, %mul3A_274 : vector<16xi32>
      %and3A_276 = arith.constant 7 : i32
      %and3A_277 = vector.broadcast %and3A_276 : i32 to vector<16xi32>
      %and3A_278 = arith.andi %get3A_254, %and3A_277 : vector<16xi32>
      %mul3A_279 = arith.constant 128 : i32
      %mul3A_280 = vector.broadcast %mul3A_279 : i32 to vector<16xi32>
      %mul3A_281 = arith.muli %and3A_278, %mul3A_280 : vector<16xi32>
      %add3A_282 = arith.addi %add3A_275, %mul3A_281 : vector<16xi32>
      %and3A_283 = arith.constant 127 : i32
      %and3A_284 = vector.broadcast %and3A_283 : i32 to vector<16xi32>
      %and3A_285 = arith.andi %get3A_258, %and3A_284 : vector<16xi32>
      %add3A_286 = arith.addi %add3A_282, %and3A_285 : vector<16xi32>
      %swap3A_287 = arith.index_cast %mul3A_248 : i32 to index
      %swap3A_288 = tpu.vector_load %arg8[%swap3A_287] {strides = array<i32>} : memref<4096xi32, #tpu.memory_space<vmem>>, vector<16xi32>,
      tpu.vector_store %arg8[%swap3A_287], %add3A_286 {strides = array<i32>} : memref<4096xi32, #tpu.memory_space<vmem>>, vector<16xi32>,
      %mul3A_289 = arith.constant 512 : i32
      %mul3A_290 = arith.muli %scan3A_192, %mul3A_289 : i32
      %add3A_291 = arith.constant 32 : i32
      %add3A_292 = arith.addi %mul3A_290, %add3A_291 : i32
      %mul3A_293 = arith.constant 8 : i32
      %mul3A_294 = arith.muli %scan3A_192, %mul3A_293 : i32
      %add3A_295 = arith.constant 2 : i32
      %add3A_296 = arith.addi %mul3A_294, %add3A_295 : i32
      %mul3A_297 = arith.constant 16 : i32
      %mul3A_298 = arith.muli %add3A_296, %mul3A_297 : i32
      %get3A_299 = arith.index_cast %add3A_292 : i32 to index
      %get3A_300 = tpu.vector_load %arg6[%get3A_299] {strides = array<i32>} : memref<16384xi32, #tpu.memory_space<vmem>>, vector<16xi32>,
      %add3A_301 = arith.constant 128 : i32
      %add3A_302 = arith.addi %add3A_292, %add3A_301 : i32
      %get3A_303 = arith.index_cast %add3A_302 : i32 to index
      %get3A_304 = tpu.vector_load %arg6[%get3A_303] {strides = array<i32>} : memref<16384xi32, #tpu.memory_space<vmem>>, vector<16xi32>,
      %add3A_305 = arith.constant 256 : i32
      %add3A_306 = arith.addi %add3A_292, %add3A_305 : i32
      %get3A_307 = arith.index_cast %add3A_306 : i32 to index
      %get3A_308 = tpu.vector_load %arg6[%get3A_307] {strides = array<i32>} : memref<16384xi32, #tpu.memory_space<vmem>>, vector<16xi32>,
      %mul3A_309 = arith.constant 65536 : i32
      %mul3A_310 = vector.broadcast %mul3A_309 : i32 to vector<16xi32>
      %mul3A_311 = arith.muli %get3A_300, %mul3A_310 : vector<16xi32>
      %shift_right_arithmetic3A_312 = arith.constant 3 : i32
      %shift_right_arithmetic3A_313 = vector.broadcast %shift_right_arithmetic3A_312 : i32 to vector<16xi32>
      %shift_right_arithmetic3A_314 = arith.shrsi %get3A_304, %shift_right_arithmetic3A_313 : vector<16xi32>
      %mul3A_315 = arith.constant 2048 : i32
      %mul3A_316 = vector.broadcast %mul3A_315 : i32 to vector<16xi32>
      %mul3A_317 = arith.muli %shift_right_arithmetic3A_314, %mul3A_316 : vector<16xi32>
      %add3A_318 = arith.addi %mul3A_311, %mul3A_317 : vector<16xi32>
      %shift_right_arithmetic3A_319 = arith.constant 7 : i32
      %shift_right_arithmetic3A_320 = vector.broadcast %shift_right_arithmetic3A_319 : i32 to vector<16xi32>
      %shift_right_arithmetic3A_321 = arith.shrsi %get3A_308, %shift_right_arithmetic3A_320 : vector<16xi32>
      %mul3A_322 = arith.constant 1024 : i32
      %mul3A_323 = vector.broadcast %mul3A_322 : i32 to vector<16xi32>
      %mul3A_324 = arith.muli %shift_right_arithmetic3A_321, %mul3A_323 : vector<16xi32>
      %add3A_325 = arith.addi %add3A_318, %mul3A_324 : vector<16xi32>
      %and3A_326 = arith.constant 7 : i32
      %and3A_327 = vector.broadcast %and3A_326 : i32 to vector<16xi32>
      %and3A_328 = arith.andi %get3A_304, %and3A_327 : vector<16xi32>
      %mul3A_329 = arith.constant 128 : i32
      %mul3A_330 = vector.broadcast %mul3A_329 : i32 to vector<16xi32>
      %mul3A_331 = arith.muli %and3A_328, %mul3A_330 : vector<16xi32>
      %add3A_332 = arith.addi %add3A_325, %mul3A_331 : vector<16xi32>
      %and3A_333 = arith.constant 127 : i32
      %and3A_334 = vector.broadcast %and3A_333 : i32 to vector<16xi32>
      %and3A_335 = arith.andi %get3A_308, %and3A_334 : vector<16xi32>
      %add3A_336 = arith.addi %add3A_332, %and3A_335 : vector<16xi32>
      %swap3A_337 = arith.index_cast %mul3A_298 : i32 to index
      %swap3A_338 = tpu.vector_load %arg8[%swap3A_337] {strides = array<i32>} : memref<4096xi32, #tpu.memory_space<vmem>>, vector<16xi32>,
      tpu.vector_store %arg8[%swap3A_337], %add3A_336 {strides = array<i32>} : memref<4096xi32, #tpu.memory_space<vmem>>, vector<16xi32>,
      %mul3A_339 = arith.constant 512 : i32
      %mul3A_340 = arith.muli %scan3A_192, %mul3A_339 : i32
      %add3A_341 = arith.constant 48 : i32
      %add3A_342 = arith.addi %mul3A_340, %add3A_341 : i32
      %mul3A_343 = arith.constant 8 : i32
      %mul3A_344 = arith.muli %scan3A_192, %mul3A_343 : i32
      %add3A_345 = arith.constant 3 : i32
      %add3A_346 = arith.addi %mul3A_344, %add3A_345 : i32
      %mul3A_347 = arith.constant 16 : i32
      %mul3A_348 = arith.muli %add3A_346, %mul3A_347 : i32
      %get3A_349 = arith.index_cast %add3A_342 : i32 to index
      %get3A_350 = tpu.vector_load %arg6[%get3A_349] {strides = array<i32>} : memref<16384xi32, #tpu.memory_space<vmem>>, vector<16xi32>,
      %add3A_351 = arith.constant 128 : i32
      %add3A_352 = arith.addi %add3A_342, %add3A_351 : i32
      %get3A_353 = arith.index_cast %add3A_352 : i32 to index
      %get3A_354 = tpu.vector_load %arg6[%get3A_353] {strides = array<i32>} : memref<16384xi32, #tpu.memory_space<vmem>>, vector<16xi32>,
      %add3A_355 = arith.constant 256 : i32
      %add3A_356 = arith.addi %add3A_342, %add3A_355 : i32
      %get3A_357 = arith.index_cast %add3A_356 : i32 to index
      %get3A_358 = tpu.vector_load %arg6[%get3A_357] {strides = array<i32>} : memref<16384xi32, #tpu.memory_space<vmem>>, vector<16xi32>,
      %mul3A_359 = arith.constant 65536 : i32
      %mul3A_360 = vector.broadcast %mul3A_359 : i32 to vector<16xi32>
      %mul3A_361 = arith.muli %get3A_350, %mul3A_360 : vector<16xi32>
      %shift_right_arithmetic3A_362 = arith.constant 3 : i32
      %shift_right_arithmetic3A_363 = vector.broadcast %shift_right_arithmetic3A_362 : i32 to vector<16xi32>
      %shift_right_arithmetic3A_364 = arith.shrsi %get3A_354, %shift_right_arithmetic3A_363 : vector<16xi32>
      %mul3A_365 = arith.constant 2048 : i32
      %mul3A_366 = vector.broadcast %mul3A_365 : i32 to vector<16xi32>
      %mul3A_367 = arith.muli %shift_right_arithmetic3A_364, %mul3A_366 : vector<16xi32>
      %add3A_368 = arith.addi %mul3A_361, %mul3A_367 : vector<16xi32>
      %shift_right_arithmetic3A_369 = arith.constant 7 : i32
      %shift_right_arithmetic3A_370 = vector.broadcast %shift_right_arithmetic3A_369 : i32 to vector<16xi32>
      %shift_right_arithmetic3A_371 = arith.shrsi %get3A_358, %shift_right_arithmetic3A_370 : vector<16xi32>
      %mul3A_372 = arith.constant 1024 : i32
      %mul3A_373 = vector.broadcast %mul3A_372 : i32 to vector<16xi32>
      %mul3A_374 = arith.muli %shift_right_arithmetic3A_371, %mul3A_373 : vector<16xi32>
      %add3A_375 = arith.addi %add3A_368, %mul3A_374 : vector<16xi32>
      %and3A_376 = arith.constant 7 : i32
      %and3A_377 = vector.broadcast %and3A_376 : i32 to vector<16xi32>
      %and3A_378 = arith.andi %get3A_354, %and3A_377 : vector<16xi32>
      %mul3A_379 = arith.constant 128 : i32
      %mul3A_380 = vector.broadcast %mul3A_379 : i32 to vector<16xi32>
      %mul3A_381 = arith.muli %and3A_378, %mul3A_380 : vector<16xi32>
      %add3A_382 = arith.addi %add3A_375, %mul3A_381 : vector<16xi32>
      %and3A_383 = arith.constant 127 : i32
      %and3A_384 = vector.broadcast %and3A_383 : i32 to vector<16xi32>
      %and3A_385 = arith.andi %get3A_358, %and3A_384 : vector<16xi32>
      %add3A_386 = arith.addi %add3A_382, %and3A_385 : vector<16xi32>
      %swap3A_387 = arith.index_cast %mul3A_348 : i32 to index
      %swap3A_388 = tpu.vector_load %arg8[%swap3A_387] {strides = array<i32>} : memref<4096xi32, #tpu.memory_space<vmem>>, vector<16xi32>,
      tpu.vector_store %arg8[%swap3A_387], %add3A_386 {strides = array<i32>} : memref<4096xi32, #tpu.memory_space<vmem>>, vector<16xi32>,
      %mul3A_389 = arith.constant 512 : i32
      %mul3A_390 = arith.muli %scan3A_192, %mul3A_389 : i32
      %add3A_391 = arith.constant 64 : i32
      %add3A_392 = arith.addi %mul3A_390, %add3A_391 : i32
      %mul3A_393 = arith.constant 8 : i32
      %mul3A_394 = arith.muli %scan3A_192, %mul3A_393 : i32
      %add3A_395 = arith.constant 4 : i32
      %add3A_396 = arith.addi %mul3A_394, %add3A_395 : i32
      %mul3A_397 = arith.constant 16 : i32
      %mul3A_398 = arith.muli %add3A_396, %mul3A_397 : i32
      %get3A_399 = arith.index_cast %add3A_392 : i32 to index
      %get3A_400 = tpu.vector_load %arg6[%get3A_399] {strides = array<i32>} : memref<16384xi32, #tpu.memory_space<vmem>>, vector<16xi32>,
      %add3A_401 = arith.constant 128 : i32
      %add3A_402 = arith.addi %add3A_392, %add3A_401 : i32
      %get3A_403 = arith.index_cast %add3A_402 : i32 to index
      %get3A_404 = tpu.vector_load %arg6[%get3A_403] {strides = array<i32>} : memref<16384xi32, #tpu.memory_space<vmem>>, vector<16xi32>,
      %add3A_405 = arith.constant 256 : i32
      %add3A_406 = arith.addi %add3A_392, %add3A_405 : i32
      %get3A_407 = arith.index_cast %add3A_406 : i32 to index
      %get3A_408 = tpu.vector_load %arg6[%get3A_407] {strides = array<i32>} : memref<16384xi32, #tpu.memory_space<vmem>>, vector<16xi32>,
      %mul3A_409 = arith.constant 65536 : i32
      %mul3A_410 = vector.broadcast %mul3A_409 : i32 to vector<16xi32>
      %mul3A_411 = arith.muli %get3A_400, %mul3A_410 : vector<16xi32>
      %shift_right_arithmetic3A_412 = arith.constant 3 : i32
      %shift_right_arithmetic3A_413 = vector.broadcast %shift_right_arithmetic3A_412 : i32 to vector<16xi32>
      %shift_right_arithmetic3A_414 = arith.shrsi %get3A_404, %shift_right_arithmetic3A_413 : vector<16xi32>
      %mul3A_415 = arith.constant 2048 : i32
      %mul3A_416 = vector.broadcast %mul3A_415 : i32 to vector<16xi32>
      %mul3A_417 = arith.muli %shift_right_arithmetic3A_414, %mul3A_416 : vector<16xi32>
      %add3A_418 = arith.addi %mul3A_411, %mul3A_417 : vector<16xi32>
      %shift_right_arithmetic3A_419 = arith.constant 7 : i32
      %shift_right_arithmetic3A_420 = vector.broadcast %shift_right_arithmetic3A_419 : i32 to vector<16xi32>
      %shift_right_arithmetic3A_421 = arith.shrsi %get3A_408, %shift_right_arithmetic3A_420 : vector<16xi32>
      %mul3A_422 = arith.constant 1024 : i32
      %mul3A_423 = vector.broadcast %mul3A_422 : i32 to vector<16xi32>
      %mul3A_424 = arith.muli %shift_right_arithmetic3A_421, %mul3A_423 : vector<16xi32>
      %add3A_425 = arith.addi %add3A_418, %mul3A_424 : vector<16xi32>
      %and3A_426 = arith.constant 7 : i32
      %and3A_427 = vector.broadcast %and3A_426 : i32 to vector<16xi32>
      %and3A_428 = arith.andi %get3A_404, %and3A_427 : vector<16xi32>
      %mul3A_429 = arith.constant 128 : i32
      %mul3A_430 = vector.broadcast %mul3A_429 : i32 to vector<16xi32>
      %mul3A_431 = arith.muli %and3A_428, %mul3A_430 : vector<16xi32>
      %add3A_432 = arith.addi %add3A_425, %mul3A_431 : vector<16xi32>
      %and3A_433 = arith.constant 127 : i32
      %and3A_434 = vector.broadcast %and3A_433 : i32 to vector<16xi32>
      %and3A_435 = arith.andi %get3A_408, %and3A_434 : vector<16xi32>
      %add3A_436 = arith.addi %add3A_432, %and3A_435 : vector<16xi32>
      %swap3A_437 = arith.index_cast %mul3A_398 : i32 to index
      %swap3A_438 = tpu.vector_load %arg8[%swap3A_437] {strides = array<i32>} : memref<4096xi32, #tpu.memory_space<vmem>>, vector<16xi32>,
      tpu.vector_store %arg8[%swap3A_437], %add3A_436 {strides = array<i32>} : memref<4096xi32, #tpu.memory_space<vmem>>, vector<16xi32>,
      %mul3A_439 = arith.constant 512 : i32
      %mul3A_440 = arith.muli %scan3A_192, %mul3A_439 : i32
      %add3A_441 = arith.constant 80 : i32
      %add3A_442 = arith.addi %mul3A_440, %add3A_441 : i32
      %mul3A_443 = arith.constant 8 : i32
      %mul3A_444 = arith.muli %scan3A_192, %mul3A_443 : i32
      %add3A_445 = arith.constant 5 : i32
      %add3A_446 = arith.addi %mul3A_444, %add3A_445 : i32
      %mul3A_447 = arith.constant 16 : i32
      %mul3A_448 = arith.muli %add3A_446, %mul3A_447 : i32
      %get3A_449 = arith.index_cast %add3A_442 : i32 to index
      %get3A_450 = tpu.vector_load %arg6[%get3A_449] {strides = array<i32>} : memref<16384xi32, #tpu.memory_space<vmem>>, vector<16xi32>,
      %add3A_451 = arith.constant 128 : i32
      %add3A_452 = arith.addi %add3A_442, %add3A_451 : i32
      %get3A_453 = arith.index_cast %add3A_452 : i32 to index
      %get3A_454 = tpu.vector_load %arg6[%get3A_453] {strides = array<i32>} : memref<16384xi32, #tpu.memory_space<vmem>>, vector<16xi32>,
      %add3A_455 = arith.constant 256 : i32
      %add3A_456 = arith.addi %add3A_442, %add3A_455 : i32
      %get3A_457 = arith.index_cast %add3A_456 : i32 to index
      %get3A_458 = tpu.vector_load %arg6[%get3A_457] {strides = array<i32>} : memref<16384xi32, #tpu.memory_space<vmem>>, vector<16xi32>,
      %mul3A_459 = arith.constant 65536 : i32
      %mul3A_460 = vector.broadcast %mul3A_459 : i32 to vector<16xi32>
      %mul3A_461 = arith.muli %get3A_450, %mul3A_460 : vector<16xi32>
      %shift_right_arithmetic3A_462 = arith.constant 3 : i32
      %shift_right_arithmetic3A_463 = vector.broadcast %shift_right_arithmetic3A_462 : i32 to vector<16xi32>
      %shift_right_arithmetic3A_464 = arith.shrsi %get3A_454, %shift_right_arithmetic3A_463 : vector<16xi32>
      %mul3A_465 = arith.constant 2048 : i32
      %mul3A_466 = vector.broadcast %mul3A_465 : i32 to vector<16xi32>
      %mul3A_467 = arith.muli %shift_right_arithmetic3A_464, %mul3A_466 : vector<16xi32>
      %add3A_468 = arith.addi %mul3A_461, %mul3A_467 : vector<16xi32>
      %shift_right_arithmetic3A_469 = arith.constant 7 : i32
      %shift_right_arithmetic3A_470 = vector.broadcast %shift_right_arithmetic3A_469 : i32 to vector<16xi32>
      %shift_right_arithmetic3A_471 = arith.shrsi %get3A_458, %shift_right_arithmetic3A_470 : vector<16xi32>
      %mul3A_472 = arith.constant 1024 : i32
      %mul3A_473 = vector.broadcast %mul3A_472 : i32 to vector<16xi32>
      %mul3A_474 = arith.muli %shift_right_arithmetic3A_471, %mul3A_473 : vector<16xi32>
      %add3A_475 = arith.addi %add3A_468, %mul3A_474 : vector<16xi32>
      %and3A_476 = arith.constant 7 : i32
      %and3A_477 = vector.broadcast %and3A_476 : i32 to vector<16xi32>
      %and3A_478 = arith.andi %get3A_454, %and3A_477 : vector<16xi32>
      %mul3A_479 = arith.constant 128 : i32
      %mul3A_480 = vector.broadcast %mul3A_479 : i32 to vector<16xi32>
      %mul3A_481 = arith.muli %and3A_478, %mul3A_480 : vector<16xi32>
      %add3A_482 = arith.addi %add3A_475, %mul3A_481 : vector<16xi32>
      %and3A_483 = arith.constant 127 : i32
      %and3A_484 = vector.broadcast %and3A_483 : i32 to vector<16xi32>
      %and3A_485 = arith.andi %get3A_458, %and3A_484 : vector<16xi32>
      %add3A_486 = arith.addi %add3A_482, %and3A_485 : vector<16xi32>
      %swap3A_487 = arith.index_cast %mul3A_448 : i32 to index
      %swap3A_488 = tpu.vector_load %arg8[%swap3A_487] {strides = array<i32>} : memref<4096xi32, #tpu.memory_space<vmem>>, vector<16xi32>,
      tpu.vector_store %arg8[%swap3A_487], %add3A_486 {strides = array<i32>} : memref<4096xi32, #tpu.memory_space<vmem>>, vector<16xi32>,
      %mul3A_489 = arith.constant 512 : i32
      %mul3A_490 = arith.muli %scan3A_192, %mul3A_489 : i32
      %add3A_491 = arith.constant 96 : i32
      %add3A_492 = arith.addi %mul3A_490, %add3A_491 : i32
      %mul3A_493 = arith.constant 8 : i32
      %mul3A_494 = arith.muli %scan3A_192, %mul3A_493 : i32
      %add3A_495 = arith.constant 6 : i32
      %add3A_496 = arith.addi %mul3A_494, %add3A_495 : i32
      %mul3A_497 = arith.constant 16 : i32
      %mul3A_498 = arith.muli %add3A_496, %mul3A_497 : i32
      %get3A_499 = arith.index_cast %add3A_492 : i32 to index
      %get3A_500 = tpu.vector_load %arg6[%get3A_499] {strides = array<i32>} : memref<16384xi32, #tpu.memory_space<vmem>>, vector<16xi32>,
      %add3A_501 = arith.constant 128 : i32
      %add3A_502 = arith.addi %add3A_492, %add3A_501 : i32
      %get3A_503 = arith.index_cast %add3A_502 : i32 to index
      %get3A_504 = tpu.vector_load %arg6[%get3A_503] {strides = array<i32>} : memref<16384xi32, #tpu.memory_space<vmem>>, vector<16xi32>,
      %add3A_505 = arith.constant 256 : i32
      %add3A_506 = arith.addi %add3A_492, %add3A_505 : i32
      %get3A_507 = arith.index_cast %add3A_506 : i32 to index
      %get3A_508 = tpu.vector_load %arg6[%get3A_507] {strides = array<i32>} : memref<16384xi32, #tpu.memory_space<vmem>>, vector<16xi32>,
      %mul3A_509 = arith.constant 65536 : i32
      %mul3A_510 = vector.broadcast %mul3A_509 : i32 to vector<16xi32>
      %mul3A_511 = arith.muli %get3A_500, %mul3A_510 : vector<16xi32>
      %shift_right_arithmetic3A_512 = arith.constant 3 : i32
      %shift_right_arithmetic3A_513 = vector.broadcast %shift_right_arithmetic3A_512 : i32 to vector<16xi32>
      %shift_right_arithmetic3A_514 = arith.shrsi %get3A_504, %shift_right_arithmetic3A_513 : vector<16xi32>
      %mul3A_515 = arith.constant 2048 : i32
      %mul3A_516 = vector.broadcast %mul3A_515 : i32 to vector<16xi32>
      %mul3A_517 = arith.muli %shift_right_arithmetic3A_514, %mul3A_516 : vector<16xi32>
      %add3A_518 = arith.addi %mul3A_511, %mul3A_517 : vector<16xi32>
      %shift_right_arithmetic3A_519 = arith.constant 7 : i32
      %shift_right_arithmetic3A_520 = vector.broadcast %shift_right_arithmetic3A_519 : i32 to vector<16xi32>
      %shift_right_arithmetic3A_521 = arith.shrsi %get3A_508, %shift_right_arithmetic3A_520 : vector<16xi32>
      %mul3A_522 = arith.constant 1024 : i32
      %mul3A_523 = vector.broadcast %mul3A_522 : i32 to vector<16xi32>
      %mul3A_524 = arith.muli %shift_right_arithmetic3A_521, %mul3A_523 : vector<16xi32>
      %add3A_525 = arith.addi %add3A_518, %mul3A_524 : vector<16xi32>
      %and3A_526 = arith.constant 7 : i32
      %and3A_527 = vector.broadcast %and3A_526 : i32 to vector<16xi32>
      %and3A_528 = arith.andi %get3A_504, %and3A_527 : vector<16xi32>
      %mul3A_529 = arith.constant 128 : i32
      %mul3A_530 = vector.broadcast %mul3A_529 : i32 to vector<16xi32>
      %mul3A_531 = arith.muli %and3A_528, %mul3A_530 : vector<16xi32>
      %add3A_532 = arith.addi %add3A_525, %mul3A_531 : vector<16xi32>
      %and3A_533 = arith.constant 127 : i32
      %and3A_534 = vector.broadcast %and3A_533 : i32 to vector<16xi32>
      %and3A_535 = arith.andi %get3A_508, %and3A_534 : vector<16xi32>
      %add3A_536 = arith.addi %add3A_532, %and3A_535 : vector<16xi32>
      %swap3A_537 = arith.index_cast %mul3A_498 : i32 to index
      %swap3A_538 = tpu.vector_load %arg8[%swap3A_537] {strides = array<i32>} : memref<4096xi32, #tpu.memory_space<vmem>>, vector<16xi32>,
      tpu.vector_store %arg8[%swap3A_537], %add3A_536 {strides = array<i32>} : memref<4096xi32, #tpu.memory_space<vmem>>, vector<16xi32>,
      %mul3A_539 = arith.constant 512 : i32
      %mul3A_540 = arith.muli %scan3A_192, %mul3A_539 : i32
      %add3A_541 = arith.constant 112 : i32
      %add3A_542 = arith.addi %mul3A_540, %add3A_541 : i32
      %mul3A_543 = arith.constant 8 : i32
      %mul3A_544 = arith.muli %scan3A_192, %mul3A_543 : i32
      %add3A_545 = arith.constant 7 : i32
      %add3A_546 = arith.addi %mul3A_544, %add3A_545 : i32
      %mul3A_547 = arith.constant 16 : i32
      %mul3A_548 = arith.muli %add3A_546, %mul3A_547 : i32
      %get3A_549 = arith.index_cast %add3A_542 : i32 to index
      %get3A_550 = tpu.vector_load %arg6[%get3A_549] {strides = array<i32>} : memref<16384xi32, #tpu.memory_space<vmem>>, vector<16xi32>,
      %add3A_551 = arith.constant 128 : i32
      %add3A_552 = arith.addi %add3A_542, %add3A_551 : i32
      %get3A_553 = arith.index_cast %add3A_552 : i32 to index
      %get3A_554 = tpu.vector_load %arg6[%get3A_553] {strides = array<i32>} : memref<16384xi32, #tpu.memory_space<vmem>>, vector<16xi32>,
      %add3A_555 = arith.constant 256 : i32
      %add3A_556 = arith.addi %add3A_542, %add3A_555 : i32
      %get3A_557 = arith.index_cast %add3A_556 : i32 to index
      %get3A_558 = tpu.vector_load %arg6[%get3A_557] {strides = array<i32>} : memref<16384xi32, #tpu.memory_space<vmem>>, vector<16xi32>,
      %mul3A_559 = arith.constant 65536 : i32
      %mul3A_560 = vector.broadcast %mul3A_559 : i32 to vector<16xi32>
      %mul3A_561 = arith.muli %get3A_550, %mul3A_560 : vector<16xi32>
      %shift_right_arithmetic3A_562 = arith.constant 3 : i32
      %shift_right_arithmetic3A_563 = vector.broadcast %shift_right_arithmetic3A_562 : i32 to vector<16xi32>
      %shift_right_arithmetic3A_564 = arith.shrsi %get3A_554, %shift_right_arithmetic3A_563 : vector<16xi32>
      %mul3A_565 = arith.constant 2048 : i32
      %mul3A_566 = vector.broadcast %mul3A_565 : i32 to vector<16xi32>
      %mul3A_567 = arith.muli %shift_right_arithmetic3A_564, %mul3A_566 : vector<16xi32>
      %add3A_568 = arith.addi %mul3A_561, %mul3A_567 : vector<16xi32>
      %shift_right_arithmetic3A_569 = arith.constant 7 : i32
      %shift_right_arithmetic3A_570 = vector.broadcast %shift_right_arithmetic3A_569 : i32 to vector<16xi32>
      %shift_right_arithmetic3A_571 = arith.shrsi %get3A_558, %shift_right_arithmetic3A_570 : vector<16xi32>
      %mul3A_572 = arith.constant 1024 : i32
      %mul3A_573 = vector.broadcast %mul3A_572 : i32 to vector<16xi32>
      %mul3A_574 = arith.muli %shift_right_arithmetic3A_571, %mul3A_573 : vector<16xi32>
      %add3A_575 = arith.addi %add3A_568, %mul3A_574 : vector<16xi32>
      %and3A_576 = arith.constant 7 : i32
      %and3A_577 = vector.broadcast %and3A_576 : i32 to vector<16xi32>
      %and3A_578 = arith.andi %get3A_554, %and3A_577 : vector<16xi32>
      %mul3A_579 = arith.constant 128 : i32
      %mul3A_580 = vector.broadcast %mul3A_579 : i32 to vector<16xi32>
      %mul3A_581 = arith.muli %and3A_578, %mul3A_580 : vector<16xi32>
      %add3A_582 = arith.addi %add3A_575, %mul3A_581 : vector<16xi32>
      %and3A_583 = arith.constant 127 : i32
      %and3A_584 = vector.broadcast %and3A_583 : i32 to vector<16xi32>
      %and3A_585 = arith.andi %get3A_558, %and3A_584 : vector<16xi32>
      %add3A_586 = arith.addi %add3A_582, %and3A_585 : vector<16xi32>
      %swap3A_587 = arith.index_cast %mul3A_548 : i32 to index
      %swap3A_588 = tpu.vector_load %arg8[%swap3A_587] {strides = array<i32>} : memref<4096xi32, #tpu.memory_space<vmem>>, vector<16xi32>,
      tpu.vector_store %arg8[%swap3A_587], %add3A_586 {strides = array<i32>} : memref<4096xi32, #tpu.memory_space<vmem>>, vector<16xi32>,
    }
    %scan3A_129 = arith.constant 32 : i32
    %dma_wait3A_130 = tpu.memref_slice %arg4[%add3A_113] : memref<1048576xf32, #tpu.memory_space<hbm>> -> memref<4096xf32, #tpu.memory_space<hbm>>
    %dma_wait3A_131 = tpu.memref_slice %arg4[%add3A_113] : memref<1048576xf32, #tpu.memory_space<hbm>> -> memref<4096xf32, #tpu.memory_space<hbm>>
    tpu.wait_dma2 semaphore(%arg16 : memref<!tpu.dma_semaphore, #tpu.memory_space<semaphore_mem>>) src(%arg10 : memref<4096xf32, #tpu.memory_space<vmem>>) dst(%dma_wait3A_131 : memref<4096xf32, #tpu.memory_space<hbm>>)
    %dma_start3A_132 = arith.constant 0 : i32
    %dma_start3A_133 = tpu.memref_slice %arg3[%dma_start3A_132] : memref<16777216xf32, #tpu.memory_space<hbm>> -> memref<16777216xf32, #tpu.memory_space<hbm>>
    tpu.enqueue_indirect_dma source(%dma_start3A_133 : memref<16777216xf32, #tpu.memory_space<hbm>>) target(%arg10 : memref<4096xf32, #tpu.memory_space<vmem>>) offsets(%arg8 : memref<4096xi32, #tpu.memory_space<vmem>>) semaphore(%arg14 : memref<!tpu.dma_semaphore, #tpu.memory_space<semaphore_mem>>)
    %dma_wait3A_134 = arith.constant 0 : i32
    %dma_wait3A_135 = tpu.memref_slice %arg3[%dma_wait3A_134] : memref<16777216xf32, #tpu.memory_space<hbm>> -> memref<16777216xf32, #tpu.memory_space<hbm>>
    tpu.wait_indirect_dma semaphore(%arg13 : memref<!tpu.dma_semaphore, #tpu.memory_space<semaphore_mem>>) src(%dma_wait3A_135 : memref<16777216xf32, #tpu.memory_space<hbm>>) dst(%arg9 : memref<4096xf32, #tpu.memory_space<vmem>>)
    %add3A_136 = arith.constant 16384 : i32
    %add3A_137 = arith.addi %mul3A_2, %add3A_136 : i32
    %dma_start3A_138 = tpu.memref_slice %arg4[%add3A_137] : memref<1048576xf32, #tpu.memory_space<hbm>> -> memref<4096xf32, #tpu.memory_space<hbm>>
    %dma_start3A_139 = tpu.memref_slice %arg4[%add3A_137] : memref<1048576xf32, #tpu.memory_space<hbm>> -> memref<4096xf32, #tpu.memory_space<hbm>>
    tpu.enqueue_dma source(%arg9 : memref<4096xf32, #tpu.memory_space<vmem>>) target(%dma_start3A_139 : memref<4096xf32, #tpu.memory_space<hbm>>) target_semaphore(%arg15 : memref<!tpu.dma_semaphore, #tpu.memory_space<semaphore_mem>>)
    %add3A_140 = arith.constant 28672 : i32
    %add3A_141 = arith.addi %mul3A_2, %add3A_140 : i32
    %mul3A_142 = arith.constant 4 : i32
    %mul3A_143 = arith.muli %mul3A_142, %add3A_141 : i32
    %dma_start3A_144 = tpu.memref_slice %arg2[%mul3A_143] : memref<4194304xi32, #tpu.memory_space<hbm>> -> memref<16384xi32, #tpu.memory_space<hbm>>
    %dma_start3A_145 = tpu.memref_slice %arg2[%mul3A_143] : memref<4194304xi32, #tpu.memory_space<hbm>> -> memref<16384xi32, #tpu.memory_space<hbm>>
    tpu.enqueue_dma source(%dma_start3A_145 : memref<16384xi32, #tpu.memory_space<hbm>>) target(%arg6 : memref<16384xi32, #tpu.memory_space<vmem>>) target_semaphore(%arg12 : memref<!tpu.dma_semaphore, #tpu.memory_space<semaphore_mem>>)
    %dma_wait3A_146 = tpu.memref_slice %arg2[%mul3A_119] : memref<4194304xi32, #tpu.memory_space<hbm>> -> memref<16384xi32, #tpu.memory_space<hbm>>
    %dma_wait3A_147 = tpu.memref_slice %arg2[%mul3A_119] : memref<4194304xi32, #tpu.memory_space<hbm>> -> memref<16384xi32, #tpu.memory_space<hbm>>
    tpu.wait_dma2 semaphore(%arg11 : memref<!tpu.dma_semaphore, #tpu.memory_space<semaphore_mem>>) src(%dma_wait3A_147 : memref<16384xi32, #tpu.memory_space<hbm>>) dst(%arg5 : memref<16384xi32, #tpu.memory_space<vmem>>)
    %scan3A_148 = arith.constant 0 : i32
    %scan3A_149 = arith.constant 0 : i32
    %scan3A_150 = arith.constant 32 : i32
    %scan3A_151 = arith.addi %scan3A_149, %scan3A_150 : i32
    %scan3A_152 = arith.constant 1 : i32
    scf.for %scan3A_192 = %scan3A_149 to %scan3A_151 step %scan3A_152  : i32 {
      %mul3A_193 = arith.constant 512 : i32
      %mul3A_194 = arith.muli %scan3A_192, %mul3A_193 : i32
      %add3A_195 = arith.constant 0 : i32
      %add3A_196 = arith.addi %mul3A_194, %add3A_195 : i32
      %mul3A_197 = arith.constant 8 : i32
      %mul3A_198 = arith.muli %scan3A_192, %mul3A_197 : i32
      %add3A_199 = arith.constant 0 : i32
      %add3A_200 = arith.addi %mul3A_198, %add3A_199 : i32
      %mul3A_201 = arith.constant 16 : i32
      %mul3A_202 = arith.muli %add3A_200, %mul3A_201 : i32
      %get3A = arith.index_cast %add3A_196 : i32 to index
      %get3A_203 = tpu.vector_load %arg5[%get3A] {strides = array<i32>} : memref<16384xi32, #tpu.memory_space<vmem>>, vector<16xi32>,
      %add3A_204 = arith.constant 128 : i32
      %add3A_205 = arith.addi %add3A_196, %add3A_204 : i32
      %get3A_206 = arith.index_cast %add3A_205 : i32 to index
      %get3A_207 = tpu.vector_load %arg5[%get3A_206] {strides = array<i32>} : memref<16384xi32, #tpu.memory_space<vmem>>, vector<16xi32>,
      %add3A_208 = arith.constant 256 : i32
      %add3A_209 = arith.addi %add3A_196, %add3A_208 : i32
      %get3A_210 = arith.index_cast %add3A_209 : i32 to index
      %get3A_211 = tpu.vector_load %arg5[%get3A_210] {strides = array<i32>} : memref<16384xi32, #tpu.memory_space<vmem>>, vector<16xi32>,
      %mul3A_212 = arith.constant 65536 : i32
      %mul3A_213 = vector.broadcast %mul3A_212 : i32 to vector<16xi32>
      %mul3A_214 = arith.muli %get3A_203, %mul3A_213 : vector<16xi32>
      %shift_right_arithmetic3A = arith.constant 3 : i32
      %shift_right_arithmetic3A_215 = vector.broadcast %shift_right_arithmetic3A : i32 to vector<16xi32>
      %shift_right_arithmetic3A_216 = arith.shrsi %get3A_207, %shift_right_arithmetic3A_215 : vector<16xi32>
      %mul3A_217 = arith.constant 2048 : i32
      %mul3A_218 = vector.broadcast %mul3A_217 : i32 to vector<16xi32>
      %mul3A_219 = arith.muli %shift_right_arithmetic3A_216, %mul3A_218 : vector<16xi32>
      %add3A_220 = arith.addi %mul3A_214, %mul3A_219 : vector<16xi32>
      %shift_right_arithmetic3A_221 = arith.constant 7 : i32
      %shift_right_arithmetic3A_222 = vector.broadcast %shift_right_arithmetic3A_221 : i32 to vector<16xi32>
      %shift_right_arithmetic3A_223 = arith.shrsi %get3A_211, %shift_right_arithmetic3A_222 : vector<16xi32>
      %mul3A_224 = arith.constant 1024 : i32
      %mul3A_225 = vector.broadcast %mul3A_224 : i32 to vector<16xi32>
      %mul3A_226 = arith.muli %shift_right_arithmetic3A_223, %mul3A_225 : vector<16xi32>
      %add3A_227 = arith.addi %add3A_220, %mul3A_226 : vector<16xi32>
      %and3A = arith.constant 7 : i32
      %and3A_228 = vector.broadcast %and3A : i32 to vector<16xi32>
      %and3A_229 = arith.andi %get3A_207, %and3A_228 : vector<16xi32>
      %mul3A_230 = arith.constant 128 : i32
      %mul3A_231 = vector.broadcast %mul3A_230 : i32 to vector<16xi32>
      %mul3A_232 = arith.muli %and3A_229, %mul3A_231 : vector<16xi32>
      %add3A_233 = arith.addi %add3A_227, %mul3A_232 : vector<16xi32>
      %and3A_234 = arith.constant 127 : i32
      %and3A_235 = vector.broadcast %and3A_234 : i32 to vector<16xi32>
      %and3A_236 = arith.andi %get3A_211, %and3A_235 : vector<16xi32>
      %add3A_237 = arith.addi %add3A_233, %and3A_236 : vector<16xi32>
      %swap3A = arith.index_cast %mul3A_202 : i32 to index
      %swap3A_238 = tpu.vector_load %arg7[%swap3A] {strides = array<i32>} : memref<4096xi32, #tpu.memory_space<vmem>>, vector<16xi32>,
      tpu.vector_store %arg7[%swap3A], %add3A_237 {strides = array<i32>} : memref<4096xi32, #tpu.memory_space<vmem>>, vector<16xi32>,
      %mul3A_239 = arith.constant 512 : i32
      %mul3A_240 = arith.muli %scan3A_192, %mul3A_239 : i32
      %add3A_241 = arith.constant 16 : i32
      %add3A_242 = arith.addi %mul3A_240, %add3A_241 : i32
      %mul3A_243 = arith.constant 8 : i32
      %mul3A_244 = arith.muli %scan3A_192, %mul3A_243 : i32
      %add3A_245 = arith.constant 1 : i32
      %add3A_246 = arith.addi %mul3A_244, %add3A_245 : i32
      %mul3A_247 = arith.constant 16 : i32
      %mul3A_248 = arith.muli %add3A_246, %mul3A_247 : i32
      %get3A_249 = arith.index_cast %add3A_242 : i32 to index
      %get3A_250 = tpu.vector_load %arg5[%get3A_249] {strides = array<i32>} : memref<16384xi32, #tpu.memory_space<vmem>>, vector<16xi32>,
      %add3A_251 = arith.constant 128 : i32
      %add3A_252 = arith.addi %add3A_242, %add3A_251 : i32
      %get3A_253 = arith.index_cast %add3A_252 : i32 to index
      %get3A_254 = tpu.vector_load %arg5[%get3A_253] {strides = array<i32>} : memref<16384xi32, #tpu.memory_space<vmem>>, vector<16xi32>,
      %add3A_255 = arith.constant 256 : i32
      %add3A_256 = arith.addi %add3A_242, %add3A_255 : i32
      %get3A_257 = arith.index_cast %add3A_256 : i32 to index
      %get3A_258 = tpu.vector_load %arg5[%get3A_257] {strides = array<i32>} : memref<16384xi32, #tpu.memory_space<vmem>>, vector<16xi32>,
      %mul3A_259 = arith.constant 65536 : i32
      %mul3A_260 = vector.broadcast %mul3A_259 : i32 to vector<16xi32>
      %mul3A_261 = arith.muli %get3A_250, %mul3A_260 : vector<16xi32>
      %shift_right_arithmetic3A_262 = arith.constant 3 : i32
      %shift_right_arithmetic3A_263 = vector.broadcast %shift_right_arithmetic3A_262 : i32 to vector<16xi32>
      %shift_right_arithmetic3A_264 = arith.shrsi %get3A_254, %shift_right_arithmetic3A_263 : vector<16xi32>
      %mul3A_265 = arith.constant 2048 : i32
      %mul3A_266 = vector.broadcast %mul3A_265 : i32 to vector<16xi32>
      %mul3A_267 = arith.muli %shift_right_arithmetic3A_264, %mul3A_266 : vector<16xi32>
      %add3A_268 = arith.addi %mul3A_261, %mul3A_267 : vector<16xi32>
      %shift_right_arithmetic3A_269 = arith.constant 7 : i32
      %shift_right_arithmetic3A_270 = vector.broadcast %shift_right_arithmetic3A_269 : i32 to vector<16xi32>
      %shift_right_arithmetic3A_271 = arith.shrsi %get3A_258, %shift_right_arithmetic3A_270 : vector<16xi32>
      %mul3A_272 = arith.constant 1024 : i32
      %mul3A_273 = vector.broadcast %mul3A_272 : i32 to vector<16xi32>
      %mul3A_274 = arith.muli %shift_right_arithmetic3A_271, %mul3A_273 : vector<16xi32>
      %add3A_275 = arith.addi %add3A_268, %mul3A_274 : vector<16xi32>
      %and3A_276 = arith.constant 7 : i32
      %and3A_277 = vector.broadcast %and3A_276 : i32 to vector<16xi32>
      %and3A_278 = arith.andi %get3A_254, %and3A_277 : vector<16xi32>
      %mul3A_279 = arith.constant 128 : i32
      %mul3A_280 = vector.broadcast %mul3A_279 : i32 to vector<16xi32>
      %mul3A_281 = arith.muli %and3A_278, %mul3A_280 : vector<16xi32>
      %add3A_282 = arith.addi %add3A_275, %mul3A_281 : vector<16xi32>
      %and3A_283 = arith.constant 127 : i32
      %and3A_284 = vector.broadcast %and3A_283 : i32 to vector<16xi32>
      %and3A_285 = arith.andi %get3A_258, %and3A_284 : vector<16xi32>
      %add3A_286 = arith.addi %add3A_282, %and3A_285 : vector<16xi32>
      %swap3A_287 = arith.index_cast %mul3A_248 : i32 to index
      %swap3A_288 = tpu.vector_load %arg7[%swap3A_287] {strides = array<i32>} : memref<4096xi32, #tpu.memory_space<vmem>>, vector<16xi32>,
      tpu.vector_store %arg7[%swap3A_287], %add3A_286 {strides = array<i32>} : memref<4096xi32, #tpu.memory_space<vmem>>, vector<16xi32>,
      %mul3A_289 = arith.constant 512 : i32
      %mul3A_290 = arith.muli %scan3A_192, %mul3A_289 : i32
      %add3A_291 = arith.constant 32 : i32
      %add3A_292 = arith.addi %mul3A_290, %add3A_291 : i32
      %mul3A_293 = arith.constant 8 : i32
      %mul3A_294 = arith.muli %scan3A_192, %mul3A_293 : i32
      %add3A_295 = arith.constant 2 : i32
      %add3A_296 = arith.addi %mul3A_294, %add3A_295 : i32
      %mul3A_297 = arith.constant 16 : i32
      %mul3A_298 = arith.muli %add3A_296, %mul3A_297 : i32
      %get3A_299 = arith.index_cast %add3A_292 : i32 to index
      %get3A_300 = tpu.vector_load %arg5[%get3A_299] {strides = array<i32>} : memref<16384xi32, #tpu.memory_space<vmem>>, vector<16xi32>,
      %add3A_301 = arith.constant 128 : i32
      %add3A_302 = arith.addi %add3A_292, %add3A_301 : i32
      %get3A_303 = arith.index_cast %add3A_302 : i32 to index
      %get3A_304 = tpu.vector_load %arg5[%get3A_303] {strides = array<i32>} : memref<16384xi32, #tpu.memory_space<vmem>>, vector<16xi32>,
      %add3A_305 = arith.constant 256 : i32
      %add3A_306 = arith.addi %add3A_292, %add3A_305 : i32
      %get3A_307 = arith.index_cast %add3A_306 : i32 to index
      %get3A_308 = tpu.vector_load %arg5[%get3A_307] {strides = array<i32>} : memref<16384xi32, #tpu.memory_space<vmem>>, vector<16xi32>,
      %mul3A_309 = arith.constant 65536 : i32
      %mul3A_310 = vector.broadcast %mul3A_309 : i32 to vector<16xi32>
      %mul3A_311 = arith.muli %get3A_300, %mul3A_310 : vector<16xi32>
      %shift_right_arithmetic3A_312 = arith.constant 3 : i32
      %shift_right_arithmetic3A_313 = vector.broadcast %shift_right_arithmetic3A_312 : i32 to vector<16xi32>
      %shift_right_arithmetic3A_314 = arith.shrsi %get3A_304, %shift_right_arithmetic3A_313 : vector<16xi32>
      %mul3A_315 = arith.constant 2048 : i32
      %mul3A_316 = vector.broadcast %mul3A_315 : i32 to vector<16xi32>
      %mul3A_317 = arith.muli %shift_right_arithmetic3A_314, %mul3A_316 : vector<16xi32>
      %add3A_318 = arith.addi %mul3A_311, %mul3A_317 : vector<16xi32>
      %shift_right_arithmetic3A_319 = arith.constant 7 : i32
      %shift_right_arithmetic3A_320 = vector.broadcast %shift_right_arithmetic3A_319 : i32 to vector<16xi32>
      %shift_right_arithmetic3A_321 = arith.shrsi %get3A_308, %shift_right_arithmetic3A_320 : vector<16xi32>
      %mul3A_322 = arith.constant 1024 : i32
      %mul3A_323 = vector.broadcast %mul3A_322 : i32 to vector<16xi32>
      %mul3A_324 = arith.muli %shift_right_arithmetic3A_321, %mul3A_323 : vector<16xi32>
      %add3A_325 = arith.addi %add3A_318, %mul3A_324 : vector<16xi32>
      %and3A_326 = arith.constant 7 : i32
      %and3A_327 = vector.broadcast %and3A_326 : i32 to vector<16xi32>
      %and3A_328 = arith.andi %get3A_304, %and3A_327 : vector<16xi32>
      %mul3A_329 = arith.constant 128 : i32
      %mul3A_330 = vector.broadcast %mul3A_329 : i32 to vector<16xi32>
      %mul3A_331 = arith.muli %and3A_328, %mul3A_330 : vector<16xi32>
      %add3A_332 = arith.addi %add3A_325, %mul3A_331 : vector<16xi32>
      %and3A_333 = arith.constant 127 : i32
      %and3A_334 = vector.broadcast %and3A_333 : i32 to vector<16xi32>
      %and3A_335 = arith.andi %get3A_308, %and3A_334 : vector<16xi32>
      %add3A_336 = arith.addi %add3A_332, %and3A_335 : vector<16xi32>
      %swap3A_337 = arith.index_cast %mul3A_298 : i32 to index
      %swap3A_338 = tpu.vector_load %arg7[%swap3A_337] {strides = array<i32>} : memref<4096xi32, #tpu.memory_space<vmem>>, vector<16xi32>,
      tpu.vector_store %arg7[%swap3A_337], %add3A_336 {strides = array<i32>} : memref<4096xi32, #tpu.memory_space<vmem>>, vector<16xi32>,
      %mul3A_339 = arith.constant 512 : i32
      %mul3A_340 = arith.muli %scan3A_192, %mul3A_339 : i32
      %add3A_341 = arith.constant 48 : i32
      %add3A_342 = arith.addi %mul3A_340, %add3A_341 : i32
      %mul3A_343 = arith.constant 8 : i32
      %mul3A_344 = arith.muli %scan3A_192, %mul3A_343 : i32
      %add3A_345 = arith.constant 3 : i32
      %add3A_346 = arith.addi %mul3A_344, %add3A_345 : i32
      %mul3A_347 = arith.constant 16 : i32
      %mul3A_348 = arith.muli %add3A_346, %mul3A_347 : i32
      %get3A_349 = arith.index_cast %add3A_342 : i32 to index
      %get3A_350 = tpu.vector_load %arg5[%get3A_349] {strides = array<i32>} : memref<16384xi32, #tpu.memory_space<vmem>>, vector<16xi32>,
      %add3A_351 = arith.constant 128 : i32
      %add3A_352 = arith.addi %add3A_342, %add3A_351 : i32
      %get3A_353 = arith.index_cast %add3A_352 : i32 to index
      %get3A_354 = tpu.vector_load %arg5[%get3A_353] {strides = array<i32>} : memref<16384xi32, #tpu.memory_space<vmem>>, vector<16xi32>,
      %add3A_355 = arith.constant 256 : i32
      %add3A_356 = arith.addi %add3A_342, %add3A_355 : i32
      %get3A_357 = arith.index_cast %add3A_356 : i32 to index
      %get3A_358 = tpu.vector_load %arg5[%get3A_357] {strides = array<i32>} : memref<16384xi32, #tpu.memory_space<vmem>>, vector<16xi32>,
      %mul3A_359 = arith.constant 65536 : i32
      %mul3A_360 = vector.broadcast %mul3A_359 : i32 to vector<16xi32>
      %mul3A_361 = arith.muli %get3A_350, %mul3A_360 : vector<16xi32>
      %shift_right_arithmetic3A_362 = arith.constant 3 : i32
      %shift_right_arithmetic3A_363 = vector.broadcast %shift_right_arithmetic3A_362 : i32 to vector<16xi32>
      %shift_right_arithmetic3A_364 = arith.shrsi %get3A_354, %shift_right_arithmetic3A_363 : vector<16xi32>
      %mul3A_365 = arith.constant 2048 : i32
      %mul3A_366 = vector.broadcast %mul3A_365 : i32 to vector<16xi32>
      %mul3A_367 = arith.muli %shift_right_arithmetic3A_364, %mul3A_366 : vector<16xi32>
      %add3A_368 = arith.addi %mul3A_361, %mul3A_367 : vector<16xi32>
      %shift_right_arithmetic3A_369 = arith.constant 7 : i32
      %shift_right_arithmetic3A_370 = vector.broadcast %shift_right_arithmetic3A_369 : i32 to vector<16xi32>
      %shift_right_arithmetic3A_371 = arith.shrsi %get3A_358, %shift_right_arithmetic3A_370 : vector<16xi32>
      %mul3A_372 = arith.constant 1024 : i32
      %mul3A_373 = vector.broadcast %mul3A_372 : i32 to vector<16xi32>
      %mul3A_374 = arith.muli %shift_right_arithmetic3A_371, %mul3A_373 : vector<16xi32>
      %add3A_375 = arith.addi %add3A_368, %mul3A_374 : vector<16xi32>
      %and3A_376 = arith.constant 7 : i32
      %and3A_377 = vector.broadcast %and3A_376 : i32 to vector<16xi32>
      %and3A_378 = arith.andi %get3A_354, %and3A_377 : vector<16xi32>
      %mul3A_379 = arith.constant 128 : i32
      %mul3A_380 = vector.broadcast %mul3A_379 : i32 to vector<16xi32>
      %mul3A_381 = arith.muli %and3A_378, %mul3A_380 : vector<16xi32>
      %add3A_382 = arith.addi %add3A_375, %mul3A_381 : vector<16xi32>
      %and3A_383 = arith.constant 127 : i32
      %and3A_384 = vector.broadcast %and3A_383 : i32 to vector<16xi32>
      %and3A_385 = arith.andi %get3A_358, %and3A_384 : vector<16xi32>
      %add3A_386 = arith.addi %add3A_382, %and3A_385 : vector<16xi32>
      %swap3A_387 = arith.index_cast %mul3A_348 : i32 to index
      %swap3A_388 = tpu.vector_load %arg7[%swap3A_387] {strides = array<i32>} : memref<4096xi32, #tpu.memory_space<vmem>>, vector<16xi32>,
      tpu.vector_store %arg7[%swap3A_387], %add3A_386 {strides = array<i32>} : memref<4096xi32, #tpu.memory_space<vmem>>, vector<16xi32>,
      %mul3A_389 = arith.constant 512 : i32
      %mul3A_390 = arith.muli %scan3A_192, %mul3A_389 : i32
      %add3A_391 = arith.constant 64 : i32
      %add3A_392 = arith.addi %mul3A_390, %add3A_391 : i32
      %mul3A_393 = arith.constant 8 : i32
      %mul3A_394 = arith.muli %scan3A_192, %mul3A_393 : i32
      %add3A_395 = arith.constant 4 : i32
      %add3A_396 = arith.addi %mul3A_394, %add3A_395 : i32
      %mul3A_397 = arith.constant 16 : i32
      %mul3A_398 = arith.muli %add3A_396, %mul3A_397 : i32
      %get3A_399 = arith.index_cast %add3A_392 : i32 to index
      %get3A_400 = tpu.vector_load %arg5[%get3A_399] {strides = array<i32>} : memref<16384xi32, #tpu.memory_space<vmem>>, vector<16xi32>,
      %add3A_401 = arith.constant 128 : i32
      %add3A_402 = arith.addi %add3A_392, %add3A_401 : i32
      %get3A_403 = arith.index_cast %add3A_402 : i32 to index
      %get3A_404 = tpu.vector_load %arg5[%get3A_403] {strides = array<i32>} : memref<16384xi32, #tpu.memory_space<vmem>>, vector<16xi32>,
      %add3A_405 = arith.constant 256 : i32
      %add3A_406 = arith.addi %add3A_392, %add3A_405 : i32
      %get3A_407 = arith.index_cast %add3A_406 : i32 to index
      %get3A_408 = tpu.vector_load %arg5[%get3A_407] {strides = array<i32>} : memref<16384xi32, #tpu.memory_space<vmem>>, vector<16xi32>,
      %mul3A_409 = arith.constant 65536 : i32
      %mul3A_410 = vector.broadcast %mul3A_409 : i32 to vector<16xi32>
      %mul3A_411 = arith.muli %get3A_400, %mul3A_410 : vector<16xi32>
      %shift_right_arithmetic3A_412 = arith.constant 3 : i32
      %shift_right_arithmetic3A_413 = vector.broadcast %shift_right_arithmetic3A_412 : i32 to vector<16xi32>
      %shift_right_arithmetic3A_414 = arith.shrsi %get3A_404, %shift_right_arithmetic3A_413 : vector<16xi32>
      %mul3A_415 = arith.constant 2048 : i32
      %mul3A_416 = vector.broadcast %mul3A_415 : i32 to vector<16xi32>
      %mul3A_417 = arith.muli %shift_right_arithmetic3A_414, %mul3A_416 : vector<16xi32>
      %add3A_418 = arith.addi %mul3A_411, %mul3A_417 : vector<16xi32>
      %shift_right_arithmetic3A_419 = arith.constant 7 : i32
      %shift_right_arithmetic3A_420 = vector.broadcast %shift_right_arithmetic3A_419 : i32 to vector<16xi32>
      %shift_right_arithmetic3A_421 = arith.shrsi %get3A_408, %shift_right_arithmetic3A_420 : vector<16xi32>
      %mul3A_422 = arith.constant 1024 : i32
      %mul3A_423 = vector.broadcast %mul3A_422 : i32 to vector<16xi32>
      %mul3A_424 = arith.muli %shift_right_arithmetic3A_421, %mul3A_423 : vector<16xi32>
      %add3A_425 = arith.addi %add3A_418, %mul3A_424 : vector<16xi32>
      %and3A_426 = arith.constant 7 : i32
      %and3A_427 = vector.broadcast %and3A_426 : i32 to vector<16xi32>
      %and3A_428 = arith.andi %get3A_404, %and3A_427 : vector<16xi32>
      %mul3A_429 = arith.constant 128 : i32
      %mul3A_430 = vector.broadcast %mul3A_429 : i32 to vector<16xi32>
      %mul3A_431 = arith.muli %and3A_428, %mul3A_430 : vector<16xi32>
      %add3A_432 = arith.addi %add3A_425, %mul3A_431 : vector<16xi32>
      %and3A_433 = arith.constant 127 : i32
      %and3A_434 = vector.broadcast %and3A_433 : i32 to vector<16xi32>
      %and3A_435 = arith.andi %get3A_408, %and3A_434 : vector<16xi32>
      %add3A_436 = arith.addi %add3A_432, %and3A_435 : vector<16xi32>
      %swap3A_437 = arith.index_cast %mul3A_398 : i32 to index
      %swap3A_438 = tpu.vector_load %arg7[%swap3A_437] {strides = array<i32>} : memref<4096xi32, #tpu.memory_space<vmem>>, vector<16xi32>,
      tpu.vector_store %arg7[%swap3A_437], %add3A_436 {strides = array<i32>} : memref<4096xi32, #tpu.memory_space<vmem>>, vector<16xi32>,
      %mul3A_439 = arith.constant 512 : i32
      %mul3A_440 = arith.muli %scan3A_192, %mul3A_439 : i32
      %add3A_441 = arith.constant 80 : i32
      %add3A_442 = arith.addi %mul3A_440, %add3A_441 : i32
      %mul3A_443 = arith.constant 8 : i32
      %mul3A_444 = arith.muli %scan3A_192, %mul3A_443 : i32
      %add3A_445 = arith.constant 5 : i32
      %add3A_446 = arith.addi %mul3A_444, %add3A_445 : i32
      %mul3A_447 = arith.constant 16 : i32
      %mul3A_448 = arith.muli %add3A_446, %mul3A_447 : i32
      %get3A_449 = arith.index_cast %add3A_442 : i32 to index
      %get3A_450 = tpu.vector_load %arg5[%get3A_449] {strides = array<i32>} : memref<16384xi32, #tpu.memory_space<vmem>>, vector<16xi32>,
      %add3A_451 = arith.constant 128 : i32
      %add3A_452 = arith.addi %add3A_442, %add3A_451 : i32
      %get3A_453 = arith.index_cast %add3A_452 : i32 to index
      %get3A_454 = tpu.vector_load %arg5[%get3A_453] {strides = array<i32>} : memref<16384xi32, #tpu.memory_space<vmem>>, vector<16xi32>,
      %add3A_455 = arith.constant 256 : i32
      %add3A_456 = arith.addi %add3A_442, %add3A_455 : i32
      %get3A_457 = arith.index_cast %add3A_456 : i32 to index
      %get3A_458 = tpu.vector_load %arg5[%get3A_457] {strides = array<i32>} : memref<16384xi32, #tpu.memory_space<vmem>>, vector<16xi32>,
      %mul3A_459 = arith.constant 65536 : i32
      %mul3A_460 = vector.broadcast %mul3A_459 : i32 to vector<16xi32>
      %mul3A_461 = arith.muli %get3A_450, %mul3A_460 : vector<16xi32>
      %shift_right_arithmetic3A_462 = arith.constant 3 : i32
      %shift_right_arithmetic3A_463 = vector.broadcast %shift_right_arithmetic3A_462 : i32 to vector<16xi32>
      %shift_right_arithmetic3A_464 = arith.shrsi %get3A_454, %shift_right_arithmetic3A_463 : vector<16xi32>
      %mul3A_465 = arith.constant 2048 : i32
      %mul3A_466 = vector.broadcast %mul3A_465 : i32 to vector<16xi32>
      %mul3A_467 = arith.muli %shift_right_arithmetic3A_464, %mul3A_466 : vector<16xi32>
      %add3A_468 = arith.addi %mul3A_461, %mul3A_467 : vector<16xi32>
      %shift_right_arithmetic3A_469 = arith.constant 7 : i32
      %shift_right_arithmetic3A_470 = vector.broadcast %shift_right_arithmetic3A_469 : i32 to vector<16xi32>
      %shift_right_arithmetic3A_471 = arith.shrsi %get3A_458, %shift_right_arithmetic3A_470 : vector<16xi32>
      %mul3A_472 = arith.constant 1024 : i32
      %mul3A_473 = vector.broadcast %mul3A_472 : i32 to vector<16xi32>
      %mul3A_474 = arith.muli %shift_right_arithmetic3A_471, %mul3A_473 : vector<16xi32>
      %add3A_475 = arith.addi %add3A_468, %mul3A_474 : vector<16xi32>
      %and3A_476 = arith.constant 7 : i32
      %and3A_477 = vector.broadcast %and3A_476 : i32 to vector<16xi32>
      %and3A_478 = arith.andi %get3A_454, %and3A_477 : vector<16xi32>
      %mul3A_479 = arith.constant 128 : i32
      %mul3A_480 = vector.broadcast %mul3A_479 : i32 to vector<16xi32>
      %mul3A_481 = arith.muli %and3A_478, %mul3A_480 : vector<16xi32>
      %add3A_482 = arith.addi %add3A_475, %mul3A_481 : vector<16xi32>
      %and3A_483 = arith.constant 127 : i32
      %and3A_484 = vector.broadcast %and3A_483 : i32 to vector<16xi32>
      %and3A_485 = arith.andi %get3A_458, %and3A_484 : vector<16xi32>
      %add3A_486 = arith.addi %add3A_482, %and3A_485 : vector<16xi32>
      %swap3A_487 = arith.index_cast %mul3A_448 : i32 to index
      %swap3A_488 = tpu.vector_load %arg7[%swap3A_487] {strides = array<i32>} : memref<4096xi32, #tpu.memory_space<vmem>>, vector<16xi32>,
      tpu.vector_store %arg7[%swap3A_487], %add3A_486 {strides = array<i32>} : memref<4096xi32, #tpu.memory_space<vmem>>, vector<16xi32>,
      %mul3A_489 = arith.constant 512 : i32
      %mul3A_490 = arith.muli %scan3A_192, %mul3A_489 : i32
      %add3A_491 = arith.constant 96 : i32
      %add3A_492 = arith.addi %mul3A_490, %add3A_491 : i32
      %mul3A_493 = arith.constant 8 : i32
      %mul3A_494 = arith.muli %scan3A_192, %mul3A_493 : i32
      %add3A_495 = arith.constant 6 : i32
      %add3A_496 = arith.addi %mul3A_494, %add3A_495 : i32
      %mul3A_497 = arith.constant 16 : i32
      %mul3A_498 = arith.muli %add3A_496, %mul3A_497 : i32
      %get3A_499 = arith.index_cast %add3A_492 : i32 to index
      %get3A_500 = tpu.vector_load %arg5[%get3A_499] {strides = array<i32>} : memref<16384xi32, #tpu.memory_space<vmem>>, vector<16xi32>,
      %add3A_501 = arith.constant 128 : i32
      %add3A_502 = arith.addi %add3A_492, %add3A_501 : i32
      %get3A_503 = arith.index_cast %add3A_502 : i32 to index
      %get3A_504 = tpu.vector_load %arg5[%get3A_503] {strides = array<i32>} : memref<16384xi32, #tpu.memory_space<vmem>>, vector<16xi32>,
      %add3A_505 = arith.constant 256 : i32
      %add3A_506 = arith.addi %add3A_492, %add3A_505 : i32
      %get3A_507 = arith.index_cast %add3A_506 : i32 to index
      %get3A_508 = tpu.vector_load %arg5[%get3A_507] {strides = array<i32>} : memref<16384xi32, #tpu.memory_space<vmem>>, vector<16xi32>,
      %mul3A_509 = arith.constant 65536 : i32
      %mul3A_510 = vector.broadcast %mul3A_509 : i32 to vector<16xi32>
      %mul3A_511 = arith.muli %get3A_500, %mul3A_510 : vector<16xi32>
      %shift_right_arithmetic3A_512 = arith.constant 3 : i32
      %shift_right_arithmetic3A_513 = vector.broadcast %shift_right_arithmetic3A_512 : i32 to vector<16xi32>
      %shift_right_arithmetic3A_514 = arith.shrsi %get3A_504, %shift_right_arithmetic3A_513 : vector<16xi32>
      %mul3A_515 = arith.constant 2048 : i32
      %mul3A_516 = vector.broadcast %mul3A_515 : i32 to vector<16xi32>
      %mul3A_517 = arith.muli %shift_right_arithmetic3A_514, %mul3A_516 : vector<16xi32>
      %add3A_518 = arith.addi %mul3A_511, %mul3A_517 : vector<16xi32>
      %shift_right_arithmetic3A_519 = arith.constant 7 : i32
      %shift_right_arithmetic3A_520 = vector.broadcast %shift_right_arithmetic3A_519 : i32 to vector<16xi32>
      %shift_right_arithmetic3A_521 = arith.shrsi %get3A_508, %shift_right_arithmetic3A_520 : vector<16xi32>
      %mul3A_522 = arith.constant 1024 : i32
      %mul3A_523 = vector.broadcast %mul3A_522 : i32 to vector<16xi32>
      %mul3A_524 = arith.muli %shift_right_arithmetic3A_521, %mul3A_523 : vector<16xi32>
      %add3A_525 = arith.addi %add3A_518, %mul3A_524 : vector<16xi32>
      %and3A_526 = arith.constant 7 : i32
      %and3A_527 = vector.broadcast %and3A_526 : i32 to vector<16xi32>
      %and3A_528 = arith.andi %get3A_504, %and3A_527 : vector<16xi32>
      %mul3A_529 = arith.constant 128 : i32
      %mul3A_530 = vector.broadcast %mul3A_529 : i32 to vector<16xi32>
      %mul3A_531 = arith.muli %and3A_528, %mul3A_530 : vector<16xi32>
      %add3A_532 = arith.addi %add3A_525, %mul3A_531 : vector<16xi32>
      %and3A_533 = arith.constant 127 : i32
      %and3A_534 = vector.broadcast %and3A_533 : i32 to vector<16xi32>
      %and3A_535 = arith.andi %get3A_508, %and3A_534 : vector<16xi32>
      %add3A_536 = arith.addi %add3A_532, %and3A_535 : vector<16xi32>
      %swap3A_537 = arith.index_cast %mul3A_498 : i32 to index
      %swap3A_538 = tpu.vector_load %arg7[%swap3A_537] {strides = array<i32>} : memref<4096xi32, #tpu.memory_space<vmem>>, vector<16xi32>,
      tpu.vector_store %arg7[%swap3A_537], %add3A_536 {strides = array<i32>} : memref<4096xi32, #tpu.memory_space<vmem>>, vector<16xi32>,
      %mul3A_539 = arith.constant 512 : i32
      %mul3A_540 = arith.muli %scan3A_192, %mul3A_539 : i32
      %add3A_541 = arith.constant 112 : i32
      %add3A_542 = arith.addi %mul3A_540, %add3A_541 : i32
      %mul3A_543 = arith.constant 8 : i32
      %mul3A_544 = arith.muli %scan3A_192, %mul3A_543 : i32
      %add3A_545 = arith.constant 7 : i32
      %add3A_546 = arith.addi %mul3A_544, %add3A_545 : i32
      %mul3A_547 = arith.constant 16 : i32
      %mul3A_548 = arith.muli %add3A_546, %mul3A_547 : i32
      %get3A_549 = arith.index_cast %add3A_542 : i32 to index
      %get3A_550 = tpu.vector_load %arg5[%get3A_549] {strides = array<i32>} : memref<16384xi32, #tpu.memory_space<vmem>>, vector<16xi32>,
      %add3A_551 = arith.constant 128 : i32
      %add3A_552 = arith.addi %add3A_542, %add3A_551 : i32
      %get3A_553 = arith.index_cast %add3A_552 : i32 to index
      %get3A_554 = tpu.vector_load %arg5[%get3A_553] {strides = array<i32>} : memref<16384xi32, #tpu.memory_space<vmem>>, vector<16xi32>,
      %add3A_555 = arith.constant 256 : i32
      %add3A_556 = arith.addi %add3A_542, %add3A_555 : i32
      %get3A_557 = arith.index_cast %add3A_556 : i32 to index
      %get3A_558 = tpu.vector_load %arg5[%get3A_557] {strides = array<i32>} : memref<16384xi32, #tpu.memory_space<vmem>>, vector<16xi32>,
      %mul3A_559 = arith.constant 65536 : i32
      %mul3A_560 = vector.broadcast %mul3A_559 : i32 to vector<16xi32>
      %mul3A_561 = arith.muli %get3A_550, %mul3A_560 : vector<16xi32>
      %shift_right_arithmetic3A_562 = arith.constant 3 : i32
      %shift_right_arithmetic3A_563 = vector.broadcast %shift_right_arithmetic3A_562 : i32 to vector<16xi32>
      %shift_right_arithmetic3A_564 = arith.shrsi %get3A_554, %shift_right_arithmetic3A_563 : vector<16xi32>
      %mul3A_565 = arith.constant 2048 : i32
      %mul3A_566 = vector.broadcast %mul3A_565 : i32 to vector<16xi32>
      %mul3A_567 = arith.muli %shift_right_arithmetic3A_564, %mul3A_566 : vector<16xi32>
      %add3A_568 = arith.addi %mul3A_561, %mul3A_567 : vector<16xi32>
      %shift_right_arithmetic3A_569 = arith.constant 7 : i32
      %shift_right_arithmetic3A_570 = vector.broadcast %shift_right_arithmetic3A_569 : i32 to vector<16xi32>
      %shift_right_arithmetic3A_571 = arith.shrsi %get3A_558, %shift_right_arithmetic3A_570 : vector<16xi32>
      %mul3A_572 = arith.constant 1024 : i32
      %mul3A_573 = vector.broadcast %mul3A_572 : i32 to vector<16xi32>
      %mul3A_574 = arith.muli %shift_right_arithmetic3A_571, %mul3A_573 : vector<16xi32>
      %add3A_575 = arith.addi %add3A_568, %mul3A_574 : vector<16xi32>
      %and3A_576 = arith.constant 7 : i32
      %and3A_577 = vector.broadcast %and3A_576 : i32 to vector<16xi32>
      %and3A_578 = arith.andi %get3A_554, %and3A_577 : vector<16xi32>
      %mul3A_579 = arith.constant 128 : i32
      %mul3A_580 = vector.broadcast %mul3A_579 : i32 to vector<16xi32>
      %mul3A_581 = arith.muli %and3A_578, %mul3A_580 : vector<16xi32>
      %add3A_582 = arith.addi %add3A_575, %mul3A_581 : vector<16xi32>
      %and3A_583 = arith.constant 127 : i32
      %and3A_584 = vector.broadcast %and3A_583 : i32 to vector<16xi32>
      %and3A_585 = arith.andi %get3A_558, %and3A_584 : vector<16xi32>
      %add3A_586 = arith.addi %add3A_582, %and3A_585 : vector<16xi32>
      %swap3A_587 = arith.index_cast %mul3A_548 : i32 to index
      %swap3A_588 = tpu.vector_load %arg7[%swap3A_587] {strides = array<i32>} : memref<4096xi32, #tpu.memory_space<vmem>>, vector<16xi32>,
      tpu.vector_store %arg7[%swap3A_587], %add3A_586 {strides = array<i32>} : memref<4096xi32, #tpu.memory_space<vmem>>, vector<16xi32>,
    }
    %scan3A_153 = arith.constant 32 : i32
    %dma_wait3A_154 = tpu.memref_slice %arg4[%add3A_137] : memref<1048576xf32, #tpu.memory_space<hbm>> -> memref<4096xf32, #tpu.memory_space<hbm>>
    %dma_wait3A_155 = tpu.memref_slice %arg4[%add3A_137] : memref<1048576xf32, #tpu.memory_space<hbm>> -> memref<4096xf32, #tpu.memory_space<hbm>>
    tpu.wait_dma2 semaphore(%arg15 : memref<!tpu.dma_semaphore, #tpu.memory_space<semaphore_mem>>) src(%arg9 : memref<4096xf32, #tpu.memory_space<vmem>>) dst(%dma_wait3A_155 : memref<4096xf32, #tpu.memory_space<hbm>>)
    %dma_start3A_156 = arith.constant 0 : i32
    %dma_start3A_157 = tpu.memref_slice %arg3[%dma_start3A_156] : memref<16777216xf32, #tpu.memory_space<hbm>> -> memref<16777216xf32, #tpu.memory_space<hbm>>
    tpu.enqueue_indirect_dma source(%dma_start3A_157 : memref<16777216xf32, #tpu.memory_space<hbm>>) target(%arg9 : memref<4096xf32, #tpu.memory_space<vmem>>) offsets(%arg7 : memref<4096xi32, #tpu.memory_space<vmem>>) semaphore(%arg13 : memref<!tpu.dma_semaphore, #tpu.memory_space<semaphore_mem>>)
    %dma_wait3A_158 = arith.constant 0 : i32
    %dma_wait3A_159 = tpu.memref_slice %arg3[%dma_wait3A_158] : memref<16777216xf32, #tpu.memory_space<hbm>> -> memref<16777216xf32, #tpu.memory_space<hbm>>
    tpu.wait_indirect_dma semaphore(%arg14 : memref<!tpu.dma_semaphore, #tpu.memory_space<semaphore_mem>>) src(%dma_wait3A_159 : memref<16777216xf32, #tpu.memory_space<hbm>>) dst(%arg10 : memref<4096xf32, #tpu.memory_space<vmem>>)
    %add3A_160 = arith.constant 20480 : i32
    %add3A_161 = arith.addi %mul3A_2, %add3A_160 : i32
    %dma_start3A_162 = tpu.memref_slice %arg4[%add3A_161] : memref<1048576xf32, #tpu.memory_space<hbm>> -> memref<4096xf32, #tpu.memory_space<hbm>>
    %dma_start3A_163 = tpu.memref_slice %arg4[%add3A_161] : memref<1048576xf32, #tpu.memory_space<hbm>> -> memref<4096xf32, #tpu.memory_space<hbm>>
    tpu.enqueue_dma source(%arg10 : memref<4096xf32, #tpu.memory_space<vmem>>) target(%dma_start3A_163 : memref<4096xf32, #tpu.memory_space<hbm>>) target_semaphore(%arg16 : memref<!tpu.dma_semaphore, #tpu.memory_space<semaphore_mem>>)
    %dma_wait3A_164 = tpu.memref_slice %arg2[%mul3A_143] : memref<4194304xi32, #tpu.memory_space<hbm>> -> memref<16384xi32, #tpu.memory_space<hbm>>
    %dma_wait3A_165 = tpu.memref_slice %arg2[%mul3A_143] : memref<4194304xi32, #tpu.memory_space<hbm>> -> memref<16384xi32, #tpu.memory_space<hbm>>
    tpu.wait_dma2 semaphore(%arg12 : memref<!tpu.dma_semaphore, #tpu.memory_space<semaphore_mem>>) src(%dma_wait3A_165 : memref<16384xi32, #tpu.memory_space<hbm>>) dst(%arg6 : memref<16384xi32, #tpu.memory_space<vmem>>)
    %scan3A_166 = arith.constant 0 : i32
    %scan3A_167 = arith.constant 0 : i32
    %scan3A_168 = arith.constant 32 : i32
    %scan3A_169 = arith.addi %scan3A_167, %scan3A_168 : i32
    %scan3A_170 = arith.constant 1 : i32
    scf.for %scan3A_192 = %scan3A_167 to %scan3A_169 step %scan3A_170  : i32 {
      %mul3A_193 = arith.constant 512 : i32
      %mul3A_194 = arith.muli %scan3A_192, %mul3A_193 : i32
      %add3A_195 = arith.constant 0 : i32
      %add3A_196 = arith.addi %mul3A_194, %add3A_195 : i32
      %mul3A_197 = arith.constant 8 : i32
      %mul3A_198 = arith.muli %scan3A_192, %mul3A_197 : i32
      %add3A_199 = arith.constant 0 : i32
      %add3A_200 = arith.addi %mul3A_198, %add3A_199 : i32
      %mul3A_201 = arith.constant 16 : i32
      %mul3A_202 = arith.muli %add3A_200, %mul3A_201 : i32
      %get3A = arith.index_cast %add3A_196 : i32 to index
      %get3A_203 = tpu.vector_load %arg6[%get3A] {strides = array<i32>} : memref<16384xi32, #tpu.memory_space<vmem>>, vector<16xi32>,
      %add3A_204 = arith.constant 128 : i32
      %add3A_205 = arith.addi %add3A_196, %add3A_204 : i32
      %get3A_206 = arith.index_cast %add3A_205 : i32 to index
      %get3A_207 = tpu.vector_load %arg6[%get3A_206] {strides = array<i32>} : memref<16384xi32, #tpu.memory_space<vmem>>, vector<16xi32>,
      %add3A_208 = arith.constant 256 : i32
      %add3A_209 = arith.addi %add3A_196, %add3A_208 : i32
      %get3A_210 = arith.index_cast %add3A_209 : i32 to index
      %get3A_211 = tpu.vector_load %arg6[%get3A_210] {strides = array<i32>} : memref<16384xi32, #tpu.memory_space<vmem>>, vector<16xi32>,
      %mul3A_212 = arith.constant 65536 : i32
      %mul3A_213 = vector.broadcast %mul3A_212 : i32 to vector<16xi32>
      %mul3A_214 = arith.muli %get3A_203, %mul3A_213 : vector<16xi32>
      %shift_right_arithmetic3A = arith.constant 3 : i32
      %shift_right_arithmetic3A_215 = vector.broadcast %shift_right_arithmetic3A : i32 to vector<16xi32>
      %shift_right_arithmetic3A_216 = arith.shrsi %get3A_207, %shift_right_arithmetic3A_215 : vector<16xi32>
      %mul3A_217 = arith.constant 2048 : i32
      %mul3A_218 = vector.broadcast %mul3A_217 : i32 to vector<16xi32>
      %mul3A_219 = arith.muli %shift_right_arithmetic3A_216, %mul3A_218 : vector<16xi32>
      %add3A_220 = arith.addi %mul3A_214, %mul3A_219 : vector<16xi32>
      %shift_right_arithmetic3A_221 = arith.constant 7 : i32
      %shift_right_arithmetic3A_222 = vector.broadcast %shift_right_arithmetic3A_221 : i32 to vector<16xi32>
      %shift_right_arithmetic3A_223 = arith.shrsi %get3A_211, %shift_right_arithmetic3A_222 : vector<16xi32>
      %mul3A_224 = arith.constant 1024 : i32
      %mul3A_225 = vector.broadcast %mul3A_224 : i32 to vector<16xi32>
      %mul3A_226 = arith.muli %shift_right_arithmetic3A_223, %mul3A_225 : vector<16xi32>
      %add3A_227 = arith.addi %add3A_220, %mul3A_226 : vector<16xi32>
      %and3A = arith.constant 7 : i32
      %and3A_228 = vector.broadcast %and3A : i32 to vector<16xi32>
      %and3A_229 = arith.andi %get3A_207, %and3A_228 : vector<16xi32>
      %mul3A_230 = arith.constant 128 : i32
      %mul3A_231 = vector.broadcast %mul3A_230 : i32 to vector<16xi32>
      %mul3A_232 = arith.muli %and3A_229, %mul3A_231 : vector<16xi32>
      %add3A_233 = arith.addi %add3A_227, %mul3A_232 : vector<16xi32>
      %and3A_234 = arith.constant 127 : i32
      %and3A_235 = vector.broadcast %and3A_234 : i32 to vector<16xi32>
      %and3A_236 = arith.andi %get3A_211, %and3A_235 : vector<16xi32>
      %add3A_237 = arith.addi %add3A_233, %and3A_236 : vector<16xi32>
      %swap3A = arith.index_cast %mul3A_202 : i32 to index
      %swap3A_238 = tpu.vector_load %arg8[%swap3A] {strides = array<i32>} : memref<4096xi32, #tpu.memory_space<vmem>>, vector<16xi32>,
      tpu.vector_store %arg8[%swap3A], %add3A_237 {strides = array<i32>} : memref<4096xi32, #tpu.memory_space<vmem>>, vector<16xi32>,
      %mul3A_239 = arith.constant 512 : i32
      %mul3A_240 = arith.muli %scan3A_192, %mul3A_239 : i32
      %add3A_241 = arith.constant 16 : i32
      %add3A_242 = arith.addi %mul3A_240, %add3A_241 : i32
      %mul3A_243 = arith.constant 8 : i32
      %mul3A_244 = arith.muli %scan3A_192, %mul3A_243 : i32
      %add3A_245 = arith.constant 1 : i32
      %add3A_246 = arith.addi %mul3A_244, %add3A_245 : i32
      %mul3A_247 = arith.constant 16 : i32
      %mul3A_248 = arith.muli %add3A_246, %mul3A_247 : i32
      %get3A_249 = arith.index_cast %add3A_242 : i32 to index
      %get3A_250 = tpu.vector_load %arg6[%get3A_249] {strides = array<i32>} : memref<16384xi32, #tpu.memory_space<vmem>>, vector<16xi32>,
      %add3A_251 = arith.constant 128 : i32
      %add3A_252 = arith.addi %add3A_242, %add3A_251 : i32
      %get3A_253 = arith.index_cast %add3A_252 : i32 to index
      %get3A_254 = tpu.vector_load %arg6[%get3A_253] {strides = array<i32>} : memref<16384xi32, #tpu.memory_space<vmem>>, vector<16xi32>,
      %add3A_255 = arith.constant 256 : i32
      %add3A_256 = arith.addi %add3A_242, %add3A_255 : i32
      %get3A_257 = arith.index_cast %add3A_256 : i32 to index
      %get3A_258 = tpu.vector_load %arg6[%get3A_257] {strides = array<i32>} : memref<16384xi32, #tpu.memory_space<vmem>>, vector<16xi32>,
      %mul3A_259 = arith.constant 65536 : i32
      %mul3A_260 = vector.broadcast %mul3A_259 : i32 to vector<16xi32>
      %mul3A_261 = arith.muli %get3A_250, %mul3A_260 : vector<16xi32>
      %shift_right_arithmetic3A_262 = arith.constant 3 : i32
      %shift_right_arithmetic3A_263 = vector.broadcast %shift_right_arithmetic3A_262 : i32 to vector<16xi32>
      %shift_right_arithmetic3A_264 = arith.shrsi %get3A_254, %shift_right_arithmetic3A_263 : vector<16xi32>
      %mul3A_265 = arith.constant 2048 : i32
      %mul3A_266 = vector.broadcast %mul3A_265 : i32 to vector<16xi32>
      %mul3A_267 = arith.muli %shift_right_arithmetic3A_264, %mul3A_266 : vector<16xi32>
      %add3A_268 = arith.addi %mul3A_261, %mul3A_267 : vector<16xi32>
      %shift_right_arithmetic3A_269 = arith.constant 7 : i32
      %shift_right_arithmetic3A_270 = vector.broadcast %shift_right_arithmetic3A_269 : i32 to vector<16xi32>
      %shift_right_arithmetic3A_271 = arith.shrsi %get3A_258, %shift_right_arithmetic3A_270 : vector<16xi32>
      %mul3A_272 = arith.constant 1024 : i32
      %mul3A_273 = vector.broadcast %mul3A_272 : i32 to vector<16xi32>
      %mul3A_274 = arith.muli %shift_right_arithmetic3A_271, %mul3A_273 : vector<16xi32>
      %add3A_275 = arith.addi %add3A_268, %mul3A_274 : vector<16xi32>
      %and3A_276 = arith.constant 7 : i32
      %and3A_277 = vector.broadcast %and3A_276 : i32 to vector<16xi32>
      %and3A_278 = arith.andi %get3A_254, %and3A_277 : vector<16xi32>
      %mul3A_279 = arith.constant 128 : i32
      %mul3A_280 = vector.broadcast %mul3A_279 : i32 to vector<16xi32>
      %mul3A_281 = arith.muli %and3A_278, %mul3A_280 : vector<16xi32>
      %add3A_282 = arith.addi %add3A_275, %mul3A_281 : vector<16xi32>
      %and3A_283 = arith.constant 127 : i32
      %and3A_284 = vector.broadcast %and3A_283 : i32 to vector<16xi32>
      %and3A_285 = arith.andi %get3A_258, %and3A_284 : vector<16xi32>
      %add3A_286 = arith.addi %add3A_282, %and3A_285 : vector<16xi32>
      %swap3A_287 = arith.index_cast %mul3A_248 : i32 to index
      %swap3A_288 = tpu.vector_load %arg8[%swap3A_287] {strides = array<i32>} : memref<4096xi32, #tpu.memory_space<vmem>>, vector<16xi32>,
      tpu.vector_store %arg8[%swap3A_287], %add3A_286 {strides = array<i32>} : memref<4096xi32, #tpu.memory_space<vmem>>, vector<16xi32>,
      %mul3A_289 = arith.constant 512 : i32
      %mul3A_290 = arith.muli %scan3A_192, %mul3A_289 : i32
      %add3A_291 = arith.constant 32 : i32
      %add3A_292 = arith.addi %mul3A_290, %add3A_291 : i32
      %mul3A_293 = arith.constant 8 : i32
      %mul3A_294 = arith.muli %scan3A_192, %mul3A_293 : i32
      %add3A_295 = arith.constant 2 : i32
      %add3A_296 = arith.addi %mul3A_294, %add3A_295 : i32
      %mul3A_297 = arith.constant 16 : i32
      %mul3A_298 = arith.muli %add3A_296, %mul3A_297 : i32
      %get3A_299 = arith.index_cast %add3A_292 : i32 to index
      %get3A_300 = tpu.vector_load %arg6[%get3A_299] {strides = array<i32>} : memref<16384xi32, #tpu.memory_space<vmem>>, vector<16xi32>,
      %add3A_301 = arith.constant 128 : i32
      %add3A_302 = arith.addi %add3A_292, %add3A_301 : i32
      %get3A_303 = arith.index_cast %add3A_302 : i32 to index
      %get3A_304 = tpu.vector_load %arg6[%get3A_303] {strides = array<i32>} : memref<16384xi32, #tpu.memory_space<vmem>>, vector<16xi32>,
      %add3A_305 = arith.constant 256 : i32
      %add3A_306 = arith.addi %add3A_292, %add3A_305 : i32
      %get3A_307 = arith.index_cast %add3A_306 : i32 to index
      %get3A_308 = tpu.vector_load %arg6[%get3A_307] {strides = array<i32>} : memref<16384xi32, #tpu.memory_space<vmem>>, vector<16xi32>,
      %mul3A_309 = arith.constant 65536 : i32
      %mul3A_310 = vector.broadcast %mul3A_309 : i32 to vector<16xi32>
      %mul3A_311 = arith.muli %get3A_300, %mul3A_310 : vector<16xi32>
      %shift_right_arithmetic3A_312 = arith.constant 3 : i32
      %shift_right_arithmetic3A_313 = vector.broadcast %shift_right_arithmetic3A_312 : i32 to vector<16xi32>
      %shift_right_arithmetic3A_314 = arith.shrsi %get3A_304, %shift_right_arithmetic3A_313 : vector<16xi32>
      %mul3A_315 = arith.constant 2048 : i32
      %mul3A_316 = vector.broadcast %mul3A_315 : i32 to vector<16xi32>
      %mul3A_317 = arith.muli %shift_right_arithmetic3A_314, %mul3A_316 : vector<16xi32>
      %add3A_318 = arith.addi %mul3A_311, %mul3A_317 : vector<16xi32>
      %shift_right_arithmetic3A_319 = arith.constant 7 : i32
      %shift_right_arithmetic3A_320 = vector.broadcast %shift_right_arithmetic3A_319 : i32 to vector<16xi32>
      %shift_right_arithmetic3A_321 = arith.shrsi %get3A_308, %shift_right_arithmetic3A_320 : vector<16xi32>
      %mul3A_322 = arith.constant 1024 : i32
      %mul3A_323 = vector.broadcast %mul3A_322 : i32 to vector<16xi32>
      %mul3A_324 = arith.muli %shift_right_arithmetic3A_321, %mul3A_323 : vector<16xi32>
      %add3A_325 = arith.addi %add3A_318, %mul3A_324 : vector<16xi32>
      %and3A_326 = arith.constant 7 : i32
      %and3A_327 = vector.broadcast %and3A_326 : i32 to vector<16xi32>
      %and3A_328 = arith.andi %get3A_304, %and3A_327 : vector<16xi32>
      %mul3A_329 = arith.constant 128 : i32
      %mul3A_330 = vector.broadcast %mul3A_329 : i32 to vector<16xi32>
      %mul3A_331 = arith.muli %and3A_328, %mul3A_330 : vector<16xi32>
      %add3A_332 = arith.addi %add3A_325, %mul3A_331 : vector<16xi32>
      %and3A_333 = arith.constant 127 : i32
      %and3A_334 = vector.broadcast %and3A_333 : i32 to vector<16xi32>
      %and3A_335 = arith.andi %get3A_308, %and3A_334 : vector<16xi32>
      %add3A_336 = arith.addi %add3A_332, %and3A_335 : vector<16xi32>
      %swap3A_337 = arith.index_cast %mul3A_298 : i32 to index
      %swap3A_338 = tpu.vector_load %arg8[%swap3A_337] {strides = array<i32>} : memref<4096xi32, #tpu.memory_space<vmem>>, vector<16xi32>,
      tpu.vector_store %arg8[%swap3A_337], %add3A_336 {strides = array<i32>} : memref<4096xi32, #tpu.memory_space<vmem>>, vector<16xi32>,
      %mul3A_339 = arith.constant 512 : i32
      %mul3A_340 = arith.muli %scan3A_192, %mul3A_339 : i32
      %add3A_341 = arith.constant 48 : i32
      %add3A_342 = arith.addi %mul3A_340, %add3A_341 : i32
      %mul3A_343 = arith.constant 8 : i32
      %mul3A_344 = arith.muli %scan3A_192, %mul3A_343 : i32
      %add3A_345 = arith.constant 3 : i32
      %add3A_346 = arith.addi %mul3A_344, %add3A_345 : i32
      %mul3A_347 = arith.constant 16 : i32
      %mul3A_348 = arith.muli %add3A_346, %mul3A_347 : i32
      %get3A_349 = arith.index_cast %add3A_342 : i32 to index
      %get3A_350 = tpu.vector_load %arg6[%get3A_349] {strides = array<i32>} : memref<16384xi32, #tpu.memory_space<vmem>>, vector<16xi32>,
      %add3A_351 = arith.constant 128 : i32
      %add3A_352 = arith.addi %add3A_342, %add3A_351 : i32
      %get3A_353 = arith.index_cast %add3A_352 : i32 to index
      %get3A_354 = tpu.vector_load %arg6[%get3A_353] {strides = array<i32>} : memref<16384xi32, #tpu.memory_space<vmem>>, vector<16xi32>,
      %add3A_355 = arith.constant 256 : i32
      %add3A_356 = arith.addi %add3A_342, %add3A_355 : i32
      %get3A_357 = arith.index_cast %add3A_356 : i32 to index
      %get3A_358 = tpu.vector_load %arg6[%get3A_357] {strides = array<i32>} : memref<16384xi32, #tpu.memory_space<vmem>>, vector<16xi32>,
      %mul3A_359 = arith.constant 65536 : i32
      %mul3A_360 = vector.broadcast %mul3A_359 : i32 to vector<16xi32>
      %mul3A_361 = arith.muli %get3A_350, %mul3A_360 : vector<16xi32>
      %shift_right_arithmetic3A_362 = arith.constant 3 : i32
      %shift_right_arithmetic3A_363 = vector.broadcast %shift_right_arithmetic3A_362 : i32 to vector<16xi32>
      %shift_right_arithmetic3A_364 = arith.shrsi %get3A_354, %shift_right_arithmetic3A_363 : vector<16xi32>
      %mul3A_365 = arith.constant 2048 : i32
      %mul3A_366 = vector.broadcast %mul3A_365 : i32 to vector<16xi32>
      %mul3A_367 = arith.muli %shift_right_arithmetic3A_364, %mul3A_366 : vector<16xi32>
      %add3A_368 = arith.addi %mul3A_361, %mul3A_367 : vector<16xi32>
      %shift_right_arithmetic3A_369 = arith.constant 7 : i32
      %shift_right_arithmetic3A_370 = vector.broadcast %shift_right_arithmetic3A_369 : i32 to vector<16xi32>
      %shift_right_arithmetic3A_371 = arith.shrsi %get3A_358, %shift_right_arithmetic3A_370 : vector<16xi32>
      %mul3A_372 = arith.constant 1024 : i32
      %mul3A_373 = vector.broadcast %mul3A_372 : i32 to vector<16xi32>
      %mul3A_374 = arith.muli %shift_right_arithmetic3A_371, %mul3A_373 : vector<16xi32>
      %add3A_375 = arith.addi %add3A_368, %mul3A_374 : vector<16xi32>
      %and3A_376 = arith.constant 7 : i32
      %and3A_377 = vector.broadcast %and3A_376 : i32 to vector<16xi32>
      %and3A_378 = arith.andi %get3A_354, %and3A_377 : vector<16xi32>
      %mul3A_379 = arith.constant 128 : i32
      %mul3A_380 = vector.broadcast %mul3A_379 : i32 to vector<16xi32>
      %mul3A_381 = arith.muli %and3A_378, %mul3A_380 : vector<16xi32>
      %add3A_382 = arith.addi %add3A_375, %mul3A_381 : vector<16xi32>
      %and3A_383 = arith.constant 127 : i32
      %and3A_384 = vector.broadcast %and3A_383 : i32 to vector<16xi32>
      %and3A_385 = arith.andi %get3A_358, %and3A_384 : vector<16xi32>
      %add3A_386 = arith.addi %add3A_382, %and3A_385 : vector<16xi32>
      %swap3A_387 = arith.index_cast %mul3A_348 : i32 to index
      %swap3A_388 = tpu.vector_load %arg8[%swap3A_387] {strides = array<i32>} : memref<4096xi32, #tpu.memory_space<vmem>>, vector<16xi32>,
      tpu.vector_store %arg8[%swap3A_387], %add3A_386 {strides = array<i32>} : memref<4096xi32, #tpu.memory_space<vmem>>, vector<16xi32>,
      %mul3A_389 = arith.constant 512 : i32
      %mul3A_390 = arith.muli %scan3A_192, %mul3A_389 : i32
      %add3A_391 = arith.constant 64 : i32
      %add3A_392 = arith.addi %mul3A_390, %add3A_391 : i32
      %mul3A_393 = arith.constant 8 : i32
      %mul3A_394 = arith.muli %scan3A_192, %mul3A_393 : i32
      %add3A_395 = arith.constant 4 : i32
      %add3A_396 = arith.addi %mul3A_394, %add3A_395 : i32
      %mul3A_397 = arith.constant 16 : i32
      %mul3A_398 = arith.muli %add3A_396, %mul3A_397 : i32
      %get3A_399 = arith.index_cast %add3A_392 : i32 to index
      %get3A_400 = tpu.vector_load %arg6[%get3A_399] {strides = array<i32>} : memref<16384xi32, #tpu.memory_space<vmem>>, vector<16xi32>,
      %add3A_401 = arith.constant 128 : i32
      %add3A_402 = arith.addi %add3A_392, %add3A_401 : i32
      %get3A_403 = arith.index_cast %add3A_402 : i32 to index
      %get3A_404 = tpu.vector_load %arg6[%get3A_403] {strides = array<i32>} : memref<16384xi32, #tpu.memory_space<vmem>>, vector<16xi32>,
      %add3A_405 = arith.constant 256 : i32
      %add3A_406 = arith.addi %add3A_392, %add3A_405 : i32
      %get3A_407 = arith.index_cast %add3A_406 : i32 to index
      %get3A_408 = tpu.vector_load %arg6[%get3A_407] {strides = array<i32>} : memref<16384xi32, #tpu.memory_space<vmem>>, vector<16xi32>,
      %mul3A_409 = arith.constant 65536 : i32
      %mul3A_410 = vector.broadcast %mul3A_409 : i32 to vector<16xi32>
      %mul3A_411 = arith.muli %get3A_400, %mul3A_410 : vector<16xi32>
      %shift_right_arithmetic3A_412 = arith.constant 3 : i32
      %shift_right_arithmetic3A_413 = vector.broadcast %shift_right_arithmetic3A_412 : i32 to vector<16xi32>
      %shift_right_arithmetic3A_414 = arith.shrsi %get3A_404, %shift_right_arithmetic3A_413 : vector<16xi32>
      %mul3A_415 = arith.constant 2048 : i32
      %mul3A_416 = vector.broadcast %mul3A_415 : i32 to vector<16xi32>
      %mul3A_417 = arith.muli %shift_right_arithmetic3A_414, %mul3A_416 : vector<16xi32>
      %add3A_418 = arith.addi %mul3A_411, %mul3A_417 : vector<16xi32>
      %shift_right_arithmetic3A_419 = arith.constant 7 : i32
      %shift_right_arithmetic3A_420 = vector.broadcast %shift_right_arithmetic3A_419 : i32 to vector<16xi32>
      %shift_right_arithmetic3A_421 = arith.shrsi %get3A_408, %shift_right_arithmetic3A_420 : vector<16xi32>
      %mul3A_422 = arith.constant 1024 : i32
      %mul3A_423 = vector.broadcast %mul3A_422 : i32 to vector<16xi32>
      %mul3A_424 = arith.muli %shift_right_arithmetic3A_421, %mul3A_423 : vector<16xi32>
      %add3A_425 = arith.addi %add3A_418, %mul3A_424 : vector<16xi32>
      %and3A_426 = arith.constant 7 : i32
      %and3A_427 = vector.broadcast %and3A_426 : i32 to vector<16xi32>
      %and3A_428 = arith.andi %get3A_404, %and3A_427 : vector<16xi32>
      %mul3A_429 = arith.constant 128 : i32
      %mul3A_430 = vector.broadcast %mul3A_429 : i32 to vector<16xi32>
      %mul3A_431 = arith.muli %and3A_428, %mul3A_430 : vector<16xi32>
      %add3A_432 = arith.addi %add3A_425, %mul3A_431 : vector<16xi32>
      %and3A_433 = arith.constant 127 : i32
      %and3A_434 = vector.broadcast %and3A_433 : i32 to vector<16xi32>
      %and3A_435 = arith.andi %get3A_408, %and3A_434 : vector<16xi32>
      %add3A_436 = arith.addi %add3A_432, %and3A_435 : vector<16xi32>
      %swap3A_437 = arith.index_cast %mul3A_398 : i32 to index
      %swap3A_438 = tpu.vector_load %arg8[%swap3A_437] {strides = array<i32>} : memref<4096xi32, #tpu.memory_space<vmem>>, vector<16xi32>,
      tpu.vector_store %arg8[%swap3A_437], %add3A_436 {strides = array<i32>} : memref<4096xi32, #tpu.memory_space<vmem>>, vector<16xi32>,
      %mul3A_439 = arith.constant 512 : i32
      %mul3A_440 = arith.muli %scan3A_192, %mul3A_439 : i32
      %add3A_441 = arith.constant 80 : i32
      %add3A_442 = arith.addi %mul3A_440, %add3A_441 : i32
      %mul3A_443 = arith.constant 8 : i32
      %mul3A_444 = arith.muli %scan3A_192, %mul3A_443 : i32
      %add3A_445 = arith.constant 5 : i32
      %add3A_446 = arith.addi %mul3A_444, %add3A_445 : i32
      %mul3A_447 = arith.constant 16 : i32
      %mul3A_448 = arith.muli %add3A_446, %mul3A_447 : i32
      %get3A_449 = arith.index_cast %add3A_442 : i32 to index
      %get3A_450 = tpu.vector_load %arg6[%get3A_449] {strides = array<i32>} : memref<16384xi32, #tpu.memory_space<vmem>>, vector<16xi32>,
      %add3A_451 = arith.constant 128 : i32
      %add3A_452 = arith.addi %add3A_442, %add3A_451 : i32
      %get3A_453 = arith.index_cast %add3A_452 : i32 to index
      %get3A_454 = tpu.vector_load %arg6[%get3A_453] {strides = array<i32>} : memref<16384xi32, #tpu.memory_space<vmem>>, vector<16xi32>,
      %add3A_455 = arith.constant 256 : i32
      %add3A_456 = arith.addi %add3A_442, %add3A_455 : i32
      %get3A_457 = arith.index_cast %add3A_456 : i32 to index
      %get3A_458 = tpu.vector_load %arg6[%get3A_457] {strides = array<i32>} : memref<16384xi32, #tpu.memory_space<vmem>>, vector<16xi32>,
      %mul3A_459 = arith.constant 65536 : i32
      %mul3A_460 = vector.broadcast %mul3A_459 : i32 to vector<16xi32>
      %mul3A_461 = arith.muli %get3A_450, %mul3A_460 : vector<16xi32>
      %shift_right_arithmetic3A_462 = arith.constant 3 : i32
      %shift_right_arithmetic3A_463 = vector.broadcast %shift_right_arithmetic3A_462 : i32 to vector<16xi32>
      %shift_right_arithmetic3A_464 = arith.shrsi %get3A_454, %shift_right_arithmetic3A_463 : vector<16xi32>
      %mul3A_465 = arith.constant 2048 : i32
      %mul3A_466 = vector.broadcast %mul3A_465 : i32 to vector<16xi32>
      %mul3A_467 = arith.muli %shift_right_arithmetic3A_464, %mul3A_466 : vector<16xi32>
      %add3A_468 = arith.addi %mul3A_461, %mul3A_467 : vector<16xi32>
      %shift_right_arithmetic3A_469 = arith.constant 7 : i32
      %shift_right_arithmetic3A_470 = vector.broadcast %shift_right_arithmetic3A_469 : i32 to vector<16xi32>
      %shift_right_arithmetic3A_471 = arith.shrsi %get3A_458, %shift_right_arithmetic3A_470 : vector<16xi32>
      %mul3A_472 = arith.constant 1024 : i32
      %mul3A_473 = vector.broadcast %mul3A_472 : i32 to vector<16xi32>
      %mul3A_474 = arith.muli %shift_right_arithmetic3A_471, %mul3A_473 : vector<16xi32>
      %add3A_475 = arith.addi %add3A_468, %mul3A_474 : vector<16xi32>
      %and3A_476 = arith.constant 7 : i32
      %and3A_477 = vector.broadcast %and3A_476 : i32 to vector<16xi32>
      %and3A_478 = arith.andi %get3A_454, %and3A_477 : vector<16xi32>
      %mul3A_479 = arith.constant 128 : i32
      %mul3A_480 = vector.broadcast %mul3A_479 : i32 to vector<16xi32>
      %mul3A_481 = arith.muli %and3A_478, %mul3A_480 : vector<16xi32>
      %add3A_482 = arith.addi %add3A_475, %mul3A_481 : vector<16xi32>
      %and3A_483 = arith.constant 127 : i32
      %and3A_484 = vector.broadcast %and3A_483 : i32 to vector<16xi32>
      %and3A_485 = arith.andi %get3A_458, %and3A_484 : vector<16xi32>
      %add3A_486 = arith.addi %add3A_482, %and3A_485 : vector<16xi32>
      %swap3A_487 = arith.index_cast %mul3A_448 : i32 to index
      %swap3A_488 = tpu.vector_load %arg8[%swap3A_487] {strides = array<i32>} : memref<4096xi32, #tpu.memory_space<vmem>>, vector<16xi32>,
      tpu.vector_store %arg8[%swap3A_487], %add3A_486 {strides = array<i32>} : memref<4096xi32, #tpu.memory_space<vmem>>, vector<16xi32>,
      %mul3A_489 = arith.constant 512 : i32
      %mul3A_490 = arith.muli %scan3A_192, %mul3A_489 : i32
      %add3A_491 = arith.constant 96 : i32
      %add3A_492 = arith.addi %mul3A_490, %add3A_491 : i32
      %mul3A_493 = arith.constant 8 : i32
      %mul3A_494 = arith.muli %scan3A_192, %mul3A_493 : i32
      %add3A_495 = arith.constant 6 : i32
      %add3A_496 = arith.addi %mul3A_494, %add3A_495 : i32
      %mul3A_497 = arith.constant 16 : i32
      %mul3A_498 = arith.muli %add3A_496, %mul3A_497 : i32
      %get3A_499 = arith.index_cast %add3A_492 : i32 to index
      %get3A_500 = tpu.vector_load %arg6[%get3A_499] {strides = array<i32>} : memref<16384xi32, #tpu.memory_space<vmem>>, vector<16xi32>,
      %add3A_501 = arith.constant 128 : i32
      %add3A_502 = arith.addi %add3A_492, %add3A_501 : i32
      %get3A_503 = arith.index_cast %add3A_502 : i32 to index
      %get3A_504 = tpu.vector_load %arg6[%get3A_503] {strides = array<i32>} : memref<16384xi32, #tpu.memory_space<vmem>>, vector<16xi32>,
      %add3A_505 = arith.constant 256 : i32
      %add3A_506 = arith.addi %add3A_492, %add3A_505 : i32
      %get3A_507 = arith.index_cast %add3A_506 : i32 to index
      %get3A_508 = tpu.vector_load %arg6[%get3A_507] {strides = array<i32>} : memref<16384xi32, #tpu.memory_space<vmem>>, vector<16xi32>,
      %mul3A_509 = arith.constant 65536 : i32
      %mul3A_510 = vector.broadcast %mul3A_509 : i32 to vector<16xi32>
      %mul3A_511 = arith.muli %get3A_500, %mul3A_510 : vector<16xi32>
      %shift_right_arithmetic3A_512 = arith.constant 3 : i32
      %shift_right_arithmetic3A_513 = vector.broadcast %shift_right_arithmetic3A_512 : i32 to vector<16xi32>
      %shift_right_arithmetic3A_514 = arith.shrsi %get3A_504, %shift_right_arithmetic3A_513 : vector<16xi32>
      %mul3A_515 = arith.constant 2048 : i32
      %mul3A_516 = vector.broadcast %mul3A_515 : i32 to vector<16xi32>
      %mul3A_517 = arith.muli %shift_right_arithmetic3A_514, %mul3A_516 : vector<16xi32>
      %add3A_518 = arith.addi %mul3A_511, %mul3A_517 : vector<16xi32>
      %shift_right_arithmetic3A_519 = arith.constant 7 : i32
      %shift_right_arithmetic3A_520 = vector.broadcast %shift_right_arithmetic3A_519 : i32 to vector<16xi32>
      %shift_right_arithmetic3A_521 = arith.shrsi %get3A_508, %shift_right_arithmetic3A_520 : vector<16xi32>
      %mul3A_522 = arith.constant 1024 : i32
      %mul3A_523 = vector.broadcast %mul3A_522 : i32 to vector<16xi32>
      %mul3A_524 = arith.muli %shift_right_arithmetic3A_521, %mul3A_523 : vector<16xi32>
      %add3A_525 = arith.addi %add3A_518, %mul3A_524 : vector<16xi32>
      %and3A_526 = arith.constant 7 : i32
      %and3A_527 = vector.broadcast %and3A_526 : i32 to vector<16xi32>
      %and3A_528 = arith.andi %get3A_504, %and3A_527 : vector<16xi32>
      %mul3A_529 = arith.constant 128 : i32
      %mul3A_530 = vector.broadcast %mul3A_529 : i32 to vector<16xi32>
      %mul3A_531 = arith.muli %and3A_528, %mul3A_530 : vector<16xi32>
      %add3A_532 = arith.addi %add3A_525, %mul3A_531 : vector<16xi32>
      %and3A_533 = arith.constant 127 : i32
      %and3A_534 = vector.broadcast %and3A_533 : i32 to vector<16xi32>
      %and3A_535 = arith.andi %get3A_508, %and3A_534 : vector<16xi32>
      %add3A_536 = arith.addi %add3A_532, %and3A_535 : vector<16xi32>
      %swap3A_537 = arith.index_cast %mul3A_498 : i32 to index
      %swap3A_538 = tpu.vector_load %arg8[%swap3A_537] {strides = array<i32>} : memref<4096xi32, #tpu.memory_space<vmem>>, vector<16xi32>,
      tpu.vector_store %arg8[%swap3A_537], %add3A_536 {strides = array<i32>} : memref<4096xi32, #tpu.memory_space<vmem>>, vector<16xi32>,
      %mul3A_539 = arith.constant 512 : i32
      %mul3A_540 = arith.muli %scan3A_192, %mul3A_539 : i32
      %add3A_541 = arith.constant 112 : i32
      %add3A_542 = arith.addi %mul3A_540, %add3A_541 : i32
      %mul3A_543 = arith.constant 8 : i32
      %mul3A_544 = arith.muli %scan3A_192, %mul3A_543 : i32
      %add3A_545 = arith.constant 7 : i32
      %add3A_546 = arith.addi %mul3A_544, %add3A_545 : i32
      %mul3A_547 = arith.constant 16 : i32
      %mul3A_548 = arith.muli %add3A_546, %mul3A_547 : i32
      %get3A_549 = arith.index_cast %add3A_542 : i32 to index
      %get3A_550 = tpu.vector_load %arg6[%get3A_549] {strides = array<i32>} : memref<16384xi32, #tpu.memory_space<vmem>>, vector<16xi32>,
      %add3A_551 = arith.constant 128 : i32
      %add3A_552 = arith.addi %add3A_542, %add3A_551 : i32
      %get3A_553 = arith.index_cast %add3A_552 : i32 to index
      %get3A_554 = tpu.vector_load %arg6[%get3A_553] {strides = array<i32>} : memref<16384xi32, #tpu.memory_space<vmem>>, vector<16xi32>,
      %add3A_555 = arith.constant 256 : i32
      %add3A_556 = arith.addi %add3A_542, %add3A_555 : i32
      %get3A_557 = arith.index_cast %add3A_556 : i32 to index
      %get3A_558 = tpu.vector_load %arg6[%get3A_557] {strides = array<i32>} : memref<16384xi32, #tpu.memory_space<vmem>>, vector<16xi32>,
      %mul3A_559 = arith.constant 65536 : i32
      %mul3A_560 = vector.broadcast %mul3A_559 : i32 to vector<16xi32>
      %mul3A_561 = arith.muli %get3A_550, %mul3A_560 : vector<16xi32>
      %shift_right_arithmetic3A_562 = arith.constant 3 : i32
      %shift_right_arithmetic3A_563 = vector.broadcast %shift_right_arithmetic3A_562 : i32 to vector<16xi32>
      %shift_right_arithmetic3A_564 = arith.shrsi %get3A_554, %shift_right_arithmetic3A_563 : vector<16xi32>
      %mul3A_565 = arith.constant 2048 : i32
      %mul3A_566 = vector.broadcast %mul3A_565 : i32 to vector<16xi32>
      %mul3A_567 = arith.muli %shift_right_arithmetic3A_564, %mul3A_566 : vector<16xi32>
      %add3A_568 = arith.addi %mul3A_561, %mul3A_567 : vector<16xi32>
      %shift_right_arithmetic3A_569 = arith.constant 7 : i32
      %shift_right_arithmetic3A_570 = vector.broadcast %shift_right_arithmetic3A_569 : i32 to vector<16xi32>
      %shift_right_arithmetic3A_571 = arith.shrsi %get3A_558, %shift_right_arithmetic3A_570 : vector<16xi32>
      %mul3A_572 = arith.constant 1024 : i32
      %mul3A_573 = vector.broadcast %mul3A_572 : i32 to vector<16xi32>
      %mul3A_574 = arith.muli %shift_right_arithmetic3A_571, %mul3A_573 : vector<16xi32>
      %add3A_575 = arith.addi %add3A_568, %mul3A_574 : vector<16xi32>
      %and3A_576 = arith.constant 7 : i32
      %and3A_577 = vector.broadcast %and3A_576 : i32 to vector<16xi32>
      %and3A_578 = arith.andi %get3A_554, %and3A_577 : vector<16xi32>
      %mul3A_579 = arith.constant 128 : i32
      %mul3A_580 = vector.broadcast %mul3A_579 : i32 to vector<16xi32>
      %mul3A_581 = arith.muli %and3A_578, %mul3A_580 : vector<16xi32>
      %add3A_582 = arith.addi %add3A_575, %mul3A_581 : vector<16xi32>
      %and3A_583 = arith.constant 127 : i32
      %and3A_584 = vector.broadcast %and3A_583 : i32 to vector<16xi32>
      %and3A_585 = arith.andi %get3A_558, %and3A_584 : vector<16xi32>
      %add3A_586 = arith.addi %add3A_582, %and3A_585 : vector<16xi32>
      %swap3A_587 = arith.index_cast %mul3A_548 : i32 to index
      %swap3A_588 = tpu.vector_load %arg8[%swap3A_587] {strides = array<i32>} : memref<4096xi32, #tpu.memory_space<vmem>>, vector<16xi32>,
      tpu.vector_store %arg8[%swap3A_587], %add3A_586 {strides = array<i32>} : memref<4096xi32, #tpu.memory_space<vmem>>, vector<16xi32>,
    }
    %scan3A_171 = arith.constant 32 : i32
    %dma_wait3A_172 = tpu.memref_slice %arg4[%add3A_161] : memref<1048576xf32, #tpu.memory_space<hbm>> -> memref<4096xf32, #tpu.memory_space<hbm>>
    %dma_wait3A_173 = tpu.memref_slice %arg4[%add3A_161] : memref<1048576xf32, #tpu.memory_space<hbm>> -> memref<4096xf32, #tpu.memory_space<hbm>>
    tpu.wait_dma2 semaphore(%arg16 : memref<!tpu.dma_semaphore, #tpu.memory_space<semaphore_mem>>) src(%arg10 : memref<4096xf32, #tpu.memory_space<vmem>>) dst(%dma_wait3A_173 : memref<4096xf32, #tpu.memory_space<hbm>>)
    %dma_start3A_174 = arith.constant 0 : i32
    %dma_start3A_175 = tpu.memref_slice %arg3[%dma_start3A_174] : memref<16777216xf32, #tpu.memory_space<hbm>> -> memref<16777216xf32, #tpu.memory_space<hbm>>
    tpu.enqueue_indirect_dma source(%dma_start3A_175 : memref<16777216xf32, #tpu.memory_space<hbm>>) target(%arg10 : memref<4096xf32, #tpu.memory_space<vmem>>) offsets(%arg8 : memref<4096xi32, #tpu.memory_space<vmem>>) semaphore(%arg14 : memref<!tpu.dma_semaphore, #tpu.memory_space<semaphore_mem>>)
    %dma_wait3A_176 = arith.constant 0 : i32
    %dma_wait3A_177 = tpu.memref_slice %arg3[%dma_wait3A_176] : memref<16777216xf32, #tpu.memory_space<hbm>> -> memref<16777216xf32, #tpu.memory_space<hbm>>
    tpu.wait_indirect_dma semaphore(%arg13 : memref<!tpu.dma_semaphore, #tpu.memory_space<semaphore_mem>>) src(%dma_wait3A_177 : memref<16777216xf32, #tpu.memory_space<hbm>>) dst(%arg9 : memref<4096xf32, #tpu.memory_space<vmem>>)
    %add3A_178 = arith.constant 24576 : i32
    %add3A_179 = arith.addi %mul3A_2, %add3A_178 : i32
    %dma_start3A_180 = tpu.memref_slice %arg4[%add3A_179] : memref<1048576xf32, #tpu.memory_space<hbm>> -> memref<4096xf32, #tpu.memory_space<hbm>>
    %dma_start3A_181 = tpu.memref_slice %arg4[%add3A_179] : memref<1048576xf32, #tpu.memory_space<hbm>> -> memref<4096xf32, #tpu.memory_space<hbm>>
    tpu.enqueue_dma source(%arg9 : memref<4096xf32, #tpu.memory_space<vmem>>) target(%dma_start3A_181 : memref<4096xf32, #tpu.memory_space<hbm>>) target_semaphore(%arg15 : memref<!tpu.dma_semaphore, #tpu.memory_space<semaphore_mem>>)
    %dma_wait3A_182 = arith.constant 0 : i32
    %dma_wait3A_183 = tpu.memref_slice %arg3[%dma_wait3A_182] : memref<16777216xf32, #tpu.memory_space<hbm>> -> memref<16777216xf32, #tpu.memory_space<hbm>>
    tpu.wait_indirect_dma semaphore(%arg14 : memref<!tpu.dma_semaphore, #tpu.memory_space<semaphore_mem>>) src(%dma_wait3A_183 : memref<16777216xf32, #tpu.memory_space<hbm>>) dst(%arg10 : memref<4096xf32, #tpu.memory_space<vmem>>)
    %add3A_184 = arith.constant 28672 : i32
    %add3A_185 = arith.addi %mul3A_2, %add3A_184 : i32
    %dma_start3A_186 = tpu.memref_slice %arg4[%add3A_185] : memref<1048576xf32, #tpu.memory_space<hbm>> -> memref<4096xf32, #tpu.memory_space<hbm>>
    %dma_start3A_187 = tpu.memref_slice %arg4[%add3A_185] : memref<1048576xf32, #tpu.memory_space<hbm>> -> memref<4096xf32, #tpu.memory_space<hbm>>
    tpu.enqueue_dma source(%arg10 : memref<4096xf32, #tpu.memory_space<vmem>>) target(%dma_start3A_187 : memref<4096xf32, #tpu.memory_space<hbm>>) target_semaphore(%arg16 : memref<!tpu.dma_semaphore, #tpu.memory_space<semaphore_mem>>)
    %dma_wait3A_188 = tpu.memref_slice %arg4[%add3A_179] : memref<1048576xf32, #tpu.memory_space<hbm>> -> memref<4096xf32, #tpu.memory_space<hbm>>
    %dma_wait3A_189 = tpu.memref_slice %arg4[%add3A_179] : memref<1048576xf32, #tpu.memory_space<hbm>> -> memref<4096xf32, #tpu.memory_space<hbm>>
    tpu.wait_dma2 semaphore(%arg15 : memref<!tpu.dma_semaphore, #tpu.memory_space<semaphore_mem>>) src(%arg9 : memref<4096xf32, #tpu.memory_space<vmem>>) dst(%dma_wait3A_189 : memref<4096xf32, #tpu.memory_space<hbm>>)
    %dma_wait3A_190 = tpu.memref_slice %arg4[%add3A_185] : memref<1048576xf32, #tpu.memory_space<hbm>> -> memref<4096xf32, #tpu.memory_space<hbm>>
    %dma_wait3A_191 = tpu.memref_slice %arg4[%add3A_185] : memref<1048576xf32, #tpu.memory_space<hbm>> -> memref<4096xf32, #tpu.memory_space<hbm>>
    tpu.wait_dma2 semaphore(%arg16 : memref<!tpu.dma_semaphore, #tpu.memory_space<semaphore_mem>>) src(%arg10 : memref<4096xf32, #tpu.memory_space<vmem>>) dst(%dma_wait3A_191 : memref<4096xf32, #tpu.memory_space<hbm>>)
    return
  }
}

</mosaic_0001>

<sc_bundles>
// kernel: kernel.3.cloned.1.call-start
scs
__scs_entry_jumppad:
0x0: {  	(pc) =	sbr.rel $0x88, $3  }
0x1: {  	(tag) =	ssettag $0x0;
	lr =	simm.s32 $0x1  }
0x2: {  	[smem:$0x3F9F] =	sst lr;
	_ =	strace $0xD0000000  }
0x3: {  	_ = 	snop  }
0x4: {  	_ = 	snop  }
0x5: {  	_ = 	snop  }
0x6: {  	_ = 	snop  }
0x7: {  	_ = 	snop  }
__scs_overlays_trampoline_lowered:
0x8: {  	[smem:$0x3FAE] =	sst s0  }
0x9: {  	[smem:$0x3FAF] =	sst s1  }
0xa: {  	[smem:$0x3FB0] =	sst s2  }
0xb: {  	[smem:$0x3FB1] =	sst s3  }
0xc: {  	[smem:$0x3FB2] =	sst s4  }
0xd: {  	[smem:$0x3FB3] =	sst s5  }
0xe: {  	[smem:$0x3FB4] =	sst s6  }
0xf: {  	[smem:$0x3FB5] =	sst s7  }
0x10: {  	[smem:$0x3FB6] =	sst s8  }
0x11: {  	[smem:$0x3FB7] =	sst s9;
	s0 =	simm.s32 @!p0 $0x0  }
0x12: {  	s1 =	sld [smem:$0x3F9D];
	s0 =	simm.s32 @p0 $0x1  }
0x13: {  	[smem:$0x3FB8] =	sst s0;
	s0 =	simm.s32 @!p1 $0x0  }
0x14: {  	s2 =	sld [smem:$0x3F9C];
	s0 =	simm.s32 @p1 $0x1  }
0x15: {  	[smem:$0x3FB9] =	sst s0;
	s0 =	simm.s32 @!p2 $0x0  }
0x16: {  	s3 =	sld [smem:$0x3FDB];
	s0 =	simm.s32 @p2 $0x1  }
0x17: {  	s4 =	simm.s32 $0x1BF5;
	[smem:$0x3FBB] =	sst s0  }
0x18: {  	s0 =	sld [smem:$0x3F9E];
	_ =	swait.ge [sflag:s4], $0x0  }
0x19: {  	s7 =	sld [smem:$0x3F9F]  }
0x1a: {  	s8 =	sadd.s32 $0xFFFFE003, lr  }
0x1b: {  	s9 =	sadd.s32 $0xFFFFFEF7, lr;
	s5 =	simm.s32 $0xFFFFFFFF;
	p2 =	slt.u32 s8, $0xFFFFF086  }
0x1c: {  	p1 =	slt.u32 s9, $0xF7A;
	s5 =	simm.s32 @!p2 $0x0  }
0x1d: {  	s5 =	simm.s32 @p1 $0x1;
	p0 =	seq.s32 s7, s2  }
0x1e: {  	s7 =	smul.u32 @!p0 $0xF7A, s2;
	p2 =	seq.s32 @!p0 s5, $0x0  }
0x1f: {  	s9 =	smul.u32 $0xF7A, s1;
	s8 =	simm.s32 @!p0 $0x1BF5;
	p2 =	por !p2, p0  }
0x20: {  	[sflag:s8] =	ssyncset.s32 @!p0 $0xFFFFF086;
	s6 =	sadd.s32 @!p0 s3, s7;
	s7 =	simm.s32 @!p0 $0x108  }
0x21: {  	s3 =	sadd.s32 s3, s9;
	s6 =	sadd.s32 @!p0 $0x88, s6;
	s7 =	simm.s32 @p2 $0x1082  }
0x22: {  	[simem:s7], [sflag:s8] =	dma.local @!p0 [hbm:s6], $0xF7A  }
0x23: {  	s9 =	sor.u32 $0xD0000000, s2;
	s6 =	simm.s32 $0x108;
	_ =	swait.ge @!p0 [sflag:s8], $0x0  }
0x24: {  	s3 =	sadd.s32 $0x88, s3;
	s6 =	simm.s32 @!p1 $0x1082;
	[sflag:s4] =	ssyncset.s32 $0xFFFFF086  }
0x25: {  	[simem:s6], [sflag:s4] =	dma.local [hbm:s3], $0xF7A  }
0x26: {  	[smem:$0x3F9F] =	sst s1;
	(tag) =	ssettag s2;
	_ =	strace s9  }
0x27: {  	s1 =	sld [smem:$0x3FAF]  }
0x28: {  	s2 =	sld [smem:$0x3FB0]  }
0x29: {  	s4 =	sld [smem:$0x3FB2]  }
0x2a: {  	p0 =	seq.s32 s5, $0x0;
	s5 =	sld [smem:$0x3FB3]  }
0x2b: {  	s6 =	sld [smem:$0x3FB4]  }
0x2c: {  	s7 =	sld [smem:$0x3FB5]  }
0x2d: {  	s3 =	simm.s32 $0x108;
	s8 =	sld [smem:$0x3FB6]  }
0x2e: {  	s3 =	simm.s32 @!p0 $0x1082;
	s9 =	sld [smem:$0x3FB7]  }
0x2f: {  	lr =	sadd.s32 s0, s3;
	s0 =	sld [smem:$0x3FAE]  }
0x30: {  	s3 =	sld [smem:$0x3FB1]  }
0x31: {  	[smem:$0x3FBA] =	sst s10  }
0x32: {  	s10 =	sld [smem:$0x3FB8];
	_ =	sdelay $0x3  }
0x33: {  	p0 =	seq.s32 s10, $0x1;
	s10 =	sld [smem:$0x3FBA];
	_ =	sdelay $0x3  }
0x34: {  	[smem:$0x3FBA] =	sst s10  }
0x35: {  	s10 =	sld [smem:$0x3FB9];
	_ =	sdelay $0x3  }
0x36: {  	p1 =	seq.s32 s10, $0x1;
	s10 =	sld [smem:$0x3FBA];
	_ =	sdelay $0x3  }
0x37: {  	[smem:$0x3FBA] =	sst s10  }
0x38: {  	s10 =	sld [smem:$0x3FBB]  }
0x39: {  	_ = 	snop;
	(pc) =	sbr.ind lr, $3  }
0x3a: {  	_ = 	snop  }
0x3b: {  	_ = 	snop  }
0x3c: {  	p2 =	seq.s32 s10, $0x1;
	s10 =	sld [smem:$0x3FBA]  }
0x3d: {  	_ =	shalt  }
0x3e: {  	_ =	shalt  }
0x3f: {  	_ =	shalt  }
0x40: {  	_ =	shalt  }
0x41: {  	_ =	shalt  }
0x42: {  	_ =	shalt  }
0x43: {  	_ =	shalt  }
0x44: {  	_ =	shalt  }
0x45: {  	_ =	shalt  }
0x46: {  	_ =	shalt  }
0x47: {  	_ =	shalt  }
0x48: {  	_ =	shalt  }
0x49: {  	_ =	shalt  }
0x4a: {  	_ =	shalt  }
0x4b: {  	_ =	shalt  }
0x4c: {  	_ =	shalt  }
0x4d: {  	_ =	shalt  }
0x4e: {  	_ =	shalt  }
0x4f: {  	_ =	shalt  }
0x50: {  	_ =	shalt  }
0x51: {  	_ =	shalt  }
0x52: {  	_ =	shalt  }
0x53: {  	_ =	shalt  }
0x54: {  	_ =	shalt  }
0x55: {  	_ =	shalt  }
0x56: {  	_ =	shalt  }
0x57: {  	_ =	shalt  }
0x58: {  	_ =	shalt  }
0x59: {  	_ =	shalt  }
0x5a: {  	_ =	shalt  }
0x5b: {  	_ =	shalt  }
0x5c: {  	_ =	shalt  }
0x5d: {  	_ =	shalt  }
0x5e: {  	_ =	shalt  }
0x5f: {  	_ =	shalt  }
0x60: {  	_ =	shalt  }
0x61: {  	_ =	shalt  }
0x62: {  	_ =	shalt  }
0x63: {  	_ =	shalt  }
0x64: {  	_ =	shalt  }
0x65: {  	_ =	shalt  }
0x66: {  	_ =	shalt  }
0x67: {  	_ =	shalt  }
0x68: {  	_ =	shalt  }
0x69: {  	_ =	shalt  }
0x6a: {  	_ =	shalt  }
0x6b: {  	_ =	shalt  }
0x6c: {  	_ =	shalt  }
0x6d: {  	_ =	shalt  }
0x6e: {  	_ =	shalt  }
0x6f: {  	_ =	shalt  }
0x70: {  	_ =	shalt  }
0x71: {  	_ =	shalt  }
0x72: {  	_ =	shalt  }
0x73: {  	_ =	shalt  }
0x74: {  	_ =	shalt  }
0x75: {  	_ =	shalt  }
0x76: {  	_ =	shalt  }
0x77: {  	_ =	shalt  }
0x78: {  	_ =	shalt  }
0x79: {  	_ =	shalt  }
0x7a: {  	_ =	shalt  }
0x7b: {  	_ =	shalt  }
0x7c: {  	_ =	shalt  }
0x7d: {  	_ =	shalt  }
0x7e: {  	_ =	shalt  }
0x7f: {  	_ =	shalt  }
0x80: {  	_ =	shalt  }
0x81: {  	_ =	shalt  }
0x82: {  	_ =	shalt  }
0x83: {  	_ =	shalt  }
0x84: {  	_ =	shalt  }
0x85: {  	_ =	shalt  }
0x86: {  	_ =	shalt  }
0x87: {  	_ =	shalt  }
.Lfunc_end0:
.L_simem_size_0:
called_computation_lowered:
.L_overlay_start_0:
0x88: {  	s2 =	sld [smem:$0x3FD9]  }
0x89: {  	s3 =	sld [smem:$0x3FFE];
	_ =	sdelay $0x1  }
0x8a: {  	s1 =	srdreg.scid  }
0x8b: {  	s0 =	sand.u32 $0x1, s1  }
0x8c: {  	s17 =	sshll.u32 s0, $0xA;
	s2 =	sadd.s32 s3, s2  }
0x8d: {  	s2 =	sadd.s32 s2, s17  }
0x8e: {  	[smem:$0x3FC6] =	sst s2  }
0x8f: {  	_ = 	snop  }
0x90: {  	s2 =	sld [smem:$0x3FC8]  }
0x91: {  	s18 =	sld [smem:$0x3FD0];
	(tm) =	ssettm $0x1  }
0x92: {  	s4 =	sld [smem:$0x3FFB];
	_ =	sdelay $0x3  }
0x93: {  	_ =	strace s4  }
0x94: {  	s4 =	sld [smem:$0x3FFC];
	_ =	sdelay $0x3  }
0x95: {  	_ =	strace s4  }
0x96: {  	s4 =	sld [smem:$0x3FFD];
	_ =	sdelay $0x3  }
0x97: {  	_ =	strace s4  }
0x98: {  	_ =	strace $0x8FFFFFFF  }
0x99: {  	s19 =	sld [smem:$0x3FDB];
	_ =	sdelay $0x1  }
0x9a: {  	s5 =	simm.s32 $_scs_section_size  }
0x9b: {  	s6 =	simm.s32 $_size__tile_overlayer_lowered;
	s7 =	simm.s32 $_tile_overlayer_lowered  }
0x9c: {  	s22 =	simm.s32 $0x1BFF;
	s21 =	sshll.u32 s7, $0x1;
	s4 =	sadd.s32 s5, s19  }
0x9d: {  	s8 =	simm.s32 $0x0;
	s20 =	sshll.u32 s6, $0x1;
	s6 =	sadd.s32 s21, s4  }
0x9e: {  	[timem:s8], [sflag:s22] =	dma.local [hbm:s6], s20  }
0x9f: {  	_ =	swait.ge [sflag:s22], s20  }
0xa0: {  	s5 =	ssub.s32 $0x0, s20;
	[sflag:s22] =	ssyncset.done $0x0  }
0xa1: {  	[sflag:s22] =	ssyncadd.s32 s5;
	_ =	sdelay $0x1  }
0xa2: {  	s23 =	simm.s32 $0x1B8B  }
0xa3: {  	_ =	swait.ge [sflag:s23], $0x1  }
0xa4: {  	[sflag:s23] =	ssyncset.done $0x0  }
0xa5: {  	s25 =	simm.s32 $0x1B8E;
	s24 =	sld [smem:$0x3FFE];
	[sflag:s23] =	ssyncadd.s32 $0xFFFFFFFF  }
0xa6: {  	s26 =	simm.s32 $execute0_lowered;
	[smem:$0x3FD2] =	sst s25  }
0xa7: {  	s6 =	sshll.u32 s26, $0x1;
	_ =	strace $0x80000046;
	[dreg:$0x1] =	wrdreg $0xFFFFFFFF  }
0xa8: {  	s28 =	simm.s32 $_size_execute0_lowered;
	s4 =	sadd.s32 s4, s6;
	[dreg:$0x0] =	wrdreg $0x0  }
0xa9: {  	s6 =	sshll.u32 s28, $0x1;
	[dreg:$0x2] =	wrdreg s4  }
0xaa: {  	[dreg:$0x3] =	wrdreg s6  }
0xab: {  	[dreg:$0x4] =	wrdreg $0xC0  }
0xac: {  	_ =	task [dreg:s8], $0x5FFFF  }
0xad: {  	[dreg:$0x1] =	wrdreg $0xFFFFFFFF  }
0xae: {  	[dreg:$0x0] =	wrdreg $0x60  }
0xaf: {  	[dreg:$0x2] =	wrdreg s24  }
0xb0: {  	[dreg:$0x3] =	wrdreg s2  }
0xb1: {  	[dreg:$0x4] =	wrdreg s18  }
0xb2: {  	[dreg:$0x5] =	wrdreg $0x9  }
0xb3: {  	_ =	task.clear_ibuf [dreg:s8], $0x6FFFF;
	_ =	strace $0x90000046  }
0xb4: {  	s29 =	simm.s32 $0x9;
	_ =	strace $0x80000048  }
0xb5: {  	_ =	swait.ge [sflag:s29], $0x1  }
0xb6: {  	[sflag:s29] =	ssyncadd.s32 $0xFFFFFFFF  }
0xb7: {  	_ =	strace $0x90000048  }
0xb8: {  	_ =	sfence  }
0xb9: {  	s30 =	sld [smem:$0x0];
	_ =	sdelay $0x2  }
0xba: {  	s31 =	sshll.u32 s1, $0xD;
	s1 =	sshrl.u32 s1, $0x2  }
0xbb: {  	s3 =	sand.u32 $0x4000, s31;
	s1 =	sadd.s32 s1, s30  }
0xbc: {  	s0 =	sor.u32 s3, s0;
	s1 =	sshll.u32 s1, $0x11  }
0xbd: {  	s0 =	sor.u32 s1, s0  }
0xbe: {  	s0 =	sadd.s32 $0x8F2B, s0  }
0xbf: {  	[sflag:s0] =	ssyncadd.remote.s32 $0x1  }
0xc0: {  	_ =	sfence.sel $0xFFFF  }
0xc1: {  	[dreg:$0x0] =	wrdreg $0xFFFFFFFF;
	(pc) =	sbr.abs _section_cstart, $3  }
0xc2: {  	[dreg:$0x1] =	wrdreg $0xFFFFFFFF  }
0xc3: {  	_ =	task.clear_ibuf [dreg:s8], $0x2FFFF;
	_ =	strace $0x9FFFFFFF  }
0xc4: {  	(tm) =	ssettm $0x7FFFFFFF  }
0xc5: {  	_ =	shalt  }
tec
execute0_lowered:
.L_overlay_start_1:
0x0: {  	(tag) =	ssettag $0x1  }
0x1: {  	s0 =	rddreg [dreg:$0x0]  }
0x2: {  	s1 =	rddreg [dreg:$0x1]  }
0x3: {  	s2 =	rddreg [dreg:$0x2];
	s3 =	simm.s32 $0x0  }
0x4: {  	s4 =	srdreg.scid;
	s5 =	stileid.u32;
	s28 =	simm.s32 $0x9000  }
0x5: {  	s29 =	simm.s32 $0xB000;
	s30 =	simm.s32 $0x3;
	s31 =	simm.s32 $0x5  }
0x6: {  	[smem:$0x7FF] =	sst s3;
	s4 =	sand.u32 $0x1, s4;
	s5 =	sshll.u32 s5, $0x1  }
0x7: {  	s0 =	sadd.s32 $0x400, s0;
	s6 =	ssub.s32 $0x2, s4;
	s4 =	sor.u32 s4, s5  }
0x8: {  	_ =	strace $0x80000047;
	s12 =	sshrl.u32 s6, $0x1;
	s7 =	sshll.u32 s4, $0xF  }
0x9: {  	s13 =	sshll.u32 s4, $0xE;
	s4 =	sshll.u32 s4, $0xC;
	s5 =	ssub.s32 s6, s12  }
0xa: {  	s8 =	sor.u32 $0x1000, s7;
	s6 =	sadd.s32 s0, s13;
	s11 =	sor.u32 $0x2000, s7  }
0xb: {  	s4 =	sadd.s32 s2, s4;
	s16 =	sor.u32 $0x3000, s7;
	s17 =	sor.u32 $0x5000, s7  }
0xc: {  	s22 =	sor.u32 $0x6000, s7;
	[dreg:$0x4] =	wrdreg s6;
	s14 =	sshrl.u32 s8, $0x1  }
0xd: {  	s15 =	sshrl.u32 s11, $0x1;
	[dreg:$0x7] =	wrdreg s4;
	s18 =	sshrl.u32 s16, $0x1  }
0xe: {  	s9 =	sshrl.u32 s8, $0x3;
	s20 =	sshrl.u32 s11, $0x3;
	s21 =	sshrl.u32 s17, $0x1  }
0xf: {  	s4 =	sshrl.u32 s16, $0x3;
	s23 =	sshrl.u32 s22, $0x1;
	s25 =	sshrl.u32 s17, $0x3  }
0x10: {  	s6 =	sadd.s32 s0, s14;
	s14 =	sor.u32 $0x4000, s7;
	s8 =	sadd.s32 s0, s18  }
0x11: {  	s9 =	sadd.s32 s2, s9;
	s11 =	sadd.s32 s2, s20;
	s12 =	sadd.s32 s0, s21  }
0x12: {  	s13 =	sadd.s32 s2, s4;
	s7 =	sor.u32 $0x7000, s7;
	s4 =	sshrl.u32 s22, $0x3  }
0x13: {  	s17 =	sadd.s32 s2, s25;
	s20 =	smax.u32 s5, $0x1;
	s21 =	simm.s32 $0x4000  }
0x14: {  	s22 =	simm.s32 $0x1;
	s25 =	simm.s32 $0xA000;
	[dreg:$0x5] =	wrdreg s6  }
0x15: {  	s6 =	sadd.s32 s0, s15;
	s19 =	sshrl.u32 s14, $0x1;
	s15 =	sshrl.u32 s14, $0x3  }
0x16: {  	s14 =	sadd.s32 s0, s23;
	s24 =	sshrl.u32 s7, $0x1;
	s18 =	sadd.s32 s2, s4  }
0x17: {  	s26 =	sshrl.u32 s7, $0x3;
	s23 =	simm.s32 $0x1000;
	s4 =	simm.s32 $0x0  }
0x18: {  	[dreg:$0x6] =	wrdreg s6;
	s10 =	sadd.s32 s0, s19;
	s15 =	sadd.s32 s2, s15  }
0x19: {  	s16 =	sadd.s32 s0, s24;
	s19 =	sadd.s32 s2, s26;
	s24 =	simm.s32 $0x8000  }
0x1a: {  	s26 =	simm.s32 $0x2;
	s0 =	simm.s32 $0x4;
	s2 =	simm.s32 $0x6  }
.LBB2_1:
0x1b: {  	s5 =	rddreg [dreg:$0x4]  }
0x1c: {  	[tilespmem:s3], [sflag:$0x1] =	stream.linear.gather [hbm4b:s5+s3], $0x4000, $0x38;
	[tilespmem:$0xC000] =	vst v63  }
0x1d: {  	s7 =	rddreg [dreg:$0x5]  }
0x1e: {  	[tilespmem:s21], [sflag:$0x2] =	stream.linear.gather [hbm4b:s7+s3], $0x4000, $0x38;
	[tilespmem:$0xC000] =	vst v63  }
0x1f: {  	_ =	swait.ge [sflag:s22], $0x4000  }
0x20: {  	[sflag:s22] =	ssyncset.done $0x0  }
0x21: {  	s5 =	simm.s32 $0xC0;
	[sflag:s22] =	ssyncadd.s32 $0xFFFFC000  }
0x22: {  	v0 =	vld [tilespmem:s5+$0xFFFFFFC0]  }
0x23: {  	v1 =	vld [tilespmem:s5+$0xFFFFFF40];
	_ =	sdelay $0x1  }
0x24: {  	v2 =	vld [tilespmem:s5+$0x40];
	_ =	sdelay $0x1  }
0x25: {  	v3 =	vshll.u32 v0, $0x8  }
0x26: {  	v0 =	vshll.u32 v0, $0x7;
	v1 =	vshll.u32 v1, $0x10;
	v3 =	vand.u32 $0xFFFFF800, v3  }
0x27: {  	v0 =	vand.u32 $0x380, v0;
	v1 =	vadd.s32 v1, v3  }
0x28: {  	v3 =	vshll.u32 v2, $0x3;
	v2 =	vand.u32 $0x7F, v2;
	v0 =	vor.u32 v0, v1  }
0x29: {  	v1 =	vand.u32 $0xFFFFFC00, v3;
	v0 =	vor.u32 v2, v0  }
0x2a: {  	s6 =	simm.s32 $0x0;
	v0 =	vadd.s32 v1, v0  }
0x2b: {  	[tilespmem:s6+$0x8000] =	vst v0  }
0x2c: {  	v0 =	vld [tilespmem:s5+$0xFFFFFFD0]  }
0x2d: {  	v1 =	vld [tilespmem:s5+$0xFFFFFF50];
	_ =	sdelay $0x1  }
0x2e: {  	v2 =	vld [tilespmem:s5+$0x50];
	_ =	sdelay $0x1  }
0x2f: {  	v3 =	vshll.u32 v0, $0x8  }
0x30: {  	v0 =	vshll.u32 v0, $0x7;
	v1 =	vshll.u32 v1, $0x10;
	v3 =	vand.u32 $0xFFFFF800, v3  }
0x31: {  	v0 =	vand.u32 $0x380, v0;
	v1 =	vadd.s32 v1, v3  }
0x32: {  	v3 =	vshll.u32 v2, $0x3;
	v2 =	vand.u32 $0x7F, v2;
	v0 =	vor.u32 v0, v1  }
0x33: {  	v1 =	vand.u32 $0xFFFFFC00, v3;
	v0 =	vor.u32 v2, v0  }
0x34: {  	v0 =	vadd.s32 v1, v0  }
0x35: {  	[tilespmem:s6+$0x8010] =	vst v0  }
0x36: {  	v0 =	vld [tilespmem:s5+$0xFFFFFFE0]  }
0x37: {  	v1 =	vld [tilespmem:s5+$0xFFFFFF60];
	_ =	sdelay $0x1  }
0x38: {  	v2 =	vld [tilespmem:s5+$0x60];
	_ =	sdelay $0x1  }
0x39: {  	v3 =	vshll.u32 v0, $0x8  }
0x3a: {  	v0 =	vshll.u32 v0, $0x7;
	v1 =	vshll.u32 v1, $0x10;
	v3 =	vand.u32 $0xFFFFF800, v3  }
0x3b: {  	v0 =	vand.u32 $0x380, v0;
	v1 =	vadd.s32 v1, v3  }
0x3c: {  	v3 =	vshll.u32 v2, $0x3;
	v2 =	vand.u32 $0x7F, v2;
	v0 =	vor.u32 v0, v1  }
0x3d: {  	v1 =	vand.u32 $0xFFFFFC00, v3;
	v0 =	vor.u32 v2, v0  }
0x3e: {  	v0 =	vadd.s32 v1, v0  }
0x3f: {  	[tilespmem:s6+$0x8020] =	vst v0  }
0x40: {  	v0 =	vld [tilespmem:s5+$0xFFFFFFF0]  }
0x41: {  	v1 =	vld [tilespmem:s5+$0xFFFFFF70];
	_ =	sdelay $0x1  }
0x42: {  	v2 =	vld [tilespmem:s5+$0x70];
	_ =	sdelay $0x1  }
0x43: {  	v3 =	vshll.u32 v0, $0x8  }
0x44: {  	v0 =	vshll.u32 v0, $0x7;
	v1 =	vshll.u32 v1, $0x10;
	v3 =	vand.u32 $0xFFFFF800, v3  }
0x45: {  	v0 =	vand.u32 $0x380, v0;
	v1 =	vadd.s32 v1, v3  }
0x46: {  	v3 =	vshll.u32 v2, $0x3;
	v2 =	vand.u32 $0x7F, v2;
	v0 =	vor.u32 v0, v1  }
0x47: {  	v1 =	vand.u32 $0xFFFFFC00, v3;
	v0 =	vor.u32 v2, v0  }
0x48: {  	v0 =	vadd.s32 v1, v0  }
0x49: {  	[tilespmem:s6+$0x8030] =	vst v0  }
0x4a: {  	v0 =	vld [tilespmem:s5+$0x0]  }
0x4b: {  	v1 =	vld [tilespmem:s5+$0xFFFFFF80];
	_ =	sdelay $0x1  }
0x4c: {  	v2 =	vld [tilespmem:s5+$0x80];
	_ =	sdelay $0x1  }
0x4d: {  	v3 =	vshll.u32 v0, $0x8  }
0x4e: {  	v0 =	vshll.u32 v0, $0x7;
	v1 =	vshll.u32 v1, $0x10;
	v3 =	vand.u32 $0xFFFFF800, v3  }
0x4f: {  	v0 =	vand.u32 $0x380, v0;
	v1 =	vadd.s32 v1, v3  }
0x50: {  	v3 =	vshll.u32 v2, $0x3;
	v2 =	vand.u32 $0x7F, v2;
	v0 =	vor.u32 v0, v1  }
0x51: {  	v1 =	vand.u32 $0xFFFFFC00, v3;
	v0 =	vor.u32 v2, v0  }
0x52: {  	v0 =	vadd.s32 v1, v0  }
0x53: {  	[tilespmem:s6+$0x8040] =	vst v0  }
0x54: {  	v0 =	vld [tilespmem:s5+$0x10]  }
0x55: {  	v1 =	vld [tilespmem:s5+$0xFFFFFF90];
	_ =	sdelay $0x1  }
0x56: {  	v2 =	vld [tilespmem:s5+$0x90];
	_ =	sdelay $0x1  }
0x57: {  	v3 =	vshll.u32 v0, $0x8  }
0x58: {  	v0 =	vshll.u32 v0, $0x7;
	v1 =	vshll.u32 v1, $0x10;
	v3 =	vand.u32 $0xFFFFF800, v3  }
0x59: {  	v0 =	vand.u32 $0x380, v0;
	v1 =	vadd.s32 v1, v3  }
0x5a: {  	v3 =	vshll.u32 v2, $0x3;
	v2 =	vand.u32 $0x7F, v2;
	v0 =	vor.u32 v0, v1  }
0x5b: {  	v1 =	vand.u32 $0xFFFFFC00, v3;
	v0 =	vor.u32 v2, v0  }
0x5c: {  	v0 =	vadd.s32 v1, v0  }
0x5d: {  	[tilespmem:s6+$0x8050] =	vst v0  }
0x5e: {  	v0 =	vld [tilespmem:s5+$0x20]  }
0x5f: {  	v1 =	vld [tilespmem:s5+$0xFFFFFFA0];
	_ =	sdelay $0x1  }
0x60: {  	v2 =	vld [tilespmem:s5+$0xA0];
	_ =	sdelay $0x1  }
0x61: {  	v3 =	vshll.u32 v0, $0x8  }
0x62: {  	v0 =	vshll.u32 v0, $0x7;
	v1 =	vshll.u32 v1, $0x10;
	v3 =	vand.u32 $0xFFFFF800, v3  }
0x63: {  	v0 =	vand.u32 $0x380, v0;
	v1 =	vadd.s32 v1, v3  }
0x64: {  	v3 =	vshll.u32 v2, $0x3;
	v2 =	vand.u32 $0x7F, v2;
	v0 =	vor.u32 v0, v1  }
0x65: {  	v1 =	vand.u32 $0xFFFFFC00, v3;
	v0 =	vor.u32 v2, v0  }
0x66: {  	v0 =	vadd.s32 v1, v0  }
0x67: {  	[tilespmem:s6+$0x8060] =	vst v0  }
0x68: {  	v0 =	vld [tilespmem:s5+$0x30]  }
0x69: {  	v1 =	vld [tilespmem:s5+$0xFFFFFFB0];
	_ =	sdelay $0x1  }
0x6a: {  	v2 =	vld [tilespmem:s5+$0xB0];
	_ =	sdelay $0x1  }
0x6b: {  	v3 =	vshll.u32 v0, $0x8  }
0x6c: {  	v0 =	vshll.u32 v0, $0x7;
	v1 =	vshll.u32 v1, $0x10;
	v3 =	vand.u32 $0xFFFFF800, v3  }
0x6d: {  	v0 =	vand.u32 $0x380, v0;
	v1 =	vadd.s32 v1, v3  }
0x6e: {  	v3 =	vshll.u32 v2, $0x3;
	v2 =	vand.u32 $0x7F, v2;
	v0 =	vor.u32 v0, v1  }
0x6f: {  	v1 =	vand.u32 $0xFFFFFC00, v3;
	v0 =	vor.u32 v2, v0  }
0x70: {  	s7 =	simm.s32 $0x200;
	v0 =	vadd.s32 v1, v0  }
.LBB2_2:
0x71: {  	p0 =	sne.s32 s7, $0x3E00  }
0x72: {  	[tilespmem:s6+$0x8070] =	vst v0;
	s5 =	sadd.s32 $0x200, s5;
	s6 =	smov.u32 s7;
	s7 =	sadd.s32 $0x200, s7  }
0x73: {  	v0 =	vld [tilespmem:s5+$0xFFFFFFC0]  }
0x74: {  	v1 =	vld [tilespmem:s5+$0xFFFFFF40];
	_ =	sdelay $0x1  }
0x75: {  	v2 =	vld [tilespmem:s5+$0x40];
	_ =	sdelay $0x1  }
0x76: {  	v3 =	vshll.u32 v0, $0x8;
	v0 =	vshll.u32 v0, $0x7  }
0x77: {  	v1 =	vshll.u32 v1, $0x10;
	v3 =	vand.u32 $0xFFFFF800, v3  }
0x78: {  	v0 =	vand.u32 $0x380, v0;
	v1 =	vadd.s32 v1, v3  }
0x79: {  	v3 =	vshll.u32 v2, $0x3;
	v2 =	vand.u32 $0x7F, v2;
	v0 =	vor.u32 v0, v1  }
0x7a: {  	v1 =	vand.u32 $0xFFFFFC00, v3;
	v0 =	vor.u32 v2, v0  }
0x7b: {  	s6 =	sshra.s32 s6, $0x2;
	v0 =	vadd.s32 v1, v0  }
0x7c: {  	[tilespmem:s6+$0x8000] =	vst v0  }
0x7d: {  	v0 =	vld [tilespmem:s5+$0xFFFFFFD0]  }
0x7e: {  	v1 =	vld [tilespmem:s5+$0xFFFFFF50];
	_ =	sdelay $0x1  }
0x7f: {  	v2 =	vld [tilespmem:s5+$0x50];
	_ =	sdelay $0x1  }
0x80: {  	v3 =	vshll.u32 v0, $0x8;
	v0 =	vshll.u32 v0, $0x7  }
0x81: {  	v1 =	vshll.u32 v1, $0x10;
	v3 =	vand.u32 $0xFFFFF800, v3  }
0x82: {  	v0 =	vand.u32 $0x380, v0;
	v1 =	vadd.s32 v1, v3  }
0x83: {  	v3 =	vshll.u32 v2, $0x3;
	v2 =	vand.u32 $0x7F, v2;
	v0 =	vor.u32 v0, v1  }
0x84: {  	v1 =	vand.u32 $0xFFFFFC00, v3;
	v0 =	vor.u32 v2, v0  }
0x85: {  	v0 =	vadd.s32 v1, v0  }
0x86: {  	[tilespmem:s6+$0x8010] =	vst v0  }
0x87: {  	v0 =	vld [tilespmem:s5+$0xFFFFFFE0]  }
0x88: {  	v1 =	vld [tilespmem:s5+$0xFFFFFF60];
	_ =	sdelay $0x1  }
0x89: {  	v2 =	vld [tilespmem:s5+$0x60];
	_ =	sdelay $0x1  }
0x8a: {  	v3 =	vshll.u32 v0, $0x8;
	v0 =	vshll.u32 v0, $0x7  }
0x8b: {  	v1 =	vshll.u32 v1, $0x10;
	v3 =	vand.u32 $0xFFFFF800, v3  }
0x8c: {  	v0 =	vand.u32 $0x380, v0;
	v1 =	vadd.s32 v1, v3  }
0x8d: {  	v3 =	vshll.u32 v2, $0x3;
	v2 =	vand.u32 $0x7F, v2;
	v0 =	vor.u32 v0, v1  }
0x8e: {  	v1 =	vand.u32 $0xFFFFFC00, v3;
	v0 =	vor.u32 v2, v0  }
0x8f: {  	v0 =	vadd.s32 v1, v0  }
0x90: {  	[tilespmem:s6+$0x8020] =	vst v0  }
0x91: {  	v0 =	vld [tilespmem:s5+$0xFFFFFFF0]  }
0x92: {  	v1 =	vld [tilespmem:s5+$0xFFFFFF70];
	_ =	sdelay $0x1  }
0x93: {  	v2 =	vld [tilespmem:s5+$0x70];
	_ =	sdelay $0x1  }
0x94: {  	v3 =	vshll.u32 v0, $0x8;
	v0 =	vshll.u32 v0, $0x7  }
0x95: {  	v1 =	vshll.u32 v1, $0x10;
	v3 =	vand.u32 $0xFFFFF800, v3  }
0x96: {  	v0 =	vand.u32 $0x380, v0;
	v1 =	vadd.s32 v1, v3  }
0x97: {  	v3 =	vshll.u32 v2, $0x3;
	v2 =	vand.u32 $0x7F, v2;
	v0 =	vor.u32 v0, v1  }
0x98: {  	v1 =	vand.u32 $0xFFFFFC00, v3;
	v0 =	vor.u32 v2, v0  }
0x99: {  	v0 =	vadd.s32 v1, v0  }
0x9a: {  	[tilespmem:s6+$0x8030] =	vst v0  }
0x9b: {  	v0 =	vld [tilespmem:s5+$0x0]  }
0x9c: {  	v1 =	vld [tilespmem:s5+$0xFFFFFF80];
	_ =	sdelay $0x1  }
0x9d: {  	v2 =	vld [tilespmem:s5+$0x80];
	_ =	sdelay $0x1  }
0x9e: {  	v3 =	vshll.u32 v0, $0x8;
	v0 =	vshll.u32 v0, $0x7  }
0x9f: {  	v1 =	vshll.u32 v1, $0x10;
	v3 =	vand.u32 $0xFFFFF800, v3  }
0xa0: {  	v0 =	vand.u32 $0x380, v0;
	v1 =	vadd.s32 v1, v3  }
0xa1: {  	v3 =	vshll.u32 v2, $0x3;
	v2 =	vand.u32 $0x7F, v2;
	v0 =	vor.u32 v0, v1  }
0xa2: {  	v1 =	vand.u32 $0xFFFFFC00, v3;
	v0 =	vor.u32 v2, v0  }
0xa3: {  	v0 =	vadd.s32 v1, v0  }
0xa4: {  	[tilespmem:s6+$0x8040] =	vst v0  }
0xa5: {  	v0 =	vld [tilespmem:s5+$0x10]  }
0xa6: {  	v1 =	vld [tilespmem:s5+$0xFFFFFF90]  }
0xa7: {  	v2 =	vld [tilespmem:s5+$0x90];
	_ =	sdelay $0x2  }
0xa8: {  	v3 =	vshll.u32 v0, $0x8;
	v0 =	vshll.u32 v0, $0x7  }
0xa9: {  	v1 =	vshll.u32 v1, $0x10;
	v3 =	vand.u32 $0xFFFFF800, v3  }
0xaa: {  	v0 =	vand.u32 $0x380, v0;
	v1 =	vadd.s32 v1, v3;
	v3 =	vshll.u32 v2, $0x3  }
0xab: {  	v2 =	vand.u32 $0x7F, v2;
	v0 =	vor.u32 v0, v1  }
0xac: {  	v1 =	vand.u32 $0xFFFFFC00, v3;
	v0 =	vor.u32 v2, v0  }
0xad: {  	v0 =	vadd.s32 v1, v0  }
0xae: {  	[tilespmem:s6+$0x8050] =	vst v0  }
0xaf: {  	v0 =	vld [tilespmem:s5+$0x20]  }
0xb0: {  	v1 =	vld [tilespmem:s5+$0xFFFFFFA0]  }
0xb1: {  	v2 =	vld [tilespmem:s5+$0xA0];
	_ =	sdelay $0x2  }
0xb2: {  	v3 =	vshll.u32 v0, $0x8;
	v0 =	vshll.u32 v0, $0x7  }
0xb3: {  	v1 =	vshll.u32 v1, $0x10;
	v3 =	vand.u32 $0xFFFFF800, v3  }
0xb4: {  	v0 =	vand.u32 $0x380, v0;
	v1 =	vadd.s32 v1, v3;
	v3 =	vshll.u32 v2, $0x3  }
0xb5: {  	v2 =	vand.u32 $0x7F, v2;
	v0 =	vor.u32 v0, v1  }
0xb6: {  	v1 =	vand.u32 $0xFFFFFC00, v3;
	v0 =	vor.u32 v2, v0  }
0xb7: {  	v0 =	vadd.s32 v1, v0  }
0xb8: {  	[tilespmem:s6+$0x8060] =	vst v0  }
0xb9: {  	v0 =	vld [tilespmem:s5+$0x30]  }
0xba: {  	v1 =	vld [tilespmem:s5+$0xFFFFFFB0]  }
0xbb: {  	v2 =	vld [tilespmem:s5+$0xB0];
	_ =	sdelay $0x2  }
0xbc: {  	v3 =	vshll.u32 v0, $0x8;
	v0 =	vshll.u32 v0, $0x7  }
.Ltmp0:
0xbd: {  	v1 =	vshll.u32 v1, $0x10;
	v3 =	vand.u32 $0xFFFFF800, v3;
	(pc) =	sbr.rel @p0 .LBB2_2-.Ltmp0, $4  }
0xbe: {  	v0 =	vand.u32 $0x380, v0;
	v1 =	vadd.s32 v1, v3;
	v3 =	vshll.u32 v2, $0x3  }
0xbf: {  	v2 =	vand.u32 $0x7F, v2;
	v0 =	vor.u32 v0, v1  }
0xc0: {  	v1 =	vand.u32 $0xFFFFFC00, v3;
	v0 =	vor.u32 v2, v0  }
0xc1: {  	v0 =	vadd.s32 v1, v0  }
0xc2: {  	[tilespmem:s6+$0x8070] =	vst v0  }
0xc3: {  	[tilespmem:s25], [sflag:$0x3] =	stream.indirect.gather [hbm4b:s1+s23], $0x1, s24, s23, $0xb8;
	[tilespmem:$0xC000] =	vst v63  }
0xc4: {  	s5 =	simm.s32 $0x0;
	s7 =	rddreg [dreg:$0x6]  }
0xc5: {  	[tilespmem:s5], [sflag:$0x1] =	stream.linear.gather [hbm4b:s7+s5], $0x4000, $0x38;
	[tilespmem:$0xC000] =	vst v63  }
0xc6: {  	_ =	swait.ge [sflag:s26], $0x4000  }
0xc7: {  	[sflag:s26] =	ssyncset.done $0x0  }
0xc8: {  	s5 =	simm.s32 $0x40C0;
	[sflag:s26] =	ssyncadd.s32 $0xFFFFC000  }
0xc9: {  	v0 =	vld [tilespmem:s5+$0xFFFFFFC0]  }
0xca: {  	v1 =	vld [tilespmem:s5+$0xFFFFFF40];
	_ =	sdelay $0x1  }
0xcb: {  	v2 =	vld [tilespmem:s5+$0x40];
	_ =	sdelay $0x1  }
0xcc: {  	v3 =	vshll.u32 v0, $0x8  }
0xcd: {  	v0 =	vshll.u32 v0, $0x7;
	v1 =	vshll.u32 v1, $0x10;
	v3 =	vand.u32 $0xFFFFF800, v3  }
0xce: {  	v0 =	vand.u32 $0x380, v0;
	v1 =	vadd.s32 v1, v3  }
0xcf: {  	v3 =	vshll.u32 v2, $0x3;
	v2 =	vand.u32 $0x7F, v2;
	v0 =	vor.u32 v0, v1  }
0xd0: {  	v1 =	vand.u32 $0xFFFFFC00, v3;
	v0 =	vor.u32 v2, v0  }
0xd1: {  	s6 =	simm.s32 $0x0;
	v0 =	vadd.s32 v1, v0  }
0xd2: {  	[tilespmem:s6+$0x9000] =	vst v0  }
0xd3: {  	v0 =	vld [tilespmem:s5+$0xFFFFFFD0]  }
0xd4: {  	v1 =	vld [tilespmem:s5+$0xFFFFFF50];
	_ =	sdelay $0x1  }
0xd5: {  	v2 =	vld [tilespmem:s5+$0x50];
	_ =	sdelay $0x1  }
0xd6: {  	v3 =	vshll.u32 v0, $0x8  }
0xd7: {  	v0 =	vshll.u32 v0, $0x7;
	v1 =	vshll.u32 v1, $0x10;
	v3 =	vand.u32 $0xFFFFF800, v3  }
0xd8: {  	v0 =	vand.u32 $0x380, v0;
	v1 =	vadd.s32 v1, v3  }
0xd9: {  	v3 =	vshll.u32 v2, $0x3;
	v2 =	vand.u32 $0x7F, v2;
	v0 =	vor.u32 v0, v1  }
0xda: {  	v1 =	vand.u32 $0xFFFFFC00, v3;
	v0 =	vor.u32 v2, v0  }
0xdb: {  	v0 =	vadd.s32 v1, v0  }
0xdc: {  	[tilespmem:s6+$0x9010] =	vst v0  }
0xdd: {  	v0 =	vld [tilespmem:s5+$0xFFFFFFE0]  }
0xde: {  	v1 =	vld [tilespmem:s5+$0xFFFFFF60];
	_ =	sdelay $0x1  }
0xdf: {  	v2 =	vld [tilespmem:s5+$0x60];
	_ =	sdelay $0x1  }
0xe0: {  	v3 =	vshll.u32 v0, $0x8  }
0xe1: {  	v0 =	vshll.u32 v0, $0x7;
	v1 =	vshll.u32 v1, $0x10;
	v3 =	vand.u32 $0xFFFFF800, v3  }
0xe2: {  	v0 =	vand.u32 $0x380, v0;
	v1 =	vadd.s32 v1, v3  }
0xe3: {  	v3 =	vshll.u32 v2, $0x3;
	v2 =	vand.u32 $0x7F, v2;
	v0 =	vor.u32 v0, v1  }
0xe4: {  	v1 =	vand.u32 $0xFFFFFC00, v3;
	v0 =	vor.u32 v2, v0  }
0xe5: {  	v0 =	vadd.s32 v1, v0  }
0xe6: {  	[tilespmem:s6+$0x9020] =	vst v0  }
0xe7: {  	v0 =	vld [tilespmem:s5+$0xFFFFFFF0]  }
0xe8: {  	v1 =	vld [tilespmem:s5+$0xFFFFFF70];
	_ =	sdelay $0x1  }
0xe9: {  	v2 =	vld [tilespmem:s5+$0x70];
	_ =	sdelay $0x1  }
0xea: {  	v3 =	vshll.u32 v0, $0x8  }
0xeb: {  	v0 =	vshll.u32 v0, $0x7;
	v1 =	vshll.u32 v1, $0x10;
	v3 =	vand.u32 $0xFFFFF800, v3  }
0xec: {  	v0 =	vand.u32 $0x380, v0;
	v1 =	vadd.s32 v1, v3  }
0xed: {  	v3 =	vshll.u32 v2, $0x3;
	v2 =	vand.u32 $0x7F, v2;
	v0 =	vor.u32 v0, v1  }
0xee: {  	v1 =	vand.u32 $0xFFFFFC00, v3;
	v0 =	vor.u32 v2, v0  }
0xef: {  	v0 =	vadd.s32 v1, v0  }
0xf0: {  	[tilespmem:s6+$0x9030] =	vst v0  }
0xf1: {  	v0 =	vld [tilespmem:s5+$0x0]  }
0xf2: {  	v1 =	vld [tilespmem:s5+$0xFFFFFF80];
	_ =	sdelay $0x1  }
0xf3: {  	v2 =	vld [tilespmem:s5+$0x80];
	_ =	sdelay $0x1  }
0xf4: {  	v3 =	vshll.u32 v0, $0x8  }
0xf5: {  	v0 =	vshll.u32 v0, $0x7;
	v1 =	vshll.u32 v1, $0x10;
	v3 =	vand.u32 $0xFFFFF800, v3  }
0xf6: {  	v0 =	vand.u32 $0x380, v0;
	v1 =	vadd.s32 v1, v3  }
0xf7: {  	v3 =	vshll.u32 v2, $0x3;
	v2 =	vand.u32 $0x7F, v2;
	v0 =	vor.u32 v0, v1  }
0xf8: {  	v1 =	vand.u32 $0xFFFFFC00, v3;
	v0 =	vor.u32 v2, v0  }
0xf9: {  	v0 =	vadd.s32 v1, v0  }
0xfa: {  	[tilespmem:s6+$0x9040] =	vst v0  }
0xfb: {  	v0 =	vld [tilespmem:s5+$0x10]  }
0xfc: {  	v1 =	vld [tilespmem:s5+$0xFFFFFF90];
	_ =	sdelay $0x1  }
0xfd: {  	v2 =	vld [tilespmem:s5+$0x90];
	_ =	sdelay $0x1  }
0xfe: {  	v3 =	vshll.u32 v0, $0x8  }
0xff: {  	v0 =	vshll.u32 v0, $0x7;
	v1 =	vshll.u32 v1, $0x10;
	v3 =	vand.u32 $0xFFFFF800, v3  }
0x100: {  	v0 =	vand.u32 $0x380, v0;
	v1 =	vadd.s32 v1, v3  }
0x101: {  	v3 =	vshll.u32 v2, $0x3;
	v2 =	vand.u32 $0x7F, v2;
	v0 =	vor.u32 v0, v1  }
0x102: {  	v1 =	vand.u32 $0xFFFFFC00, v3;
	v0 =	vor.u32 v2, v0  }
0x103: {  	v0 =	vadd.s32 v1, v0  }
0x104: {  	[tilespmem:s6+$0x9050] =	vst v0  }
0x105: {  	v0 =	vld [tilespmem:s5+$0x20]  }
0x106: {  	v1 =	vld [tilespmem:s5+$0xFFFFFFA0];
	_ =	sdelay $0x1  }
0x107: {  	v2 =	vld [tilespmem:s5+$0xA0];
	_ =	sdelay $0x1  }
0x108: {  	v3 =	vshll.u32 v0, $0x8  }
0x109: {  	v0 =	vshll.u32 v0, $0x7;
	v1 =	vshll.u32 v1, $0x10;
	v3 =	vand.u32 $0xFFFFF800, v3  }
0x10a: {  	v0 =	vand.u32 $0x380, v0;
	v1 =	vadd.s32 v1, v3  }
0x10b: {  	v3 =	vshll.u32 v2, $0x3;
	v2 =	vand.u32 $0x7F, v2;
	v0 =	vor.u32 v0, v1  }
0x10c: {  	v1 =	vand.u32 $0xFFFFFC00, v3;
	v0 =	vor.u32 v2, v0  }
0x10d: {  	v0 =	vadd.s32 v1, v0  }
0x10e: {  	[tilespmem:s6+$0x9060] =	vst v0  }
0x10f: {  	v0 =	vld [tilespmem:s5+$0x30]  }
0x110: {  	v1 =	vld [tilespmem:s5+$0xFFFFFFB0];
	_ =	sdelay $0x1  }
0x111: {  	v2 =	vld [tilespmem:s5+$0xB0];
	_ =	sdelay $0x1  }
0x112: {  	v3 =	vshll.u32 v0, $0x8  }
0x113: {  	v0 =	vshll.u32 v0, $0x7;
	v1 =	vshll.u32 v1, $0x10;
	v3 =	vand.u32 $0xFFFFF800, v3  }
0x114: {  	v0 =	vand.u32 $0x380, v0;
	v1 =	vadd.s32 v1, v3  }
0x115: {  	v3 =	vshll.u32 v2, $0x3;
	v2 =	vand.u32 $0x7F, v2;
	v0 =	vor.u32 v0, v1  }
0x116: {  	v1 =	vand.u32 $0xFFFFFC00, v3;
	v0 =	vor.u32 v2, v0  }
0x117: {  	s7 =	simm.s32 $0x200;
	v0 =	vadd.s32 v1, v0  }
.LBB2_4:
0x118: {  	p0 =	sne.s32 s7, $0x3E00  }
0x119: {  	[tilespmem:s6+$0x9070] =	vst v0;
	s5 =	sadd.s32 $0x200, s5;
	s6 =	smov.u32 s7;
	s7 =	sadd.s32 $0x200, s7  }
0x11a: {  	v0 =	vld [tilespmem:s5+$0xFFFFFFC0]  }
0x11b: {  	v1 =	vld [tilespmem:s5+$0xFFFFFF40];
	_ =	sdelay $0x1  }
0x11c: {  	v2 =	vld [tilespmem:s5+$0x40];
	_ =	sdelay $0x1  }
0x11d: {  	v3 =	vshll.u32 v0, $0x8;
	v0 =	vshll.u32 v0, $0x7  }
0x11e: {  	v1 =	vshll.u32 v1, $0x10;
	v3 =	vand.u32 $0xFFFFF800, v3  }
0x11f: {  	v0 =	vand.u32 $0x380, v0;
	v1 =	vadd.s32 v1, v3  }
0x120: {  	v3 =	vshll.u32 v2, $0x3;
	v2 =	vand.u32 $0x7F, v2;
	v0 =	vor.u32 v0, v1  }
0x121: {  	v1 =	vand.u32 $0xFFFFFC00, v3;
	v0 =	vor.u32 v2, v0  }
0x122: {  	s6 =	sshra.s32 s6, $0x2;
	v0 =	vadd.s32 v1, v0  }
0x123: {  	[tilespmem:s6+$0x9000] =	vst v0  }
0x124: {  	v0 =	vld [tilespmem:s5+$0xFFFFFFD0]  }
0x125: {  	v1 =	vld [tilespmem:s5+$0xFFFFFF50];
	_ =	sdelay $0x1  }
0x126: {  	v2 =	vld [tilespmem:s5+$0x50];
	_ =	sdelay $0x1  }
0x127: {  	v3 =	vshll.u32 v0, $0x8;
	v0 =	vshll.u32 v0, $0x7  }
0x128: {  	v1 =	vshll.u32 v1, $0x10;
	v3 =	vand.u32 $0xFFFFF800, v3  }
0x129: {  	v0 =	vand.u32 $0x380, v0;
	v1 =	vadd.s32 v1, v3  }
0x12a: {  	v3 =	vshll.u32 v2, $0x3;
	v2 =	vand.u32 $0x7F, v2;
	v0 =	vor.u32 v0, v1  }
0x12b: {  	v1 =	vand.u32 $0xFFFFFC00, v3;
	v0 =	vor.u32 v2, v0  }
0x12c: {  	v0 =	vadd.s32 v1, v0  }
0x12d: {  	[tilespmem:s6+$0x9010] =	vst v0  }
0x12e: {  	v0 =	vld [tilespmem:s5+$0xFFFFFFE0]  }
0x12f: {  	v1 =	vld [tilespmem:s5+$0xFFFFFF60];
	_ =	sdelay $0x1  }
0x130: {  	v2 =	vld [tilespmem:s5+$0x60];
	_ =	sdelay $0x1  }
0x131: {  	v3 =	vshll.u32 v0, $0x8;
	v0 =	vshll.u32 v0, $0x7  }
0x132: {  	v1 =	vshll.u32 v1, $0x10;
	v3 =	vand.u32 $0xFFFFF800, v3  }
0x133: {  	v0 =	vand.u32 $0x380, v0;
	v1 =	vadd.s32 v1, v3  }
0x134: {  	v3 =	vshll.u32 v2, $0x3;
	v2 =	vand.u32 $0x7F, v2;
	v0 =	vor.u32 v0, v1  }
0x135: {  	v1 =	vand.u32 $0xFFFFFC00, v3;
	v0 =	vor.u32 v2, v0  }
0x136: {  	v0 =	vadd.s32 v1, v0  }
0x137: {  	[tilespmem:s6+$0x9020] =	vst v0  }
0x138: {  	v0 =	vld [tilespmem:s5+$0xFFFFFFF0]  }
0x139: {  	v1 =	vld [tilespmem:s5+$0xFFFFFF70];
	_ =	sdelay $0x1  }
0x13a: {  	v2 =	vld [tilespmem:s5+$0x70];
	_ =	sdelay $0x1  }
0x13b: {  	v3 =	vshll.u32 v0, $0x8;
	v0 =	vshll.u32 v0, $0x7  }
0x13c: {  	v1 =	vshll.u32 v1, $0x10;
	v3 =	vand.u32 $0xFFFFF800, v3  }
0x13d: {  	v0 =	vand.u32 $0x380, v0;
	v1 =	vadd.s32 v1, v3  }
0x13e: {  	v3 =	vshll.u32 v2, $0x3;
	v2 =	vand.u32 $0x7F, v2;
	v0 =	vor.u32 v0, v1  }
0x13f: {  	v1 =	vand.u32 $0xFFFFFC00, v3;
	v0 =	vor.u32 v2, v0  }
0x140: {  	v0 =	vadd.s32 v1, v0  }
0x141: {  	[tilespmem:s6+$0x9030] =	vst v0  }
0x142: {  	v0 =	vld [tilespmem:s5+$0x0]  }
0x143: {  	v1 =	vld [tilespmem:s5+$0xFFFFFF80];
	_ =	sdelay $0x1  }
0x144: {  	v2 =	vld [tilespmem:s5+$0x80];
	_ =	sdelay $0x1  }
0x145: {  	v3 =	vshll.u32 v0, $0x8;
	v0 =	vshll.u32 v0, $0x7  }
0x146: {  	v1 =	vshll.u32 v1, $0x10;
	v3 =	vand.u32 $0xFFFFF800, v3  }
0x147: {  	v0 =	vand.u32 $0x380, v0;
	v1 =	vadd.s32 v1, v3  }
0x148: {  	v3 =	vshll.u32 v2, $0x3;
	v2 =	vand.u32 $0x7F, v2;
	v0 =	vor.u32 v0, v1  }
0x149: {  	v1 =	vand.u32 $0xFFFFFC00, v3;
	v0 =	vor.u32 v2, v0  }
0x14a: {  	v0 =	vadd.s32 v1, v0  }
0x14b: {  	[tilespmem:s6+$0x9040] =	vst v0  }
0x14c: {  	v0 =	vld [tilespmem:s5+$0x10]  }
0x14d: {  	v1 =	vld [tilespmem:s5+$0xFFFFFF90]  }
0x14e: {  	v2 =	vld [tilespmem:s5+$0x90];
	_ =	sdelay $0x2  }
0x14f: {  	v3 =	vshll.u32 v0, $0x8;
	v0 =	vshll.u32 v0, $0x7  }
0x150: {  	v1 =	vshll.u32 v1, $0x10;
	v3 =	vand.u32 $0xFFFFF800, v3  }
0x151: {  	v0 =	vand.u32 $0x380, v0;
	v1 =	vadd.s32 v1, v3;
	v3 =	vshll.u32 v2, $0x3  }
0x152: {  	v2 =	vand.u32 $0x7F, v2;
	v0 =	vor.u32 v0, v1  }
0x153: {  	v1 =	vand.u32 $0xFFFFFC00, v3;
	v0 =	vor.u32 v2, v0  }
0x154: {  	v0 =	vadd.s32 v1, v0  }
0x155: {  	[tilespmem:s6+$0x9050] =	vst v0  }
0x156: {  	v0 =	vld [tilespmem:s5+$0x20]  }
0x157: {  	v1 =	vld [tilespmem:s5+$0xFFFFFFA0]  }
0x158: {  	v2 =	vld [tilespmem:s5+$0xA0];
	_ =	sdelay $0x2  }
0x159: {  	v3 =	vshll.u32 v0, $0x8;
	v0 =	vshll.u32 v0, $0x7  }
0x15a: {  	v1 =	vshll.u32 v1, $0x10;
	v3 =	vand.u32 $0xFFFFF800, v3  }
0x15b: {  	v0 =	vand.u32 $0x380, v0;
	v1 =	vadd.s32 v1, v3;
	v3 =	vshll.u32 v2, $0x3  }
0x15c: {  	v2 =	vand.u32 $0x7F, v2;
	v0 =	vor.u32 v0, v1  }
0x15d: {  	v1 =	vand.u32 $0xFFFFFC00, v3;
	v0 =	vor.u32 v2, v0  }
0x15e: {  	v0 =	vadd.s32 v1, v0  }
0x15f: {  	[tilespmem:s6+$0x9060] =	vst v0  }
0x160: {  	v0 =	vld [tilespmem:s5+$0x30]  }
0x161: {  	v1 =	vld [tilespmem:s5+$0xFFFFFFB0]  }
0x162: {  	v2 =	vld [tilespmem:s5+$0xB0];
	_ =	sdelay $0x2  }
0x163: {  	v3 =	vshll.u32 v0, $0x8;
	v0 =	vshll.u32 v0, $0x7  }
.Ltmp1:
0x164: {  	v1 =	vshll.u32 v1, $0x10;
	v3 =	vand.u32 $0xFFFFF800, v3;
	(pc) =	sbr.rel @p0 .LBB2_4-.Ltmp1, $4  }
0x165: {  	v0 =	vand.u32 $0x380, v0;
	v1 =	vadd.s32 v1, v3;
	v3 =	vshll.u32 v2, $0x3  }
0x166: {  	v2 =	vand.u32 $0x7F, v2;
	v0 =	vor.u32 v0, v1  }
0x167: {  	v1 =	vand.u32 $0xFFFFFC00, v3;
	v0 =	vor.u32 v2, v0  }
0x168: {  	v0 =	vadd.s32 v1, v0  }
0x169: {  	[tilespmem:s6+$0x9070] =	vst v0  }
0x16a: {  	[tilespmem:s29], [sflag:$0x4] =	stream.indirect.gather [hbm4b:s1+s23], $0x1, s28, s23, $0xb8;
	[tilespmem:$0xC000] =	vst v63  }
0x16b: {  	_ =	swait.ge [sflag:s30], $0x1000  }
0x16c: {  	[sflag:s30] =	ssyncset.done $0x0  }
0x16d: {  	s5 =	simm.s32 $0x0;
	s7 =	rddreg [dreg:$0x7];
	[sflag:s30] =	ssyncadd.s32 $0xFFFFF000  }
0x16e: {  	[hbm4b:s7+s5] =	stream.linear.scatter [tilespmem:s25], [sflag:$0x5], $0x1000, $0x38;
	[tilespmem:$0xC000] =	vst v63  }
0x16f: {  	_ = 	snop  }
0x170: {  	[tilespmem:s21], [sflag:$0x2] =	stream.linear.gather [hbm4b:s8+s5], $0x4000, $0x38;
	[tilespmem:$0xC000] =	vst v63  }
0x171: {  	_ =	swait.ge [sflag:s22], $0x4000  }
0x172: {  	[sflag:s22] =	ssyncset.done $0x0  }
0x173: {  	s5 =	simm.s32 $0xC0;
	[sflag:s22] =	ssyncadd.s32 $0xFFFFC000  }
0x174: {  	v0 =	vld [tilespmem:s5+$0xFFFFFFC0]  }
0x175: {  	v1 =	vld [tilespmem:s5+$0xFFFFFF40];
	_ =	sdelay $0x1  }
0x176: {  	v2 =	vld [tilespmem:s5+$0x40];
	_ =	sdelay $0x1  }
0x177: {  	v3 =	vshll.u32 v0, $0x8  }
0x178: {  	v0 =	vshll.u32 v0, $0x7;
	v1 =	vshll.u32 v1, $0x10;
	v3 =	vand.u32 $0xFFFFF800, v3  }
0x179: {  	v0 =	vand.u32 $0x380, v0;
	v1 =	vadd.s32 v1, v3  }
0x17a: {  	v3 =	vshll.u32 v2, $0x3;
	v2 =	vand.u32 $0x7F, v2;
	v0 =	vor.u32 v0, v1  }
0x17b: {  	v1 =	vand.u32 $0xFFFFFC00, v3;
	v0 =	vor.u32 v2, v0  }
0x17c: {  	s6 =	simm.s32 $0x0;
	v0 =	vadd.s32 v1, v0  }
0x17d: {  	[tilespmem:s6+$0x8000] =	vst v0  }
0x17e: {  	v0 =	vld [tilespmem:s5+$0xFFFFFFD0]  }
0x17f: {  	v1 =	vld [tilespmem:s5+$0xFFFFFF50];
	_ =	sdelay $0x1  }
0x180: {  	v2 =	vld [tilespmem:s5+$0x50];
	_ =	sdelay $0x1  }
0x181: {  	v3 =	vshll.u32 v0, $0x8  }
0x182: {  	v0 =	vshll.u32 v0, $0x7;
	v1 =	vshll.u32 v1, $0x10;
	v3 =	vand.u32 $0xFFFFF800, v3  }
0x183: {  	v0 =	vand.u32 $0x380, v0;
	v1 =	vadd.s32 v1, v3  }
0x184: {  	v3 =	vshll.u32 v2, $0x3;
	v2 =	vand.u32 $0x7F, v2;
	v0 =	vor.u32 v0, v1  }
0x185: {  	v1 =	vand.u32 $0xFFFFFC00, v3;
	v0 =	vor.u32 v2, v0  }
0x186: {  	v0 =	vadd.s32 v1, v0  }
0x187: {  	[tilespmem:s6+$0x8010] =	vst v0  }
0x188: {  	v0 =	vld [tilespmem:s5+$0xFFFFFFE0]  }
0x189: {  	v1 =	vld [tilespmem:s5+$0xFFFFFF60];
	_ =	sdelay $0x1  }
0x18a: {  	v2 =	vld [tilespmem:s5+$0x60];
	_ =	sdelay $0x1  }
0x18b: {  	v3 =	vshll.u32 v0, $0x8  }
0x18c: {  	v0 =	vshll.u32 v0, $0x7;
	v1 =	vshll.u32 v1, $0x10;
	v3 =	vand.u32 $0xFFFFF800, v3  }
0x18d: {  	v0 =	vand.u32 $0x380, v0;
	v1 =	vadd.s32 v1, v3  }
0x18e: {  	v3 =	vshll.u32 v2, $0x3;
	v2 =	vand.u32 $0x7F, v2;
	v0 =	vor.u32 v0, v1  }
0x18f: {  	v1 =	vand.u32 $0xFFFFFC00, v3;
	v0 =	vor.u32 v2, v0  }
0x190: {  	v0 =	vadd.s32 v1, v0  }
0x191: {  	[tilespmem:s6+$0x8020] =	vst v0  }
0x192: {  	v0 =	vld [tilespmem:s5+$0xFFFFFFF0]  }
0x193: {  	v1 =	vld [tilespmem:s5+$0xFFFFFF70];
	_ =	sdelay $0x1  }
0x194: {  	v2 =	vld [tilespmem:s5+$0x70];
	_ =	sdelay $0x1  }
0x195: {  	v3 =	vshll.u32 v0, $0x8  }
0x196: {  	v0 =	vshll.u32 v0, $0x7;
	v1 =	vshll.u32 v1, $0x10;
	v3 =	vand.u32 $0xFFFFF800, v3  }
0x197: {  	v0 =	vand.u32 $0x380, v0;
	v1 =	vadd.s32 v1, v3  }
0x198: {  	v3 =	vshll.u32 v2, $0x3;
	v2 =	vand.u32 $0x7F, v2;
	v0 =	vor.u32 v0, v1  }
0x199: {  	v1 =	vand.u32 $0xFFFFFC00, v3;
	v0 =	vor.u32 v2, v0  }
0x19a: {  	v0 =	vadd.s32 v1, v0  }
0x19b: {  	[tilespmem:s6+$0x8030] =	vst v0  }
0x19c: {  	v0 =	vld [tilespmem:s5+$0x0]  }
0x19d: {  	v1 =	vld [tilespmem:s5+$0xFFFFFF80];
	_ =	sdelay $0x1  }
0x19e: {  	v2 =	vld [tilespmem:s5+$0x80];
	_ =	sdelay $0x1  }
0x19f: {  	v3 =	vshll.u32 v0, $0x8  }
0x1a0: {  	v0 =	vshll.u32 v0, $0x7;
	v1 =	vshll.u32 v1, $0x10;
	v3 =	vand.u32 $0xFFFFF800, v3  }
0x1a1: {  	v0 =	vand.u32 $0x380, v0;
	v1 =	vadd.s32 v1, v3  }
0x1a2: {  	v3 =	vshll.u32 v2, $0x3;
	v2 =	vand.u32 $0x7F, v2;
	v0 =	vor.u32 v0, v1  }
0x1a3: {  	v1 =	vand.u32 $0xFFFFFC00, v3;
	v0 =	vor.u32 v2, v0  }
0x1a4: {  	v0 =	vadd.s32 v1, v0  }
0x1a5: {  	[tilespmem:s6+$0x8040] =	vst v0  }
0x1a6: {  	v0 =	vld [tilespmem:s5+$0x10]  }
0x1a7: {  	v1 =	vld [tilespmem:s5+$0xFFFFFF90];
	_ =	sdelay $0x1  }
0x1a8: {  	v2 =	vld [tilespmem:s5+$0x90];
	_ =	sdelay $0x1  }
0x1a9: {  	v3 =	vshll.u32 v0, $0x8  }
0x1aa: {  	v0 =	vshll.u32 v0, $0x7;
	v1 =	vshll.u32 v1, $0x10;
	v3 =	vand.u32 $0xFFFFF800, v3  }
0x1ab: {  	v0 =	vand.u32 $0x380, v0;
	v1 =	vadd.s32 v1, v3  }
0x1ac: {  	v3 =	vshll.u32 v2, $0x3;
	v2 =	vand.u32 $0x7F, v2;
	v0 =	vor.u32 v0, v1  }
0x1ad: {  	v1 =	vand.u32 $0xFFFFFC00, v3;
	v0 =	vor.u32 v2, v0  }
0x1ae: {  	v0 =	vadd.s32 v1, v0  }
0x1af: {  	[tilespmem:s6+$0x8050] =	vst v0  }
0x1b0: {  	v0 =	vld [tilespmem:s5+$0x20]  }
0x1b1: {  	v1 =	vld [tilespmem:s5+$0xFFFFFFA0];
	_ =	sdelay $0x1  }
0x1b2: {  	v2 =	vld [tilespmem:s5+$0xA0];
	_ =	sdelay $0x1  }
0x1b3: {  	v3 =	vshll.u32 v0, $0x8  }
0x1b4: {  	v0 =	vshll.u32 v0, $0x7;
	v1 =	vshll.u32 v1, $0x10;
	v3 =	vand.u32 $0xFFFFF800, v3  }
0x1b5: {  	v0 =	vand.u32 $0x380, v0;
	v1 =	vadd.s32 v1, v3  }
0x1b6: {  	v3 =	vshll.u32 v2, $0x3;
	v2 =	vand.u32 $0x7F, v2;
	v0 =	vor.u32 v0, v1  }
0x1b7: {  	v1 =	vand.u32 $0xFFFFFC00, v3;
	v0 =	vor.u32 v2, v0  }
0x1b8: {  	v0 =	vadd.s32 v1, v0  }
0x1b9: {  	[tilespmem:s6+$0x8060] =	vst v0  }
0x1ba: {  	v0 =	vld [tilespmem:s5+$0x30]  }
0x1bb: {  	v1 =	vld [tilespmem:s5+$0xFFFFFFB0];
	_ =	sdelay $0x1  }
0x1bc: {  	v2 =	vld [tilespmem:s5+$0xB0];
	_ =	sdelay $0x1  }
0x1bd: {  	v3 =	vshll.u32 v0, $0x8  }
0x1be: {  	v0 =	vshll.u32 v0, $0x7;
	v1 =	vshll.u32 v1, $0x10;
	v3 =	vand.u32 $0xFFFFF800, v3  }
0x1bf: {  	v0 =	vand.u32 $0x380, v0;
	v1 =	vadd.s32 v1, v3  }
0x1c0: {  	v3 =	vshll.u32 v2, $0x3;
	v2 =	vand.u32 $0x7F, v2;
	v0 =	vor.u32 v0, v1  }
0x1c1: {  	v1 =	vand.u32 $0xFFFFFC00, v3;
	v0 =	vor.u32 v2, v0  }
0x1c2: {  	s7 =	simm.s32 $0x200;
	v0 =	vadd.s32 v1, v0  }
.LBB2_6:
0x1c3: {  	p0 =	sne.s32 s7, $0x3E00  }
0x1c4: {  	[tilespmem:s6+$0x8070] =	vst v0;
	s5 =	sadd.s32 $0x200, s5;
	s6 =	smov.u32 s7;
	s7 =	sadd.s32 $0x200, s7  }
0x1c5: {  	v0 =	vld [tilespmem:s5+$0xFFFFFFC0]  }
0x1c6: {  	v1 =	vld [tilespmem:s5+$0xFFFFFF40];
	_ =	sdelay $0x1  }
0x1c7: {  	v2 =	vld [tilespmem:s5+$0x40];
	_ =	sdelay $0x1  }
0x1c8: {  	v3 =	vshll.u32 v0, $0x8;
	v0 =	vshll.u32 v0, $0x7  }
0x1c9: {  	v1 =	vshll.u32 v1, $0x10;
	v3 =	vand.u32 $0xFFFFF800, v3  }
0x1ca: {  	v0 =	vand.u32 $0x380, v0;
	v1 =	vadd.s32 v1, v3  }
0x1cb: {  	v3 =	vshll.u32 v2, $0x3;
	v2 =	vand.u32 $0x7F, v2;
	v0 =	vor.u32 v0, v1  }
0x1cc: {  	v1 =	vand.u32 $0xFFFFFC00, v3;
	v0 =	vor.u32 v2, v0  }
0x1cd: {  	s6 =	sshra.s32 s6, $0x2;
	v0 =	vadd.s32 v1, v0  }
0x1ce: {  	[tilespmem:s6+$0x8000] =	vst v0  }
0x1cf: {  	v0 =	vld [tilespmem:s5+$0xFFFFFFD0]  }
0x1d0: {  	v1 =	vld [tilespmem:s5+$0xFFFFFF50];
	_ =	sdelay $0x1  }
0x1d1: {  	v2 =	vld [tilespmem:s5+$0x50];
	_ =	sdelay $0x1  }
0x1d2: {  	v3 =	vshll.u32 v0, $0x8;
	v0 =	vshll.u32 v0, $0x7  }
0x1d3: {  	v1 =	vshll.u32 v1, $0x10;
	v3 =	vand.u32 $0xFFFFF800, v3  }
0x1d4: {  	v0 =	vand.u32 $0x380, v0;
	v1 =	vadd.s32 v1, v3  }
0x1d5: {  	v3 =	vshll.u32 v2, $0x3;
	v2 =	vand.u32 $0x7F, v2;
	v0 =	vor.u32 v0, v1  }
0x1d6: {  	v1 =	vand.u32 $0xFFFFFC00, v3;
	v0 =	vor.u32 v2, v0  }
0x1d7: {  	v0 =	vadd.s32 v1, v0  }
0x1d8: {  	[tilespmem:s6+$0x8010] =	vst v0  }
0x1d9: {  	v0 =	vld [tilespmem:s5+$0xFFFFFFE0]  }
0x1da: {  	v1 =	vld [tilespmem:s5+$0xFFFFFF60];
	_ =	sdelay $0x1  }
0x1db: {  	v2 =	vld [tilespmem:s5+$0x60];
	_ =	sdelay $0x1  }
0x1dc: {  	v3 =	vshll.u32 v0, $0x8;
	v0 =	vshll.u32 v0, $0x7  }
0x1dd: {  	v1 =	vshll.u32 v1, $0x10;
	v3 =	vand.u32 $0xFFFFF800, v3  }
0x1de: {  	v0 =	vand.u32 $0x380, v0;
	v1 =	vadd.s32 v1, v3  }
0x1df: {  	v3 =	vshll.u32 v2, $0x3;
	v2 =	vand.u32 $0x7F, v2;
	v0 =	vor.u32 v0, v1  }
0x1e0: {  	v1 =	vand.u32 $0xFFFFFC00, v3;
	v0 =	vor.u32 v2, v0  }
0x1e1: {  	v0 =	vadd.s32 v1, v0  }
0x1e2: {  	[tilespmem:s6+$0x8020] =	vst v0  }
0x1e3: {  	v0 =	vld [tilespmem:s5+$0xFFFFFFF0]  }
0x1e4: {  	v1 =	vld [tilespmem:s5+$0xFFFFFF70];
	_ =	sdelay $0x1  }
0x1e5: {  	v2 =	vld [tilespmem:s5+$0x70];
	_ =	sdelay $0x1  }
0x1e6: {  	v3 =	vshll.u32 v0, $0x8;
	v0 =	vshll.u32 v0, $0x7  }
0x1e7: {  	v1 =	vshll.u32 v1, $0x10;
	v3 =	vand.u32 $0xFFFFF800, v3  }
0x1e8: {  	v0 =	vand.u32 $0x380, v0;
	v1 =	vadd.s32 v1, v3  }
0x1e9: {  	v3 =	vshll.u32 v2, $0x3;
	v2 =	vand.u32 $0x7F, v2;
	v0 =	vor.u32 v0, v1  }
0x1ea: {  	v1 =	vand.u32 $0xFFFFFC00, v3;
	v0 =	vor.u32 v2, v0  }
0x1eb: {  	v0 =	vadd.s32 v1, v0  }
0x1ec: {  	[tilespmem:s6+$0x8030] =	vst v0  }
0x1ed: {  	v0 =	vld [tilespmem:s5+$0x0]  }
0x1ee: {  	v1 =	vld [tilespmem:s5+$0xFFFFFF80];
	_ =	sdelay $0x1  }
0x1ef: {  	v2 =	vld [tilespmem:s5+$0x80];
	_ =	sdelay $0x1  }
0x1f0: {  	v3 =	vshll.u32 v0, $0x8;
	v0 =	vshll.u32 v0, $0x7  }
0x1f1: {  	v1 =	vshll.u32 v1, $0x10;
	v3 =	vand.u32 $0xFFFFF800, v3  }
0x1f2: {  	v0 =	vand.u32 $0x380, v0;
	v1 =	vadd.s32 v1, v3  }
0x1f3: {  	v3 =	vshll.u32 v2, $0x3;
	v2 =	vand.u32 $0x7F, v2;
	v0 =	vor.u32 v0, v1  }
0x1f4: {  	v1 =	vand.u32 $0xFFFFFC00, v3;
	v0 =	vor.u32 v2, v0  }
0x1f5: {  	v0 =	vadd.s32 v1, v0  }
0x1f6: {  	[tilespmem:s6+$0x8040] =	vst v0  }
0x1f7: {  	v0 =	vld [tilespmem:s5+$0x10]  }
0x1f8: {  	v1 =	vld [tilespmem:s5+$0xFFFFFF90]  }
0x1f9: {  	v2 =	vld [tilespmem:s5+$0x90];
	_ =	sdelay $0x2  }
0x1fa: {  	v3 =	vshll.u32 v0, $0x8;
	v0 =	vshll.u32 v0, $0x7  }
0x1fb: {  	v1 =	vshll.u32 v1, $0x10;
	v3 =	vand.u32 $0xFFFFF800, v3  }
0x1fc: {  	v0 =	vand.u32 $0x380, v0;
	v1 =	vadd.s32 v1, v3;
	v3 =	vshll.u32 v2, $0x3  }
0x1fd: {  	v2 =	vand.u32 $0x7F, v2;
	v0 =	vor.u32 v0, v1  }
0x1fe: {  	v1 =	vand.u32 $0xFFFFFC00, v3;
	v0 =	vor.u32 v2, v0  }
0x1ff: {  	v0 =	vadd.s32 v1, v0  }
0x200: {  	[tilespmem:s6+$0x8050] =	vst v0  }
0x201: {  	v0 =	vld [tilespmem:s5+$0x20]  }
0x202: {  	v1 =	vld [tilespmem:s5+$0xFFFFFFA0]  }
0x203: {  	v2 =	vld [tilespmem:s5+$0xA0];
	_ =	sdelay $0x2  }
0x204: {  	v3 =	vshll.u32 v0, $0x8;
	v0 =	vshll.u32 v0, $0x7  }
0x205: {  	v1 =	vshll.u32 v1, $0x10;
	v3 =	vand.u32 $0xFFFFF800, v3  }
0x206: {  	v0 =	vand.u32 $0x380, v0;
	v1 =	vadd.s32 v1, v3;
	v3 =	vshll.u32 v2, $0x3  }
0x207: {  	v2 =	vand.u32 $0x7F, v2;
	v0 =	vor.u32 v0, v1  }
0x208: {  	v1 =	vand.u32 $0xFFFFFC00, v3;
	v0 =	vor.u32 v2, v0  }
0x209: {  	v0 =	vadd.s32 v1, v0  }
0x20a: {  	[tilespmem:s6+$0x8060] =	vst v0  }
0x20b: {  	v0 =	vld [tilespmem:s5+$0x30]  }
0x20c: {  	v1 =	vld [tilespmem:s5+$0xFFFFFFB0]  }
0x20d: {  	v2 =	vld [tilespmem:s5+$0xB0];
	_ =	sdelay $0x2  }
0x20e: {  	v3 =	vshll.u32 v0, $0x8;
	v0 =	vshll.u32 v0, $0x7  }
.Ltmp2:
0x20f: {  	v1 =	vshll.u32 v1, $0x10;
	v3 =	vand.u32 $0xFFFFF800, v3;
	(pc) =	sbr.rel @p0 .LBB2_6-.Ltmp2, $4  }
0x210: {  	v0 =	vand.u32 $0x380, v0;
	v1 =	vadd.s32 v1, v3;
	v3 =	vshll.u32 v2, $0x3  }
0x211: {  	v2 =	vand.u32 $0x7F, v2;
	v0 =	vor.u32 v0, v1  }
0x212: {  	v1 =	vand.u32 $0xFFFFFC00, v3;
	v0 =	vor.u32 v2, v0  }
0x213: {  	v0 =	vadd.s32 v1, v0  }
0x214: {  	[tilespmem:s6+$0x8070] =	vst v0  }
0x215: {  	_ =	swait.ge [sflag:s31], $0x1000  }
0x216: {  	[sflag:s31] =	ssyncset.done $0x0  }
0x217: {  	[sflag:s31] =	ssyncadd.s32 $0xFFFFF000  }
0x218: {  	[tilespmem:s25], [sflag:$0x3] =	stream.indirect.gather [hbm4b:s1+s23], $0x1, s24, s23, $0xb8;
	[tilespmem:$0xC000] =	vst v63  }
0x219: {  	_ =	swait.ge [sflag:s0], $0x1000  }
0x21a: {  	[sflag:s0] =	ssyncset.done $0x0  }
0x21b: {  	s5 =	simm.s32 $0x0;
	[sflag:s0] =	ssyncadd.s32 $0xFFFFF000  }
0x21c: {  	[hbm4b:s9+s5] =	stream.linear.scatter [tilespmem:s29], [sflag:$0x6], $0x1000, $0x38;
	[tilespmem:$0xC000] =	vst v63  }
0x21d: {  	_ = 	snop  }
0x21e: {  	[tilespmem:s5], [sflag:$0x1] =	stream.linear.gather [hbm4b:s10+s5], $0x4000, $0x38;
	[tilespmem:$0xC000] =	vst v63  }
0x21f: {  	_ =	swait.ge [sflag:s26], $0x4000  }
0x220: {  	[sflag:s26] =	ssyncset.done $0x0  }
0x221: {  	s5 =	simm.s32 $0x40C0;
	[sflag:s26] =	ssyncadd.s32 $0xFFFFC000  }
0x222: {  	v0 =	vld [tilespmem:s5+$0xFFFFFFC0]  }
0x223: {  	v1 =	vld [tilespmem:s5+$0xFFFFFF40];
	_ =	sdelay $0x1  }
0x224: {  	v2 =	vld [tilespmem:s5+$0x40];
	_ =	sdelay $0x1  }
0x225: {  	v3 =	vshll.u32 v0, $0x8  }
0x226: {  	v0 =	vshll.u32 v0, $0x7;
	v1 =	vshll.u32 v1, $0x10;
	v3 =	vand.u32 $0xFFFFF800, v3  }
0x227: {  	v0 =	vand.u32 $0x380, v0;
	v1 =	vadd.s32 v1, v3  }
0x228: {  	v3 =	vshll.u32 v2, $0x3;
	v2 =	vand.u32 $0x7F, v2;
	v0 =	vor.u32 v0, v1  }
0x229: {  	v1 =	vand.u32 $0xFFFFFC00, v3;
	v0 =	vor.u32 v2, v0  }
0x22a: {  	s6 =	simm.s32 $0x0;
	v0 =	vadd.s32 v1, v0  }
0x22b: {  	[tilespmem:s6+$0x9000] =	vst v0  }
0x22c: {  	v0 =	vld [tilespmem:s5+$0xFFFFFFD0]  }
0x22d: {  	v1 =	vld [tilespmem:s5+$0xFFFFFF50];
	_ =	sdelay $0x1  }
0x22e: {  	v2 =	vld [tilespmem:s5+$0x50];
	_ =	sdelay $0x1  }
0x22f: {  	v3 =	vshll.u32 v0, $0x8  }
0x230: {  	v0 =	vshll.u32 v0, $0x7;
	v1 =	vshll.u32 v1, $0x10;
	v3 =	vand.u32 $0xFFFFF800, v3  }
0x231: {  	v0 =	vand.u32 $0x380, v0;
	v1 =	vadd.s32 v1, v3  }
0x232: {  	v3 =	vshll.u32 v2, $0x3;
	v2 =	vand.u32 $0x7F, v2;
	v0 =	vor.u32 v0, v1  }
0x233: {  	v1 =	vand.u32 $0xFFFFFC00, v3;
	v0 =	vor.u32 v2, v0  }
0x234: {  	v0 =	vadd.s32 v1, v0  }
0x235: {  	[tilespmem:s6+$0x9010] =	vst v0  }
0x236: {  	v0 =	vld [tilespmem:s5+$0xFFFFFFE0]  }
0x237: {  	v1 =	vld [tilespmem:s5+$0xFFFFFF60];
	_ =	sdelay $0x1  }
0x238: {  	v2 =	vld [tilespmem:s5+$0x60];
	_ =	sdelay $0x1  }
0x239: {  	v3 =	vshll.u32 v0, $0x8  }
0x23a: {  	v0 =	vshll.u32 v0, $0x7;
	v1 =	vshll.u32 v1, $0x10;
	v3 =	vand.u32 $0xFFFFF800, v3  }
0x23b: {  	v0 =	vand.u32 $0x380, v0;
	v1 =	vadd.s32 v1, v3  }
0x23c: {  	v3 =	vshll.u32 v2, $0x3;
	v2 =	vand.u32 $0x7F, v2;
	v0 =	vor.u32 v0, v1  }
0x23d: {  	v1 =	vand.u32 $0xFFFFFC00, v3;
	v0 =	vor.u32 v2, v0  }
0x23e: {  	v0 =	vadd.s32 v1, v0  }
0x23f: {  	[tilespmem:s6+$0x9020] =	vst v0  }
0x240: {  	v0 =	vld [tilespmem:s5+$0xFFFFFFF0]  }
0x241: {  	v1 =	vld [tilespmem:s5+$0xFFFFFF70];
	_ =	sdelay $0x1  }
0x242: {  	v2 =	vld [tilespmem:s5+$0x70];
	_ =	sdelay $0x1  }
0x243: {  	v3 =	vshll.u32 v0, $0x8  }
0x244: {  	v0 =	vshll.u32 v0, $0x7;
	v1 =	vshll.u32 v1, $0x10;
	v3 =	vand.u32 $0xFFFFF800, v3  }
0x245: {  	v0 =	vand.u32 $0x380, v0;
	v1 =	vadd.s32 v1, v3  }
0x246: {  	v3 =	vshll.u32 v2, $0x3;
	v2 =	vand.u32 $0x7F, v2;
	v0 =	vor.u32 v0, v1  }
0x247: {  	v1 =	vand.u32 $0xFFFFFC00, v3;
	v0 =	vor.u32 v2, v0  }
0x248: {  	v0 =	vadd.s32 v1, v0  }
0x249: {  	[tilespmem:s6+$0x9030] =	vst v0  }
0x24a: {  	v0 =	vld [tilespmem:s5+$0x0]  }
0x24b: {  	v1 =	vld [tilespmem:s5+$0xFFFFFF80];
	_ =	sdelay $0x1  }
0x24c: {  	v2 =	vld [tilespmem:s5+$0x80];
	_ =	sdelay $0x1  }
0x24d: {  	v3 =	vshll.u32 v0, $0x8  }
0x24e: {  	v0 =	vshll.u32 v0, $0x7;
	v1 =	vshll.u32 v1, $0x10;
	v3 =	vand.u32 $0xFFFFF800, v3  }
0x24f: {  	v0 =	vand.u32 $0x380, v0;
	v1 =	vadd.s32 v1, v3  }
0x250: {  	v3 =	vshll.u32 v2, $0x3;
	v2 =	vand.u32 $0x7F, v2;
	v0 =	vor.u32 v0, v1  }
0x251: {  	v1 =	vand.u32 $0xFFFFFC00, v3;
	v0 =	vor.u32 v2, v0  }
0x252: {  	v0 =	vadd.s32 v1, v0  }
0x253: {  	[tilespmem:s6+$0x9040] =	vst v0  }
0x254: {  	v0 =	vld [tilespmem:s5+$0x10]  }
0x255: {  	v1 =	vld [tilespmem:s5+$0xFFFFFF90];
	_ =	sdelay $0x1  }
0x256: {  	v2 =	vld [tilespmem:s5+$0x90];
	_ =	sdelay $0x1  }
0x257: {  	v3 =	vshll.u32 v0, $0x8  }
0x258: {  	v0 =	vshll.u32 v0, $0x7;
	v1 =	vshll.u32 v1, $0x10;
	v3 =	vand.u32 $0xFFFFF800, v3  }
0x259: {  	v0 =	vand.u32 $0x380, v0;
	v1 =	vadd.s32 v1, v3  }
0x25a: {  	v3 =	vshll.u32 v2, $0x3;
	v2 =	vand.u32 $0x7F, v2;
	v0 =	vor.u32 v0, v1  }
0x25b: {  	v1 =	vand.u32 $0xFFFFFC00, v3;
	v0 =	vor.u32 v2, v0  }
0x25c: {  	v0 =	vadd.s32 v1, v0  }
0x25d: {  	[tilespmem:s6+$0x9050] =	vst v0  }
0x25e: {  	v0 =	vld [tilespmem:s5+$0x20]  }
0x25f: {  	v1 =	vld [tilespmem:s5+$0xFFFFFFA0];
	_ =	sdelay $0x1  }
0x260: {  	v2 =	vld [tilespmem:s5+$0xA0];
	_ =	sdelay $0x1  }
0x261: {  	v3 =	vshll.u32 v0, $0x8  }
0x262: {  	v0 =	vshll.u32 v0, $0x7;
	v1 =	vshll.u32 v1, $0x10;
	v3 =	vand.u32 $0xFFFFF800, v3  }
0x263: {  	v0 =	vand.u32 $0x380, v0;
	v1 =	vadd.s32 v1, v3  }
0x264: {  	v3 =	vshll.u32 v2, $0x3;
	v2 =	vand.u32 $0x7F, v2;
	v0 =	vor.u32 v0, v1  }
0x265: {  	v1 =	vand.u32 $0xFFFFFC00, v3;
	v0 =	vor.u32 v2, v0  }
0x266: {  	v0 =	vadd.s32 v1, v0  }
0x267: {  	[tilespmem:s6+$0x9060] =	vst v0  }
0x268: {  	v0 =	vld [tilespmem:s5+$0x30]  }
0x269: {  	v1 =	vld [tilespmem:s5+$0xFFFFFFB0];
	_ =	sdelay $0x1  }
0x26a: {  	v2 =	vld [tilespmem:s5+$0xB0];
	_ =	sdelay $0x1  }
0x26b: {  	v3 =	vshll.u32 v0, $0x8  }
0x26c: {  	v0 =	vshll.u32 v0, $0x7;
	v1 =	vshll.u32 v1, $0x10;
	v3 =	vand.u32 $0xFFFFF800, v3  }
0x26d: {  	v0 =	vand.u32 $0x380, v0;
	v1 =	vadd.s32 v1, v3  }
0x26e: {  	v3 =	vshll.u32 v2, $0x3;
	v2 =	vand.u32 $0x7F, v2;
	v0 =	vor.u32 v0, v1  }
0x26f: {  	v1 =	vand.u32 $0xFFFFFC00, v3;
	v0 =	vor.u32 v2, v0  }
0x270: {  	s7 =	simm.s32 $0x200;
	v0 =	vadd.s32 v1, v0  }
.LBB2_8:
0x271: {  	p0 =	sne.s32 s7, $0x3E00  }
0x272: {  	[tilespmem:s6+$0x9070] =	vst v0;
	s5 =	sadd.s32 $0x200, s5;
	s6 =	smov.u32 s7;
	s7 =	sadd.s32 $0x200, s7  }
0x273: {  	v0 =	vld [tilespmem:s5+$0xFFFFFFC0]  }
0x274: {  	v1 =	vld [tilespmem:s5+$0xFFFFFF40];
	_ =	sdelay $0x1  }
0x275: {  	v2 =	vld [tilespmem:s5+$0x40];
	_ =	sdelay $0x1  }
0x276: {  	v3 =	vshll.u32 v0, $0x8;
	v0 =	vshll.u32 v0, $0x7  }
0x277: {  	v1 =	vshll.u32 v1, $0x10;
	v3 =	vand.u32 $0xFFFFF800, v3  }
0x278: {  	v0 =	vand.u32 $0x380, v0;
	v1 =	vadd.s32 v1, v3  }
0x279: {  	v3 =	vshll.u32 v2, $0x3;
	v2 =	vand.u32 $0x7F, v2;
	v0 =	vor.u32 v0, v1  }
0x27a: {  	v1 =	vand.u32 $0xFFFFFC00, v3;
	v0 =	vor.u32 v2, v0  }
0x27b: {  	s6 =	sshra.s32 s6, $0x2;
	v0 =	vadd.s32 v1, v0  }
0x27c: {  	[tilespmem:s6+$0x9000] =	vst v0  }
0x27d: {  	v0 =	vld [tilespmem:s5+$0xFFFFFFD0]  }
0x27e: {  	v1 =	vld [tilespmem:s5+$0xFFFFFF50];
	_ =	sdelay $0x1  }
0x27f: {  	v2 =	vld [tilespmem:s5+$0x50];
	_ =	sdelay $0x1  }
0x280: {  	v3 =	vshll.u32 v0, $0x8;
	v0 =	vshll.u32 v0, $0x7  }
0x281: {  	v1 =	vshll.u32 v1, $0x10;
	v3 =	vand.u32 $0xFFFFF800, v3  }
0x282: {  	v0 =	vand.u32 $0x380, v0;
	v1 =	vadd.s32 v1, v3  }
0x283: {  	v3 =	vshll.u32 v2, $0x3;
	v2 =	vand.u32 $0x7F, v2;
	v0 =	vor.u32 v0, v1  }
0x284: {  	v1 =	vand.u32 $0xFFFFFC00, v3;
	v0 =	vor.u32 v2, v0  }
0x285: {  	v0 =	vadd.s32 v1, v0  }
0x286: {  	[tilespmem:s6+$0x9010] =	vst v0  }
0x287: {  	v0 =	vld [tilespmem:s5+$0xFFFFFFE0]  }
0x288: {  	v1 =	vld [tilespmem:s5+$0xFFFFFF60];
	_ =	sdelay $0x1  }
0x289: {  	v2 =	vld [tilespmem:s5+$0x60];
	_ =	sdelay $0x1  }
0x28a: {  	v3 =	vshll.u32 v0, $0x8;
	v0 =	vshll.u32 v0, $0x7  }
0x28b: {  	v1 =	vshll.u32 v1, $0x10;
	v3 =	vand.u32 $0xFFFFF800, v3  }
0x28c: {  	v0 =	vand.u32 $0x380, v0;
	v1 =	vadd.s32 v1, v3  }
0x28d: {  	v3 =	vshll.u32 v2, $0x3;
	v2 =	vand.u32 $0x7F, v2;
	v0 =	vor.u32 v0, v1  }
0x28e: {  	v1 =	vand.u32 $0xFFFFFC00, v3;
	v0 =	vor.u32 v2, v0  }
0x28f: {  	v0 =	vadd.s32 v1, v0  }
0x290: {  	[tilespmem:s6+$0x9020] =	vst v0  }
0x291: {  	v0 =	vld [tilespmem:s5+$0xFFFFFFF0]  }
0x292: {  	v1 =	vld [tilespmem:s5+$0xFFFFFF70];
	_ =	sdelay $0x1  }
0x293: {  	v2 =	vld [tilespmem:s5+$0x70];
	_ =	sdelay $0x1  }
0x294: {  	v3 =	vshll.u32 v0, $0x8;
	v0 =	vshll.u32 v0, $0x7  }
0x295: {  	v1 =	vshll.u32 v1, $0x10;
	v3 =	vand.u32 $0xFFFFF800, v3  }
0x296: {  	v0 =	vand.u32 $0x380, v0;
	v1 =	vadd.s32 v1, v3  }
0x297: {  	v3 =	vshll.u32 v2, $0x3;
	v2 =	vand.u32 $0x7F, v2;
	v0 =	vor.u32 v0, v1  }
0x298: {  	v1 =	vand.u32 $0xFFFFFC00, v3;
	v0 =	vor.u32 v2, v0  }
0x299: {  	v0 =	vadd.s32 v1, v0  }
0x29a: {  	[tilespmem:s6+$0x9030] =	vst v0  }
0x29b: {  	v0 =	vld [tilespmem:s5+$0x0]  }
0x29c: {  	v1 =	vld [tilespmem:s5+$0xFFFFFF80];
	_ =	sdelay $0x1  }
0x29d: {  	v2 =	vld [tilespmem:s5+$0x80];
	_ =	sdelay $0x1  }
0x29e: {  	v3 =	vshll.u32 v0, $0x8;
	v0 =	vshll.u32 v0, $0x7  }
0x29f: {  	v1 =	vshll.u32 v1, $0x10;
	v3 =	vand.u32 $0xFFFFF800, v3  }
0x2a0: {  	v0 =	vand.u32 $0x380, v0;
	v1 =	vadd.s32 v1, v3  }
0x2a1: {  	v3 =	vshll.u32 v2, $0x3;
	v2 =	vand.u32 $0x7F, v2;
	v0 =	vor.u32 v0, v1  }
0x2a2: {  	v1 =	vand.u32 $0xFFFFFC00, v3;
	v0 =	vor.u32 v2, v0  }
0x2a3: {  	v0 =	vadd.s32 v1, v0  }
0x2a4: {  	[tilespmem:s6+$0x9040] =	vst v0  }
0x2a5: {  	v0 =	vld [tilespmem:s5+$0x10]  }
0x2a6: {  	v1 =	vld [tilespmem:s5+$0xFFFFFF90]  }
0x2a7: {  	v2 =	vld [tilespmem:s5+$0x90];
	_ =	sdelay $0x2  }
0x2a8: {  	v3 =	vshll.u32 v0, $0x8;
	v0 =	vshll.u32 v0, $0x7  }
0x2a9: {  	v1 =	vshll.u32 v1, $0x10;
	v3 =	vand.u32 $0xFFFFF800, v3  }
0x2aa: {  	v0 =	vand.u32 $0x380, v0;
	v1 =	vadd.s32 v1, v3;
	v3 =	vshll.u32 v2, $0x3  }
0x2ab: {  	v2 =	vand.u32 $0x7F, v2;
	v0 =	vor.u32 v0, v1  }
0x2ac: {  	v1 =	vand.u32 $0xFFFFFC00, v3;
	v0 =	vor.u32 v2, v0  }
0x2ad: {  	v0 =	vadd.s32 v1, v0  }
0x2ae: {  	[tilespmem:s6+$0x9050] =	vst v0  }
0x2af: {  	v0 =	vld [tilespmem:s5+$0x20]  }
0x2b0: {  	v1 =	vld [tilespmem:s5+$0xFFFFFFA0]  }
0x2b1: {  	v2 =	vld [tilespmem:s5+$0xA0];
	_ =	sdelay $0x2  }
0x2b2: {  	v3 =	vshll.u32 v0, $0x8;
	v0 =	vshll.u32 v0, $0x7  }
0x2b3: {  	v1 =	vshll.u32 v1, $0x10;
	v3 =	vand.u32 $0xFFFFF800, v3  }
0x2b4: {  	v0 =	vand.u32 $0x380, v0;
	v1 =	vadd.s32 v1, v3;
	v3 =	vshll.u32 v2, $0x3  }
0x2b5: {  	v2 =	vand.u32 $0x7F, v2;
	v0 =	vor.u32 v0, v1  }
0x2b6: {  	v1 =	vand.u32 $0xFFFFFC00, v3;
	v0 =	vor.u32 v2, v0  }
0x2b7: {  	v0 =	vadd.s32 v1, v0  }
0x2b8: {  	[tilespmem:s6+$0x9060] =	vst v0  }
0x2b9: {  	v0 =	vld [tilespmem:s5+$0x30]  }
0x2ba: {  	v1 =	vld [tilespmem:s5+$0xFFFFFFB0]  }
0x2bb: {  	v2 =	vld [tilespmem:s5+$0xB0];
	_ =	sdelay $0x2  }
0x2bc: {  	v3 =	vshll.u32 v0, $0x8;
	v0 =	vshll.u32 v0, $0x7  }
.Ltmp3:
0x2bd: {  	v1 =	vshll.u32 v1, $0x10;
	v3 =	vand.u32 $0xFFFFF800, v3;
	(pc) =	sbr.rel @p0 .LBB2_8-.Ltmp3, $4  }
0x2be: {  	v0 =	vand.u32 $0x380, v0;
	v1 =	vadd.s32 v1, v3;
	v3 =	vshll.u32 v2, $0x3  }
0x2bf: {  	v2 =	vand.u32 $0x7F, v2;
	v0 =	vor.u32 v0, v1  }
0x2c0: {  	v1 =	vand.u32 $0xFFFFFC00, v3;
	v0 =	vor.u32 v2, v0  }
0x2c1: {  	v0 =	vadd.s32 v1, v0  }
0x2c2: {  	[tilespmem:s6+$0x9070] =	vst v0  }
0x2c3: {  	_ =	swait.ge [sflag:s2], $0x1000  }
0x2c4: {  	[sflag:s2] =	ssyncset.done $0x0  }
0x2c5: {  	[sflag:s2] =	ssyncadd.s32 $0xFFFFF000  }
0x2c6: {  	[tilespmem:s29], [sflag:$0x4] =	stream.indirect.gather [hbm4b:s1+s23], $0x1, s28, s23, $0xb8;
	[tilespmem:$0xC000] =	vst v63  }
0x2c7: {  	_ =	swait.ge [sflag:s30], $0x1000  }
0x2c8: {  	[sflag:s30] =	ssyncset.done $0x0  }
0x2c9: {  	s5 =	simm.s32 $0x0;
	[sflag:s30] =	ssyncadd.s32 $0xFFFFF000  }
0x2ca: {  	[hbm4b:s11+s5] =	stream.linear.scatter [tilespmem:s25], [sflag:$0x5], $0x1000, $0x38;
	[tilespmem:$0xC000] =	vst v63  }
0x2cb: {  	_ = 	snop  }
0x2cc: {  	[tilespmem:s21], [sflag:$0x2] =	stream.linear.gather [hbm4b:s12+s5], $0x4000, $0x38;
	[tilespmem:$0xC000] =	vst v63  }
0x2cd: {  	_ =	swait.ge [sflag:s22], $0x4000  }
0x2ce: {  	[sflag:s22] =	ssyncset.done $0x0  }
0x2cf: {  	s5 =	simm.s32 $0xC0;
	[sflag:s22] =	ssyncadd.s32 $0xFFFFC000  }
0x2d0: {  	v0 =	vld [tilespmem:s5+$0xFFFFFFC0]  }
0x2d1: {  	v1 =	vld [tilespmem:s5+$0xFFFFFF40];
	_ =	sdelay $0x1  }
0x2d2: {  	v2 =	vld [tilespmem:s5+$0x40];
	_ =	sdelay $0x1  }
0x2d3: {  	v3 =	vshll.u32 v0, $0x8  }
0x2d4: {  	v0 =	vshll.u32 v0, $0x7;
	v1 =	vshll.u32 v1, $0x10;
	v3 =	vand.u32 $0xFFFFF800, v3  }
0x2d5: {  	v0 =	vand.u32 $0x380, v0;
	v1 =	vadd.s32 v1, v3  }
0x2d6: {  	v3 =	vshll.u32 v2, $0x3;
	v2 =	vand.u32 $0x7F, v2;
	v0 =	vor.u32 v0, v1  }
0x2d7: {  	v1 =	vand.u32 $0xFFFFFC00, v3;
	v0 =	vor.u32 v2, v0  }
0x2d8: {  	s6 =	simm.s32 $0x0;
	v0 =	vadd.s32 v1, v0  }
0x2d9: {  	[tilespmem:s6+$0x8000] =	vst v0  }
0x2da: {  	v0 =	vld [tilespmem:s5+$0xFFFFFFD0]  }
0x2db: {  	v1 =	vld [tilespmem:s5+$0xFFFFFF50];
	_ =	sdelay $0x1  }
0x2dc: {  	v2 =	vld [tilespmem:s5+$0x50];
	_ =	sdelay $0x1  }
0x2dd: {  	v3 =	vshll.u32 v0, $0x8  }
0x2de: {  	v0 =	vshll.u32 v0, $0x7;
	v1 =	vshll.u32 v1, $0x10;
	v3 =	vand.u32 $0xFFFFF800, v3  }
0x2df: {  	v0 =	vand.u32 $0x380, v0;
	v1 =	vadd.s32 v1, v3  }
0x2e0: {  	v3 =	vshll.u32 v2, $0x3;
	v2 =	vand.u32 $0x7F, v2;
	v0 =	vor.u32 v0, v1  }
0x2e1: {  	v1 =	vand.u32 $0xFFFFFC00, v3;
	v0 =	vor.u32 v2, v0  }
0x2e2: {  	v0 =	vadd.s32 v1, v0  }
0x2e3: {  	[tilespmem:s6+$0x8010] =	vst v0  }
0x2e4: {  	v0 =	vld [tilespmem:s5+$0xFFFFFFE0]  }
0x2e5: {  	v1 =	vld [tilespmem:s5+$0xFFFFFF60];
	_ =	sdelay $0x1  }
0x2e6: {  	v2 =	vld [tilespmem:s5+$0x60];
	_ =	sdelay $0x1  }
0x2e7: {  	v3 =	vshll.u32 v0, $0x8  }
0x2e8: {  	v0 =	vshll.u32 v0, $0x7;
	v1 =	vshll.u32 v1, $0x10;
	v3 =	vand.u32 $0xFFFFF800, v3  }
0x2e9: {  	v0 =	vand.u32 $0x380, v0;
	v1 =	vadd.s32 v1, v3  }
0x2ea: {  	v3 =	vshll.u32 v2, $0x3;
	v2 =	vand.u32 $0x7F, v2;
	v0 =	vor.u32 v0, v1  }
0x2eb: {  	v1 =	vand.u32 $0xFFFFFC00, v3;
	v0 =	vor.u32 v2, v0  }
0x2ec: {  	v0 =	vadd.s32 v1, v0  }
0x2ed: {  	[tilespmem:s6+$0x8020] =	vst v0  }
0x2ee: {  	v0 =	vld [tilespmem:s5+$0xFFFFFFF0]  }
0x2ef: {  	v1 =	vld [tilespmem:s5+$0xFFFFFF70];
	_ =	sdelay $0x1  }
0x2f0: {  	v2 =	vld [tilespmem:s5+$0x70];
	_ =	sdelay $0x1  }
0x2f1: {  	v3 =	vshll.u32 v0, $0x8  }
0x2f2: {  	v0 =	vshll.u32 v0, $0x7;
	v1 =	vshll.u32 v1, $0x10;
	v3 =	vand.u32 $0xFFFFF800, v3  }
0x2f3: {  	v0 =	vand.u32 $0x380, v0;
	v1 =	vadd.s32 v1, v3  }
0x2f4: {  	v3 =	vshll.u32 v2, $0x3;
	v2 =	vand.u32 $0x7F, v2;
	v0 =	vor.u32 v0, v1  }
0x2f5: {  	v1 =	vand.u32 $0xFFFFFC00, v3;
	v0 =	vor.u32 v2, v0  }
0x2f6: {  	v0 =	vadd.s32 v1, v0  }
0x2f7: {  	[tilespmem:s6+$0x8030] =	vst v0  }
0x2f8: {  	v0 =	vld [tilespmem:s5+$0x0]  }
0x2f9: {  	v1 =	vld [tilespmem:s5+$0xFFFFFF80];
	_ =	sdelay $0x1  }
0x2fa: {  	v2 =	vld [tilespmem:s5+$0x80];
	_ =	sdelay $0x1  }
0x2fb: {  	v3 =	vshll.u32 v0, $0x8  }
0x2fc: {  	v0 =	vshll.u32 v0, $0x7;
	v1 =	vshll.u32 v1, $0x10;
	v3 =	vand.u32 $0xFFFFF800, v3  }
0x2fd: {  	v0 =	vand.u32 $0x380, v0;
	v1 =	vadd.s32 v1, v3  }
0x2fe: {  	v3 =	vshll.u32 v2, $0x3;
	v2 =	vand.u32 $0x7F, v2;
	v0 =	vor.u32 v0, v1  }
0x2ff: {  	v1 =	vand.u32 $0xFFFFFC00, v3;
	v0 =	vor.u32 v2, v0  }
0x300: {  	v0 =	vadd.s32 v1, v0  }
0x301: {  	[tilespmem:s6+$0x8040] =	vst v0  }
0x302: {  	v0 =	vld [tilespmem:s5+$0x10]  }
0x303: {  	v1 =	vld [tilespmem:s5+$0xFFFFFF90];
	_ =	sdelay $0x1  }
0x304: {  	v2 =	vld [tilespmem:s5+$0x90];
	_ =	sdelay $0x1  }
0x305: {  	v3 =	vshll.u32 v0, $0x8  }
0x306: {  	v0 =	vshll.u32 v0, $0x7;
	v1 =	vshll.u32 v1, $0x10;
	v3 =	vand.u32 $0xFFFFF800, v3  }
0x307: {  	v0 =	vand.u32 $0x380, v0;
	v1 =	vadd.s32 v1, v3  }
0x308: {  	v3 =	vshll.u32 v2, $0x3;
	v2 =	vand.u32 $0x7F, v2;
	v0 =	vor.u32 v0, v1  }
0x309: {  	v1 =	vand.u32 $0xFFFFFC00, v3;
	v0 =	vor.u32 v2, v0  }
0x30a: {  	v0 =	vadd.s32 v1, v0  }
0x30b: {  	[tilespmem:s6+$0x8050] =	vst v0  }
0x30c: {  	v0 =	vld [tilespmem:s5+$0x20]  }
0x30d: {  	v1 =	vld [tilespmem:s5+$0xFFFFFFA0];
	_ =	sdelay $0x1  }
0x30e: {  	v2 =	vld [tilespmem:s5+$0xA0];
	_ =	sdelay $0x1  }
0x30f: {  	v3 =	vshll.u32 v0, $0x8  }
0x310: {  	v0 =	vshll.u32 v0, $0x7;
	v1 =	vshll.u32 v1, $0x10;
	v3 =	vand.u32 $0xFFFFF800, v3  }
0x311: {  	v0 =	vand.u32 $0x380, v0;
	v1 =	vadd.s32 v1, v3  }
0x312: {  	v3 =	vshll.u32 v2, $0x3;
	v2 =	vand.u32 $0x7F, v2;
	v0 =	vor.u32 v0, v1  }
0x313: {  	v1 =	vand.u32 $0xFFFFFC00, v3;
	v0 =	vor.u32 v2, v0  }
0x314: {  	v0 =	vadd.s32 v1, v0  }
0x315: {  	[tilespmem:s6+$0x8060] =	vst v0  }
0x316: {  	v0 =	vld [tilespmem:s5+$0x30]  }
0x317: {  	v1 =	vld [tilespmem:s5+$0xFFFFFFB0];
	_ =	sdelay $0x1  }
0x318: {  	v2 =	vld [tilespmem:s5+$0xB0];
	_ =	sdelay $0x1  }
0x319: {  	v3 =	vshll.u32 v0, $0x8  }
0x31a: {  	v0 =	vshll.u32 v0, $0x7;
	v1 =	vshll.u32 v1, $0x10;
	v3 =	vand.u32 $0xFFFFF800, v3  }
0x31b: {  	v0 =	vand.u32 $0x380, v0;
	v1 =	vadd.s32 v1, v3  }
0x31c: {  	v3 =	vshll.u32 v2, $0x3;
	v2 =	vand.u32 $0x7F, v2;
	v0 =	vor.u32 v0, v1  }
0x31d: {  	v1 =	vand.u32 $0xFFFFFC00, v3;
	v0 =	vor.u32 v2, v0  }
0x31e: {  	s7 =	simm.s32 $0x200;
	v0 =	vadd.s32 v1, v0  }
.LBB2_10:
0x31f: {  	p0 =	sne.s32 s7, $0x3E00  }
0x320: {  	[tilespmem:s6+$0x8070] =	vst v0;
	s5 =	sadd.s32 $0x200, s5;
	s6 =	smov.u32 s7;
	s7 =	sadd.s32 $0x200, s7  }
0x321: {  	v0 =	vld [tilespmem:s5+$0xFFFFFFC0]  }
0x322: {  	v1 =	vld [tilespmem:s5+$0xFFFFFF40];
	_ =	sdelay $0x1  }
0x323: {  	v2 =	vld [tilespmem:s5+$0x40];
	_ =	sdelay $0x1  }
0x324: {  	v3 =	vshll.u32 v0, $0x8;
	v0 =	vshll.u32 v0, $0x7  }
0x325: {  	v1 =	vshll.u32 v1, $0x10;
	v3 =	vand.u32 $0xFFFFF800, v3  }
0x326: {  	v0 =	vand.u32 $0x380, v0;
	v1 =	vadd.s32 v1, v3  }
0x327: {  	v3 =	vshll.u32 v2, $0x3;
	v2 =	vand.u32 $0x7F, v2;
	v0 =	vor.u32 v0, v1  }
0x328: {  	v1 =	vand.u32 $0xFFFFFC00, v3;
	v0 =	vor.u32 v2, v0  }
0x329: {  	s6 =	sshra.s32 s6, $0x2;
	v0 =	vadd.s32 v1, v0  }
0x32a: {  	[tilespmem:s6+$0x8000] =	vst v0  }
0x32b: {  	v0 =	vld [tilespmem:s5+$0xFFFFFFD0]  }
0x32c: {  	v1 =	vld [tilespmem:s5+$0xFFFFFF50];
	_ =	sdelay $0x1  }
0x32d: {  	v2 =	vld [tilespmem:s5+$0x50];
	_ =	sdelay $0x1  }
0x32e: {  	v3 =	vshll.u32 v0, $0x8;
	v0 =	vshll.u32 v0, $0x7  }
0x32f: {  	v1 =	vshll.u32 v1, $0x10;
	v3 =	vand.u32 $0xFFFFF800, v3  }
0x330: {  	v0 =	vand.u32 $0x380, v0;
	v1 =	vadd.s32 v1, v3  }
0x331: {  	v3 =	vshll.u32 v2, $0x3;
	v2 =	vand.u32 $0x7F, v2;
	v0 =	vor.u32 v0, v1  }
0x332: {  	v1 =	vand.u32 $0xFFFFFC00, v3;
	v0 =	vor.u32 v2, v0  }
0x333: {  	v0 =	vadd.s32 v1, v0  }
0x334: {  	[tilespmem:s6+$0x8010] =	vst v0  }
0x335: {  	v0 =	vld [tilespmem:s5+$0xFFFFFFE0]  }
0x336: {  	v1 =	vld [tilespmem:s5+$0xFFFFFF60];
	_ =	sdelay $0x1  }
0x337: {  	v2 =	vld [tilespmem:s5+$0x60];
	_ =	sdelay $0x1  }
0x338: {  	v3 =	vshll.u32 v0, $0x8;
	v0 =	vshll.u32 v0, $0x7  }
0x339: {  	v1 =	vshll.u32 v1, $0x10;
	v3 =	vand.u32 $0xFFFFF800, v3  }
0x33a: {  	v0 =	vand.u32 $0x380, v0;
	v1 =	vadd.s32 v1, v3  }
0x33b: {  	v3 =	vshll.u32 v2, $0x3;
	v2 =	vand.u32 $0x7F, v2;
	v0 =	vor.u32 v0, v1  }
0x33c: {  	v1 =	vand.u32 $0xFFFFFC00, v3;
	v0 =	vor.u32 v2, v0  }
0x33d: {  	v0 =	vadd.s32 v1, v0  }
0x33e: {  	[tilespmem:s6+$0x8020] =	vst v0  }
0x33f: {  	v0 =	vld [tilespmem:s5+$0xFFFFFFF0]  }
0x340: {  	v1 =	vld [tilespmem:s5+$0xFFFFFF70];
	_ =	sdelay $0x1  }
0x341: {  	v2 =	vld [tilespmem:s5+$0x70];
	_ =	sdelay $0x1  }
0x342: {  	v3 =	vshll.u32 v0, $0x8;
	v0 =	vshll.u32 v0, $0x7  }
0x343: {  	v1 =	vshll.u32 v1, $0x10;
	v3 =	vand.u32 $0xFFFFF800, v3  }
0x344: {  	v0 =	vand.u32 $0x380, v0;
	v1 =	vadd.s32 v1, v3  }
0x345: {  	v3 =	vshll.u32 v2, $0x3;
	v2 =	vand.u32 $0x7F, v2;
	v0 =	vor.u32 v0, v1  }
0x346: {  	v1 =	vand.u32 $0xFFFFFC00, v3;
	v0 =	vor.u32 v2, v0  }
0x347: {  	v0 =	vadd.s32 v1, v0  }
0x348: {  	[tilespmem:s6+$0x8030] =	vst v0  }
0x349: {  	v0 =	vld [tilespmem:s5+$0x0]  }
0x34a: {  	v1 =	vld [tilespmem:s5+$0xFFFFFF80];
	_ =	sdelay $0x1  }
0x34b: {  	v2 =	vld [tilespmem:s5+$0x80];
	_ =	sdelay $0x1  }
0x34c: {  	v3 =	vshll.u32 v0, $0x8;
	v0 =	vshll.u32 v0, $0x7  }
0x34d: {  	v1 =	vshll.u32 v1, $0x10;
	v3 =	vand.u32 $0xFFFFF800, v3  }
0x34e: {  	v0 =	vand.u32 $0x380, v0;
	v1 =	vadd.s32 v1, v3  }
0x34f: {  	v3 =	vshll.u32 v2, $0x3;
	v2 =	vand.u32 $0x7F, v2;
	v0 =	vor.u32 v0, v1  }
0x350: {  	v1 =	vand.u32 $0xFFFFFC00, v3;
	v0 =	vor.u32 v2, v0  }
0x351: {  	v0 =	vadd.s32 v1, v0  }
0x352: {  	[tilespmem:s6+$0x8040] =	vst v0  }
0x353: {  	v0 =	vld [tilespmem:s5+$0x10]  }
0x354: {  	v1 =	vld [tilespmem:s5+$0xFFFFFF90]  }
0x355: {  	v2 =	vld [tilespmem:s5+$0x90];
	_ =	sdelay $0x2  }
0x356: {  	v3 =	vshll.u32 v0, $0x8;
	v0 =	vshll.u32 v0, $0x7  }
0x357: {  	v1 =	vshll.u32 v1, $0x10;
	v3 =	vand.u32 $0xFFFFF800, v3  }
0x358: {  	v0 =	vand.u32 $0x380, v0;
	v1 =	vadd.s32 v1, v3;
	v3 =	vshll.u32 v2, $0x3  }
0x359: {  	v2 =	vand.u32 $0x7F, v2;
	v0 =	vor.u32 v0, v1  }
0x35a: {  	v1 =	vand.u32 $0xFFFFFC00, v3;
	v0 =	vor.u32 v2, v0  }
0x35b: {  	v0 =	vadd.s32 v1, v0  }
0x35c: {  	[tilespmem:s6+$0x8050] =	vst v0  }
0x35d: {  	v0 =	vld [tilespmem:s5+$0x20]  }
0x35e: {  	v1 =	vld [tilespmem:s5+$0xFFFFFFA0]  }
0x35f: {  	v2 =	vld [tilespmem:s5+$0xA0];
	_ =	sdelay $0x2  }
0x360: {  	v3 =	vshll.u32 v0, $0x8;
	v0 =	vshll.u32 v0, $0x7  }
0x361: {  	v1 =	vshll.u32 v1, $0x10;
	v3 =	vand.u32 $0xFFFFF800, v3  }
0x362: {  	v0 =	vand.u32 $0x380, v0;
	v1 =	vadd.s32 v1, v3;
	v3 =	vshll.u32 v2, $0x3  }
0x363: {  	v2 =	vand.u32 $0x7F, v2;
	v0 =	vor.u32 v0, v1  }
0x364: {  	v1 =	vand.u32 $0xFFFFFC00, v3;
	v0 =	vor.u32 v2, v0  }
0x365: {  	v0 =	vadd.s32 v1, v0  }
0x366: {  	[tilespmem:s6+$0x8060] =	vst v0  }
0x367: {  	v0 =	vld [tilespmem:s5+$0x30]  }
0x368: {  	v1 =	vld [tilespmem:s5+$0xFFFFFFB0]  }
0x369: {  	v2 =	vld [tilespmem:s5+$0xB0];
	_ =	sdelay $0x2  }
0x36a: {  	v3 =	vshll.u32 v0, $0x8;
	v0 =	vshll.u32 v0, $0x7  }
.Ltmp4:
0x36b: {  	v1 =	vshll.u32 v1, $0x10;
	v3 =	vand.u32 $0xFFFFF800, v3;
	(pc) =	sbr.rel @p0 .LBB2_10-.Ltmp4, $4  }
0x36c: {  	v0 =	vand.u32 $0x380, v0;
	v1 =	vadd.s32 v1, v3;
	v3 =	vshll.u32 v2, $0x3  }
0x36d: {  	v2 =	vand.u32 $0x7F, v2;
	v0 =	vor.u32 v0, v1  }
0x36e: {  	v1 =	vand.u32 $0xFFFFFC00, v3;
	v0 =	vor.u32 v2, v0  }
0x36f: {  	v0 =	vadd.s32 v1, v0  }
0x370: {  	[tilespmem:s6+$0x8070] =	vst v0  }
0x371: {  	_ =	swait.ge [sflag:s31], $0x1000  }
0x372: {  	[sflag:s31] =	ssyncset.done $0x0  }
0x373: {  	[sflag:s31] =	ssyncadd.s32 $0xFFFFF000  }
0x374: {  	[tilespmem:s25], [sflag:$0x3] =	stream.indirect.gather [hbm4b:s1+s23], $0x1, s24, s23, $0xb8;
	[tilespmem:$0xC000] =	vst v63  }
0x375: {  	_ =	swait.ge [sflag:s0], $0x1000  }
0x376: {  	[sflag:s0] =	ssyncset.done $0x0  }
0x377: {  	s5 =	simm.s32 $0x0;
	[sflag:s0] =	ssyncadd.s32 $0xFFFFF000  }
0x378: {  	[hbm4b:s13+s5] =	stream.linear.scatter [tilespmem:s29], [sflag:$0x6], $0x1000, $0x38;
	[tilespmem:$0xC000] =	vst v63  }
0x379: {  	_ = 	snop  }
0x37a: {  	[tilespmem:s5], [sflag:$0x1] =	stream.linear.gather [hbm4b:s14+s5], $0x4000, $0x38;
	[tilespmem:$0xC000] =	vst v63  }
0x37b: {  	_ =	swait.ge [sflag:s26], $0x4000  }
0x37c: {  	[sflag:s26] =	ssyncset.done $0x0  }
0x37d: {  	s5 =	simm.s32 $0x40C0;
	[sflag:s26] =	ssyncadd.s32 $0xFFFFC000  }
0x37e: {  	v0 =	vld [tilespmem:s5+$0xFFFFFFC0]  }
0x37f: {  	v1 =	vld [tilespmem:s5+$0xFFFFFF40];
	_ =	sdelay $0x1  }
0x380: {  	v2 =	vld [tilespmem:s5+$0x40];
	_ =	sdelay $0x1  }
0x381: {  	v3 =	vshll.u32 v0, $0x8  }
0x382: {  	v0 =	vshll.u32 v0, $0x7;
	v1 =	vshll.u32 v1, $0x10;
	v3 =	vand.u32 $0xFFFFF800, v3  }
0x383: {  	v0 =	vand.u32 $0x380, v0;
	v1 =	vadd.s32 v1, v3  }
0x384: {  	v3 =	vshll.u32 v2, $0x3;
	v2 =	vand.u32 $0x7F, v2;
	v0 =	vor.u32 v0, v1  }
0x385: {  	v1 =	vand.u32 $0xFFFFFC00, v3;
	v0 =	vor.u32 v2, v0  }
0x386: {  	s6 =	simm.s32 $0x0;
	v0 =	vadd.s32 v1, v0  }
0x387: {  	[tilespmem:s6+$0x9000] =	vst v0  }
0x388: {  	v0 =	vld [tilespmem:s5+$0xFFFFFFD0]  }
0x389: {  	v1 =	vld [tilespmem:s5+$0xFFFFFF50];
	_ =	sdelay $0x1  }
0x38a: {  	v2 =	vld [tilespmem:s5+$0x50];
	_ =	sdelay $0x1  }
0x38b: {  	v3 =	vshll.u32 v0, $0x8  }
0x38c: {  	v0 =	vshll.u32 v0, $0x7;
	v1 =	vshll.u32 v1, $0x10;
	v3 =	vand.u32 $0xFFFFF800, v3  }
0x38d: {  	v0 =	vand.u32 $0x380, v0;
	v1 =	vadd.s32 v1, v3  }
0x38e: {  	v3 =	vshll.u32 v2, $0x3;
	v2 =	vand.u32 $0x7F, v2;
	v0 =	vor.u32 v0, v1  }
0x38f: {  	v1 =	vand.u32 $0xFFFFFC00, v3;
	v0 =	vor.u32 v2, v0  }
0x390: {  	v0 =	vadd.s32 v1, v0  }
0x391: {  	[tilespmem:s6+$0x9010] =	vst v0  }
0x392: {  	v0 =	vld [tilespmem:s5+$0xFFFFFFE0]  }
0x393: {  	v1 =	vld [tilespmem:s5+$0xFFFFFF60];
	_ =	sdelay $0x1  }
0x394: {  	v2 =	vld [tilespmem:s5+$0x60];
	_ =	sdelay $0x1  }
0x395: {  	v3 =	vshll.u32 v0, $0x8  }
0x396: {  	v0 =	vshll.u32 v0, $0x7;
	v1 =	vshll.u32 v1, $0x10;
	v3 =	vand.u32 $0xFFFFF800, v3  }
0x397: {  	v0 =	vand.u32 $0x380, v0;
	v1 =	vadd.s32 v1, v3  }
0x398: {  	v3 =	vshll.u32 v2, $0x3;
	v2 =	vand.u32 $0x7F, v2;
	v0 =	vor.u32 v0, v1  }
0x399: {  	v1 =	vand.u32 $0xFFFFFC00, v3;
	v0 =	vor.u32 v2, v0  }
0x39a: {  	v0 =	vadd.s32 v1, v0  }
0x39b: {  	[tilespmem:s6+$0x9020] =	vst v0  }
0x39c: {  	v0 =	vld [tilespmem:s5+$0xFFFFFFF0]  }
0x39d: {  	v1 =	vld [tilespmem:s5+$0xFFFFFF70];
	_ =	sdelay $0x1  }
0x39e: {  	v2 =	vld [tilespmem:s5+$0x70];
	_ =	sdelay $0x1  }
0x39f: {  	v3 =	vshll.u32 v0, $0x8  }
0x3a0: {  	v0 =	vshll.u32 v0, $0x7;
	v1 =	vshll.u32 v1, $0x10;
	v3 =	vand.u32 $0xFFFFF800, v3  }
0x3a1: {  	v0 =	vand.u32 $0x380, v0;
	v1 =	vadd.s32 v1, v3  }
0x3a2: {  	v3 =	vshll.u32 v2, $0x3;
	v2 =	vand.u32 $0x7F, v2;
	v0 =	vor.u32 v0, v1  }
0x3a3: {  	v1 =	vand.u32 $0xFFFFFC00, v3;
	v0 =	vor.u32 v2, v0  }
0x3a4: {  	v0 =	vadd.s32 v1, v0  }
0x3a5: {  	[tilespmem:s6+$0x9030] =	vst v0  }
0x3a6: {  	v0 =	vld [tilespmem:s5+$0x0]  }
0x3a7: {  	v1 =	vld [tilespmem:s5+$0xFFFFFF80];
	_ =	sdelay $0x1  }
0x3a8: {  	v2 =	vld [tilespmem:s5+$0x80];
	_ =	sdelay $0x1  }
0x3a9: {  	v3 =	vshll.u32 v0, $0x8  }
0x3aa: {  	v0 =	vshll.u32 v0, $0x7;
	v1 =	vshll.u32 v1, $0x10;
	v3 =	vand.u32 $0xFFFFF800, v3  }
0x3ab: {  	v0 =	vand.u32 $0x380, v0;
	v1 =	vadd.s32 v1, v3  }
0x3ac: {  	v3 =	vshll.u32 v2, $0x3;
	v2 =	vand.u32 $0x7F, v2;
	v0 =	vor.u32 v0, v1  }
0x3ad: {  	v1 =	vand.u32 $0xFFFFFC00, v3;
	v0 =	vor.u32 v2, v0  }
0x3ae: {  	v0 =	vadd.s32 v1, v0  }
0x3af: {  	[tilespmem:s6+$0x9040] =	vst v0  }
0x3b0: {  	v0 =	vld [tilespmem:s5+$0x10]  }
0x3b1: {  	v1 =	vld [tilespmem:s5+$0xFFFFFF90];
	_ =	sdelay $0x1  }
0x3b2: {  	v2 =	vld [tilespmem:s5+$0x90];
	_ =	sdelay $0x1  }
0x3b3: {  	v3 =	vshll.u32 v0, $0x8  }
0x3b4: {  	v0 =	vshll.u32 v0, $0x7;
	v1 =	vshll.u32 v1, $0x10;
	v3 =	vand.u32 $0xFFFFF800, v3  }
0x3b5: {  	v0 =	vand.u32 $0x380, v0;
	v1 =	vadd.s32 v1, v3  }
0x3b6: {  	v3 =	vshll.u32 v2, $0x3;
	v2 =	vand.u32 $0x7F, v2;
	v0 =	vor.u32 v0, v1  }
0x3b7: {  	v1 =	vand.u32 $0xFFFFFC00, v3;
	v0 =	vor.u32 v2, v0  }
0x3b8: {  	v0 =	vadd.s32 v1, v0  }
0x3b9: {  	[tilespmem:s6+$0x9050] =	vst v0  }
0x3ba: {  	v0 =	vld [tilespmem:s5+$0x20]  }
0x3bb: {  	v1 =	vld [tilespmem:s5+$0xFFFFFFA0];
	_ =	sdelay $0x1  }
0x3bc: {  	v2 =	vld [tilespmem:s5+$0xA0];
	_ =	sdelay $0x1  }
0x3bd: {  	v3 =	vshll.u32 v0, $0x8  }
0x3be: {  	v0 =	vshll.u32 v0, $0x7;
	v1 =	vshll.u32 v1, $0x10;
	v3 =	vand.u32 $0xFFFFF800, v3  }
0x3bf: {  	v0 =	vand.u32 $0x380, v0;
	v1 =	vadd.s32 v1, v3  }
0x3c0: {  	v3 =	vshll.u32 v2, $0x3;
	v2 =	vand.u32 $0x7F, v2;
	v0 =	vor.u32 v0, v1  }
0x3c1: {  	v1 =	vand.u32 $0xFFFFFC00, v3;
	v0 =	vor.u32 v2, v0  }
0x3c2: {  	v0 =	vadd.s32 v1, v0  }
0x3c3: {  	[tilespmem:s6+$0x9060] =	vst v0  }
0x3c4: {  	v0 =	vld [tilespmem:s5+$0x30]  }
0x3c5: {  	v1 =	vld [tilespmem:s5+$0xFFFFFFB0];
	_ =	sdelay $0x1  }
0x3c6: {  	v2 =	vld [tilespmem:s5+$0xB0];
	_ =	sdelay $0x1  }
0x3c7: {  	v3 =	vshll.u32 v0, $0x8  }
0x3c8: {  	v0 =	vshll.u32 v0, $0x7;
	v1 =	vshll.u32 v1, $0x10;
	v3 =	vand.u32 $0xFFFFF800, v3  }
0x3c9: {  	v0 =	vand.u32 $0x380, v0;
	v1 =	vadd.s32 v1, v3  }
0x3ca: {  	v3 =	vshll.u32 v2, $0x3;
	v2 =	vand.u32 $0x7F, v2;
	v0 =	vor.u32 v0, v1  }
0x3cb: {  	v1 =	vand.u32 $0xFFFFFC00, v3;
	v0 =	vor.u32 v2, v0  }
0x3cc: {  	s7 =	simm.s32 $0x200;
	v0 =	vadd.s32 v1, v0  }
.LBB2_12:
0x3cd: {  	p0 =	sne.s32 s7, $0x3E00  }
0x3ce: {  	[tilespmem:s6+$0x9070] =	vst v0;
	s5 =	sadd.s32 $0x200, s5;
	s6 =	smov.u32 s7;
	s7 =	sadd.s32 $0x200, s7  }
0x3cf: {  	v0 =	vld [tilespmem:s5+$0xFFFFFFC0]  }
0x3d0: {  	v1 =	vld [tilespmem:s5+$0xFFFFFF40];
	_ =	sdelay $0x1  }
0x3d1: {  	v2 =	vld [tilespmem:s5+$0x40];
	_ =	sdelay $0x1  }
0x3d2: {  	v3 =	vshll.u32 v0, $0x8;
	v0 =	vshll.u32 v0, $0x7  }
0x3d3: {  	v1 =	vshll.u32 v1, $0x10;
	v3 =	vand.u32 $0xFFFFF800, v3  }
0x3d4: {  	v0 =	vand.u32 $0x380, v0;
	v1 =	vadd.s32 v1, v3  }
0x3d5: {  	v3 =	vshll.u32 v2, $0x3;
	v2 =	vand.u32 $0x7F, v2;
	v0 =	vor.u32 v0, v1  }
0x3d6: {  	v1 =	vand.u32 $0xFFFFFC00, v3;
	v0 =	vor.u32 v2, v0  }
0x3d7: {  	s6 =	sshra.s32 s6, $0x2;
	v0 =	vadd.s32 v1, v0  }
0x3d8: {  	[tilespmem:s6+$0x9000] =	vst v0  }
0x3d9: {  	v0 =	vld [tilespmem:s5+$0xFFFFFFD0]  }
0x3da: {  	v1 =	vld [tilespmem:s5+$0xFFFFFF50];
	_ =	sdelay $0x1  }
0x3db: {  	v2 =	vld [tilespmem:s5+$0x50];
	_ =	sdelay $0x1  }
0x3dc: {  	v3 =	vshll.u32 v0, $0x8;
	v0 =	vshll.u32 v0, $0x7  }
0x3dd: {  	v1 =	vshll.u32 v1, $0x10;
	v3 =	vand.u32 $0xFFFFF800, v3  }
0x3de: {  	v0 =	vand.u32 $0x380, v0;
	v1 =	vadd.s32 v1, v3  }
0x3df: {  	v3 =	vshll.u32 v2, $0x3;
	v2 =	vand.u32 $0x7F, v2;
	v0 =	vor.u32 v0, v1  }
0x3e0: {  	v1 =	vand.u32 $0xFFFFFC00, v3;
	v0 =	vor.u32 v2, v0  }
0x3e1: {  	v0 =	vadd.s32 v1, v0  }
0x3e2: {  	[tilespmem:s6+$0x9010] =	vst v0  }
0x3e3: {  	v0 =	vld [tilespmem:s5+$0xFFFFFFE0]  }
0x3e4: {  	v1 =	vld [tilespmem:s5+$0xFFFFFF60];
	_ =	sdelay $0x1  }
0x3e5: {  	v2 =	vld [tilespmem:s5+$0x60];
	_ =	sdelay $0x1  }
0x3e6: {  	v3 =	vshll.u32 v0, $0x8;
	v0 =	vshll.u32 v0, $0x7  }
0x3e7: {  	v1 =	vshll.u32 v1, $0x10;
	v3 =	vand.u32 $0xFFFFF800, v3  }
0x3e8: {  	v0 =	vand.u32 $0x380, v0;
	v1 =	vadd.s32 v1, v3  }
0x3e9: {  	v3 =	vshll.u32 v2, $0x3;
	v2 =	vand.u32 $0x7F, v2;
	v0 =	vor.u32 v0, v1  }
0x3ea: {  	v1 =	vand.u32 $0xFFFFFC00, v3;
	v0 =	vor.u32 v2, v0  }
0x3eb: {  	v0 =	vadd.s32 v1, v0  }
0x3ec: {  	[tilespmem:s6+$0x9020] =	vst v0  }
0x3ed: {  	v0 =	vld [tilespmem:s5+$0xFFFFFFF0]  }
0x3ee: {  	v1 =	vld [tilespmem:s5+$0xFFFFFF70];
	_ =	sdelay $0x1  }
0x3ef: {  	v2 =	vld [tilespmem:s5+$0x70];
	_ =	sdelay $0x1  }
0x3f0: {  	v3 =	vshll.u32 v0, $0x8;
	v0 =	vshll.u32 v0, $0x7  }
0x3f1: {  	v1 =	vshll.u32 v1, $0x10;
	v3 =	vand.u32 $0xFFFFF800, v3  }
0x3f2: {  	v0 =	vand.u32 $0x380, v0;
	v1 =	vadd.s32 v1, v3  }
0x3f3: {  	v3 =	vshll.u32 v2, $0x3;
	v2 =	vand.u32 $0x7F, v2;
	v0 =	vor.u32 v0, v1  }
0x3f4: {  	v1 =	vand.u32 $0xFFFFFC00, v3;
	v0 =	vor.u32 v2, v0  }
0x3f5: {  	v0 =	vadd.s32 v1, v0  }
0x3f6: {  	[tilespmem:s6+$0x9030] =	vst v0  }
0x3f7: {  	v0 =	vld [tilespmem:s5+$0x0]  }
0x3f8: {  	v1 =	vld [tilespmem:s5+$0xFFFFFF80];
	_ =	sdelay $0x1  }
0x3f9: {  	v2 =	vld [tilespmem:s5+$0x80];
	_ =	sdelay $0x1  }
0x3fa: {  	v3 =	vshll.u32 v0, $0x8;
	v0 =	vshll.u32 v0, $0x7  }
0x3fb: {  	v1 =	vshll.u32 v1, $0x10;
	v3 =	vand.u32 $0xFFFFF800, v3  }
0x3fc: {  	v0 =	vand.u32 $0x380, v0;
	v1 =	vadd.s32 v1, v3  }
0x3fd: {  	v3 =	vshll.u32 v2, $0x3;
	v2 =	vand.u32 $0x7F, v2;
	v0 =	vor.u32 v0, v1  }
0x3fe: {  	v1 =	vand.u32 $0xFFFFFC00, v3;
	v0 =	vor.u32 v2, v0  }
0x3ff: {  	v0 =	vadd.s32 v1, v0  }
0x400: {  	[tilespmem:s6+$0x9040] =	vst v0  }
0x401: {  	v0 =	vld [tilespmem:s5+$0x10]  }
0x402: {  	v1 =	vld [tilespmem:s5+$0xFFFFFF90]  }
0x403: {  	v2 =	vld [tilespmem:s5+$0x90];
	_ =	sdelay $0x2  }
0x404: {  	v3 =	vshll.u32 v0, $0x8;
	v0 =	vshll.u32 v0, $0x7  }
0x405: {  	v1 =	vshll.u32 v1, $0x10;
	v3 =	vand.u32 $0xFFFFF800, v3  }
0x406: {  	v0 =	vand.u32 $0x380, v0;
	v1 =	vadd.s32 v1, v3;
	v3 =	vshll.u32 v2, $0x3  }
0x407: {  	v2 =	vand.u32 $0x7F, v2;
	v0 =	vor.u32 v0, v1  }
0x408: {  	v1 =	vand.u32 $0xFFFFFC00, v3;
	v0 =	vor.u32 v2, v0  }
0x409: {  	v0 =	vadd.s32 v1, v0  }
0x40a: {  	[tilespmem:s6+$0x9050] =	vst v0  }
0x40b: {  	v0 =	vld [tilespmem:s5+$0x20]  }
0x40c: {  	v1 =	vld [tilespmem:s5+$0xFFFFFFA0]  }
0x40d: {  	v2 =	vld [tilespmem:s5+$0xA0];
	_ =	sdelay $0x2  }
0x40e: {  	v3 =	vshll.u32 v0, $0x8;
	v0 =	vshll.u32 v0, $0x7  }
0x40f: {  	v1 =	vshll.u32 v1, $0x10;
	v3 =	vand.u32 $0xFFFFF800, v3  }
0x410: {  	v0 =	vand.u32 $0x380, v0;
	v1 =	vadd.s32 v1, v3;
	v3 =	vshll.u32 v2, $0x3  }
0x411: {  	v2 =	vand.u32 $0x7F, v2;
	v0 =	vor.u32 v0, v1  }
0x412: {  	v1 =	vand.u32 $0xFFFFFC00, v3;
	v0 =	vor.u32 v2, v0  }
0x413: {  	v0 =	vadd.s32 v1, v0  }
0x414: {  	[tilespmem:s6+$0x9060] =	vst v0  }
0x415: {  	v0 =	vld [tilespmem:s5+$0x30]  }
0x416: {  	v1 =	vld [tilespmem:s5+$0xFFFFFFB0]  }
0x417: {  	v2 =	vld [tilespmem:s5+$0xB0];
	_ =	sdelay $0x2  }
0x418: {  	v3 =	vshll.u32 v0, $0x8;
	v0 =	vshll.u32 v0, $0x7  }
.Ltmp5:
0x419: {  	v1 =	vshll.u32 v1, $0x10;
	v3 =	vand.u32 $0xFFFFF800, v3;
	(pc) =	sbr.rel @p0 .LBB2_12-.Ltmp5, $4  }
0x41a: {  	v0 =	vand.u32 $0x380, v0;
	v1 =	vadd.s32 v1, v3;
	v3 =	vshll.u32 v2, $0x3  }
0x41b: {  	v2 =	vand.u32 $0x7F, v2;
	v0 =	vor.u32 v0, v1  }
0x41c: {  	v1 =	vand.u32 $0xFFFFFC00, v3;
	v0 =	vor.u32 v2, v0  }
0x41d: {  	v0 =	vadd.s32 v1, v0  }
0x41e: {  	[tilespmem:s6+$0x9070] =	vst v0  }
0x41f: {  	_ =	swait.ge [sflag:s2], $0x1000  }
0x420: {  	[sflag:s2] =	ssyncset.done $0x0  }
0x421: {  	[sflag:s2] =	ssyncadd.s32 $0xFFFFF000  }
0x422: {  	[tilespmem:s29], [sflag:$0x4] =	stream.indirect.gather [hbm4b:s1+s23], $0x1, s28, s23, $0xb8;
	[tilespmem:$0xC000] =	vst v63  }
0x423: {  	_ =	swait.ge [sflag:s30], $0x1000  }
0x424: {  	[sflag:s30] =	ssyncset.done $0x0  }
0x425: {  	s5 =	simm.s32 $0x0;
	[sflag:s30] =	ssyncadd.s32 $0xFFFFF000  }
0x426: {  	[hbm4b:s15+s5] =	stream.linear.scatter [tilespmem:s25], [sflag:$0x5], $0x1000, $0x38;
	[tilespmem:$0xC000] =	vst v63  }
0x427: {  	_ = 	snop  }
0x428: {  	[tilespmem:s21], [sflag:$0x2] =	stream.linear.gather [hbm4b:s16+s5], $0x4000, $0x38;
	[tilespmem:$0xC000] =	vst v63  }
0x429: {  	_ =	swait.ge [sflag:s22], $0x4000  }
0x42a: {  	[sflag:s22] =	ssyncset.done $0x0  }
0x42b: {  	s5 =	simm.s32 $0xC0;
	[sflag:s22] =	ssyncadd.s32 $0xFFFFC000  }
0x42c: {  	v0 =	vld [tilespmem:s5+$0xFFFFFFC0]  }
0x42d: {  	v1 =	vld [tilespmem:s5+$0xFFFFFF40];
	_ =	sdelay $0x1  }
0x42e: {  	v2 =	vld [tilespmem:s5+$0x40];
	_ =	sdelay $0x1  }
0x42f: {  	v3 =	vshll.u32 v0, $0x8  }
0x430: {  	v0 =	vshll.u32 v0, $0x7;
	v1 =	vshll.u32 v1, $0x10;
	v3 =	vand.u32 $0xFFFFF800, v3  }
0x431: {  	v0 =	vand.u32 $0x380, v0;
	v1 =	vadd.s32 v1, v3  }
0x432: {  	v3 =	vshll.u32 v2, $0x3;
	v2 =	vand.u32 $0x7F, v2;
	v0 =	vor.u32 v0, v1  }
0x433: {  	v1 =	vand.u32 $0xFFFFFC00, v3;
	v0 =	vor.u32 v2, v0  }
0x434: {  	s6 =	simm.s32 $0x0;
	v0 =	vadd.s32 v1, v0  }
0x435: {  	[tilespmem:s6+$0x8000] =	vst v0  }
0x436: {  	v0 =	vld [tilespmem:s5+$0xFFFFFFD0]  }
0x437: {  	v1 =	vld [tilespmem:s5+$0xFFFFFF50];
	_ =	sdelay $0x1  }
0x438: {  	v2 =	vld [tilespmem:s5+$0x50];
	_ =	sdelay $0x1  }
0x439: {  	v3 =	vshll.u32 v0, $0x8  }
0x43a: {  	v0 =	vshll.u32 v0, $0x7;
	v1 =	vshll.u32 v1, $0x10;
	v3 =	vand.u32 $0xFFFFF800, v3  }
0x43b: {  	v0 =	vand.u32 $0x380, v0;
	v1 =	vadd.s32 v1, v3  }
0x43c: {  	v3 =	vshll.u32 v2, $0x3;
	v2 =	vand.u32 $0x7F, v2;
	v0 =	vor.u32 v0, v1  }
0x43d: {  	v1 =	vand.u32 $0xFFFFFC00, v3;
	v0 =	vor.u32 v2, v0  }
0x43e: {  	v0 =	vadd.s32 v1, v0  }
0x43f: {  	[tilespmem:s6+$0x8010] =	vst v0  }
0x440: {  	v0 =	vld [tilespmem:s5+$0xFFFFFFE0]  }
0x441: {  	v1 =	vld [tilespmem:s5+$0xFFFFFF60];
	_ =	sdelay $0x1  }
0x442: {  	v2 =	vld [tilespmem:s5+$0x60];
	_ =	sdelay $0x1  }
0x443: {  	v3 =	vshll.u32 v0, $0x8  }
0x444: {  	v0 =	vshll.u32 v0, $0x7;
	v1 =	vshll.u32 v1, $0x10;
	v3 =	vand.u32 $0xFFFFF800, v3  }
0x445: {  	v0 =	vand.u32 $0x380, v0;
	v1 =	vadd.s32 v1, v3  }
0x446: {  	v3 =	vshll.u32 v2, $0x3;
	v2 =	vand.u32 $0x7F, v2;
	v0 =	vor.u32 v0, v1  }
0x447: {  	v1 =	vand.u32 $0xFFFFFC00, v3;
	v0 =	vor.u32 v2, v0  }
0x448: {  	v0 =	vadd.s32 v1, v0  }
0x449: {  	[tilespmem:s6+$0x8020] =	vst v0  }
0x44a: {  	v0 =	vld [tilespmem:s5+$0xFFFFFFF0]  }
0x44b: {  	v1 =	vld [tilespmem:s5+$0xFFFFFF70];
	_ =	sdelay $0x1  }
0x44c: {  	v2 =	vld [tilespmem:s5+$0x70];
	_ =	sdelay $0x1  }
0x44d: {  	v3 =	vshll.u32 v0, $0x8  }
0x44e: {  	v0 =	vshll.u32 v0, $0x7;
	v1 =	vshll.u32 v1, $0x10;
	v3 =	vand.u32 $0xFFFFF800, v3  }
0x44f: {  	v0 =	vand.u32 $0x380, v0;
	v1 =	vadd.s32 v1, v3  }
0x450: {  	v3 =	vshll.u32 v2, $0x3;
	v2 =	vand.u32 $0x7F, v2;
	v0 =	vor.u32 v0, v1  }
0x451: {  	v1 =	vand.u32 $0xFFFFFC00, v3;
	v0 =	vor.u32 v2, v0  }
0x452: {  	v0 =	vadd.s32 v1, v0  }
0x453: {  	[tilespmem:s6+$0x8030] =	vst v0  }
0x454: {  	v0 =	vld [tilespmem:s5+$0x0]  }
0x455: {  	v1 =	vld [tilespmem:s5+$0xFFFFFF80];
	_ =	sdelay $0x1  }
0x456: {  	v2 =	vld [tilespmem:s5+$0x80];
	_ =	sdelay $0x1  }
0x457: {  	v3 =	vshll.u32 v0, $0x8  }
0x458: {  	v0 =	vshll.u32 v0, $0x7;
	v1 =	vshll.u32 v1, $0x10;
	v3 =	vand.u32 $0xFFFFF800, v3  }
0x459: {  	v0 =	vand.u32 $0x380, v0;
	v1 =	vadd.s32 v1, v3  }
0x45a: {  	v3 =	vshll.u32 v2, $0x3;
	v2 =	vand.u32 $0x7F, v2;
	v0 =	vor.u32 v0, v1  }
0x45b: {  	v1 =	vand.u32 $0xFFFFFC00, v3;
	v0 =	vor.u32 v2, v0  }
0x45c: {  	v0 =	vadd.s32 v1, v0  }
0x45d: {  	[tilespmem:s6+$0x8040] =	vst v0  }
0x45e: {  	v0 =	vld [tilespmem:s5+$0x10]  }
0x45f: {  	v1 =	vld [tilespmem:s5+$0xFFFFFF90];
	_ =	sdelay $0x1  }
0x460: {  	v2 =	vld [tilespmem:s5+$0x90];
	_ =	sdelay $0x1  }
0x461: {  	v3 =	vshll.u32 v0, $0x8  }
0x462: {  	v0 =	vshll.u32 v0, $0x7;
	v1 =	vshll.u32 v1, $0x10;
	v3 =	vand.u32 $0xFFFFF800, v3  }
0x463: {  	v0 =	vand.u32 $0x380, v0;
	v1 =	vadd.s32 v1, v3  }
0x464: {  	v3 =	vshll.u32 v2, $0x3;
	v2 =	vand.u32 $0x7F, v2;
	v0 =	vor.u32 v0, v1  }
0x465: {  	v1 =	vand.u32 $0xFFFFFC00, v3;
	v0 =	vor.u32 v2, v0  }
0x466: {  	v0 =	vadd.s32 v1, v0  }
0x467: {  	[tilespmem:s6+$0x8050] =	vst v0  }
0x468: {  	v0 =	vld [tilespmem:s5+$0x20]  }
0x469: {  	v1 =	vld [tilespmem:s5+$0xFFFFFFA0];
	_ =	sdelay $0x1  }
0x46a: {  	v2 =	vld [tilespmem:s5+$0xA0];
	_ =	sdelay $0x1  }
0x46b: {  	v3 =	vshll.u32 v0, $0x8  }
0x46c: {  	v0 =	vshll.u32 v0, $0x7;
	v1 =	vshll.u32 v1, $0x10;
	v3 =	vand.u32 $0xFFFFF800, v3  }
0x46d: {  	v0 =	vand.u32 $0x380, v0;
	v1 =	vadd.s32 v1, v3  }
0x46e: {  	v3 =	vshll.u32 v2, $0x3;
	v2 =	vand.u32 $0x7F, v2;
	v0 =	vor.u32 v0, v1  }
0x46f: {  	v1 =	vand.u32 $0xFFFFFC00, v3;
	v0 =	vor.u32 v2, v0  }
0x470: {  	v0 =	vadd.s32 v1, v0  }
0x471: {  	[tilespmem:s6+$0x8060] =	vst v0  }
0x472: {  	v0 =	vld [tilespmem:s5+$0x30]  }
0x473: {  	v1 =	vld [tilespmem:s5+$0xFFFFFFB0];
	_ =	sdelay $0x1  }
0x474: {  	v2 =	vld [tilespmem:s5+$0xB0];
	_ =	sdelay $0x1  }
0x475: {  	v3 =	vshll.u32 v0, $0x8  }
0x476: {  	v0 =	vshll.u32 v0, $0x7;
	v1 =	vshll.u32 v1, $0x10;
	v3 =	vand.u32 $0xFFFFF800, v3  }
0x477: {  	v0 =	vand.u32 $0x380, v0;
	v1 =	vadd.s32 v1, v3  }
0x478: {  	v3 =	vshll.u32 v2, $0x3;
	v2 =	vand.u32 $0x7F, v2;
	v0 =	vor.u32 v0, v1  }
0x479: {  	v1 =	vand.u32 $0xFFFFFC00, v3;
	v0 =	vor.u32 v2, v0  }
0x47a: {  	s7 =	simm.s32 $0x200;
	v0 =	vadd.s32 v1, v0  }
.LBB2_14:
0x47b: {  	p0 =	sne.s32 s7, $0x3E00  }
0x47c: {  	[tilespmem:s6+$0x8070] =	vst v0;
	s5 =	sadd.s32 $0x200, s5;
	s6 =	smov.u32 s7;
	s7 =	sadd.s32 $0x200, s7  }
0x47d: {  	v0 =	vld [tilespmem:s5+$0xFFFFFFC0]  }
0x47e: {  	v1 =	vld [tilespmem:s5+$0xFFFFFF40];
	_ =	sdelay $0x1  }
0x47f: {  	v2 =	vld [tilespmem:s5+$0x40];
	_ =	sdelay $0x1  }
0x480: {  	v3 =	vshll.u32 v0, $0x8;
	v0 =	vshll.u32 v0, $0x7  }
0x481: {  	v1 =	vshll.u32 v1, $0x10;
	v3 =	vand.u32 $0xFFFFF800, v3  }
0x482: {  	v0 =	vand.u32 $0x380, v0;
	v1 =	vadd.s32 v1, v3  }
0x483: {  	v3 =	vshll.u32 v2, $0x3;
	v2 =	vand.u32 $0x7F, v2;
	v0 =	vor.u32 v0, v1  }
0x484: {  	v1 =	vand.u32 $0xFFFFFC00, v3;
	v0 =	vor.u32 v2, v0  }
0x485: {  	s6 =	sshra.s32 s6, $0x2;
	v0 =	vadd.s32 v1, v0  }
0x486: {  	[tilespmem:s6+$0x8000] =	vst v0  }
0x487: {  	v0 =	vld [tilespmem:s5+$0xFFFFFFD0]  }
0x488: {  	v1 =	vld [tilespmem:s5+$0xFFFFFF50];
	_ =	sdelay $0x1  }
0x489: {  	v2 =	vld [tilespmem:s5+$0x50];
	_ =	sdelay $0x1  }
0x48a: {  	v3 =	vshll.u32 v0, $0x8;
	v0 =	vshll.u32 v0, $0x7  }
0x48b: {  	v1 =	vshll.u32 v1, $0x10;
	v3 =	vand.u32 $0xFFFFF800, v3  }
0x48c: {  	v0 =	vand.u32 $0x380, v0;
	v1 =	vadd.s32 v1, v3  }
0x48d: {  	v3 =	vshll.u32 v2, $0x3;
	v2 =	vand.u32 $0x7F, v2;
	v0 =	vor.u32 v0, v1  }
0x48e: {  	v1 =	vand.u32 $0xFFFFFC00, v3;
	v0 =	vor.u32 v2, v0  }
0x48f: {  	v0 =	vadd.s32 v1, v0  }
0x490: {  	[tilespmem:s6+$0x8010] =	vst v0  }
0x491: {  	v0 =	vld [tilespmem:s5+$0xFFFFFFE0]  }
0x492: {  	v1 =	vld [tilespmem:s5+$0xFFFFFF60];
	_ =	sdelay $0x1  }
0x493: {  	v2 =	vld [tilespmem:s5+$0x60];
	_ =	sdelay $0x1  }
0x494: {  	v3 =	vshll.u32 v0, $0x8;
	v0 =	vshll.u32 v0, $0x7  }
0x495: {  	v1 =	vshll.u32 v1, $0x10;
	v3 =	vand.u32 $0xFFFFF800, v3  }
0x496: {  	v0 =	vand.u32 $0x380, v0;
	v1 =	vadd.s32 v1, v3  }
0x497: {  	v3 =	vshll.u32 v2, $0x3;
	v2 =	vand.u32 $0x7F, v2;
	v0 =	vor.u32 v0, v1  }
0x498: {  	v1 =	vand.u32 $0xFFFFFC00, v3;
	v0 =	vor.u32 v2, v0  }
0x499: {  	v0 =	vadd.s32 v1, v0  }
0x49a: {  	[tilespmem:s6+$0x8020] =	vst v0  }
0x49b: {  	v0 =	vld [tilespmem:s5+$0xFFFFFFF0]  }
0x49c: {  	v1 =	vld [tilespmem:s5+$0xFFFFFF70];
	_ =	sdelay $0x1  }
0x49d: {  	v2 =	vld [tilespmem:s5+$0x70];
	_ =	sdelay $0x1  }
0x49e: {  	v3 =	vshll.u32 v0, $0x8;
	v0 =	vshll.u32 v0, $0x7  }
0x49f: {  	v1 =	vshll.u32 v1, $0x10;
	v3 =	vand.u32 $0xFFFFF800, v3  }
0x4a0: {  	v0 =	vand.u32 $0x380, v0;
	v1 =	vadd.s32 v1, v3  }
0x4a1: {  	v3 =	vshll.u32 v2, $0x3;
	v2 =	vand.u32 $0x7F, v2;
	v0 =	vor.u32 v0, v1  }
0x4a2: {  	v1 =	vand.u32 $0xFFFFFC00, v3;
	v0 =	vor.u32 v2, v0  }
0x4a3: {  	v0 =	vadd.s32 v1, v0  }
0x4a4: {  	[tilespmem:s6+$0x8030] =	vst v0  }
0x4a5: {  	v0 =	vld [tilespmem:s5+$0x0]  }
0x4a6: {  	v1 =	vld [tilespmem:s5+$0xFFFFFF80];
	_ =	sdelay $0x1  }
0x4a7: {  	v2 =	vld [tilespmem:s5+$0x80];
	_ =	sdelay $0x1  }
0x4a8: {  	v3 =	vshll.u32 v0, $0x8;
	v0 =	vshll.u32 v0, $0x7  }
0x4a9: {  	v1 =	vshll.u32 v1, $0x10;
	v3 =	vand.u32 $0xFFFFF800, v3  }
0x4aa: {  	v0 =	vand.u32 $0x380, v0;
	v1 =	vadd.s32 v1, v3  }
0x4ab: {  	v3 =	vshll.u32 v2, $0x3;
	v2 =	vand.u32 $0x7F, v2;
	v0 =	vor.u32 v0, v1  }
0x4ac: {  	v1 =	vand.u32 $0xFFFFFC00, v3;
	v0 =	vor.u32 v2, v0  }
0x4ad: {  	v0 =	vadd.s32 v1, v0  }
0x4ae: {  	[tilespmem:s6+$0x8040] =	vst v0  }
0x4af: {  	v0 =	vld [tilespmem:s5+$0x10]  }
0x4b0: {  	v1 =	vld [tilespmem:s5+$0xFFFFFF90]  }
0x4b1: {  	v2 =	vld [tilespmem:s5+$0x90];
	_ =	sdelay $0x2  }
0x4b2: {  	v3 =	vshll.u32 v0, $0x8;
	v0 =	vshll.u32 v0, $0x7  }
0x4b3: {  	v1 =	vshll.u32 v1, $0x10;
	v3 =	vand.u32 $0xFFFFF800, v3  }
0x4b4: {  	v0 =	vand.u32 $0x380, v0;
	v1 =	vadd.s32 v1, v3;
	v3 =	vshll.u32 v2, $0x3  }
0x4b5: {  	v2 =	vand.u32 $0x7F, v2;
	v0 =	vor.u32 v0, v1  }
0x4b6: {  	v1 =	vand.u32 $0xFFFFFC00, v3;
	v0 =	vor.u32 v2, v0  }
0x4b7: {  	v0 =	vadd.s32 v1, v0  }
0x4b8: {  	[tilespmem:s6+$0x8050] =	vst v0  }
0x4b9: {  	v0 =	vld [tilespmem:s5+$0x20]  }
0x4ba: {  	v1 =	vld [tilespmem:s5+$0xFFFFFFA0]  }
0x4bb: {  	v2 =	vld [tilespmem:s5+$0xA0];
	_ =	sdelay $0x2  }
0x4bc: {  	v3 =	vshll.u32 v0, $0x8;
	v0 =	vshll.u32 v0, $0x7  }
0x4bd: {  	v1 =	vshll.u32 v1, $0x10;
	v3 =	vand.u32 $0xFFFFF800, v3  }
0x4be: {  	v0 =	vand.u32 $0x380, v0;
	v1 =	vadd.s32 v1, v3;
	v3 =	vshll.u32 v2, $0x3  }
0x4bf: {  	v2 =	vand.u32 $0x7F, v2;
	v0 =	vor.u32 v0, v1  }
0x4c0: {  	v1 =	vand.u32 $0xFFFFFC00, v3;
	v0 =	vor.u32 v2, v0  }
0x4c1: {  	v0 =	vadd.s32 v1, v0  }
0x4c2: {  	[tilespmem:s6+$0x8060] =	vst v0  }
0x4c3: {  	v0 =	vld [tilespmem:s5+$0x30]  }
0x4c4: {  	v1 =	vld [tilespmem:s5+$0xFFFFFFB0]  }
0x4c5: {  	v2 =	vld [tilespmem:s5+$0xB0];
	_ =	sdelay $0x2  }
0x4c6: {  	v3 =	vshll.u32 v0, $0x8;
	v0 =	vshll.u32 v0, $0x7  }
.Ltmp6:
0x4c7: {  	v1 =	vshll.u32 v1, $0x10;
	v3 =	vand.u32 $0xFFFFF800, v3;
	(pc) =	sbr.rel @p0 .LBB2_14-.Ltmp6, $4  }
0x4c8: {  	v0 =	vand.u32 $0x380, v0;
	v1 =	vadd.s32 v1, v3;
	v3 =	vshll.u32 v2, $0x3  }
0x4c9: {  	v2 =	vand.u32 $0x7F, v2;
	v0 =	vor.u32 v0, v1  }
0x4ca: {  	v1 =	vand.u32 $0xFFFFFC00, v3;
	v0 =	vor.u32 v2, v0  }
0x4cb: {  	v0 =	vadd.s32 v1, v0  }
0x4cc: {  	[tilespmem:s6+$0x8070] =	vst v0  }
0x4cd: {  	_ =	swait.ge [sflag:s31], $0x1000  }
0x4ce: {  	[sflag:s31] =	ssyncset.done $0x0  }
0x4cf: {  	[sflag:s31] =	ssyncadd.s32 $0xFFFFF000  }
0x4d0: {  	[tilespmem:s25], [sflag:$0x3] =	stream.indirect.gather [hbm4b:s1+s23], $0x1, s24, s23, $0xb8;
	[tilespmem:$0xC000] =	vst v63  }
0x4d1: {  	_ =	swait.ge [sflag:s0], $0x1000  }
0x4d2: {  	[sflag:s0] =	ssyncset.done $0x0  }
0x4d3: {  	s5 =	simm.s32 $0x0;
	[sflag:s0] =	ssyncadd.s32 $0xFFFFF000  }
0x4d4: {  	[hbm4b:s17+s5] =	stream.linear.scatter [tilespmem:s29], [sflag:$0x6], $0x1000, $0x38;
	[tilespmem:$0xC000] =	vst v63  }
0x4d5: {  	_ =	swait.ge [sflag:s26], $0x4000  }
0x4d6: {  	[sflag:s26] =	ssyncset.done $0x0  }
0x4d7: {  	s5 =	simm.s32 $0x40C0;
	[sflag:s26] =	ssyncadd.s32 $0xFFFFC000  }
0x4d8: {  	v0 =	vld [tilespmem:s5+$0xFFFFFFC0]  }
0x4d9: {  	v1 =	vld [tilespmem:s5+$0xFFFFFF40];
	_ =	sdelay $0x1  }
0x4da: {  	v2 =	vld [tilespmem:s5+$0x40];
	_ =	sdelay $0x1  }
0x4db: {  	v3 =	vshll.u32 v0, $0x8  }
0x4dc: {  	v0 =	vshll.u32 v0, $0x7;
	v1 =	vshll.u32 v1, $0x10;
	v3 =	vand.u32 $0xFFFFF800, v3  }
0x4dd: {  	v0 =	vand.u32 $0x380, v0;
	v1 =	vadd.s32 v1, v3  }
0x4de: {  	v3 =	vshll.u32 v2, $0x3;
	v2 =	vand.u32 $0x7F, v2;
	v0 =	vor.u32 v0, v1  }
0x4df: {  	v1 =	vand.u32 $0xFFFFFC00, v3;
	v0 =	vor.u32 v2, v0  }
0x4e0: {  	s6 =	simm.s32 $0x0;
	v0 =	vadd.s32 v1, v0  }
0x4e1: {  	[tilespmem:s6+$0x9000] =	vst v0  }
0x4e2: {  	v0 =	vld [tilespmem:s5+$0xFFFFFFD0]  }
0x4e3: {  	v1 =	vld [tilespmem:s5+$0xFFFFFF50];
	_ =	sdelay $0x1  }
0x4e4: {  	v2 =	vld [tilespmem:s5+$0x50];
	_ =	sdelay $0x1  }
0x4e5: {  	v3 =	vshll.u32 v0, $0x8  }
0x4e6: {  	v0 =	vshll.u32 v0, $0x7;
	v1 =	vshll.u32 v1, $0x10;
	v3 =	vand.u32 $0xFFFFF800, v3  }
0x4e7: {  	v0 =	vand.u32 $0x380, v0;
	v1 =	vadd.s32 v1, v3  }
0x4e8: {  	v3 =	vshll.u32 v2, $0x3;
	v2 =	vand.u32 $0x7F, v2;
	v0 =	vor.u32 v0, v1  }
0x4e9: {  	v1 =	vand.u32 $0xFFFFFC00, v3;
	v0 =	vor.u32 v2, v0  }
0x4ea: {  	v0 =	vadd.s32 v1, v0  }
0x4eb: {  	[tilespmem:s6+$0x9010] =	vst v0  }
0x4ec: {  	v0 =	vld [tilespmem:s5+$0xFFFFFFE0]  }
0x4ed: {  	v1 =	vld [tilespmem:s5+$0xFFFFFF60];
	_ =	sdelay $0x1  }
0x4ee: {  	v2 =	vld [tilespmem:s5+$0x60];
	_ =	sdelay $0x1  }
0x4ef: {  	v3 =	vshll.u32 v0, $0x8  }
0x4f0: {  	v0 =	vshll.u32 v0, $0x7;
	v1 =	vshll.u32 v1, $0x10;
	v3 =	vand.u32 $0xFFFFF800, v3  }
0x4f1: {  	v0 =	vand.u32 $0x380, v0;
	v1 =	vadd.s32 v1, v3  }
0x4f2: {  	v3 =	vshll.u32 v2, $0x3;
	v2 =	vand.u32 $0x7F, v2;
	v0 =	vor.u32 v0, v1  }
0x4f3: {  	v1 =	vand.u32 $0xFFFFFC00, v3;
	v0 =	vor.u32 v2, v0  }
0x4f4: {  	v0 =	vadd.s32 v1, v0  }
0x4f5: {  	[tilespmem:s6+$0x9020] =	vst v0  }
0x4f6: {  	v0 =	vld [tilespmem:s5+$0xFFFFFFF0]  }
0x4f7: {  	v1 =	vld [tilespmem:s5+$0xFFFFFF70];
	_ =	sdelay $0x1  }
0x4f8: {  	v2 =	vld [tilespmem:s5+$0x70];
	_ =	sdelay $0x1  }
0x4f9: {  	v3 =	vshll.u32 v0, $0x8  }
0x4fa: {  	v0 =	vshll.u32 v0, $0x7;
	v1 =	vshll.u32 v1, $0x10;
	v3 =	vand.u32 $0xFFFFF800, v3  }
0x4fb: {  	v0 =	vand.u32 $0x380, v0;
	v1 =	vadd.s32 v1, v3  }
0x4fc: {  	v3 =	vshll.u32 v2, $0x3;
	v2 =	vand.u32 $0x7F, v2;
	v0 =	vor.u32 v0, v1  }
0x4fd: {  	v1 =	vand.u32 $0xFFFFFC00, v3;
	v0 =	vor.u32 v2, v0  }
0x4fe: {  	v0 =	vadd.s32 v1, v0  }
0x4ff: {  	[tilespmem:s6+$0x9030] =	vst v0  }
0x500: {  	v0 =	vld [tilespmem:s5+$0x0]  }
0x501: {  	v1 =	vld [tilespmem:s5+$0xFFFFFF80];
	_ =	sdelay $0x1  }
0x502: {  	v2 =	vld [tilespmem:s5+$0x80];
	_ =	sdelay $0x1  }
0x503: {  	v3 =	vshll.u32 v0, $0x8  }
0x504: {  	v0 =	vshll.u32 v0, $0x7;
	v1 =	vshll.u32 v1, $0x10;
	v3 =	vand.u32 $0xFFFFF800, v3  }
0x505: {  	v0 =	vand.u32 $0x380, v0;
	v1 =	vadd.s32 v1, v3  }
0x506: {  	v3 =	vshll.u32 v2, $0x3;
	v2 =	vand.u32 $0x7F, v2;
	v0 =	vor.u32 v0, v1  }
0x507: {  	v1 =	vand.u32 $0xFFFFFC00, v3;
	v0 =	vor.u32 v2, v0  }
0x508: {  	v0 =	vadd.s32 v1, v0  }
0x509: {  	[tilespmem:s6+$0x9040] =	vst v0  }
0x50a: {  	v0 =	vld [tilespmem:s5+$0x10]  }
0x50b: {  	v1 =	vld [tilespmem:s5+$0xFFFFFF90];
	_ =	sdelay $0x1  }
0x50c: {  	v2 =	vld [tilespmem:s5+$0x90];
	_ =	sdelay $0x1  }
0x50d: {  	v3 =	vshll.u32 v0, $0x8  }
0x50e: {  	v0 =	vshll.u32 v0, $0x7;
	v1 =	vshll.u32 v1, $0x10;
	v3 =	vand.u32 $0xFFFFF800, v3  }
0x50f: {  	v0 =	vand.u32 $0x380, v0;
	v1 =	vadd.s32 v1, v3  }
0x510: {  	v3 =	vshll.u32 v2, $0x3;
	v2 =	vand.u32 $0x7F, v2;
	v0 =	vor.u32 v0, v1  }
0x511: {  	v1 =	vand.u32 $0xFFFFFC00, v3;
	v0 =	vor.u32 v2, v0  }
0x512: {  	v0 =	vadd.s32 v1, v0  }
0x513: {  	[tilespmem:s6+$0x9050] =	vst v0  }
0x514: {  	v0 =	vld [tilespmem:s5+$0x20]  }
0x515: {  	v1 =	vld [tilespmem:s5+$0xFFFFFFA0];
	_ =	sdelay $0x1  }
0x516: {  	v2 =	vld [tilespmem:s5+$0xA0];
	_ =	sdelay $0x1  }
0x517: {  	v3 =	vshll.u32 v0, $0x8  }
0x518: {  	v0 =	vshll.u32 v0, $0x7;
	v1 =	vshll.u32 v1, $0x10;
	v3 =	vand.u32 $0xFFFFF800, v3  }
0x519: {  	v0 =	vand.u32 $0x380, v0;
	v1 =	vadd.s32 v1, v3  }
0x51a: {  	v3 =	vshll.u32 v2, $0x3;
	v2 =	vand.u32 $0x7F, v2;
	v0 =	vor.u32 v0, v1  }
0x51b: {  	v1 =	vand.u32 $0xFFFFFC00, v3;
	v0 =	vor.u32 v2, v0  }
0x51c: {  	v0 =	vadd.s32 v1, v0  }
0x51d: {  	[tilespmem:s6+$0x9060] =	vst v0  }
0x51e: {  	v0 =	vld [tilespmem:s5+$0x30]  }
0x51f: {  	v1 =	vld [tilespmem:s5+$0xFFFFFFB0];
	_ =	sdelay $0x1  }
0x520: {  	v2 =	vld [tilespmem:s5+$0xB0];
	_ =	sdelay $0x1  }
0x521: {  	v3 =	vshll.u32 v0, $0x8  }
0x522: {  	v0 =	vshll.u32 v0, $0x7;
	v1 =	vshll.u32 v1, $0x10;
	v3 =	vand.u32 $0xFFFFF800, v3  }
0x523: {  	v0 =	vand.u32 $0x380, v0;
	v1 =	vadd.s32 v1, v3  }
0x524: {  	v3 =	vshll.u32 v2, $0x3;
	v2 =	vand.u32 $0x7F, v2;
	v0 =	vor.u32 v0, v1  }
0x525: {  	v1 =	vand.u32 $0xFFFFFC00, v3;
	v0 =	vor.u32 v2, v0  }
0x526: {  	s7 =	simm.s32 $0x200;
	v0 =	vadd.s32 v1, v0  }
.LBB2_16:
0x527: {  	p0 =	sne.s32 s7, $0x3E00  }
0x528: {  	[tilespmem:s6+$0x9070] =	vst v0;
	s5 =	sadd.s32 $0x200, s5;
	s6 =	smov.u32 s7;
	s7 =	sadd.s32 $0x200, s7  }
0x529: {  	v0 =	vld [tilespmem:s5+$0xFFFFFFC0]  }
0x52a: {  	v1 =	vld [tilespmem:s5+$0xFFFFFF40];
	_ =	sdelay $0x1  }
0x52b: {  	v2 =	vld [tilespmem:s5+$0x40];
	_ =	sdelay $0x1  }
0x52c: {  	v3 =	vshll.u32 v0, $0x8;
	v0 =	vshll.u32 v0, $0x7  }
0x52d: {  	v1 =	vshll.u32 v1, $0x10;
	v3 =	vand.u32 $0xFFFFF800, v3  }
0x52e: {  	v0 =	vand.u32 $0x380, v0;
	v1 =	vadd.s32 v1, v3  }
0x52f: {  	v3 =	vshll.u32 v2, $0x3;
	v2 =	vand.u32 $0x7F, v2;
	v0 =	vor.u32 v0, v1  }
0x530: {  	v1 =	vand.u32 $0xFFFFFC00, v3;
	v0 =	vor.u32 v2, v0  }
0x531: {  	s6 =	sshra.s32 s6, $0x2;
	v0 =	vadd.s32 v1, v0  }
0x532: {  	[tilespmem:s6+$0x9000] =	vst v0  }
0x533: {  	v0 =	vld [tilespmem:s5+$0xFFFFFFD0]  }
0x534: {  	v1 =	vld [tilespmem:s5+$0xFFFFFF50];
	_ =	sdelay $0x1  }
0x535: {  	v2 =	vld [tilespmem:s5+$0x50];
	_ =	sdelay $0x1  }
0x536: {  	v3 =	vshll.u32 v0, $0x8;
	v0 =	vshll.u32 v0, $0x7  }
0x537: {  	v1 =	vshll.u32 v1, $0x10;
	v3 =	vand.u32 $0xFFFFF800, v3  }
0x538: {  	v0 =	vand.u32 $0x380, v0;
	v1 =	vadd.s32 v1, v3  }
0x539: {  	v3 =	vshll.u32 v2, $0x3;
	v2 =	vand.u32 $0x7F, v2;
	v0 =	vor.u32 v0, v1  }
0x53a: {  	v1 =	vand.u32 $0xFFFFFC00, v3;
	v0 =	vor.u32 v2, v0  }
0x53b: {  	v0 =	vadd.s32 v1, v0  }
0x53c: {  	[tilespmem:s6+$0x9010] =	vst v0  }
0x53d: {  	v0 =	vld [tilespmem:s5+$0xFFFFFFE0]  }
0x53e: {  	v1 =	vld [tilespmem:s5+$0xFFFFFF60];
	_ =	sdelay $0x1  }
0x53f: {  	v2 =	vld [tilespmem:s5+$0x60];
	_ =	sdelay $0x1  }
0x540: {  	v3 =	vshll.u32 v0, $0x8;
	v0 =	vshll.u32 v0, $0x7  }
0x541: {  	v1 =	vshll.u32 v1, $0x10;
	v3 =	vand.u32 $0xFFFFF800, v3  }
0x542: {  	v0 =	vand.u32 $0x380, v0;
	v1 =	vadd.s32 v1, v3  }
0x543: {  	v3 =	vshll.u32 v2, $0x3;
	v2 =	vand.u32 $0x7F, v2;
	v0 =	vor.u32 v0, v1  }
0x544: {  	v1 =	vand.u32 $0xFFFFFC00, v3;
	v0 =	vor.u32 v2, v0  }
0x545: {  	v0 =	vadd.s32 v1, v0  }
0x546: {  	[tilespmem:s6+$0x9020] =	vst v0  }
0x547: {  	v0 =	vld [tilespmem:s5+$0xFFFFFFF0]  }
0x548: {  	v1 =	vld [tilespmem:s5+$0xFFFFFF70];
	_ =	sdelay $0x1  }
0x549: {  	v2 =	vld [tilespmem:s5+$0x70];
	_ =	sdelay $0x1  }
0x54a: {  	v3 =	vshll.u32 v0, $0x8;
	v0 =	vshll.u32 v0, $0x7  }
0x54b: {  	v1 =	vshll.u32 v1, $0x10;
	v3 =	vand.u32 $0xFFFFF800, v3  }
0x54c: {  	v0 =	vand.u32 $0x380, v0;
	v1 =	vadd.s32 v1, v3  }
0x54d: {  	v3 =	vshll.u32 v2, $0x3;
	v2 =	vand.u32 $0x7F, v2;
	v0 =	vor.u32 v0, v1  }
0x54e: {  	v1 =	vand.u32 $0xFFFFFC00, v3;
	v0 =	vor.u32 v2, v0  }
0x54f: {  	v0 =	vadd.s32 v1, v0  }
0x550: {  	[tilespmem:s6+$0x9030] =	vst v0  }
0x551: {  	v0 =	vld [tilespmem:s5+$0x0]  }
0x552: {  	v1 =	vld [tilespmem:s5+$0xFFFFFF80];
	_ =	sdelay $0x1  }
0x553: {  	v2 =	vld [tilespmem:s5+$0x80];
	_ =	sdelay $0x1  }
0x554: {  	v3 =	vshll.u32 v0, $0x8;
	v0 =	vshll.u32 v0, $0x7  }
0x555: {  	v1 =	vshll.u32 v1, $0x10;
	v3 =	vand.u32 $0xFFFFF800, v3  }
0x556: {  	v0 =	vand.u32 $0x380, v0;
	v1 =	vadd.s32 v1, v3  }
0x557: {  	v3 =	vshll.u32 v2, $0x3;
	v2 =	vand.u32 $0x7F, v2;
	v0 =	vor.u32 v0, v1  }
0x558: {  	v1 =	vand.u32 $0xFFFFFC00, v3;
	v0 =	vor.u32 v2, v0  }
0x559: {  	v0 =	vadd.s32 v1, v0  }
0x55a: {  	[tilespmem:s6+$0x9040] =	vst v0  }
0x55b: {  	v0 =	vld [tilespmem:s5+$0x10]  }
0x55c: {  	v1 =	vld [tilespmem:s5+$0xFFFFFF90]  }
0x55d: {  	v2 =	vld [tilespmem:s5+$0x90];
	_ =	sdelay $0x2  }
0x55e: {  	v3 =	vshll.u32 v0, $0x8;
	v0 =	vshll.u32 v0, $0x7  }
0x55f: {  	v1 =	vshll.u32 v1, $0x10;
	v3 =	vand.u32 $0xFFFFF800, v3  }
0x560: {  	v0 =	vand.u32 $0x380, v0;
	v1 =	vadd.s32 v1, v3;
	v3 =	vshll.u32 v2, $0x3  }
0x561: {  	v2 =	vand.u32 $0x7F, v2;
	v0 =	vor.u32 v0, v1  }
0x562: {  	v1 =	vand.u32 $0xFFFFFC00, v3;
	v0 =	vor.u32 v2, v0  }
0x563: {  	v0 =	vadd.s32 v1, v0  }
0x564: {  	[tilespmem:s6+$0x9050] =	vst v0  }
0x565: {  	v0 =	vld [tilespmem:s5+$0x20]  }
0x566: {  	v1 =	vld [tilespmem:s5+$0xFFFFFFA0]  }
0x567: {  	v2 =	vld [tilespmem:s5+$0xA0];
	_ =	sdelay $0x2  }
0x568: {  	v3 =	vshll.u32 v0, $0x8;
	v0 =	vshll.u32 v0, $0x7  }
0x569: {  	v1 =	vshll.u32 v1, $0x10;
	v3 =	vand.u32 $0xFFFFF800, v3  }
0x56a: {  	v0 =	vand.u32 $0x380, v0;
	v1 =	vadd.s32 v1, v3;
	v3 =	vshll.u32 v2, $0x3  }
0x56b: {  	v2 =	vand.u32 $0x7F, v2;
	v0 =	vor.u32 v0, v1  }
0x56c: {  	v1 =	vand.u32 $0xFFFFFC00, v3;
	v0 =	vor.u32 v2, v0  }
0x56d: {  	v0 =	vadd.s32 v1, v0  }
0x56e: {  	[tilespmem:s6+$0x9060] =	vst v0  }
0x56f: {  	v0 =	vld [tilespmem:s5+$0x30]  }
0x570: {  	v1 =	vld [tilespmem:s5+$0xFFFFFFB0]  }
0x571: {  	v2 =	vld [tilespmem:s5+$0xB0];
	_ =	sdelay $0x2  }
0x572: {  	v3 =	vshll.u32 v0, $0x8;
	v0 =	vshll.u32 v0, $0x7  }
.Ltmp7:
0x573: {  	v1 =	vshll.u32 v1, $0x10;
	v3 =	vand.u32 $0xFFFFF800, v3;
	(pc) =	sbr.rel @p0 .LBB2_16-.Ltmp7, $4  }
0x574: {  	v0 =	vand.u32 $0x380, v0;
	v1 =	vadd.s32 v1, v3;
	v3 =	vshll.u32 v2, $0x3  }
0x575: {  	v2 =	vand.u32 $0x7F, v2;
	v0 =	vor.u32 v0, v1  }
0x576: {  	v1 =	vand.u32 $0xFFFFFC00, v3;
	v0 =	vor.u32 v2, v0  }
0x577: {  	v0 =	vadd.s32 v1, v0  }
0x578: {  	[tilespmem:s6+$0x9070] =	vst v0  }
0x579: {  	_ =	swait.ge [sflag:s2], $0x1000  }
0x57a: {  	[sflag:s2] =	ssyncset.done $0x0  }
0x57b: {  	[sflag:s2] =	ssyncadd.s32 $0xFFFFF000  }
0x57c: {  	[tilespmem:s29], [sflag:$0x4] =	stream.indirect.gather [hbm4b:s1+s23], $0x1, s28, s23, $0xb8;
	[tilespmem:$0xC000] =	vst v63  }
0x57d: {  	_ =	swait.ge [sflag:s30], $0x1000  }
0x57e: {  	[sflag:s30] =	ssyncset.done $0x0  }
0x57f: {  	[sflag:s30] =	ssyncadd.s32 $0xFFFFF000  }
0x580: {  	[hbm4b:s18+s3] =	stream.linear.scatter [tilespmem:s25], [sflag:$0x5], $0x1000, $0x38;
	[tilespmem:$0xC000] =	vst v63  }
0x581: {  	_ =	swait.ge [sflag:s0], $0x1000  }
0x582: {  	[sflag:s0] =	ssyncset.done $0x0  }
0x583: {  	s4 =	sadd.s32 $0x1, s4;
	[sflag:s0] =	ssyncadd.s32 $0xFFFFF000  }
0x584: {  	[hbm4b:s19+s3] =	stream.linear.scatter [tilespmem:s29], [sflag:$0x6], $0x1000, $0x38;
	[tilespmem:$0xC000] =	vst v63  }
0x585: {  	p0 =	sne.s32 s4, s20;
	_ =	swait.ge [sflag:s31], $0x1000  }
.Ltmp8:
0x586: {  	[sflag:s31] =	ssyncset.done $0x0;
	(pc) =	sbr.rel @p0 .LBB2_1-.Ltmp8, $4  }
0x587: {  	[sflag:s31] =	ssyncadd.s32 $0xFFFFF000  }
0x588: {  	_ =	swait.ge [sflag:s2], $0x1000  }
0x589: {  	[sflag:s2] =	ssyncset.done $0x0  }
0x58a: {  	[sflag:s2] =	ssyncadd.s32 $0xFFFFF000  }
0x58b: {  	_ =	sfence.sel $0x180000  }
0x58c: {  	[bflag:$0x0] =	sbarrier.arrive $0xFFFF  }
0x58d: {  	_ =	strace $0x90000047  }
0x58e: {  	s0 =	stileid.u32;
	[bflag:$0x2] =	sbarrier.arrive $0xFFFF  }
0x58f: {  	p0 =	sne.s32 s0, $0x0;
	s0 =	rddreg [dreg:$0x3]  }
0x590: {  	s0 =	sadd.s32 @!p0 $0x100000, s0  }
0x591: {  	[sflag:s0] =	ssyncadd.tile.s32 @!p0 $0x1;
	_ =	shalt  }
.Lfunc_end2:
_tile_overlayer_lowered:
.L_overlay_start_2:
0x592: {  	(tag) =	ssettag $0x2  }
0x593: {  	s0 =	rddreg [dreg:$0x0];
	s2 =	stileid.u32  }
0x594: {  	s1 =	rddreg [dreg:$0x1];
	p0 =	sne.s32 s2, $0x0  }
0x595: {  	s3 =	rddreg [dreg:$0x2];
	[bflag:$0x3] =	sbarrier.arrive $0xFFFF;
	s2 =	simm.s32 @!p0 $0x1C07  }
0x596: {  	[timem:s3], [sflag:s2] =	dma.local @!p0 [hbm:s0], s1  }
0x597: {  	s0 =	simm.s32 @!p0 $0x7  }
0x598: {  	_ =	swait.ge @!p0 [sflag:s0], s1  }
0x599: {  	s1 =	ssub.s32 @!p0 $0x0, s1;
	[sflag:s0] =	ssyncset.done @!p0 $0x0  }
0x59a: {  	[sflag:s0] =	ssyncadd.s32 @!p0 s1  }
0x59b: {  	[bflag:$0x3] =	sbarrier.arrive $0xFFFF  }
0x59c: {  	_ =	shalt  }

</sc_bundles>
